<compile_context>
chip_gen: v7x
topology: tpu7x:2x2x1
jax: 0.10.2.dev20260603
libtpu: 0.0.44.dev20260713+nightly
codegen_flags: <defaults>
</compile_context>

<pallas_src>
import functools

import jax
import jax.numpy as jnp
from jax import lax
from jax.experimental import pallas as pl
from jax.experimental.pallas import tpu as pltpu
from jax.experimental.pallas import tpu_sc as plsc

D = 64
NC, NS = 2, 16
NW = NC * NS
CHUNK = 256
SUB = 128
LANES = 16
NBUF = 2

_DNUMS = lax.GatherDimensionNumbers(
    offset_dims=(), collapsed_slice_dims=(0,), start_index_map=(0,))


def _lane_broadcast(vec, k):
    idx = jnp.full((LANES, 1), k, dtype=jnp.int32)
    return lax.gather(vec, idx, _DNUMS, (1,),
                      mode=lax.GatherScatterMode.PROMISE_IN_BOUNDS)


def _sc_embed(e_idx, r_idx, c_idx, etab, rtab, ctab, n):
    n_per_w = n // NW
    n_chunks = n_per_w // CHUNK
    assert n_chunks % NBUF == 0

    mesh = plsc.VectorSubcoreMesh(
        core_axis_name="c", subcore_axis_name="s",
        num_cores=NC, num_subcores=NS)

    @functools.partial(
        pl.kernel,
        out_type=jax.ShapeDtypeStruct((n, D), jnp.float32),
        mesh=mesh,
        scratch_types=[
            pltpu.VMEM((NBUF, CHUNK), jnp.int32),
            pltpu.VMEM((NBUF, CHUNK), jnp.int32),
            pltpu.VMEM((NBUF, CHUNK), jnp.int32),
            pltpu.VMEM((2, D), jnp.float32),
            pltpu.VMEM((NBUF, CHUNK, D), jnp.float32),
            pltpu.VMEM((NBUF, CHUNK, D), jnp.float32),
            [pltpu.SemaphoreType.DMA] * NBUF,
        ],
        compiler_params=pltpu.CompilerParams(use_tc_tiling_on_sc=False),
    )
    def k(e_hbm, r_hbm, c_hbm, et_hbm, rt_hbm, ct_hbm, out_hbm,
          eiv, riv, civ, rtab_v, ebuf, cbuf, sems):
        wid = lax.axis_index("s") * NC + lax.axis_index("c")
        wbase = wid * n_per_w

        pltpu.sync_copy(rt_hbm, rtab_v)
        r0 = [rtab_v[0, pl.ds(d * LANES, LANES)] for d in range(D // LANES)]
        r1 = [rtab_v[1, pl.ds(d * LANES, LANES)] for d in range(D // LANES)]
        dlt = [a - b for a, b in zip(r1, r0)]

        def fire(i, b):
            base = wbase + i * CHUNK
            pltpu.sync_copy(e_hbm.at[pl.ds(base, CHUNK)], eiv.at[b])
            pltpu.sync_copy(r_hbm.at[pl.ds(base, CHUNK)], riv.at[b])
            pltpu.sync_copy(c_hbm.at[pl.ds(base, CHUNK)], civ.at[b])
            for j in range(CHUNK // SUB):
                s = pl.ds(j * SUB, SUB)
                pltpu.async_copy(et_hbm.at[eiv.at[b].at[s]],
                                 ebuf.at[b].at[s], sems[b])
                pltpu.async_copy(ct_hbm.at[civ.at[b].at[s]],
                                 cbuf.at[b].at[s], sems[b])

        def drain(b):
            for j in range(CHUNK // SUB):
                s = pl.ds(j * SUB, SUB)
                pltpu.make_async_copy(et_hbm.at[eiv.at[b].at[s]],
                                      ebuf.at[b].at[s], sems[b]).wait()
                pltpu.make_async_copy(ct_hbm.at[civ.at[b].at[s]],
                                      cbuf.at[b].at[s], sems[b]).wait()

        fire(0, 0)

        def pair_body(step, carry):
            for b in range(NBUF):
                i = NBUF * step + b
                nb = (b + 1) % NBUF

                @pl.when(i + 1 < n_chunks)
                def _():
                    fire(i + 1, nb)

                drain(b)

                def add_group(g, carry2):
                    resp16 = riv[b, pl.ds(g * LANES, LANES)]
                    for kk in range(LANES):
                        respf = _lane_broadcast(resp16, kk).astype(jnp.float32)
                        row = g * LANES + kk
                        for d in range(D // LANES):
                            sl = pl.ds(d * LANES, LANES)
                            ebuf[b, row, sl] = (ebuf[b, row, sl] + cbuf[b, row, sl]
                                                + r0[d] + respf * dlt[d])
                    return carry2

                lax.fori_loop(0, CHUNK // LANES, add_group, 0)
                pltpu.sync_copy(ebuf.at[b],
                                out_hbm.at[pl.ds(wbase + i * CHUNK, CHUNK)])
            return carry

        lax.fori_loop(0, n_chunks // NBUF, pair_body, 0)

    return k(e_idx, r_idx, c_idx, etab, rtab, ctab)


def kernel(exercises, response, concept, exercise_embed, response_embed, concept_embed):
    B, L = exercises.shape
    n = B * L
    e_idx = exercises.reshape(n).astype(jnp.int32)
    r_idx = response.reshape(n).astype(jnp.int32)
    c_idx = concept.reshape(n).astype(jnp.int32)
    out = _sc_embed(e_idx, r_idx, c_idx,
                    exercise_embed, response_embed, concept_embed, n)
    return out.reshape(B, L, D)

# --- scband reference (transcript-rebuilt; emitter-appended) ---
"""Pipeline reference for scband-encoder-embedding-79860621902262 (READ-ONLY COPY).

The authoritative reference and input builder live on the scoring server;
editing this copy changes nothing except your own understanding.
"""

import jax, jax.numpy as jnp
import numpy as np

Q_NUM = 1000000
CONCEPT_NUM = 100000
D_MODEL = 64
B = 4096
L = 200

def setup_inputs(seed: int = 0) -> dict:
    key = jax.random.key(seed)
    k1, k2, k3, k4, k5, k6 = jax.random.split(key, 6)
    exercises = jax.random.randint(k1, (B, L), 0, Q_NUM, dtype=jnp.int64 if jax.config.jax_enable_x64 else jnp.int32)
    response = jax.random.randint(k2, (B, L), 0, 2, dtype=exercises.dtype)
    concept = jax.random.randint(k3, (B, L), 0, CONCEPT_NUM, dtype=exercises.dtype)
    exercise_embed = jax.random.normal(k4, (Q_NUM, D_MODEL), dtype=jnp.float32)
    response_embed = jax.random.normal(k5, (2, D_MODEL), dtype=jnp.float32)
    concept_embed = jax.random.normal(k6, (CONCEPT_NUM, D_MODEL), dtype=jnp.float32)
    return {
        "exercises": exercises,
        "response": response,
        "concept": concept,
        "exercise_embed": exercise_embed,
        "response_embed": response_embed,
        "concept_embed": concept_embed,
    }

def reference(exercises, response, concept, exercise_embed, response_embed, concept_embed):
    # pattern == 'x_state': e + r + c
    e = jnp.take(exercise_embed, exercises, axis=0)
    r = jnp.take(response_embed, response, axis=0)
    c = jnp.take(concept_embed, concept, axis=0)
    return e + r + c

if __name__ == "__main__":
    import jax
    _d = setup_inputs()
    print(jax.jit(kernel)(*tuple(_d.values())))

</pallas_src>

<mosaic_0001>
#map = affine_map<(d0, d1) -> (0)>
#map1 = affine_map<(d0, d1) -> (0, 0)>
module attributes {stable_mosaic.version = 14 : i64} {
  func.func @k(%arg0: i32, %arg1: i32, %arg2: memref<819200xi32, #tpu.memory_space<hbm>>, %arg3: memref<819200xi32, #tpu.memory_space<hbm>>, %arg4: memref<819200xi32, #tpu.memory_space<hbm>>, %arg5: memref<1000000x64xf32, #tpu.memory_space<hbm>>, %arg6: memref<2x64xf32, #tpu.memory_space<hbm>>, %arg7: memref<100000x64xf32, #tpu.memory_space<hbm>>, %arg8: memref<819200x64xf32, #tpu.memory_space<hbm>>, %arg9: memref<2x256xi32, #tpu.memory_space<vmem>>, %arg10: memref<2x256xi32, #tpu.memory_space<vmem>>, %arg11: memref<2x256xi32, #tpu.memory_space<vmem>>, %arg12: memref<2x64xf32, #tpu.memory_space<vmem>>, %arg13: memref<2x256x64xf32, #tpu.memory_space<vmem>>, %arg14: memref<2x256x64xf32, #tpu.memory_space<vmem>>, %arg15: memref<!tpu.dma_semaphore, #tpu.memory_space<semaphore_mem>>, %arg16: memref<!tpu.dma_semaphore, #tpu.memory_space<semaphore_mem>>) attributes {dimension_semantics = [#tpu.dimension_semantics<core_parallel>, #tpu.dimension_semantics<subcore_parallel>], iteration_bounds = array<i64: 2, 16>, scalar_prefetch = 0 : i64, scratch_operands = 8 : i64, tpu.core_type = #tpu.core_type<sc_vector_subcore>, window_params = [{transform_indices = #map}, {transform_indices = #map}, {transform_indices = #map}, {transform_indices = #map1}, {transform_indices = #map1}, {transform_indices = #map1}, {transform_indices = #map1}]} {
    %mul3A = arith.constant 2 : i32
    %mul3A_0 = arith.muli %arg1, %mul3A : i32
    %add3A = arith.addi %mul3A_0, %arg0 : i32
    %mul3A_1 = arith.constant 25600 : i32
    %mul3A_2 = arith.muli %add3A, %mul3A_1 : i32
    "tpu.region"() ({
      %run_scoped3A_121 = tpu.sem_alloc : memref<!tpu.dma_semaphore, #tpu.memory_space<semaphore_mem>>
      tpu.enqueue_dma source(%arg6 : memref<2x64xf32, #tpu.memory_space<hbm>>) target(%arg12 : memref<2x64xf32, #tpu.memory_space<vmem>>) target_semaphore(%run_scoped3A_121 : memref<!tpu.dma_semaphore, #tpu.memory_space<semaphore_mem>>)
      tpu.wait_dma2 semaphore(%run_scoped3A_121 : memref<!tpu.dma_semaphore, #tpu.memory_space<semaphore_mem>>) src(%arg6 : memref<2x64xf32, #tpu.memory_space<hbm>>) dst(%arg12 : memref<2x64xf32, #tpu.memory_space<vmem>>)
      tpu.yield
    }) : () -> ()
    %get3A = arith.constant 0 : i32
    %get3A_3 = arith.index_cast %get3A : i32 to index
    %get3A_4 = arith.constant 0 : index
    %get3A_5 = tpu.vector_load %arg12[%get3A_3, %get3A_4] {strides = array<i32>} : memref<2x64xf32, #tpu.memory_space<vmem>>, vector<1x16xf32>,
    %get3A_6 = vector.shape_cast %get3A_5 : vector<1x16xf32> to vector<16xf32>
    %get3A_7 = arith.constant 0 : i32
    %get3A_8 = arith.index_cast %get3A_7 : i32 to index
    %get3A_9 = arith.constant 16 : index
    %get3A_10 = tpu.vector_load %arg12[%get3A_8, %get3A_9] {strides = array<i32>} : memref<2x64xf32, #tpu.memory_space<vmem>>, vector<1x16xf32>,
    %get3A_11 = vector.shape_cast %get3A_10 : vector<1x16xf32> to vector<16xf32>
    %get3A_12 = arith.constant 0 : i32
    %get3A_13 = arith.index_cast %get3A_12 : i32 to index
    %get3A_14 = arith.constant 32 : index
    %get3A_15 = tpu.vector_load %arg12[%get3A_13, %get3A_14] {strides = array<i32>} : memref<2x64xf32, #tpu.memory_space<vmem>>, vector<1x16xf32>,
    %get3A_16 = vector.shape_cast %get3A_15 : vector<1x16xf32> to vector<16xf32>
    %get3A_17 = arith.constant 0 : i32
    %get3A_18 = arith.index_cast %get3A_17 : i32 to index
    %get3A_19 = arith.constant 48 : index
    %get3A_20 = tpu.vector_load %arg12[%get3A_18, %get3A_19] {strides = array<i32>} : memref<2x64xf32, #tpu.memory_space<vmem>>, vector<1x16xf32>,
    %get3A_21 = vector.shape_cast %get3A_20 : vector<1x16xf32> to vector<16xf32>
    %get3A_22 = arith.constant 1 : i32
    %get3A_23 = arith.index_cast %get3A_22 : i32 to index
    %get3A_24 = arith.constant 0 : index
    %get3A_25 = tpu.vector_load %arg12[%get3A_23, %get3A_24] {strides = array<i32>} : memref<2x64xf32, #tpu.memory_space<vmem>>, vector<1x16xf32>,
    %get3A_26 = vector.shape_cast %get3A_25 : vector<1x16xf32> to vector<16xf32>
    %get3A_27 = arith.constant 1 : i32
    %get3A_28 = arith.index_cast %get3A_27 : i32 to index
    %get3A_29 = arith.constant 16 : index
    %get3A_30 = tpu.vector_load %arg12[%get3A_28, %get3A_29] {strides = array<i32>} : memref<2x64xf32, #tpu.memory_space<vmem>>, vector<1x16xf32>,
    %get3A_31 = vector.shape_cast %get3A_30 : vector<1x16xf32> to vector<16xf32>
    %get3A_32 = arith.constant 1 : i32
    %get3A_33 = arith.index_cast %get3A_32 : i32 to index
    %get3A_34 = arith.constant 32 : index
    %get3A_35 = tpu.vector_load %arg12[%get3A_33, %get3A_34] {strides = array<i32>} : memref<2x64xf32, #tpu.memory_space<vmem>>, vector<1x16xf32>,
    %get3A_36 = vector.shape_cast %get3A_35 : vector<1x16xf32> to vector<16xf32>
    %get3A_37 = arith.constant 1 : i32
    %get3A_38 = arith.index_cast %get3A_37 : i32 to index
    %get3A_39 = arith.constant 48 : index
    %get3A_40 = tpu.vector_load %arg12[%get3A_38, %get3A_39] {strides = array<i32>} : memref<2x64xf32, #tpu.memory_space<vmem>>, vector<1x16xf32>,
    %get3A_41 = vector.shape_cast %get3A_40 : vector<1x16xf32> to vector<16xf32>
    %sub3A = arith.subf %get3A_26, %get3A_6 : vector<16xf32>
    %sub3A_42 = arith.subf %get3A_31, %get3A_11 : vector<16xf32>
    %sub3A_43 = arith.subf %get3A_36, %get3A_16 : vector<16xf32>
    %sub3A_44 = arith.subf %get3A_41, %get3A_21 : vector<16xf32>
    %add3A_45 = arith.constant 0 : i32
    %add3A_46 = arith.addi %mul3A_2, %add3A_45 : i32
    %run_scoped3A = arith.constant 0 : i32
    "tpu.region"() ({
      %run_scoped3A_121 = tpu.sem_alloc : memref<!tpu.dma_semaphore, #tpu.memory_space<semaphore_mem>>
      %dma_start3A_122 = arith.constant 0 : i32
      %dma_start3A_123 = tpu.memref_slice %arg9[%run_scoped3A, %dma_start3A_122] : memref<2x256xi32, #tpu.memory_space<vmem>> -> memref<1x256xi32, #tpu.memory_space<vmem>>
      %dma_start3A_124 = tpu.memref_squeeze %dma_start3A_123 : memref<1x256xi32, #tpu.memory_space<vmem>> -> memref<256xi32, #tpu.memory_space<vmem>>
      %dma_start3A_125 = tpu.memref_slice %arg2[%add3A_46] : memref<819200xi32, #tpu.memory_space<hbm>> -> memref<256xi32, #tpu.memory_space<hbm>>
      %dma_start3A_126 = arith.constant 0 : i32
      %dma_start3A_127 = tpu.memref_slice %arg9[%run_scoped3A, %dma_start3A_126] : memref<2x256xi32, #tpu.memory_space<vmem>> -> memref<1x256xi32, #tpu.memory_space<vmem>>
      %dma_start3A_128 = tpu.memref_squeeze %dma_start3A_127 : memref<1x256xi32, #tpu.memory_space<vmem>> -> memref<256xi32, #tpu.memory_space<vmem>>
      %dma_start3A_129 = tpu.memref_slice %arg2[%add3A_46] : memref<819200xi32, #tpu.memory_space<hbm>> -> memref<256xi32, #tpu.memory_space<hbm>>
      tpu.enqueue_dma source(%dma_start3A_129 : memref<256xi32, #tpu.memory_space<hbm>>) target(%dma_start3A_128 : memref<256xi32, #tpu.memory_space<vmem>>) target_semaphore(%run_scoped3A_121 : memref<!tpu.dma_semaphore, #tpu.memory_space<semaphore_mem>>)
      %dma_wait3A = arith.constant 0 : i32
      %dma_wait3A_130 = tpu.memref_slice %arg9[%run_scoped3A, %dma_wait3A] : memref<2x256xi32, #tpu.memory_space<vmem>> -> memref<1x256xi32, #tpu.memory_space<vmem>>
      %dma_wait3A_131 = tpu.memref_squeeze %dma_wait3A_130 : memref<1x256xi32, #tpu.memory_space<vmem>> -> memref<256xi32, #tpu.memory_space<vmem>>
      %dma_wait3A_132 = tpu.memref_slice %arg2[%add3A_46] : memref<819200xi32, #tpu.memory_space<hbm>> -> memref<256xi32, #tpu.memory_space<hbm>>
      %dma_wait3A_133 = arith.constant 0 : i32
      %dma_wait3A_134 = tpu.memref_slice %arg9[%run_scoped3A, %dma_wait3A_133] : memref<2x256xi32, #tpu.memory_space<vmem>> -> memref<1x256xi32, #tpu.memory_space<vmem>>
      %dma_wait3A_135 = tpu.memref_squeeze %dma_wait3A_134 : memref<1x256xi32, #tpu.memory_space<vmem>> -> memref<256xi32, #tpu.memory_space<vmem>>
      %dma_wait3A_136 = tpu.memref_slice %arg2[%add3A_46] : memref<819200xi32, #tpu.memory_space<hbm>> -> memref<256xi32, #tpu.memory_space<hbm>>
      tpu.wait_dma2 semaphore(%run_scoped3A_121 : memref<!tpu.dma_semaphore, #tpu.memory_space<semaphore_mem>>) src(%dma_wait3A_136 : memref<256xi32, #tpu.memory_space<hbm>>) dst(%dma_wait3A_135 : memref<256xi32, #tpu.memory_space<vmem>>)
      tpu.yield
    }) : () -> ()
    %run_scoped3A_47 = arith.constant 0 : i32
    "tpu.region"() ({
      %run_scoped3A_121 = tpu.sem_alloc : memref<!tpu.dma_semaphore, #tpu.memory_space<semaphore_mem>>
      %dma_start3A_122 = arith.constant 0 : i32
      %dma_start3A_123 = tpu.memref_slice %arg10[%run_scoped3A_47, %dma_start3A_122] : memref<2x256xi32, #tpu.memory_space<vmem>> -> memref<1x256xi32, #tpu.memory_space<vmem>>
      %dma_start3A_124 = tpu.memref_squeeze %dma_start3A_123 : memref<1x256xi32, #tpu.memory_space<vmem>> -> memref<256xi32, #tpu.memory_space<vmem>>
      %dma_start3A_125 = tpu.memref_slice %arg3[%add3A_46] : memref<819200xi32, #tpu.memory_space<hbm>> -> memref<256xi32, #tpu.memory_space<hbm>>
      %dma_start3A_126 = arith.constant 0 : i32
      %dma_start3A_127 = tpu.memref_slice %arg10[%run_scoped3A_47, %dma_start3A_126] : memref<2x256xi32, #tpu.memory_space<vmem>> -> memref<1x256xi32, #tpu.memory_space<vmem>>
      %dma_start3A_128 = tpu.memref_squeeze %dma_start3A_127 : memref<1x256xi32, #tpu.memory_space<vmem>> -> memref<256xi32, #tpu.memory_space<vmem>>
      %dma_start3A_129 = tpu.memref_slice %arg3[%add3A_46] : memref<819200xi32, #tpu.memory_space<hbm>> -> memref<256xi32, #tpu.memory_space<hbm>>
      tpu.enqueue_dma source(%dma_start3A_129 : memref<256xi32, #tpu.memory_space<hbm>>) target(%dma_start3A_128 : memref<256xi32, #tpu.memory_space<vmem>>) target_semaphore(%run_scoped3A_121 : memref<!tpu.dma_semaphore, #tpu.memory_space<semaphore_mem>>)
      %dma_wait3A = arith.constant 0 : i32
      %dma_wait3A_130 = tpu.memref_slice %arg10[%run_scoped3A_47, %dma_wait3A] : memref<2x256xi32, #tpu.memory_space<vmem>> -> memref<1x256xi32, #tpu.memory_space<vmem>>
      %dma_wait3A_131 = tpu.memref_squeeze %dma_wait3A_130 : memref<1x256xi32, #tpu.memory_space<vmem>> -> memref<256xi32, #tpu.memory_space<vmem>>
      %dma_wait3A_132 = tpu.memref_slice %arg3[%add3A_46] : memref<819200xi32, #tpu.memory_space<hbm>> -> memref<256xi32, #tpu.memory_space<hbm>>
      %dma_wait3A_133 = arith.constant 0 : i32
      %dma_wait3A_134 = tpu.memref_slice %arg10[%run_scoped3A_47, %dma_wait3A_133] : memref<2x256xi32, #tpu.memory_space<vmem>> -> memref<1x256xi32, #tpu.memory_space<vmem>>
      %dma_wait3A_135 = tpu.memref_squeeze %dma_wait3A_134 : memref<1x256xi32, #tpu.memory_space<vmem>> -> memref<256xi32, #tpu.memory_space<vmem>>
      %dma_wait3A_136 = tpu.memref_slice %arg3[%add3A_46] : memref<819200xi32, #tpu.memory_space<hbm>> -> memref<256xi32, #tpu.memory_space<hbm>>
      tpu.wait_dma2 semaphore(%run_scoped3A_121 : memref<!tpu.dma_semaphore, #tpu.memory_space<semaphore_mem>>) src(%dma_wait3A_136 : memref<256xi32, #tpu.memory_space<hbm>>) dst(%dma_wait3A_135 : memref<256xi32, #tpu.memory_space<vmem>>)
      tpu.yield
    }) : () -> ()
    %run_scoped3A_48 = arith.constant 0 : i32
    "tpu.region"() ({
      %run_scoped3A_121 = tpu.sem_alloc : memref<!tpu.dma_semaphore, #tpu.memory_space<semaphore_mem>>
      %dma_start3A_122 = arith.constant 0 : i32
      %dma_start3A_123 = tpu.memref_slice %arg11[%run_scoped3A_48, %dma_start3A_122] : memref<2x256xi32, #tpu.memory_space<vmem>> -> memref<1x256xi32, #tpu.memory_space<vmem>>
      %dma_start3A_124 = tpu.memref_squeeze %dma_start3A_123 : memref<1x256xi32, #tpu.memory_space<vmem>> -> memref<256xi32, #tpu.memory_space<vmem>>
      %dma_start3A_125 = tpu.memref_slice %arg4[%add3A_46] : memref<819200xi32, #tpu.memory_space<hbm>> -> memref<256xi32, #tpu.memory_space<hbm>>
      %dma_start3A_126 = arith.constant 0 : i32
      %dma_start3A_127 = tpu.memref_slice %arg11[%run_scoped3A_48, %dma_start3A_126] : memref<2x256xi32, #tpu.memory_space<vmem>> -> memref<1x256xi32, #tpu.memory_space<vmem>>
      %dma_start3A_128 = tpu.memref_squeeze %dma_start3A_127 : memref<1x256xi32, #tpu.memory_space<vmem>> -> memref<256xi32, #tpu.memory_space<vmem>>
      %dma_start3A_129 = tpu.memref_slice %arg4[%add3A_46] : memref<819200xi32, #tpu.memory_space<hbm>> -> memref<256xi32, #tpu.memory_space<hbm>>
      tpu.enqueue_dma source(%dma_start3A_129 : memref<256xi32, #tpu.memory_space<hbm>>) target(%dma_start3A_128 : memref<256xi32, #tpu.memory_space<vmem>>) target_semaphore(%run_scoped3A_121 : memref<!tpu.dma_semaphore, #tpu.memory_space<semaphore_mem>>)
      %dma_wait3A = arith.constant 0 : i32
      %dma_wait3A_130 = tpu.memref_slice %arg11[%run_scoped3A_48, %dma_wait3A] : memref<2x256xi32, #tpu.memory_space<vmem>> -> memref<1x256xi32, #tpu.memory_space<vmem>>
      %dma_wait3A_131 = tpu.memref_squeeze %dma_wait3A_130 : memref<1x256xi32, #tpu.memory_space<vmem>> -> memref<256xi32, #tpu.memory_space<vmem>>
      %dma_wait3A_132 = tpu.memref_slice %arg4[%add3A_46] : memref<819200xi32, #tpu.memory_space<hbm>> -> memref<256xi32, #tpu.memory_space<hbm>>
      %dma_wait3A_133 = arith.constant 0 : i32
      %dma_wait3A_134 = tpu.memref_slice %arg11[%run_scoped3A_48, %dma_wait3A_133] : memref<2x256xi32, #tpu.memory_space<vmem>> -> memref<1x256xi32, #tpu.memory_space<vmem>>
      %dma_wait3A_135 = tpu.memref_squeeze %dma_wait3A_134 : memref<1x256xi32, #tpu.memory_space<vmem>> -> memref<256xi32, #tpu.memory_space<vmem>>
      %dma_wait3A_136 = tpu.memref_slice %arg4[%add3A_46] : memref<819200xi32, #tpu.memory_space<hbm>> -> memref<256xi32, #tpu.memory_space<hbm>>
      tpu.wait_dma2 semaphore(%run_scoped3A_121 : memref<!tpu.dma_semaphore, #tpu.memory_space<semaphore_mem>>) src(%dma_wait3A_136 : memref<256xi32, #tpu.memory_space<hbm>>) dst(%dma_wait3A_135 : memref<256xi32, #tpu.memory_space<vmem>>)
      tpu.yield
    }) : () -> ()
    %dma_start3A = arith.constant 0 : i32
    %dma_start3A_49 = arith.constant 0 : i32
    %dma_start3A_50 = arith.constant 0 : i32
    %dma_start3A_51 = arith.constant 0 : i32
    %dma_start3A_52 = tpu.memref_slice %arg13[%dma_start3A_49, %dma_start3A_50, %dma_start3A_51] : memref<2x256x64xf32, #tpu.memory_space<vmem>> -> memref<1x256x64xf32, #tpu.memory_space<vmem>>
    %dma_start3A_53 = tpu.memref_squeeze %dma_start3A_52 : memref<1x256x64xf32, #tpu.memory_space<vmem>> -> memref<256x64xf32, #tpu.memory_space<vmem>>
    %dma_start3A_54 = arith.constant 0 : i32
    %dma_start3A_55 = arith.constant 0 : i32
    %dma_start3A_56 = tpu.memref_slice %dma_start3A_53[%dma_start3A_54, %dma_start3A_55] : memref<256x64xf32, #tpu.memory_space<vmem>> -> memref<128x64xf32, #tpu.memory_space<vmem>>
    %dma_start3A_57 = arith.constant 0 : i32
    %dma_start3A_58 = tpu.memref_slice %arg9[%dma_start3A, %dma_start3A_57] : memref<2x256xi32, #tpu.memory_space<vmem>> -> memref<1x256xi32, #tpu.memory_space<vmem>>
    %dma_start3A_59 = tpu.memref_squeeze %dma_start3A_58 : memref<1x256xi32, #tpu.memory_space<vmem>> -> memref<256xi32, #tpu.memory_space<vmem>>
    %dma_start3A_60 = arith.constant 0 : i32
    %dma_start3A_61 = tpu.memref_slice %dma_start3A_59[%dma_start3A_60] : memref<256xi32, #tpu.memory_space<vmem>> -> memref<128xi32, #tpu.memory_space<vmem>>
    %dma_start3A_62 = arith.constant 0 : i32
    %dma_start3A_63 = arith.constant 0 : i32
    %dma_start3A_64 = tpu.memref_slice %arg5[%dma_start3A_62, %dma_start3A_63] : memref<1000000x64xf32, #tpu.memory_space<hbm>> -> memref<1000000x64xf32, #tpu.memory_space<hbm>>
    tpu.enqueue_indirect_dma source(%dma_start3A_64 : memref<1000000x64xf32, #tpu.memory_space<hbm>>) target(%dma_start3A_56 : memref<128x64xf32, #tpu.memory_space<vmem>>) offsets(%dma_start3A_61 : memref<128xi32, #tpu.memory_space<vmem>>) semaphore(%arg15 : memref<!tpu.dma_semaphore, #tpu.memory_space<semaphore_mem>>)
    %dma_start3A_65 = arith.constant 0 : i32
    %dma_start3A_66 = arith.constant 0 : i32
    %dma_start3A_67 = arith.constant 0 : i32
    %dma_start3A_68 = arith.constant 0 : i32
    %dma_start3A_69 = tpu.memref_slice %arg14[%dma_start3A_66, %dma_start3A_67, %dma_start3A_68] : memref<2x256x64xf32, #tpu.memory_space<vmem>> -> memref<1x256x64xf32, #tpu.memory_space<vmem>>
    %dma_start3A_70 = tpu.memref_squeeze %dma_start3A_69 : memref<1x256x64xf32, #tpu.memory_space<vmem>> -> memref<256x64xf32, #tpu.memory_space<vmem>>
    %dma_start3A_71 = arith.constant 0 : i32
    %dma_start3A_72 = arith.constant 0 : i32
    %dma_start3A_73 = tpu.memref_slice %dma_start3A_70[%dma_start3A_71, %dma_start3A_72] : memref<256x64xf32, #tpu.memory_space<vmem>> -> memref<128x64xf32, #tpu.memory_space<vmem>>
    %dma_start3A_74 = arith.constant 0 : i32
    %dma_start3A_75 = tpu.memref_slice %arg11[%dma_start3A_65, %dma_start3A_74] : memref<2x256xi32, #tpu.memory_space<vmem>> -> memref<1x256xi32, #tpu.memory_space<vmem>>
    %dma_start3A_76 = tpu.memref_squeeze %dma_start3A_75 : memref<1x256xi32, #tpu.memory_space<vmem>> -> memref<256xi32, #tpu.memory_space<vmem>>
    %dma_start3A_77 = arith.constant 0 : i32
    %dma_start3A_78 = tpu.memref_slice %dma_start3A_76[%dma_start3A_77] : memref<256xi32, #tpu.memory_space<vmem>> -> memref<128xi32, #tpu.memory_space<vmem>>
    %dma_start3A_79 = arith.constant 0 : i32
    %dma_start3A_80 = arith.constant 0 : i32
    %dma_start3A_81 = tpu.memref_slice %arg7[%dma_start3A_79, %dma_start3A_80] : memref<100000x64xf32, #tpu.memory_space<hbm>> -> memref<100000x64xf32, #tpu.memory_space<hbm>>
    tpu.enqueue_indirect_dma source(%dma_start3A_81 : memref<100000x64xf32, #tpu.memory_space<hbm>>) target(%dma_start3A_73 : memref<128x64xf32, #tpu.memory_space<vmem>>) offsets(%dma_start3A_78 : memref<128xi32, #tpu.memory_space<vmem>>) semaphore(%arg15 : memref<!tpu.dma_semaphore, #tpu.memory_space<semaphore_mem>>)
    %dma_start3A_82 = arith.constant 0 : i32
    %dma_start3A_83 = arith.constant 0 : i32
    %dma_start3A_84 = arith.constant 0 : i32
    %dma_start3A_85 = arith.constant 0 : i32
    %dma_start3A_86 = tpu.memref_slice %arg13[%dma_start3A_83, %dma_start3A_84, %dma_start3A_85] : memref<2x256x64xf32, #tpu.memory_space<vmem>> -> memref<1x256x64xf32, #tpu.memory_space<vmem>>
    %dma_start3A_87 = tpu.memref_squeeze %dma_start3A_86 : memref<1x256x64xf32, #tpu.memory_space<vmem>> -> memref<256x64xf32, #tpu.memory_space<vmem>>
    %dma_start3A_88 = arith.constant 128 : i32
    %dma_start3A_89 = arith.constant 0 : i32
    %dma_start3A_90 = tpu.memref_slice %dma_start3A_87[%dma_start3A_88, %dma_start3A_89] : memref<256x64xf32, #tpu.memory_space<vmem>> -> memref<128x64xf32, #tpu.memory_space<vmem>>
    %dma_start3A_91 = arith.constant 0 : i32
    %dma_start3A_92 = tpu.memref_slice %arg9[%dma_start3A_82, %dma_start3A_91] : memref<2x256xi32, #tpu.memory_space<vmem>> -> memref<1x256xi32, #tpu.memory_space<vmem>>
    %dma_start3A_93 = tpu.memref_squeeze %dma_start3A_92 : memref<1x256xi32, #tpu.memory_space<vmem>> -> memref<256xi32, #tpu.memory_space<vmem>>
    %dma_start3A_94 = arith.constant 128 : i32
    %dma_start3A_95 = tpu.memref_slice %dma_start3A_93[%dma_start3A_94] : memref<256xi32, #tpu.memory_space<vmem>> -> memref<128xi32, #tpu.memory_space<vmem>>
    %dma_start3A_96 = arith.constant 0 : i32
    %dma_start3A_97 = arith.constant 0 : i32
    %dma_start3A_98 = tpu.memref_slice %arg5[%dma_start3A_96, %dma_start3A_97] : memref<1000000x64xf32, #tpu.memory_space<hbm>> -> memref<1000000x64xf32, #tpu.memory_space<hbm>>
    tpu.enqueue_indirect_dma source(%dma_start3A_98 : memref<1000000x64xf32, #tpu.memory_space<hbm>>) target(%dma_start3A_90 : memref<128x64xf32, #tpu.memory_space<vmem>>) offsets(%dma_start3A_95 : memref<128xi32, #tpu.memory_space<vmem>>) semaphore(%arg15 : memref<!tpu.dma_semaphore, #tpu.memory_space<semaphore_mem>>)
    %dma_start3A_99 = arith.constant 0 : i32
    %dma_start3A_100 = arith.constant 0 : i32
    %dma_start3A_101 = arith.constant 0 : i32
    %dma_start3A_102 = arith.constant 0 : i32
    %dma_start3A_103 = tpu.memref_slice %arg14[%dma_start3A_100, %dma_start3A_101, %dma_start3A_102] : memref<2x256x64xf32, #tpu.memory_space<vmem>> -> memref<1x256x64xf32, #tpu.memory_space<vmem>>
    %dma_start3A_104 = tpu.memref_squeeze %dma_start3A_103 : memref<1x256x64xf32, #tpu.memory_space<vmem>> -> memref<256x64xf32, #tpu.memory_space<vmem>>
    %dma_start3A_105 = arith.constant 128 : i32
    %dma_start3A_106 = arith.constant 0 : i32
    %dma_start3A_107 = tpu.memref_slice %dma_start3A_104[%dma_start3A_105, %dma_start3A_106] : memref<256x64xf32, #tpu.memory_space<vmem>> -> memref<128x64xf32, #tpu.memory_space<vmem>>
    %dma_start3A_108 = arith.constant 0 : i32
    %dma_start3A_109 = tpu.memref_slice %arg11[%dma_start3A_99, %dma_start3A_108] : memref<2x256xi32, #tpu.memory_space<vmem>> -> memref<1x256xi32, #tpu.memory_space<vmem>>
    %dma_start3A_110 = tpu.memref_squeeze %dma_start3A_109 : memref<1x256xi32, #tpu.memory_space<vmem>> -> memref<256xi32, #tpu.memory_space<vmem>>
    %dma_start3A_111 = arith.constant 128 : i32
    %dma_start3A_112 = tpu.memref_slice %dma_start3A_110[%dma_start3A_111] : memref<256xi32, #tpu.memory_space<vmem>> -> memref<128xi32, #tpu.memory_space<vmem>>
    %dma_start3A_113 = arith.constant 0 : i32
    %dma_start3A_114 = arith.constant 0 : i32
    %dma_start3A_115 = tpu.memref_slice %arg7[%dma_start3A_113, %dma_start3A_114] : memref<100000x64xf32, #tpu.memory_space<hbm>> -> memref<100000x64xf32, #tpu.memory_space<hbm>>
    tpu.enqueue_indirect_dma source(%dma_start3A_115 : memref<100000x64xf32, #tpu.memory_space<hbm>>) target(%dma_start3A_107 : memref<128x64xf32, #tpu.memory_space<vmem>>) offsets(%dma_start3A_112 : memref<128xi32, #tpu.memory_space<vmem>>) semaphore(%arg15 : memref<!tpu.dma_semaphore, #tpu.memory_space<semaphore_mem>>)
    %scan3A = arith.constant 0 : i32
    %scan3A_116 = arith.constant 0 : i32
    %scan3A_117 = arith.constant 50 : i32
    %scan3A_118 = arith.addi %scan3A_116, %scan3A_117 : i32
    %scan3A_119 = arith.constant 1 : i32
    scf.for %scan3A_121 = %scan3A_116 to %scan3A_118 step %scan3A_119  : i32 {
      %mul3A_122 = arith.constant 2 : i32
      %mul3A_123 = arith.muli %mul3A_122, %scan3A_121 : i32
      %add3A_124 = arith.constant 0 : i32
      %add3A_125 = arith.addi %mul3A_123, %add3A_124 : i32
      %add3A_126 = arith.constant 1 : i32
      %add3A_127 = arith.addi %add3A_125, %add3A_126 : i32
      %lt3A = arith.constant 100 : i32
      %lt3A_128 = arith.cmpi slt, %add3A_127, %lt3A : i32
      %convert_element_type3A = arith.extui %lt3A_128 : i1 to i32
      %cond3A = arith.constant 0 : i32
      %cond3A_129 = arith.cmpi ne, %convert_element_type3A, %cond3A : i32
      scf.if %cond3A_129 {
        %add3A_296 = arith.constant 1 : i32
        %add3A_297 = arith.addi %add3A_125, %add3A_296 : i32
        %mul3A_298 = arith.constant 256 : i32
        %mul3A_299 = arith.muli %add3A_297, %mul3A_298 : i32
        %add3A_300 = arith.addi %mul3A_2, %mul3A_299 : i32
        %run_scoped3A_301 = arith.constant 1 : i32
        "tpu.region"() ({
          %run_scoped3A_372 = tpu.sem_alloc : memref<!tpu.dma_semaphore, #tpu.memory_space<semaphore_mem>>
          %dma_start3A_373 = arith.constant 0 : i32
          %dma_start3A_374 = tpu.memref_slice %arg9[%run_scoped3A_301, %dma_start3A_373] : memref<2x256xi32, #tpu.memory_space<vmem>> -> memref<1x256xi32, #tpu.memory_space<vmem>>
          %dma_start3A_375 = tpu.memref_squeeze %dma_start3A_374 : memref<1x256xi32, #tpu.memory_space<vmem>> -> memref<256xi32, #tpu.memory_space<vmem>>
          %dma_start3A_376 = tpu.memref_slice %arg2[%add3A_300] : memref<819200xi32, #tpu.memory_space<hbm>> -> memref<256xi32, #tpu.memory_space<hbm>>
          %dma_start3A_377 = arith.constant 0 : i32
          %dma_start3A_378 = tpu.memref_slice %arg9[%run_scoped3A_301, %dma_start3A_377] : memref<2x256xi32, #tpu.memory_space<vmem>> -> memref<1x256xi32, #tpu.memory_space<vmem>>
          %dma_start3A_379 = tpu.memref_squeeze %dma_start3A_378 : memref<1x256xi32, #tpu.memory_space<vmem>> -> memref<256xi32, #tpu.memory_space<vmem>>
          %dma_start3A_380 = tpu.memref_slice %arg2[%add3A_300] : memref<819200xi32, #tpu.memory_space<hbm>> -> memref<256xi32, #tpu.memory_space<hbm>>
          tpu.enqueue_dma source(%dma_start3A_380 : memref<256xi32, #tpu.memory_space<hbm>>) target(%dma_start3A_379 : memref<256xi32, #tpu.memory_space<vmem>>) target_semaphore(%run_scoped3A_372 : memref<!tpu.dma_semaphore, #tpu.memory_space<semaphore_mem>>)
          %dma_wait3A_381 = arith.constant 0 : i32
          %dma_wait3A_382 = tpu.memref_slice %arg9[%run_scoped3A_301, %dma_wait3A_381] : memref<2x256xi32, #tpu.memory_space<vmem>> -> memref<1x256xi32, #tpu.memory_space<vmem>>
          %dma_wait3A_383 = tpu.memref_squeeze %dma_wait3A_382 : memref<1x256xi32, #tpu.memory_space<vmem>> -> memref<256xi32, #tpu.memory_space<vmem>>
          %dma_wait3A_384 = tpu.memref_slice %arg2[%add3A_300] : memref<819200xi32, #tpu.memory_space<hbm>> -> memref<256xi32, #tpu.memory_space<hbm>>
          %dma_wait3A_385 = arith.constant 0 : i32
          %dma_wait3A_386 = tpu.memref_slice %arg9[%run_scoped3A_301, %dma_wait3A_385] : memref<2x256xi32, #tpu.memory_space<vmem>> -> memref<1x256xi32, #tpu.memory_space<vmem>>
          %dma_wait3A_387 = tpu.memref_squeeze %dma_wait3A_386 : memref<1x256xi32, #tpu.memory_space<vmem>> -> memref<256xi32, #tpu.memory_space<vmem>>
          %dma_wait3A_388 = tpu.memref_slice %arg2[%add3A_300] : memref<819200xi32, #tpu.memory_space<hbm>> -> memref<256xi32, #tpu.memory_space<hbm>>
          tpu.wait_dma2 semaphore(%run_scoped3A_372 : memref<!tpu.dma_semaphore, #tpu.memory_space<semaphore_mem>>) src(%dma_wait3A_388 : memref<256xi32, #tpu.memory_space<hbm>>) dst(%dma_wait3A_387 : memref<256xi32, #tpu.memory_space<vmem>>)
          tpu.yield
        }) : () -> ()
        %run_scoped3A_302 = arith.constant 1 : i32
        "tpu.region"() ({
          %run_scoped3A_372 = tpu.sem_alloc : memref<!tpu.dma_semaphore, #tpu.memory_space<semaphore_mem>>
          %dma_start3A_373 = arith.constant 0 : i32
          %dma_start3A_374 = tpu.memref_slice %arg10[%run_scoped3A_302, %dma_start3A_373] : memref<2x256xi32, #tpu.memory_space<vmem>> -> memref<1x256xi32, #tpu.memory_space<vmem>>
          %dma_start3A_375 = tpu.memref_squeeze %dma_start3A_374 : memref<1x256xi32, #tpu.memory_space<vmem>> -> memref<256xi32, #tpu.memory_space<vmem>>
          %dma_start3A_376 = tpu.memref_slice %arg3[%add3A_300] : memref<819200xi32, #tpu.memory_space<hbm>> -> memref<256xi32, #tpu.memory_space<hbm>>
          %dma_start3A_377 = arith.constant 0 : i32
          %dma_start3A_378 = tpu.memref_slice %arg10[%run_scoped3A_302, %dma_start3A_377] : memref<2x256xi32, #tpu.memory_space<vmem>> -> memref<1x256xi32, #tpu.memory_space<vmem>>
          %dma_start3A_379 = tpu.memref_squeeze %dma_start3A_378 : memref<1x256xi32, #tpu.memory_space<vmem>> -> memref<256xi32, #tpu.memory_space<vmem>>
          %dma_start3A_380 = tpu.memref_slice %arg3[%add3A_300] : memref<819200xi32, #tpu.memory_space<hbm>> -> memref<256xi32, #tpu.memory_space<hbm>>
          tpu.enqueue_dma source(%dma_start3A_380 : memref<256xi32, #tpu.memory_space<hbm>>) target(%dma_start3A_379 : memref<256xi32, #tpu.memory_space<vmem>>) target_semaphore(%run_scoped3A_372 : memref<!tpu.dma_semaphore, #tpu.memory_space<semaphore_mem>>)
          %dma_wait3A_381 = arith.constant 0 : i32
          %dma_wait3A_382 = tpu.memref_slice %arg10[%run_scoped3A_302, %dma_wait3A_381] : memref<2x256xi32, #tpu.memory_space<vmem>> -> memref<1x256xi32, #tpu.memory_space<vmem>>
          %dma_wait3A_383 = tpu.memref_squeeze %dma_wait3A_382 : memref<1x256xi32, #tpu.memory_space<vmem>> -> memref<256xi32, #tpu.memory_space<vmem>>
          %dma_wait3A_384 = tpu.memref_slice %arg3[%add3A_300] : memref<819200xi32, #tpu.memory_space<hbm>> -> memref<256xi32, #tpu.memory_space<hbm>>
          %dma_wait3A_385 = arith.constant 0 : i32
          %dma_wait3A_386 = tpu.memref_slice %arg10[%run_scoped3A_302, %dma_wait3A_385] : memref<2x256xi32, #tpu.memory_space<vmem>> -> memref<1x256xi32, #tpu.memory_space<vmem>>
          %dma_wait3A_387 = tpu.memref_squeeze %dma_wait3A_386 : memref<1x256xi32, #tpu.memory_space<vmem>> -> memref<256xi32, #tpu.memory_space<vmem>>
          %dma_wait3A_388 = tpu.memref_slice %arg3[%add3A_300] : memref<819200xi32, #tpu.memory_space<hbm>> -> memref<256xi32, #tpu.memory_space<hbm>>
          tpu.wait_dma2 semaphore(%run_scoped3A_372 : memref<!tpu.dma_semaphore, #tpu.memory_space<semaphore_mem>>) src(%dma_wait3A_388 : memref<256xi32, #tpu.memory_space<hbm>>) dst(%dma_wait3A_387 : memref<256xi32, #tpu.memory_space<vmem>>)
          tpu.yield
        }) : () -> ()
        %run_scoped3A_303 = arith.constant 1 : i32
        "tpu.region"() ({
          %run_scoped3A_372 = tpu.sem_alloc : memref<!tpu.dma_semaphore, #tpu.memory_space<semaphore_mem>>
          %dma_start3A_373 = arith.constant 0 : i32
          %dma_start3A_374 = tpu.memref_slice %arg11[%run_scoped3A_303, %dma_start3A_373] : memref<2x256xi32, #tpu.memory_space<vmem>> -> memref<1x256xi32, #tpu.memory_space<vmem>>
          %dma_start3A_375 = tpu.memref_squeeze %dma_start3A_374 : memref<1x256xi32, #tpu.memory_space<vmem>> -> memref<256xi32, #tpu.memory_space<vmem>>
          %dma_start3A_376 = tpu.memref_slice %arg4[%add3A_300] : memref<819200xi32, #tpu.memory_space<hbm>> -> memref<256xi32, #tpu.memory_space<hbm>>
          %dma_start3A_377 = arith.constant 0 : i32
          %dma_start3A_378 = tpu.memref_slice %arg11[%run_scoped3A_303, %dma_start3A_377] : memref<2x256xi32, #tpu.memory_space<vmem>> -> memref<1x256xi32, #tpu.memory_space<vmem>>
          %dma_start3A_379 = tpu.memref_squeeze %dma_start3A_378 : memref<1x256xi32, #tpu.memory_space<vmem>> -> memref<256xi32, #tpu.memory_space<vmem>>
          %dma_start3A_380 = tpu.memref_slice %arg4[%add3A_300] : memref<819200xi32, #tpu.memory_space<hbm>> -> memref<256xi32, #tpu.memory_space<hbm>>
          tpu.enqueue_dma source(%dma_start3A_380 : memref<256xi32, #tpu.memory_space<hbm>>) target(%dma_start3A_379 : memref<256xi32, #tpu.memory_space<vmem>>) target_semaphore(%run_scoped3A_372 : memref<!tpu.dma_semaphore, #tpu.memory_space<semaphore_mem>>)
          %dma_wait3A_381 = arith.constant 0 : i32
          %dma_wait3A_382 = tpu.memref_slice %arg11[%run_scoped3A_303, %dma_wait3A_381] : memref<2x256xi32, #tpu.memory_space<vmem>> -> memref<1x256xi32, #tpu.memory_space<vmem>>
          %dma_wait3A_383 = tpu.memref_squeeze %dma_wait3A_382 : memref<1x256xi32, #tpu.memory_space<vmem>> -> memref<256xi32, #tpu.memory_space<vmem>>
          %dma_wait3A_384 = tpu.memref_slice %arg4[%add3A_300] : memref<819200xi32, #tpu.memory_space<hbm>> -> memref<256xi32, #tpu.memory_space<hbm>>
          %dma_wait3A_385 = arith.constant 0 : i32
          %dma_wait3A_386 = tpu.memref_slice %arg11[%run_scoped3A_303, %dma_wait3A_385] : memref<2x256xi32, #tpu.memory_space<vmem>> -> memref<1x256xi32, #tpu.memory_space<vmem>>
          %dma_wait3A_387 = tpu.memref_squeeze %dma_wait3A_386 : memref<1x256xi32, #tpu.memory_space<vmem>> -> memref<256xi32, #tpu.memory_space<vmem>>
          %dma_wait3A_388 = tpu.memref_slice %arg4[%add3A_300] : memref<819200xi32, #tpu.memory_space<hbm>> -> memref<256xi32, #tpu.memory_space<hbm>>
          tpu.wait_dma2 semaphore(%run_scoped3A_372 : memref<!tpu.dma_semaphore, #tpu.memory_space<semaphore_mem>>) src(%dma_wait3A_388 : memref<256xi32, #tpu.memory_space<hbm>>) dst(%dma_wait3A_387 : memref<256xi32, #tpu.memory_space<vmem>>)
          tpu.yield
        }) : () -> ()
        %dma_start3A_304 = arith.constant 1 : i32
        %dma_start3A_305 = arith.constant 1 : i32
        %dma_start3A_306 = arith.constant 0 : i32
        %dma_start3A_307 = arith.constant 0 : i32
        %dma_start3A_308 = tpu.memref_slice %arg13[%dma_start3A_305, %dma_start3A_306, %dma_start3A_307] : memref<2x256x64xf32, #tpu.memory_space<vmem>> -> memref<1x256x64xf32, #tpu.memory_space<vmem>>
        %dma_start3A_309 = tpu.memref_squeeze %dma_start3A_308 : memref<1x256x64xf32, #tpu.memory_space<vmem>> -> memref<256x64xf32, #tpu.memory_space<vmem>>
        %dma_start3A_310 = arith.constant 0 : i32
        %dma_start3A_311 = arith.constant 0 : i32
        %dma_start3A_312 = tpu.memref_slice %dma_start3A_309[%dma_start3A_310, %dma_start3A_311] : memref<256x64xf32, #tpu.memory_space<vmem>> -> memref<128x64xf32, #tpu.memory_space<vmem>>
        %dma_start3A_313 = arith.constant 0 : i32
        %dma_start3A_314 = tpu.memref_slice %arg9[%dma_start3A_304, %dma_start3A_313] : memref<2x256xi32, #tpu.memory_space<vmem>> -> memref<1x256xi32, #tpu.memory_space<vmem>>
        %dma_start3A_315 = tpu.memref_squeeze %dma_start3A_314 : memref<1x256xi32, #tpu.memory_space<vmem>> -> memref<256xi32, #tpu.memory_space<vmem>>
        %dma_start3A_316 = arith.constant 0 : i32
        %dma_start3A_317 = tpu.memref_slice %dma_start3A_315[%dma_start3A_316] : memref<256xi32, #tpu.memory_space<vmem>> -> memref<128xi32, #tpu.memory_space<vmem>>
        %dma_start3A_318 = arith.constant 0 : i32
        %dma_start3A_319 = arith.constant 0 : i32
        %dma_start3A_320 = tpu.memref_slice %arg5[%dma_start3A_318, %dma_start3A_319] : memref<1000000x64xf32, #tpu.memory_space<hbm>> -> memref<1000000x64xf32, #tpu.memory_space<hbm>>
        tpu.enqueue_indirect_dma source(%dma_start3A_320 : memref<1000000x64xf32, #tpu.memory_space<hbm>>) target(%dma_start3A_312 : memref<128x64xf32, #tpu.memory_space<vmem>>) offsets(%dma_start3A_317 : memref<128xi32, #tpu.memory_space<vmem>>) semaphore(%arg16 : memref<!tpu.dma_semaphore, #tpu.memory_space<semaphore_mem>>)
        %dma_start3A_321 = arith.constant 1 : i32
        %dma_start3A_322 = arith.constant 1 : i32
        %dma_start3A_323 = arith.constant 0 : i32
        %dma_start3A_324 = arith.constant 0 : i32
        %dma_start3A_325 = tpu.memref_slice %arg14[%dma_start3A_322, %dma_start3A_323, %dma_start3A_324] : memref<2x256x64xf32, #tpu.memory_space<vmem>> -> memref<1x256x64xf32, #tpu.memory_space<vmem>>
        %dma_start3A_326 = tpu.memref_squeeze %dma_start3A_325 : memref<1x256x64xf32, #tpu.memory_space<vmem>> -> memref<256x64xf32, #tpu.memory_space<vmem>>
        %dma_start3A_327 = arith.constant 0 : i32
        %dma_start3A_328 = arith.constant 0 : i32
        %dma_start3A_329 = tpu.memref_slice %dma_start3A_326[%dma_start3A_327, %dma_start3A_328] : memref<256x64xf32, #tpu.memory_space<vmem>> -> memref<128x64xf32, #tpu.memory_space<vmem>>
        %dma_start3A_330 = arith.constant 0 : i32
        %dma_start3A_331 = tpu.memref_slice %arg11[%dma_start3A_321, %dma_start3A_330] : memref<2x256xi32, #tpu.memory_space<vmem>> -> memref<1x256xi32, #tpu.memory_space<vmem>>
        %dma_start3A_332 = tpu.memref_squeeze %dma_start3A_331 : memref<1x256xi32, #tpu.memory_space<vmem>> -> memref<256xi32, #tpu.memory_space<vmem>>
        %dma_start3A_333 = arith.constant 0 : i32
        %dma_start3A_334 = tpu.memref_slice %dma_start3A_332[%dma_start3A_333] : memref<256xi32, #tpu.memory_space<vmem>> -> memref<128xi32, #tpu.memory_space<vmem>>
        %dma_start3A_335 = arith.constant 0 : i32
        %dma_start3A_336 = arith.constant 0 : i32
        %dma_start3A_337 = tpu.memref_slice %arg7[%dma_start3A_335, %dma_start3A_336] : memref<100000x64xf32, #tpu.memory_space<hbm>> -> memref<100000x64xf32, #tpu.memory_space<hbm>>
        tpu.enqueue_indirect_dma source(%dma_start3A_337 : memref<100000x64xf32, #tpu.memory_space<hbm>>) target(%dma_start3A_329 : memref<128x64xf32, #tpu.memory_space<vmem>>) offsets(%dma_start3A_334 : memref<128xi32, #tpu.memory_space<vmem>>) semaphore(%arg16 : memref<!tpu.dma_semaphore, #tpu.memory_space<semaphore_mem>>)
        %dma_start3A_338 = arith.constant 1 : i32
        %dma_start3A_339 = arith.constant 1 : i32
        %dma_start3A_340 = arith.constant 0 : i32
        %dma_start3A_341 = arith.constant 0 : i32
        %dma_start3A_342 = tpu.memref_slice %arg13[%dma_start3A_339, %dma_start3A_340, %dma_start3A_341] : memref<2x256x64xf32, #tpu.memory_space<vmem>> -> memref<1x256x64xf32, #tpu.memory_space<vmem>>
        %dma_start3A_343 = tpu.memref_squeeze %dma_start3A_342 : memref<1x256x64xf32, #tpu.memory_space<vmem>> -> memref<256x64xf32, #tpu.memory_space<vmem>>
        %dma_start3A_344 = arith.constant 128 : i32
        %dma_start3A_345 = arith.constant 0 : i32
        %dma_start3A_346 = tpu.memref_slice %dma_start3A_343[%dma_start3A_344, %dma_start3A_345] : memref<256x64xf32, #tpu.memory_space<vmem>> -> memref<128x64xf32, #tpu.memory_space<vmem>>
        %dma_start3A_347 = arith.constant 0 : i32
        %dma_start3A_348 = tpu.memref_slice %arg9[%dma_start3A_338, %dma_start3A_347] : memref<2x256xi32, #tpu.memory_space<vmem>> -> memref<1x256xi32, #tpu.memory_space<vmem>>
        %dma_start3A_349 = tpu.memref_squeeze %dma_start3A_348 : memref<1x256xi32, #tpu.memory_space<vmem>> -> memref<256xi32, #tpu.memory_space<vmem>>
        %dma_start3A_350 = arith.constant 128 : i32
        %dma_start3A_351 = tpu.memref_slice %dma_start3A_349[%dma_start3A_350] : memref<256xi32, #tpu.memory_space<vmem>> -> memref<128xi32, #tpu.memory_space<vmem>>
        %dma_start3A_352 = arith.constant 0 : i32
        %dma_start3A_353 = arith.constant 0 : i32
        %dma_start3A_354 = tpu.memref_slice %arg5[%dma_start3A_352, %dma_start3A_353] : memref<1000000x64xf32, #tpu.memory_space<hbm>> -> memref<1000000x64xf32, #tpu.memory_space<hbm>>
        tpu.enqueue_indirect_dma source(%dma_start3A_354 : memref<1000000x64xf32, #tpu.memory_space<hbm>>) target(%dma_start3A_346 : memref<128x64xf32, #tpu.memory_space<vmem>>) offsets(%dma_start3A_351 : memref<128xi32, #tpu.memory_space<vmem>>) semaphore(%arg16 : memref<!tpu.dma_semaphore, #tpu.memory_space<semaphore_mem>>)
        %dma_start3A_355 = arith.constant 1 : i32
        %dma_start3A_356 = arith.constant 1 : i32
        %dma_start3A_357 = arith.constant 0 : i32
        %dma_start3A_358 = arith.constant 0 : i32
        %dma_start3A_359 = tpu.memref_slice %arg14[%dma_start3A_356, %dma_start3A_357, %dma_start3A_358] : memref<2x256x64xf32, #tpu.memory_space<vmem>> -> memref<1x256x64xf32, #tpu.memory_space<vmem>>
        %dma_start3A_360 = tpu.memref_squeeze %dma_start3A_359 : memref<1x256x64xf32, #tpu.memory_space<vmem>> -> memref<256x64xf32, #tpu.memory_space<vmem>>
        %dma_start3A_361 = arith.constant 128 : i32
        %dma_start3A_362 = arith.constant 0 : i32
        %dma_start3A_363 = tpu.memref_slice %dma_start3A_360[%dma_start3A_361, %dma_start3A_362] : memref<256x64xf32, #tpu.memory_space<vmem>> -> memref<128x64xf32, #tpu.memory_space<vmem>>
        %dma_start3A_364 = arith.constant 0 : i32
        %dma_start3A_365 = tpu.memref_slice %arg11[%dma_start3A_355, %dma_start3A_364] : memref<2x256xi32, #tpu.memory_space<vmem>> -> memref<1x256xi32, #tpu.memory_space<vmem>>
        %dma_start3A_366 = tpu.memref_squeeze %dma_start3A_365 : memref<1x256xi32, #tpu.memory_space<vmem>> -> memref<256xi32, #tpu.memory_space<vmem>>
        %dma_start3A_367 = arith.constant 128 : i32
        %dma_start3A_368 = tpu.memref_slice %dma_start3A_366[%dma_start3A_367] : memref<256xi32, #tpu.memory_space<vmem>> -> memref<128xi32, #tpu.memory_space<vmem>>
        %dma_start3A_369 = arith.constant 0 : i32
        %dma_start3A_370 = arith.constant 0 : i32
        %dma_start3A_371 = tpu.memref_slice %arg7[%dma_start3A_369, %dma_start3A_370] : memref<100000x64xf32, #tpu.memory_space<hbm>> -> memref<100000x64xf32, #tpu.memory_space<hbm>>
        tpu.enqueue_indirect_dma source(%dma_start3A_371 : memref<100000x64xf32, #tpu.memory_space<hbm>>) target(%dma_start3A_363 : memref<128x64xf32, #tpu.memory_space<vmem>>) offsets(%dma_start3A_368 : memref<128xi32, #tpu.memory_space<vmem>>) semaphore(%arg16 : memref<!tpu.dma_semaphore, #tpu.memory_space<semaphore_mem>>)
      } else {
      }
      %dma_wait3A = arith.constant 0 : i32
      %dma_wait3A_130 = arith.constant 0 : i32
      %dma_wait3A_131 = arith.constant 0 : i32
      %dma_wait3A_132 = arith.constant 0 : i32
      %dma_wait3A_133 = tpu.memref_slice %arg13[%dma_wait3A_130, %dma_wait3A_131, %dma_wait3A_132] : memref<2x256x64xf32, #tpu.memory_space<vmem>> -> memref<1x256x64xf32, #tpu.memory_space<vmem>>
      %dma_wait3A_134 = tpu.memref_squeeze %dma_wait3A_133 : memref<1x256x64xf32, #tpu.memory_space<vmem>> -> memref<256x64xf32, #tpu.memory_space<vmem>>
      %dma_wait3A_135 = arith.constant 0 : i32
      %dma_wait3A_136 = arith.constant 0 : i32
      %dma_wait3A_137 = tpu.memref_slice %dma_wait3A_134[%dma_wait3A_135, %dma_wait3A_136] : memref<256x64xf32, #tpu.memory_space<vmem>> -> memref<128x64xf32, #tpu.memory_space<vmem>>
      %dma_wait3A_138 = arith.constant 0 : i32
      %dma_wait3A_139 = tpu.memref_slice %arg9[%dma_wait3A, %dma_wait3A_138] : memref<2x256xi32, #tpu.memory_space<vmem>> -> memref<1x256xi32, #tpu.memory_space<vmem>>
      %dma_wait3A_140 = tpu.memref_squeeze %dma_wait3A_139 : memref<1x256xi32, #tpu.memory_space<vmem>> -> memref<256xi32, #tpu.memory_space<vmem>>
      %dma_wait3A_141 = arith.constant 0 : i32
      %dma_wait3A_142 = tpu.memref_slice %dma_wait3A_140[%dma_wait3A_141] : memref<256xi32, #tpu.memory_space<vmem>> -> memref<128xi32, #tpu.memory_space<vmem>>
      %dma_wait3A_143 = arith.constant 0 : i32
      %dma_wait3A_144 = arith.constant 0 : i32
      %dma_wait3A_145 = tpu.memref_slice %arg5[%dma_wait3A_143, %dma_wait3A_144] : memref<1000000x64xf32, #tpu.memory_space<hbm>> -> memref<1000000x64xf32, #tpu.memory_space<hbm>>
      tpu.wait_indirect_dma semaphore(%arg15 : memref<!tpu.dma_semaphore, #tpu.memory_space<semaphore_mem>>) src(%dma_wait3A_145 : memref<1000000x64xf32, #tpu.memory_space<hbm>>) dst(%dma_wait3A_137 : memref<128x64xf32, #tpu.memory_space<vmem>>)
      %dma_wait3A_146 = arith.constant 0 : i32
      %dma_wait3A_147 = arith.constant 0 : i32
      %dma_wait3A_148 = arith.constant 0 : i32
      %dma_wait3A_149 = arith.constant 0 : i32
      %dma_wait3A_150 = tpu.memref_slice %arg14[%dma_wait3A_147, %dma_wait3A_148, %dma_wait3A_149] : memref<2x256x64xf32, #tpu.memory_space<vmem>> -> memref<1x256x64xf32, #tpu.memory_space<vmem>>
      %dma_wait3A_151 = tpu.memref_squeeze %dma_wait3A_150 : memref<1x256x64xf32, #tpu.memory_space<vmem>> -> memref<256x64xf32, #tpu.memory_space<vmem>>
      %dma_wait3A_152 = arith.constant 0 : i32
      %dma_wait3A_153 = arith.constant 0 : i32
      %dma_wait3A_154 = tpu.memref_slice %dma_wait3A_151[%dma_wait3A_152, %dma_wait3A_153] : memref<256x64xf32, #tpu.memory_space<vmem>> -> memref<128x64xf32, #tpu.memory_space<vmem>>
      %dma_wait3A_155 = arith.constant 0 : i32
      %dma_wait3A_156 = tpu.memref_slice %arg11[%dma_wait3A_146, %dma_wait3A_155] : memref<2x256xi32, #tpu.memory_space<vmem>> -> memref<1x256xi32, #tpu.memory_space<vmem>>
      %dma_wait3A_157 = tpu.memref_squeeze %dma_wait3A_156 : memref<1x256xi32, #tpu.memory_space<vmem>> -> memref<256xi32, #tpu.memory_space<vmem>>
      %dma_wait3A_158 = arith.constant 0 : i32
      %dma_wait3A_159 = tpu.memref_slice %dma_wait3A_157[%dma_wait3A_158] : memref<256xi32, #tpu.memory_space<vmem>> -> memref<128xi32, #tpu.memory_space<vmem>>
      %dma_wait3A_160 = arith.constant 0 : i32
      %dma_wait3A_161 = arith.constant 0 : i32
      %dma_wait3A_162 = tpu.memref_slice %arg7[%dma_wait3A_160, %dma_wait3A_161] : memref<100000x64xf32, #tpu.memory_space<hbm>> -> memref<100000x64xf32, #tpu.memory_space<hbm>>
      tpu.wait_indirect_dma semaphore(%arg15 : memref<!tpu.dma_semaphore, #tpu.memory_space<semaphore_mem>>) src(%dma_wait3A_162 : memref<100000x64xf32, #tpu.memory_space<hbm>>) dst(%dma_wait3A_154 : memref<128x64xf32, #tpu.memory_space<vmem>>)
      %dma_wait3A_163 = arith.constant 0 : i32
      %dma_wait3A_164 = arith.constant 0 : i32
      %dma_wait3A_165 = arith.constant 0 : i32
      %dma_wait3A_166 = arith.constant 0 : i32
      %dma_wait3A_167 = tpu.memref_slice %arg13[%dma_wait3A_164, %dma_wait3A_165, %dma_wait3A_166] : memref<2x256x64xf32, #tpu.memory_space<vmem>> -> memref<1x256x64xf32, #tpu.memory_space<vmem>>
      %dma_wait3A_168 = tpu.memref_squeeze %dma_wait3A_167 : memref<1x256x64xf32, #tpu.memory_space<vmem>> -> memref<256x64xf32, #tpu.memory_space<vmem>>
      %dma_wait3A_169 = arith.constant 128 : i32
      %dma_wait3A_170 = arith.constant 0 : i32
      %dma_wait3A_171 = tpu.memref_slice %dma_wait3A_168[%dma_wait3A_169, %dma_wait3A_170] : memref<256x64xf32, #tpu.memory_space<vmem>> -> memref<128x64xf32, #tpu.memory_space<vmem>>
      %dma_wait3A_172 = arith.constant 0 : i32
      %dma_wait3A_173 = tpu.memref_slice %arg9[%dma_wait3A_163, %dma_wait3A_172] : memref<2x256xi32, #tpu.memory_space<vmem>> -> memref<1x256xi32, #tpu.memory_space<vmem>>
      %dma_wait3A_174 = tpu.memref_squeeze %dma_wait3A_173 : memref<1x256xi32, #tpu.memory_space<vmem>> -> memref<256xi32, #tpu.memory_space<vmem>>
      %dma_wait3A_175 = arith.constant 128 : i32
      %dma_wait3A_176 = tpu.memref_slice %dma_wait3A_174[%dma_wait3A_175] : memref<256xi32, #tpu.memory_space<vmem>> -> memref<128xi32, #tpu.memory_space<vmem>>
      %dma_wait3A_177 = arith.constant 0 : i32
      %dma_wait3A_178 = arith.constant 0 : i32
      %dma_wait3A_179 = tpu.memref_slice %arg5[%dma_wait3A_177, %dma_wait3A_178] : memref<1000000x64xf32, #tpu.memory_space<hbm>> -> memref<1000000x64xf32, #tpu.memory_space<hbm>>
      tpu.wait_indirect_dma semaphore(%arg15 : memref<!tpu.dma_semaphore, #tpu.memory_space<semaphore_mem>>) src(%dma_wait3A_179 : memref<1000000x64xf32, #tpu.memory_space<hbm>>) dst(%dma_wait3A_171 : memref<128x64xf32, #tpu.memory_space<vmem>>)
      %dma_wait3A_180 = arith.constant 0 : i32
      %dma_wait3A_181 = arith.constant 0 : i32
      %dma_wait3A_182 = arith.constant 0 : i32
      %dma_wait3A_183 = arith.constant 0 : i32
      %dma_wait3A_184 = tpu.memref_slice %arg14[%dma_wait3A_181, %dma_wait3A_182, %dma_wait3A_183] : memref<2x256x64xf32, #tpu.memory_space<vmem>> -> memref<1x256x64xf32, #tpu.memory_space<vmem>>
      %dma_wait3A_185 = tpu.memref_squeeze %dma_wait3A_184 : memref<1x256x64xf32, #tpu.memory_space<vmem>> -> memref<256x64xf32, #tpu.memory_space<vmem>>
      %dma_wait3A_186 = arith.constant 128 : i32
      %dma_wait3A_187 = arith.constant 0 : i32
      %dma_wait3A_188 = tpu.memref_slice %dma_wait3A_185[%dma_wait3A_186, %dma_wait3A_187] : memref<256x64xf32, #tpu.memory_space<vmem>> -> memref<128x64xf32, #tpu.memory_space<vmem>>
      %dma_wait3A_189 = arith.constant 0 : i32
      %dma_wait3A_190 = tpu.memref_slice %arg11[%dma_wait3A_180, %dma_wait3A_189] : memref<2x256xi32, #tpu.memory_space<vmem>> -> memref<1x256xi32, #tpu.memory_space<vmem>>
      %dma_wait3A_191 = tpu.memref_squeeze %dma_wait3A_190 : memref<1x256xi32, #tpu.memory_space<vmem>> -> memref<256xi32, #tpu.memory_space<vmem>>
      %dma_wait3A_192 = arith.constant 128 : i32
      %dma_wait3A_193 = tpu.memref_slice %dma_wait3A_191[%dma_wait3A_192] : memref<256xi32, #tpu.memory_space<vmem>> -> memref<128xi32, #tpu.memory_space<vmem>>
      %dma_wait3A_194 = arith.constant 0 : i32
      %dma_wait3A_195 = arith.constant 0 : i32
      %dma_wait3A_196 = tpu.memref_slice %arg7[%dma_wait3A_194, %dma_wait3A_195] : memref<100000x64xf32, #tpu.memory_space<hbm>> -> memref<100000x64xf32, #tpu.memory_space<hbm>>
      tpu.wait_indirect_dma semaphore(%arg15 : memref<!tpu.dma_semaphore, #tpu.memory_space<semaphore_mem>>) src(%dma_wait3A_196 : memref<100000x64xf32, #tpu.memory_space<hbm>>) dst(%dma_wait3A_188 : memref<128x64xf32, #tpu.memory_space<vmem>>)
      %scan3A_197 = arith.constant 0 : i32
      %scan3A_198 = arith.constant 0 : i32
      %scan3A_199 = arith.constant 16 : i32
      %scan3A_200 = arith.addi %scan3A_198, %scan3A_199 : i32
      %scan3A_201 = arith.constant 1 : i32
      scf.for %scan3A_296 = %scan3A_198 to %scan3A_200 step %scan3A_201  : i32 {
        %mul3A_297 = arith.constant 16 : i32
        %mul3A_298 = arith.muli %scan3A_296, %mul3A_297 : i32
        %get3A_299 = arith.constant 0 : i32
        %get3A_300 = arith.index_cast %get3A_299 : i32 to index
        %get3A_301 = arith.index_cast %mul3A_298 : i32 to index
        %get3A_302 = tpu.vector_load %arg10[%get3A_300, %get3A_301] {strides = array<i32>} : memref<2x256xi32, #tpu.memory_space<vmem>>, vector<1x16xi32>,
        %get3A_303 = vector.shape_cast %get3A_302 : vector<1x16xi32> to vector<16xi32>
        %broadcast_in_dim3A = arith.constant 0 : i32
        %broadcast_in_dim3A_304 = vector.broadcast %broadcast_in_dim3A : i32 to vector<16x1xi32>
        %gather3A = vector.shape_cast %broadcast_in_dim3A_304 : vector<16x1xi32> to vector<16xi32>
        %gather3A_305 = tpu.dynamic_gather %get3A_303[%gather3A] in [0] : vector<16xi32>, vector<16xi32> -> vector<16xi32>
        %convert_element_type3A_306 = arith.sitofp %gather3A_305 : vector<16xi32> to vector<16xf32>
        %mul3A_307 = arith.constant 16 : i32
        %mul3A_308 = arith.muli %scan3A_296, %mul3A_307 : i32
        %add3A_309 = arith.constant 0 : i32
        %add3A_310 = arith.addi %mul3A_308, %add3A_309 : i32
        %get3A_311 = arith.constant 0 : i32
        %get3A_312 = arith.index_cast %get3A_311 : i32 to index
        %get3A_313 = arith.index_cast %add3A_310 : i32 to index
        %get3A_314 = arith.constant 0 : index
        %get3A_315 = tpu.vector_load %arg13[%get3A_312, %get3A_313, %get3A_314] {strides = array<i32>} : memref<2x256x64xf32, #tpu.memory_space<vmem>>, vector<1x1x16xf32>,
        %get3A_316 = vector.shape_cast %get3A_315 : vector<1x1x16xf32> to vector<16xf32>
        %get3A_317 = arith.constant 0 : i32
        %get3A_318 = arith.index_cast %get3A_317 : i32 to index
        %get3A_319 = arith.index_cast %add3A_310 : i32 to index
        %get3A_320 = arith.constant 0 : index
        %get3A_321 = tpu.vector_load %arg14[%get3A_318, %get3A_319, %get3A_320] {strides = array<i32>} : memref<2x256x64xf32, #tpu.memory_space<vmem>>, vector<1x1x16xf32>,
        %get3A_322 = vector.shape_cast %get3A_321 : vector<1x1x16xf32> to vector<16xf32>
        %add3A_323 = arith.addf %get3A_316, %get3A_322 : vector<16xf32>
        %add3A_324 = arith.addf %add3A_323, %get3A_6 : vector<16xf32>
        %mul3A_325 = arith.mulf %convert_element_type3A_306, %sub3A : vector<16xf32>
        %add3A_326 = arith.addf %add3A_324, %mul3A_325 : vector<16xf32>
        %swap3A = arith.constant 0 : i32
        %swap3A_327 = arith.index_cast %swap3A : i32 to index
        %swap3A_328 = arith.index_cast %add3A_310 : i32 to index
        %swap3A_329 = arith.constant 0 : index
        %swap3A_330 = tpu.vector_load %arg13[%swap3A_327, %swap3A_328, %swap3A_329] {strides = array<i32>} : memref<2x256x64xf32, #tpu.memory_space<vmem>>, vector<1x1x16xf32>,
        %swap3A_331 = vector.shape_cast %swap3A_330 : vector<1x1x16xf32> to vector<16xf32>
        %swap3A_332 = vector.shape_cast %add3A_326 : vector<16xf32> to vector<1x1x16xf32>
        tpu.vector_store %arg13[%swap3A_327, %swap3A_328, %swap3A_329], %swap3A_332 {strides = array<i32>} : memref<2x256x64xf32, #tpu.memory_space<vmem>>, vector<1x1x16xf32>,
        %get3A_333 = arith.constant 0 : i32
        %get3A_334 = arith.index_cast %get3A_333 : i32 to index
        %get3A_335 = arith.index_cast %add3A_310 : i32 to index
        %get3A_336 = arith.constant 16 : index
        %get3A_337 = tpu.vector_load %arg13[%get3A_334, %get3A_335, %get3A_336] {strides = array<i32>} : memref<2x256x64xf32, #tpu.memory_space<vmem>>, vector<1x1x16xf32>,
        %get3A_338 = vector.shape_cast %get3A_337 : vector<1x1x16xf32> to vector<16xf32>
        %get3A_339 = arith.constant 0 : i32
        %get3A_340 = arith.index_cast %get3A_339 : i32 to index
        %get3A_341 = arith.index_cast %add3A_310 : i32 to index
        %get3A_342 = arith.constant 16 : index
        %get3A_343 = tpu.vector_load %arg14[%get3A_340, %get3A_341, %get3A_342] {strides = array<i32>} : memref<2x256x64xf32, #tpu.memory_space<vmem>>, vector<1x1x16xf32>,
        %get3A_344 = vector.shape_cast %get3A_343 : vector<1x1x16xf32> to vector<16xf32>
        %add3A_345 = arith.addf %get3A_338, %get3A_344 : vector<16xf32>
        %add3A_346 = arith.addf %add3A_345, %get3A_11 : vector<16xf32>
        %mul3A_347 = arith.mulf %convert_element_type3A_306, %sub3A_42 : vector<16xf32>
        %add3A_348 = arith.addf %add3A_346, %mul3A_347 : vector<16xf32>
        %swap3A_349 = arith.constant 0 : i32
        %swap3A_350 = arith.index_cast %swap3A_349 : i32 to index
        %swap3A_351 = arith.index_cast %add3A_310 : i32 to index
        %swap3A_352 = arith.constant 16 : index
        %swap3A_353 = tpu.vector_load %arg13[%swap3A_350, %swap3A_351, %swap3A_352] {strides = array<i32>} : memref<2x256x64xf32, #tpu.memory_space<vmem>>, vector<1x1x16xf32>,
        %swap3A_354 = vector.shape_cast %swap3A_353 : vector<1x1x16xf32> to vector<16xf32>
        %swap3A_355 = vector.shape_cast %add3A_348 : vector<16xf32> to vector<1x1x16xf32>
        tpu.vector_store %arg13[%swap3A_350, %swap3A_351, %swap3A_352], %swap3A_355 {strides = array<i32>} : memref<2x256x64xf32, #tpu.memory_space<vmem>>, vector<1x1x16xf32>,
        %get3A_356 = arith.constant 0 : i32
        %get3A_357 = arith.index_cast %get3A_356 : i32 to index
        %get3A_358 = arith.index_cast %add3A_310 : i32 to index
        %get3A_359 = arith.constant 32 : index
        %get3A_360 = tpu.vector_load %arg13[%get3A_357, %get3A_358, %get3A_359] {strides = array<i32>} : memref<2x256x64xf32, #tpu.memory_space<vmem>>, vector<1x1x16xf32>,
        %get3A_361 = vector.shape_cast %get3A_360 : vector<1x1x16xf32> to vector<16xf32>
        %get3A_362 = arith.constant 0 : i32
        %get3A_363 = arith.index_cast %get3A_362 : i32 to index
        %get3A_364 = arith.index_cast %add3A_310 : i32 to index
        %get3A_365 = arith.constant 32 : index
        %get3A_366 = tpu.vector_load %arg14[%get3A_363, %get3A_364, %get3A_365] {strides = array<i32>} : memref<2x256x64xf32, #tpu.memory_space<vmem>>, vector<1x1x16xf32>,
        %get3A_367 = vector.shape_cast %get3A_366 : vector<1x1x16xf32> to vector<16xf32>
        %add3A_368 = arith.addf %get3A_361, %get3A_367 : vector<16xf32>
        %add3A_369 = arith.addf %add3A_368, %get3A_16 : vector<16xf32>
        %mul3A_370 = arith.mulf %convert_element_type3A_306, %sub3A_43 : vector<16xf32>
        %add3A_371 = arith.addf %add3A_369, %mul3A_370 : vector<16xf32>
        %swap3A_372 = arith.constant 0 : i32
        %swap3A_373 = arith.index_cast %swap3A_372 : i32 to index
        %swap3A_374 = arith.index_cast %add3A_310 : i32 to index
        %swap3A_375 = arith.constant 32 : index
        %swap3A_376 = tpu.vector_load %arg13[%swap3A_373, %swap3A_374, %swap3A_375] {strides = array<i32>} : memref<2x256x64xf32, #tpu.memory_space<vmem>>, vector<1x1x16xf32>,
        %swap3A_377 = vector.shape_cast %swap3A_376 : vector<1x1x16xf32> to vector<16xf32>
        %swap3A_378 = vector.shape_cast %add3A_371 : vector<16xf32> to vector<1x1x16xf32>
        tpu.vector_store %arg13[%swap3A_373, %swap3A_374, %swap3A_375], %swap3A_378 {strides = array<i32>} : memref<2x256x64xf32, #tpu.memory_space<vmem>>, vector<1x1x16xf32>,
        %get3A_379 = arith.constant 0 : i32
        %get3A_380 = arith.index_cast %get3A_379 : i32 to index
        %get3A_381 = arith.index_cast %add3A_310 : i32 to index
        %get3A_382 = arith.constant 48 : index
        %get3A_383 = tpu.vector_load %arg13[%get3A_380, %get3A_381, %get3A_382] {strides = array<i32>} : memref<2x256x64xf32, #tpu.memory_space<vmem>>, vector<1x1x16xf32>,
        %get3A_384 = vector.shape_cast %get3A_383 : vector<1x1x16xf32> to vector<16xf32>
        %get3A_385 = arith.constant 0 : i32
        %get3A_386 = arith.index_cast %get3A_385 : i32 to index
        %get3A_387 = arith.index_cast %add3A_310 : i32 to index
        %get3A_388 = arith.constant 48 : index
        %get3A_389 = tpu.vector_load %arg14[%get3A_386, %get3A_387, %get3A_388] {strides = array<i32>} : memref<2x256x64xf32, #tpu.memory_space<vmem>>, vector<1x1x16xf32>,
        %get3A_390 = vector.shape_cast %get3A_389 : vector<1x1x16xf32> to vector<16xf32>
        %add3A_391 = arith.addf %get3A_384, %get3A_390 : vector<16xf32>
        %add3A_392 = arith.addf %add3A_391, %get3A_21 : vector<16xf32>
        %mul3A_393 = arith.mulf %convert_element_type3A_306, %sub3A_44 : vector<16xf32>
        %add3A_394 = arith.addf %add3A_392, %mul3A_393 : vector<16xf32>
        %swap3A_395 = arith.constant 0 : i32
        %swap3A_396 = arith.index_cast %swap3A_395 : i32 to index
        %swap3A_397 = arith.index_cast %add3A_310 : i32 to index
        %swap3A_398 = arith.constant 48 : index
        %swap3A_399 = tpu.vector_load %arg13[%swap3A_396, %swap3A_397, %swap3A_398] {strides = array<i32>} : memref<2x256x64xf32, #tpu.memory_space<vmem>>, vector<1x1x16xf32>,
        %swap3A_400 = vector.shape_cast %swap3A_399 : vector<1x1x16xf32> to vector<16xf32>
        %swap3A_401 = vector.shape_cast %add3A_394 : vector<16xf32> to vector<1x1x16xf32>
        tpu.vector_store %arg13[%swap3A_396, %swap3A_397, %swap3A_398], %swap3A_401 {strides = array<i32>} : memref<2x256x64xf32, #tpu.memory_space<vmem>>, vector<1x1x16xf32>,
        %broadcast_in_dim3A_402 = arith.constant 1 : i32
        %broadcast_in_dim3A_403 = vector.broadcast %broadcast_in_dim3A_402 : i32 to vector<16x1xi32>
        %gather3A_404 = vector.shape_cast %broadcast_in_dim3A_403 : vector<16x1xi32> to vector<16xi32>
        %gather3A_405 = tpu.dynamic_gather %get3A_303[%gather3A_404] in [0] : vector<16xi32>, vector<16xi32> -> vector<16xi32>
        %convert_element_type3A_406 = arith.sitofp %gather3A_405 : vector<16xi32> to vector<16xf32>
        %mul3A_407 = arith.constant 16 : i32
        %mul3A_408 = arith.muli %scan3A_296, %mul3A_407 : i32
        %add3A_409 = arith.constant 1 : i32
        %add3A_410 = arith.addi %mul3A_408, %add3A_409 : i32
        %get3A_411 = arith.constant 0 : i32
        %get3A_412 = arith.index_cast %get3A_411 : i32 to index
        %get3A_413 = arith.index_cast %add3A_410 : i32 to index
        %get3A_414 = arith.constant 0 : index
        %get3A_415 = tpu.vector_load %arg13[%get3A_412, %get3A_413, %get3A_414] {strides = array<i32>} : memref<2x256x64xf32, #tpu.memory_space<vmem>>, vector<1x1x16xf32>,
        %get3A_416 = vector.shape_cast %get3A_415 : vector<1x1x16xf32> to vector<16xf32>
        %get3A_417 = arith.constant 0 : i32
        %get3A_418 = arith.index_cast %get3A_417 : i32 to index
        %get3A_419 = arith.index_cast %add3A_410 : i32 to index
        %get3A_420 = arith.constant 0 : index
        %get3A_421 = tpu.vector_load %arg14[%get3A_418, %get3A_419, %get3A_420] {strides = array<i32>} : memref<2x256x64xf32, #tpu.memory_space<vmem>>, vector<1x1x16xf32>,
        %get3A_422 = vector.shape_cast %get3A_421 : vector<1x1x16xf32> to vector<16xf32>
        %add3A_423 = arith.addf %get3A_416, %get3A_422 : vector<16xf32>
        %add3A_424 = arith.addf %add3A_423, %get3A_6 : vector<16xf32>
        %mul3A_425 = arith.mulf %convert_element_type3A_406, %sub3A : vector<16xf32>
        %add3A_426 = arith.addf %add3A_424, %mul3A_425 : vector<16xf32>
        %swap3A_427 = arith.constant 0 : i32
        %swap3A_428 = arith.index_cast %swap3A_427 : i32 to index
        %swap3A_429 = arith.index_cast %add3A_410 : i32 to index
        %swap3A_430 = arith.constant 0 : index
        %swap3A_431 = tpu.vector_load %arg13[%swap3A_428, %swap3A_429, %swap3A_430] {strides = array<i32>} : memref<2x256x64xf32, #tpu.memory_space<vmem>>, vector<1x1x16xf32>,
        %swap3A_432 = vector.shape_cast %swap3A_431 : vector<1x1x16xf32> to vector<16xf32>
        %swap3A_433 = vector.shape_cast %add3A_426 : vector<16xf32> to vector<1x1x16xf32>
        tpu.vector_store %arg13[%swap3A_428, %swap3A_429, %swap3A_430], %swap3A_433 {strides = array<i32>} : memref<2x256x64xf32, #tpu.memory_space<vmem>>, vector<1x1x16xf32>,
        %get3A_434 = arith.constant 0 : i32
        %get3A_435 = arith.index_cast %get3A_434 : i32 to index
        %get3A_436 = arith.index_cast %add3A_410 : i32 to index
        %get3A_437 = arith.constant 16 : index
        %get3A_438 = tpu.vector_load %arg13[%get3A_435, %get3A_436, %get3A_437] {strides = array<i32>} : memref<2x256x64xf32, #tpu.memory_space<vmem>>, vector<1x1x16xf32>,
        %get3A_439 = vector.shape_cast %get3A_438 : vector<1x1x16xf32> to vector<16xf32>
        %get3A_440 = arith.constant 0 : i32
        %get3A_441 = arith.index_cast %get3A_440 : i32 to index
        %get3A_442 = arith.index_cast %add3A_410 : i32 to index
        %get3A_443 = arith.constant 16 : index
        %get3A_444 = tpu.vector_load %arg14[%get3A_441, %get3A_442, %get3A_443] {strides = array<i32>} : memref<2x256x64xf32, #tpu.memory_space<vmem>>, vector<1x1x16xf32>,
        %get3A_445 = vector.shape_cast %get3A_444 : vector<1x1x16xf32> to vector<16xf32>
        %add3A_446 = arith.addf %get3A_439, %get3A_445 : vector<16xf32>
        %add3A_447 = arith.addf %add3A_446, %get3A_11 : vector<16xf32>
        %mul3A_448 = arith.mulf %convert_element_type3A_406, %sub3A_42 : vector<16xf32>
        %add3A_449 = arith.addf %add3A_447, %mul3A_448 : vector<16xf32>
        %swap3A_450 = arith.constant 0 : i32
        %swap3A_451 = arith.index_cast %swap3A_450 : i32 to index
        %swap3A_452 = arith.index_cast %add3A_410 : i32 to index
        %swap3A_453 = arith.constant 16 : index
        %swap3A_454 = tpu.vector_load %arg13[%swap3A_451, %swap3A_452, %swap3A_453] {strides = array<i32>} : memref<2x256x64xf32, #tpu.memory_space<vmem>>, vector<1x1x16xf32>,
        %swap3A_455 = vector.shape_cast %swap3A_454 : vector<1x1x16xf32> to vector<16xf32>
        %swap3A_456 = vector.shape_cast %add3A_449 : vector<16xf32> to vector<1x1x16xf32>
        tpu.vector_store %arg13[%swap3A_451, %swap3A_452, %swap3A_453], %swap3A_456 {strides = array<i32>} : memref<2x256x64xf32, #tpu.memory_space<vmem>>, vector<1x1x16xf32>,
        %get3A_457 = arith.constant 0 : i32
        %get3A_458 = arith.index_cast %get3A_457 : i32 to index
        %get3A_459 = arith.index_cast %add3A_410 : i32 to index
        %get3A_460 = arith.constant 32 : index
        %get3A_461 = tpu.vector_load %arg13[%get3A_458, %get3A_459, %get3A_460] {strides = array<i32>} : memref<2x256x64xf32, #tpu.memory_space<vmem>>, vector<1x1x16xf32>,
        %get3A_462 = vector.shape_cast %get3A_461 : vector<1x1x16xf32> to vector<16xf32>
        %get3A_463 = arith.constant 0 : i32
        %get3A_464 = arith.index_cast %get3A_463 : i32 to index
        %get3A_465 = arith.index_cast %add3A_410 : i32 to index
        %get3A_466 = arith.constant 32 : index
        %get3A_467 = tpu.vector_load %arg14[%get3A_464, %get3A_465, %get3A_466] {strides = array<i32>} : memref<2x256x64xf32, #tpu.memory_space<vmem>>, vector<1x1x16xf32>,
        %get3A_468 = vector.shape_cast %get3A_467 : vector<1x1x16xf32> to vector<16xf32>
        %add3A_469 = arith.addf %get3A_462, %get3A_468 : vector<16xf32>
        %add3A_470 = arith.addf %add3A_469, %get3A_16 : vector<16xf32>
        %mul3A_471 = arith.mulf %convert_element_type3A_406, %sub3A_43 : vector<16xf32>
        %add3A_472 = arith.addf %add3A_470, %mul3A_471 : vector<16xf32>
        %swap3A_473 = arith.constant 0 : i32
        %swap3A_474 = arith.index_cast %swap3A_473 : i32 to index
        %swap3A_475 = arith.index_cast %add3A_410 : i32 to index
        %swap3A_476 = arith.constant 32 : index
        %swap3A_477 = tpu.vector_load %arg13[%swap3A_474, %swap3A_475, %swap3A_476] {strides = array<i32>} : memref<2x256x64xf32, #tpu.memory_space<vmem>>, vector<1x1x16xf32>,
        %swap3A_478 = vector.shape_cast %swap3A_477 : vector<1x1x16xf32> to vector<16xf32>
        %swap3A_479 = vector.shape_cast %add3A_472 : vector<16xf32> to vector<1x1x16xf32>
        tpu.vector_store %arg13[%swap3A_474, %swap3A_475, %swap3A_476], %swap3A_479 {strides = array<i32>} : memref<2x256x64xf32, #tpu.memory_space<vmem>>, vector<1x1x16xf32>,
        %get3A_480 = arith.constant 0 : i32
        %get3A_481 = arith.index_cast %get3A_480 : i32 to index
        %get3A_482 = arith.index_cast %add3A_410 : i32 to index
        %get3A_483 = arith.constant 48 : index
        %get3A_484 = tpu.vector_load %arg13[%get3A_481, %get3A_482, %get3A_483] {strides = array<i32>} : memref<2x256x64xf32, #tpu.memory_space<vmem>>, vector<1x1x16xf32>,
        %get3A_485 = vector.shape_cast %get3A_484 : vector<1x1x16xf32> to vector<16xf32>
        %get3A_486 = arith.constant 0 : i32
        %get3A_487 = arith.index_cast %get3A_486 : i32 to index
        %get3A_488 = arith.index_cast %add3A_410 : i32 to index
        %get3A_489 = arith.constant 48 : index
        %get3A_490 = tpu.vector_load %arg14[%get3A_487, %get3A_488, %get3A_489] {strides = array<i32>} : memref<2x256x64xf32, #tpu.memory_space<vmem>>, vector<1x1x16xf32>,
        %get3A_491 = vector.shape_cast %get3A_490 : vector<1x1x16xf32> to vector<16xf32>
        %add3A_492 = arith.addf %get3A_485, %get3A_491 : vector<16xf32>
        %add3A_493 = arith.addf %add3A_492, %get3A_21 : vector<16xf32>
        %mul3A_494 = arith.mulf %convert_element_type3A_406, %sub3A_44 : vector<16xf32>
        %add3A_495 = arith.addf %add3A_493, %mul3A_494 : vector<16xf32>
        %swap3A_496 = arith.constant 0 : i32
        %swap3A_497 = arith.index_cast %swap3A_496 : i32 to index
        %swap3A_498 = arith.index_cast %add3A_410 : i32 to index
        %swap3A_499 = arith.constant 48 : index
        %swap3A_500 = tpu.vector_load %arg13[%swap3A_497, %swap3A_498, %swap3A_499] {strides = array<i32>} : memref<2x256x64xf32, #tpu.memory_space<vmem>>, vector<1x1x16xf32>,
        %swap3A_501 = vector.shape_cast %swap3A_500 : vector<1x1x16xf32> to vector<16xf32>
        %swap3A_502 = vector.shape_cast %add3A_495 : vector<16xf32> to vector<1x1x16xf32>
        tpu.vector_store %arg13[%swap3A_497, %swap3A_498, %swap3A_499], %swap3A_502 {strides = array<i32>} : memref<2x256x64xf32, #tpu.memory_space<vmem>>, vector<1x1x16xf32>,
        %broadcast_in_dim3A_503 = arith.constant 2 : i32
        %broadcast_in_dim3A_504 = vector.broadcast %broadcast_in_dim3A_503 : i32 to vector<16x1xi32>
        %gather3A_505 = vector.shape_cast %broadcast_in_dim3A_504 : vector<16x1xi32> to vector<16xi32>
        %gather3A_506 = tpu.dynamic_gather %get3A_303[%gather3A_505] in [0] : vector<16xi32>, vector<16xi32> -> vector<16xi32>
        %convert_element_type3A_507 = arith.sitofp %gather3A_506 : vector<16xi32> to vector<16xf32>
        %mul3A_508 = arith.constant 16 : i32
        %mul3A_509 = arith.muli %scan3A_296, %mul3A_508 : i32
        %add3A_510 = arith.constant 2 : i32
        %add3A_511 = arith.addi %mul3A_509, %add3A_510 : i32
        %get3A_512 = arith.constant 0 : i32
        %get3A_513 = arith.index_cast %get3A_512 : i32 to index
        %get3A_514 = arith.index_cast %add3A_511 : i32 to index
        %get3A_515 = arith.constant 0 : index
        %get3A_516 = tpu.vector_load %arg13[%get3A_513, %get3A_514, %get3A_515] {strides = array<i32>} : memref<2x256x64xf32, #tpu.memory_space<vmem>>, vector<1x1x16xf32>,
        %get3A_517 = vector.shape_cast %get3A_516 : vector<1x1x16xf32> to vector<16xf32>
        %get3A_518 = arith.constant 0 : i32
        %get3A_519 = arith.index_cast %get3A_518 : i32 to index
        %get3A_520 = arith.index_cast %add3A_511 : i32 to index
        %get3A_521 = arith.constant 0 : index
        %get3A_522 = tpu.vector_load %arg14[%get3A_519, %get3A_520, %get3A_521] {strides = array<i32>} : memref<2x256x64xf32, #tpu.memory_space<vmem>>, vector<1x1x16xf32>,
        %get3A_523 = vector.shape_cast %get3A_522 : vector<1x1x16xf32> to vector<16xf32>
        %add3A_524 = arith.addf %get3A_517, %get3A_523 : vector<16xf32>
        %add3A_525 = arith.addf %add3A_524, %get3A_6 : vector<16xf32>
        %mul3A_526 = arith.mulf %convert_element_type3A_507, %sub3A : vector<16xf32>
        %add3A_527 = arith.addf %add3A_525, %mul3A_526 : vector<16xf32>
        %swap3A_528 = arith.constant 0 : i32
        %swap3A_529 = arith.index_cast %swap3A_528 : i32 to index
        %swap3A_530 = arith.index_cast %add3A_511 : i32 to index
        %swap3A_531 = arith.constant 0 : index
        %swap3A_532 = tpu.vector_load %arg13[%swap3A_529, %swap3A_530, %swap3A_531] {strides = array<i32>} : memref<2x256x64xf32, #tpu.memory_space<vmem>>, vector<1x1x16xf32>,
        %swap3A_533 = vector.shape_cast %swap3A_532 : vector<1x1x16xf32> to vector<16xf32>
        %swap3A_534 = vector.shape_cast %add3A_527 : vector<16xf32> to vector<1x1x16xf32>
        tpu.vector_store %arg13[%swap3A_529, %swap3A_530, %swap3A_531], %swap3A_534 {strides = array<i32>} : memref<2x256x64xf32, #tpu.memory_space<vmem>>, vector<1x1x16xf32>,
        %get3A_535 = arith.constant 0 : i32
        %get3A_536 = arith.index_cast %get3A_535 : i32 to index
        %get3A_537 = arith.index_cast %add3A_511 : i32 to index
        %get3A_538 = arith.constant 16 : index
        %get3A_539 = tpu.vector_load %arg13[%get3A_536, %get3A_537, %get3A_538] {strides = array<i32>} : memref<2x256x64xf32, #tpu.memory_space<vmem>>, vector<1x1x16xf32>,
        %get3A_540 = vector.shape_cast %get3A_539 : vector<1x1x16xf32> to vector<16xf32>
        %get3A_541 = arith.constant 0 : i32
        %get3A_542 = arith.index_cast %get3A_541 : i32 to index
        %get3A_543 = arith.index_cast %add3A_511 : i32 to index
        %get3A_544 = arith.constant 16 : index
        %get3A_545 = tpu.vector_load %arg14[%get3A_542, %get3A_543, %get3A_544] {strides = array<i32>} : memref<2x256x64xf32, #tpu.memory_space<vmem>>, vector<1x1x16xf32>,
        %get3A_546 = vector.shape_cast %get3A_545 : vector<1x1x16xf32> to vector<16xf32>
        %add3A_547 = arith.addf %get3A_540, %get3A_546 : vector<16xf32>
        %add3A_548 = arith.addf %add3A_547, %get3A_11 : vector<16xf32>
        %mul3A_549 = arith.mulf %convert_element_type3A_507, %sub3A_42 : vector<16xf32>
        %add3A_550 = arith.addf %add3A_548, %mul3A_549 : vector<16xf32>
        %swap3A_551 = arith.constant 0 : i32
        %swap3A_552 = arith.index_cast %swap3A_551 : i32 to index
        %swap3A_553 = arith.index_cast %add3A_511 : i32 to index
        %swap3A_554 = arith.constant 16 : index
        %swap3A_555 = tpu.vector_load %arg13[%swap3A_552, %swap3A_553, %swap3A_554] {strides = array<i32>} : memref<2x256x64xf32, #tpu.memory_space<vmem>>, vector<1x1x16xf32>,
        %swap3A_556 = vector.shape_cast %swap3A_555 : vector<1x1x16xf32> to vector<16xf32>
        %swap3A_557 = vector.shape_cast %add3A_550 : vector<16xf32> to vector<1x1x16xf32>
        tpu.vector_store %arg13[%swap3A_552, %swap3A_553, %swap3A_554], %swap3A_557 {strides = array<i32>} : memref<2x256x64xf32, #tpu.memory_space<vmem>>, vector<1x1x16xf32>,
        %get3A_558 = arith.constant 0 : i32
        %get3A_559 = arith.index_cast %get3A_558 : i32 to index
        %get3A_560 = arith.index_cast %add3A_511 : i32 to index
        %get3A_561 = arith.constant 32 : index
        %get3A_562 = tpu.vector_load %arg13[%get3A_559, %get3A_560, %get3A_561] {strides = array<i32>} : memref<2x256x64xf32, #tpu.memory_space<vmem>>, vector<1x1x16xf32>,
        %get3A_563 = vector.shape_cast %get3A_562 : vector<1x1x16xf32> to vector<16xf32>
        %get3A_564 = arith.constant 0 : i32
        %get3A_565 = arith.index_cast %get3A_564 : i32 to index
        %get3A_566 = arith.index_cast %add3A_511 : i32 to index
        %get3A_567 = arith.constant 32 : index
        %get3A_568 = tpu.vector_load %arg14[%get3A_565, %get3A_566, %get3A_567] {strides = array<i32>} : memref<2x256x64xf32, #tpu.memory_space<vmem>>, vector<1x1x16xf32>,
        %get3A_569 = vector.shape_cast %get3A_568 : vector<1x1x16xf32> to vector<16xf32>
        %add3A_570 = arith.addf %get3A_563, %get3A_569 : vector<16xf32>
        %add3A_571 = arith.addf %add3A_570, %get3A_16 : vector<16xf32>
        %mul3A_572 = arith.mulf %convert_element_type3A_507, %sub3A_43 : vector<16xf32>
        %add3A_573 = arith.addf %add3A_571, %mul3A_572 : vector<16xf32>
        %swap3A_574 = arith.constant 0 : i32
        %swap3A_575 = arith.index_cast %swap3A_574 : i32 to index
        %swap3A_576 = arith.index_cast %add3A_511 : i32 to index
        %swap3A_577 = arith.constant 32 : index
        %swap3A_578 = tpu.vector_load %arg13[%swap3A_575, %swap3A_576, %swap3A_577] {strides = array<i32>} : memref<2x256x64xf32, #tpu.memory_space<vmem>>, vector<1x1x16xf32>,
        %swap3A_579 = vector.shape_cast %swap3A_578 : vector<1x1x16xf32> to vector<16xf32>
        %swap3A_580 = vector.shape_cast %add3A_573 : vector<16xf32> to vector<1x1x16xf32>
        tpu.vector_store %arg13[%swap3A_575, %swap3A_576, %swap3A_577], %swap3A_580 {strides = array<i32>} : memref<2x256x64xf32, #tpu.memory_space<vmem>>, vector<1x1x16xf32>,
        %get3A_581 = arith.constant 0 : i32
        %get3A_582 = arith.index_cast %get3A_581 : i32 to index
        %get3A_583 = arith.index_cast %add3A_511 : i32 to index
        %get3A_584 = arith.constant 48 : index
        %get3A_585 = tpu.vector_load %arg13[%get3A_582, %get3A_583, %get3A_584] {strides = array<i32>} : memref<2x256x64xf32, #tpu.memory_space<vmem>>, vector<1x1x16xf32>,
        %get3A_586 = vector.shape_cast %get3A_585 : vector<1x1x16xf32> to vector<16xf32>
        %get3A_587 = arith.constant 0 : i32
        %get3A_588 = arith.index_cast %get3A_587 : i32 to index
        %get3A_589 = arith.index_cast %add3A_511 : i32 to index
        %get3A_590 = arith.constant 48 : index
        %get3A_591 = tpu.vector_load %arg14[%get3A_588, %get3A_589, %get3A_590] {strides = array<i32>} : memref<2x256x64xf32, #tpu.memory_space<vmem>>, vector<1x1x16xf32>,
        %get3A_592 = vector.shape_cast %get3A_591 : vector<1x1x16xf32> to vector<16xf32>
        %add3A_593 = arith.addf %get3A_586, %get3A_592 : vector<16xf32>
        %add3A_594 = arith.addf %add3A_593, %get3A_21 : vector<16xf32>
        %mul3A_595 = arith.mulf %convert_element_type3A_507, %sub3A_44 : vector<16xf32>
        %add3A_596 = arith.addf %add3A_594, %mul3A_595 : vector<16xf32>
        %swap3A_597 = arith.constant 0 : i32
        %swap3A_598 = arith.index_cast %swap3A_597 : i32 to index
        %swap3A_599 = arith.index_cast %add3A_511 : i32 to index
        %swap3A_600 = arith.constant 48 : index
        %swap3A_601 = tpu.vector_load %arg13[%swap3A_598, %swap3A_599, %swap3A_600] {strides = array<i32>} : memref<2x256x64xf32, #tpu.memory_space<vmem>>, vector<1x1x16xf32>,
        %swap3A_602 = vector.shape_cast %swap3A_601 : vector<1x1x16xf32> to vector<16xf32>
        %swap3A_603 = vector.shape_cast %add3A_596 : vector<16xf32> to vector<1x1x16xf32>
        tpu.vector_store %arg13[%swap3A_598, %swap3A_599, %swap3A_600], %swap3A_603 {strides = array<i32>} : memref<2x256x64xf32, #tpu.memory_space<vmem>>, vector<1x1x16xf32>,
        %broadcast_in_dim3A_604 = arith.constant 3 : i32
        %broadcast_in_dim3A_605 = vector.broadcast %broadcast_in_dim3A_604 : i32 to vector<16x1xi32>
        %gather3A_606 = vector.shape_cast %broadcast_in_dim3A_605 : vector<16x1xi32> to vector<16xi32>
        %gather3A_607 = tpu.dynamic_gather %get3A_303[%gather3A_606] in [0] : vector<16xi32>, vector<16xi32> -> vector<16xi32>
        %convert_element_type3A_608 = arith.sitofp %gather3A_607 : vector<16xi32> to vector<16xf32>
        %mul3A_609 = arith.constant 16 : i32
        %mul3A_610 = arith.muli %scan3A_296, %mul3A_609 : i32
        %add3A_611 = arith.constant 3 : i32
        %add3A_612 = arith.addi %mul3A_610, %add3A_611 : i32
        %get3A_613 = arith.constant 0 : i32
        %get3A_614 = arith.index_cast %get3A_613 : i32 to index
        %get3A_615 = arith.index_cast %add3A_612 : i32 to index
        %get3A_616 = arith.constant 0 : index
        %get3A_617 = tpu.vector_load %arg13[%get3A_614, %get3A_615, %get3A_616] {strides = array<i32>} : memref<2x256x64xf32, #tpu.memory_space<vmem>>, vector<1x1x16xf32>,
        %get3A_618 = vector.shape_cast %get3A_617 : vector<1x1x16xf32> to vector<16xf32>
        %get3A_619 = arith.constant 0 : i32
        %get3A_620 = arith.index_cast %get3A_619 : i32 to index
        %get3A_621 = arith.index_cast %add3A_612 : i32 to index
        %get3A_622 = arith.constant 0 : index
        %get3A_623 = tpu.vector_load %arg14[%get3A_620, %get3A_621, %get3A_622] {strides = array<i32>} : memref<2x256x64xf32, #tpu.memory_space<vmem>>, vector<1x1x16xf32>,
        %get3A_624 = vector.shape_cast %get3A_623 : vector<1x1x16xf32> to vector<16xf32>
        %add3A_625 = arith.addf %get3A_618, %get3A_624 : vector<16xf32>
        %add3A_626 = arith.addf %add3A_625, %get3A_6 : vector<16xf32>
        %mul3A_627 = arith.mulf %convert_element_type3A_608, %sub3A : vector<16xf32>
        %add3A_628 = arith.addf %add3A_626, %mul3A_627 : vector<16xf32>
        %swap3A_629 = arith.constant 0 : i32
        %swap3A_630 = arith.index_cast %swap3A_629 : i32 to index
        %swap3A_631 = arith.index_cast %add3A_612 : i32 to index
        %swap3A_632 = arith.constant 0 : index
        %swap3A_633 = tpu.vector_load %arg13[%swap3A_630, %swap3A_631, %swap3A_632] {strides = array<i32>} : memref<2x256x64xf32, #tpu.memory_space<vmem>>, vector<1x1x16xf32>,
        %swap3A_634 = vector.shape_cast %swap3A_633 : vector<1x1x16xf32> to vector<16xf32>
        %swap3A_635 = vector.shape_cast %add3A_628 : vector<16xf32> to vector<1x1x16xf32>
        tpu.vector_store %arg13[%swap3A_630, %swap3A_631, %swap3A_632], %swap3A_635 {strides = array<i32>} : memref<2x256x64xf32, #tpu.memory_space<vmem>>, vector<1x1x16xf32>,
        %get3A_636 = arith.constant 0 : i32
        %get3A_637 = arith.index_cast %get3A_636 : i32 to index
        %get3A_638 = arith.index_cast %add3A_612 : i32 to index
        %get3A_639 = arith.constant 16 : index
        %get3A_640 = tpu.vector_load %arg13[%get3A_637, %get3A_638, %get3A_639] {strides = array<i32>} : memref<2x256x64xf32, #tpu.memory_space<vmem>>, vector<1x1x16xf32>,
        %get3A_641 = vector.shape_cast %get3A_640 : vector<1x1x16xf32> to vector<16xf32>
        %get3A_642 = arith.constant 0 : i32
        %get3A_643 = arith.index_cast %get3A_642 : i32 to index
        %get3A_644 = arith.index_cast %add3A_612 : i32 to index
        %get3A_645 = arith.constant 16 : index
        %get3A_646 = tpu.vector_load %arg14[%get3A_643, %get3A_644, %get3A_645] {strides = array<i32>} : memref<2x256x64xf32, #tpu.memory_space<vmem>>, vector<1x1x16xf32>,
        %get3A_647 = vector.shape_cast %get3A_646 : vector<1x1x16xf32> to vector<16xf32>
        %add3A_648 = arith.addf %get3A_641, %get3A_647 : vector<16xf32>
        %add3A_649 = arith.addf %add3A_648, %get3A_11 : vector<16xf32>
        %mul3A_650 = arith.mulf %convert_element_type3A_608, %sub3A_42 : vector<16xf32>
        %add3A_651 = arith.addf %add3A_649, %mul3A_650 : vector<16xf32>
        %swap3A_652 = arith.constant 0 : i32
        %swap3A_653 = arith.index_cast %swap3A_652 : i32 to index
        %swap3A_654 = arith.index_cast %add3A_612 : i32 to index
        %swap3A_655 = arith.constant 16 : index
        %swap3A_656 = tpu.vector_load %arg13[%swap3A_653, %swap3A_654, %swap3A_655] {strides = array<i32>} : memref<2x256x64xf32, #tpu.memory_space<vmem>>, vector<1x1x16xf32>,
        %swap3A_657 = vector.shape_cast %swap3A_656 : vector<1x1x16xf32> to vector<16xf32>
        %swap3A_658 = vector.shape_cast %add3A_651 : vector<16xf32> to vector<1x1x16xf32>
        tpu.vector_store %arg13[%swap3A_653, %swap3A_654, %swap3A_655], %swap3A_658 {strides = array<i32>} : memref<2x256x64xf32, #tpu.memory_space<vmem>>, vector<1x1x16xf32>,
        %get3A_659 = arith.constant 0 : i32
        %get3A_660 = arith.index_cast %get3A_659 : i32 to index
        %get3A_661 = arith.index_cast %add3A_612 : i32 to index
        %get3A_662 = arith.constant 32 : index
        %get3A_663 = tpu.vector_load %arg13[%get3A_660, %get3A_661, %get3A_662] {strides = array<i32>} : memref<2x256x64xf32, #tpu.memory_space<vmem>>, vector<1x1x16xf32>,
        %get3A_664 = vector.shape_cast %get3A_663 : vector<1x1x16xf32> to vector<16xf32>
        %get3A_665 = arith.constant 0 : i32
        %get3A_666 = arith.index_cast %get3A_665 : i32 to index
        %get3A_667 = arith.index_cast %add3A_612 : i32 to index
        %get3A_668 = arith.constant 32 : index
        %get3A_669 = tpu.vector_load %arg14[%get3A_666, %get3A_667, %get3A_668] {strides = array<i32>} : memref<2x256x64xf32, #tpu.memory_space<vmem>>, vector<1x1x16xf32>,
        %get3A_670 = vector.shape_cast %get3A_669 : vector<1x1x16xf32> to vector<16xf32>
        %add3A_671 = arith.addf %get3A_664, %get3A_670 : vector<16xf32>
        %add3A_672 = arith.addf %add3A_671, %get3A_16 : vector<16xf32>
        %mul3A_673 = arith.mulf %convert_element_type3A_608, %sub3A_43 : vector<16xf32>
        %add3A_674 = arith.addf %add3A_672, %mul3A_673 : vector<16xf32>
        %swap3A_675 = arith.constant 0 : i32
        %swap3A_676 = arith.index_cast %swap3A_675 : i32 to index
        %swap3A_677 = arith.index_cast %add3A_612 : i32 to index
        %swap3A_678 = arith.constant 32 : index
        %swap3A_679 = tpu.vector_load %arg13[%swap3A_676, %swap3A_677, %swap3A_678] {strides = array<i32>} : memref<2x256x64xf32, #tpu.memory_space<vmem>>, vector<1x1x16xf32>,
        %swap3A_680 = vector.shape_cast %swap3A_679 : vector<1x1x16xf32> to vector<16xf32>
        %swap3A_681 = vector.shape_cast %add3A_674 : vector<16xf32> to vector<1x1x16xf32>
        tpu.vector_store %arg13[%swap3A_676, %swap3A_677, %swap3A_678], %swap3A_681 {strides = array<i32>} : memref<2x256x64xf32, #tpu.memory_space<vmem>>, vector<1x1x16xf32>,
        %get3A_682 = arith.constant 0 : i32
        %get3A_683 = arith.index_cast %get3A_682 : i32 to index
        %get3A_684 = arith.index_cast %add3A_612 : i32 to index
        %get3A_685 = arith.constant 48 : index
        %get3A_686 = tpu.vector_load %arg13[%get3A_683, %get3A_684, %get3A_685] {strides = array<i32>} : memref<2x256x64xf32, #tpu.memory_space<vmem>>, vector<1x1x16xf32>,
        %get3A_687 = vector.shape_cast %get3A_686 : vector<1x1x16xf32> to vector<16xf32>
        %get3A_688 = arith.constant 0 : i32
        %get3A_689 = arith.index_cast %get3A_688 : i32 to index
        %get3A_690 = arith.index_cast %add3A_612 : i32 to index
        %get3A_691 = arith.constant 48 : index
        %get3A_692 = tpu.vector_load %arg14[%get3A_689, %get3A_690, %get3A_691] {strides = array<i32>} : memref<2x256x64xf32, #tpu.memory_space<vmem>>, vector<1x1x16xf32>,
        %get3A_693 = vector.shape_cast %get3A_692 : vector<1x1x16xf32> to vector<16xf32>
        %add3A_694 = arith.addf %get3A_687, %get3A_693 : vector<16xf32>
        %add3A_695 = arith.addf %add3A_694, %get3A_21 : vector<16xf32>
        %mul3A_696 = arith.mulf %convert_element_type3A_608, %sub3A_44 : vector<16xf32>
        %add3A_697 = arith.addf %add3A_695, %mul3A_696 : vector<16xf32>
        %swap3A_698 = arith.constant 0 : i32
        %swap3A_699 = arith.index_cast %swap3A_698 : i32 to index
        %swap3A_700 = arith.index_cast %add3A_612 : i32 to index
        %swap3A_701 = arith.constant 48 : index
        %swap3A_702 = tpu.vector_load %arg13[%swap3A_699, %swap3A_700, %swap3A_701] {strides = array<i32>} : memref<2x256x64xf32, #tpu.memory_space<vmem>>, vector<1x1x16xf32>,
        %swap3A_703 = vector.shape_cast %swap3A_702 : vector<1x1x16xf32> to vector<16xf32>
        %swap3A_704 = vector.shape_cast %add3A_697 : vector<16xf32> to vector<1x1x16xf32>
        tpu.vector_store %arg13[%swap3A_699, %swap3A_700, %swap3A_701], %swap3A_704 {strides = array<i32>} : memref<2x256x64xf32, #tpu.memory_space<vmem>>, vector<1x1x16xf32>,
        %broadcast_in_dim3A_705 = arith.constant 4 : i32
        %broadcast_in_dim3A_706 = vector.broadcast %broadcast_in_dim3A_705 : i32 to vector<16x1xi32>
        %gather3A_707 = vector.shape_cast %broadcast_in_dim3A_706 : vector<16x1xi32> to vector<16xi32>
        %gather3A_708 = tpu.dynamic_gather %get3A_303[%gather3A_707] in [0] : vector<16xi32>, vector<16xi32> -> vector<16xi32>
        %convert_element_type3A_709 = arith.sitofp %gather3A_708 : vector<16xi32> to vector<16xf32>
        %mul3A_710 = arith.constant 16 : i32
        %mul3A_711 = arith.muli %scan3A_296, %mul3A_710 : i32
        %add3A_712 = arith.constant 4 : i32
        %add3A_713 = arith.addi %mul3A_711, %add3A_712 : i32
        %get3A_714 = arith.constant 0 : i32
        %get3A_715 = arith.index_cast %get3A_714 : i32 to index
        %get3A_716 = arith.index_cast %add3A_713 : i32 to index
        %get3A_717 = arith.constant 0 : index
        %get3A_718 = tpu.vector_load %arg13[%get3A_715, %get3A_716, %get3A_717] {strides = array<i32>} : memref<2x256x64xf32, #tpu.memory_space<vmem>>, vector<1x1x16xf32>,
        %get3A_719 = vector.shape_cast %get3A_718 : vector<1x1x16xf32> to vector<16xf32>
        %get3A_720 = arith.constant 0 : i32
        %get3A_721 = arith.index_cast %get3A_720 : i32 to index
        %get3A_722 = arith.index_cast %add3A_713 : i32 to index
        %get3A_723 = arith.constant 0 : index
        %get3A_724 = tpu.vector_load %arg14[%get3A_721, %get3A_722, %get3A_723] {strides = array<i32>} : memref<2x256x64xf32, #tpu.memory_space<vmem>>, vector<1x1x16xf32>,
        %get3A_725 = vector.shape_cast %get3A_724 : vector<1x1x16xf32> to vector<16xf32>
        %add3A_726 = arith.addf %get3A_719, %get3A_725 : vector<16xf32>
        %add3A_727 = arith.addf %add3A_726, %get3A_6 : vector<16xf32>
        %mul3A_728 = arith.mulf %convert_element_type3A_709, %sub3A : vector<16xf32>
        %add3A_729 = arith.addf %add3A_727, %mul3A_728 : vector<16xf32>
        %swap3A_730 = arith.constant 0 : i32
        %swap3A_731 = arith.index_cast %swap3A_730 : i32 to index
        %swap3A_732 = arith.index_cast %add3A_713 : i32 to index
        %swap3A_733 = arith.constant 0 : index
        %swap3A_734 = tpu.vector_load %arg13[%swap3A_731, %swap3A_732, %swap3A_733] {strides = array<i32>} : memref<2x256x64xf32, #tpu.memory_space<vmem>>, vector<1x1x16xf32>,
        %swap3A_735 = vector.shape_cast %swap3A_734 : vector<1x1x16xf32> to vector<16xf32>
        %swap3A_736 = vector.shape_cast %add3A_729 : vector<16xf32> to vector<1x1x16xf32>
        tpu.vector_store %arg13[%swap3A_731, %swap3A_732, %swap3A_733], %swap3A_736 {strides = array<i32>} : memref<2x256x64xf32, #tpu.memory_space<vmem>>, vector<1x1x16xf32>,
        %get3A_737 = arith.constant 0 : i32
        %get3A_738 = arith.index_cast %get3A_737 : i32 to index
        %get3A_739 = arith.index_cast %add3A_713 : i32 to index
        %get3A_740 = arith.constant 16 : index
        %get3A_741 = tpu.vector_load %arg13[%get3A_738, %get3A_739, %get3A_740] {strides = array<i32>} : memref<2x256x64xf32, #tpu.memory_space<vmem>>, vector<1x1x16xf32>,
        %get3A_742 = vector.shape_cast %get3A_741 : vector<1x1x16xf32> to vector<16xf32>
        %get3A_743 = arith.constant 0 : i32
        %get3A_744 = arith.index_cast %get3A_743 : i32 to index
        %get3A_745 = arith.index_cast %add3A_713 : i32 to index
        %get3A_746 = arith.constant 16 : index
        %get3A_747 = tpu.vector_load %arg14[%get3A_744, %get3A_745, %get3A_746] {strides = array<i32>} : memref<2x256x64xf32, #tpu.memory_space<vmem>>, vector<1x1x16xf32>,
        %get3A_748 = vector.shape_cast %get3A_747 : vector<1x1x16xf32> to vector<16xf32>
        %add3A_749 = arith.addf %get3A_742, %get3A_748 : vector<16xf32>
        %add3A_750 = arith.addf %add3A_749, %get3A_11 : vector<16xf32>
        %mul3A_751 = arith.mulf %convert_element_type3A_709, %sub3A_42 : vector<16xf32>
        %add3A_752 = arith.addf %add3A_750, %mul3A_751 : vector<16xf32>
        %swap3A_753 = arith.constant 0 : i32
        %swap3A_754 = arith.index_cast %swap3A_753 : i32 to index
        %swap3A_755 = arith.index_cast %add3A_713 : i32 to index
        %swap3A_756 = arith.constant 16 : index
        %swap3A_757 = tpu.vector_load %arg13[%swap3A_754, %swap3A_755, %swap3A_756] {strides = array<i32>} : memref<2x256x64xf32, #tpu.memory_space<vmem>>, vector<1x1x16xf32>,
        %swap3A_758 = vector.shape_cast %swap3A_757 : vector<1x1x16xf32> to vector<16xf32>
        %swap3A_759 = vector.shape_cast %add3A_752 : vector<16xf32> to vector<1x1x16xf32>
        tpu.vector_store %arg13[%swap3A_754, %swap3A_755, %swap3A_756], %swap3A_759 {strides = array<i32>} : memref<2x256x64xf32, #tpu.memory_space<vmem>>, vector<1x1x16xf32>,
        %get3A_760 = arith.constant 0 : i32
        %get3A_761 = arith.index_cast %get3A_760 : i32 to index
        %get3A_762 = arith.index_cast %add3A_713 : i32 to index
        %get3A_763 = arith.constant 32 : index
        %get3A_764 = tpu.vector_load %arg13[%get3A_761, %get3A_762, %get3A_763] {strides = array<i32>} : memref<2x256x64xf32, #tpu.memory_space<vmem>>, vector<1x1x16xf32>,
        %get3A_765 = vector.shape_cast %get3A_764 : vector<1x1x16xf32> to vector<16xf32>
        %get3A_766 = arith.constant 0 : i32
        %get3A_767 = arith.index_cast %get3A_766 : i32 to index
        %get3A_768 = arith.index_cast %add3A_713 : i32 to index
        %get3A_769 = arith.constant 32 : index
        %get3A_770 = tpu.vector_load %arg14[%get3A_767, %get3A_768, %get3A_769] {strides = array<i32>} : memref<2x256x64xf32, #tpu.memory_space<vmem>>, vector<1x1x16xf32>,
        %get3A_771 = vector.shape_cast %get3A_770 : vector<1x1x16xf32> to vector<16xf32>
        %add3A_772 = arith.addf %get3A_765, %get3A_771 : vector<16xf32>
        %add3A_773 = arith.addf %add3A_772, %get3A_16 : vector<16xf32>
        %mul3A_774 = arith.mulf %convert_element_type3A_709, %sub3A_43 : vector<16xf32>
        %add3A_775 = arith.addf %add3A_773, %mul3A_774 : vector<16xf32>
        %swap3A_776 = arith.constant 0 : i32
        %swap3A_777 = arith.index_cast %swap3A_776 : i32 to index
        %swap3A_778 = arith.index_cast %add3A_713 : i32 to index
        %swap3A_779 = arith.constant 32 : index
        %swap3A_780 = tpu.vector_load %arg13[%swap3A_777, %swap3A_778, %swap3A_779] {strides = array<i32>} : memref<2x256x64xf32, #tpu.memory_space<vmem>>, vector<1x1x16xf32>,
        %swap3A_781 = vector.shape_cast %swap3A_780 : vector<1x1x16xf32> to vector<16xf32>
        %swap3A_782 = vector.shape_cast %add3A_775 : vector<16xf32> to vector<1x1x16xf32>
        tpu.vector_store %arg13[%swap3A_777, %swap3A_778, %swap3A_779], %swap3A_782 {strides = array<i32>} : memref<2x256x64xf32, #tpu.memory_space<vmem>>, vector<1x1x16xf32>,
        %get3A_783 = arith.constant 0 : i32
        %get3A_784 = arith.index_cast %get3A_783 : i32 to index
        %get3A_785 = arith.index_cast %add3A_713 : i32 to index
        %get3A_786 = arith.constant 48 : index
        %get3A_787 = tpu.vector_load %arg13[%get3A_784, %get3A_785, %get3A_786] {strides = array<i32>} : memref<2x256x64xf32, #tpu.memory_space<vmem>>, vector<1x1x16xf32>,
        %get3A_788 = vector.shape_cast %get3A_787 : vector<1x1x16xf32> to vector<16xf32>
        %get3A_789 = arith.constant 0 : i32
        %get3A_790 = arith.index_cast %get3A_789 : i32 to index
        %get3A_791 = arith.index_cast %add3A_713 : i32 to index
        %get3A_792 = arith.constant 48 : index
        %get3A_793 = tpu.vector_load %arg14[%get3A_790, %get3A_791, %get3A_792] {strides = array<i32>} : memref<2x256x64xf32, #tpu.memory_space<vmem>>, vector<1x1x16xf32>,
        %get3A_794 = vector.shape_cast %get3A_793 : vector<1x1x16xf32> to vector<16xf32>
        %add3A_795 = arith.addf %get3A_788, %get3A_794 : vector<16xf32>
        %add3A_796 = arith.addf %add3A_795, %get3A_21 : vector<16xf32>
        %mul3A_797 = arith.mulf %convert_element_type3A_709, %sub3A_44 : vector<16xf32>
        %add3A_798 = arith.addf %add3A_796, %mul3A_797 : vector<16xf32>
        %swap3A_799 = arith.constant 0 : i32
        %swap3A_800 = arith.index_cast %swap3A_799 : i32 to index
        %swap3A_801 = arith.index_cast %add3A_713 : i32 to index
        %swap3A_802 = arith.constant 48 : index
        %swap3A_803 = tpu.vector_load %arg13[%swap3A_800, %swap3A_801, %swap3A_802] {strides = array<i32>} : memref<2x256x64xf32, #tpu.memory_space<vmem>>, vector<1x1x16xf32>,
        %swap3A_804 = vector.shape_cast %swap3A_803 : vector<1x1x16xf32> to vector<16xf32>
        %swap3A_805 = vector.shape_cast %add3A_798 : vector<16xf32> to vector<1x1x16xf32>
        tpu.vector_store %arg13[%swap3A_800, %swap3A_801, %swap3A_802], %swap3A_805 {strides = array<i32>} : memref<2x256x64xf32, #tpu.memory_space<vmem>>, vector<1x1x16xf32>,
        %broadcast_in_dim3A_806 = arith.constant 5 : i32
        %broadcast_in_dim3A_807 = vector.broadcast %broadcast_in_dim3A_806 : i32 to vector<16x1xi32>
        %gather3A_808 = vector.shape_cast %broadcast_in_dim3A_807 : vector<16x1xi32> to vector<16xi32>
        %gather3A_809 = tpu.dynamic_gather %get3A_303[%gather3A_808] in [0] : vector<16xi32>, vector<16xi32> -> vector<16xi32>
        %convert_element_type3A_810 = arith.sitofp %gather3A_809 : vector<16xi32> to vector<16xf32>
        %mul3A_811 = arith.constant 16 : i32
        %mul3A_812 = arith.muli %scan3A_296, %mul3A_811 : i32
        %add3A_813 = arith.constant 5 : i32
        %add3A_814 = arith.addi %mul3A_812, %add3A_813 : i32
        %get3A_815 = arith.constant 0 : i32
        %get3A_816 = arith.index_cast %get3A_815 : i32 to index
        %get3A_817 = arith.index_cast %add3A_814 : i32 to index
        %get3A_818 = arith.constant 0 : index
        %get3A_819 = tpu.vector_load %arg13[%get3A_816, %get3A_817, %get3A_818] {strides = array<i32>} : memref<2x256x64xf32, #tpu.memory_space<vmem>>, vector<1x1x16xf32>,
        %get3A_820 = vector.shape_cast %get3A_819 : vector<1x1x16xf32> to vector<16xf32>
        %get3A_821 = arith.constant 0 : i32
        %get3A_822 = arith.index_cast %get3A_821 : i32 to index
        %get3A_823 = arith.index_cast %add3A_814 : i32 to index
        %get3A_824 = arith.constant 0 : index
        %get3A_825 = tpu.vector_load %arg14[%get3A_822, %get3A_823, %get3A_824] {strides = array<i32>} : memref<2x256x64xf32, #tpu.memory_space<vmem>>, vector<1x1x16xf32>,
        %get3A_826 = vector.shape_cast %get3A_825 : vector<1x1x16xf32> to vector<16xf32>
        %add3A_827 = arith.addf %get3A_820, %get3A_826 : vector<16xf32>
        %add3A_828 = arith.addf %add3A_827, %get3A_6 : vector<16xf32>
        %mul3A_829 = arith.mulf %convert_element_type3A_810, %sub3A : vector<16xf32>
        %add3A_830 = arith.addf %add3A_828, %mul3A_829 : vector<16xf32>
        %swap3A_831 = arith.constant 0 : i32
        %swap3A_832 = arith.index_cast %swap3A_831 : i32 to index
        %swap3A_833 = arith.index_cast %add3A_814 : i32 to index
        %swap3A_834 = arith.constant 0 : index
        %swap3A_835 = tpu.vector_load %arg13[%swap3A_832, %swap3A_833, %swap3A_834] {strides = array<i32>} : memref<2x256x64xf32, #tpu.memory_space<vmem>>, vector<1x1x16xf32>,
        %swap3A_836 = vector.shape_cast %swap3A_835 : vector<1x1x16xf32> to vector<16xf32>
        %swap3A_837 = vector.shape_cast %add3A_830 : vector<16xf32> to vector<1x1x16xf32>
        tpu.vector_store %arg13[%swap3A_832, %swap3A_833, %swap3A_834], %swap3A_837 {strides = array<i32>} : memref<2x256x64xf32, #tpu.memory_space<vmem>>, vector<1x1x16xf32>,
        %get3A_838 = arith.constant 0 : i32
        %get3A_839 = arith.index_cast %get3A_838 : i32 to index
        %get3A_840 = arith.index_cast %add3A_814 : i32 to index
        %get3A_841 = arith.constant 16 : index
        %get3A_842 = tpu.vector_load %arg13[%get3A_839, %get3A_840, %get3A_841] {strides = array<i32>} : memref<2x256x64xf32, #tpu.memory_space<vmem>>, vector<1x1x16xf32>,
        %get3A_843 = vector.shape_cast %get3A_842 : vector<1x1x16xf32> to vector<16xf32>
        %get3A_844 = arith.constant 0 : i32
        %get3A_845 = arith.index_cast %get3A_844 : i32 to index
        %get3A_846 = arith.index_cast %add3A_814 : i32 to index
        %get3A_847 = arith.constant 16 : index
        %get3A_848 = tpu.vector_load %arg14[%get3A_845, %get3A_846, %get3A_847] {strides = array<i32>} : memref<2x256x64xf32, #tpu.memory_space<vmem>>, vector<1x1x16xf32>,
        %get3A_849 = vector.shape_cast %get3A_848 : vector<1x1x16xf32> to vector<16xf32>
        %add3A_850 = arith.addf %get3A_843, %get3A_849 : vector<16xf32>
        %add3A_851 = arith.addf %add3A_850, %get3A_11 : vector<16xf32>
        %mul3A_852 = arith.mulf %convert_element_type3A_810, %sub3A_42 : vector<16xf32>
        %add3A_853 = arith.addf %add3A_851, %mul3A_852 : vector<16xf32>
        %swap3A_854 = arith.constant 0 : i32
        %swap3A_855 = arith.index_cast %swap3A_854 : i32 to index
        %swap3A_856 = arith.index_cast %add3A_814 : i32 to index
        %swap3A_857 = arith.constant 16 : index
        %swap3A_858 = tpu.vector_load %arg13[%swap3A_855, %swap3A_856, %swap3A_857] {strides = array<i32>} : memref<2x256x64xf32, #tpu.memory_space<vmem>>, vector<1x1x16xf32>,
        %swap3A_859 = vector.shape_cast %swap3A_858 : vector<1x1x16xf32> to vector<16xf32>
        %swap3A_860 = vector.shape_cast %add3A_853 : vector<16xf32> to vector<1x1x16xf32>
        tpu.vector_store %arg13[%swap3A_855, %swap3A_856, %swap3A_857], %swap3A_860 {strides = array<i32>} : memref<2x256x64xf32, #tpu.memory_space<vmem>>, vector<1x1x16xf32>,
        %get3A_861 = arith.constant 0 : i32
        %get3A_862 = arith.index_cast %get3A_861 : i32 to index
        %get3A_863 = arith.index_cast %add3A_814 : i32 to index
        %get3A_864 = arith.constant 32 : index
        %get3A_865 = tpu.vector_load %arg13[%get3A_862, %get3A_863, %get3A_864] {strides = array<i32>} : memref<2x256x64xf32, #tpu.memory_space<vmem>>, vector<1x1x16xf32>,
        %get3A_866 = vector.shape_cast %get3A_865 : vector<1x1x16xf32> to vector<16xf32>
        %get3A_867 = arith.constant 0 : i32
        %get3A_868 = arith.index_cast %get3A_867 : i32 to index
        %get3A_869 = arith.index_cast %add3A_814 : i32 to index
        %get3A_870 = arith.constant 32 : index
        %get3A_871 = tpu.vector_load %arg14[%get3A_868, %get3A_869, %get3A_870] {strides = array<i32>} : memref<2x256x64xf32, #tpu.memory_space<vmem>>, vector<1x1x16xf32>,
        %get3A_872 = vector.shape_cast %get3A_871 : vector<1x1x16xf32> to vector<16xf32>
        %add3A_873 = arith.addf %get3A_866, %get3A_872 : vector<16xf32>
        %add3A_874 = arith.addf %add3A_873, %get3A_16 : vector<16xf32>
        %mul3A_875 = arith.mulf %convert_element_type3A_810, %sub3A_43 : vector<16xf32>
        %add3A_876 = arith.addf %add3A_874, %mul3A_875 : vector<16xf32>
        %swap3A_877 = arith.constant 0 : i32
        %swap3A_878 = arith.index_cast %swap3A_877 : i32 to index
        %swap3A_879 = arith.index_cast %add3A_814 : i32 to index
        %swap3A_880 = arith.constant 32 : index
        %swap3A_881 = tpu.vector_load %arg13[%swap3A_878, %swap3A_879, %swap3A_880] {strides = array<i32>} : memref<2x256x64xf32, #tpu.memory_space<vmem>>, vector<1x1x16xf32>,
        %swap3A_882 = vector.shape_cast %swap3A_881 : vector<1x1x16xf32> to vector<16xf32>
        %swap3A_883 = vector.shape_cast %add3A_876 : vector<16xf32> to vector<1x1x16xf32>
        tpu.vector_store %arg13[%swap3A_878, %swap3A_879, %swap3A_880], %swap3A_883 {strides = array<i32>} : memref<2x256x64xf32, #tpu.memory_space<vmem>>, vector<1x1x16xf32>,
        %get3A_884 = arith.constant 0 : i32
        %get3A_885 = arith.index_cast %get3A_884 : i32 to index
        %get3A_886 = arith.index_cast %add3A_814 : i32 to index
        %get3A_887 = arith.constant 48 : index
        %get3A_888 = tpu.vector_load %arg13[%get3A_885, %get3A_886, %get3A_887] {strides = array<i32>} : memref<2x256x64xf32, #tpu.memory_space<vmem>>, vector<1x1x16xf32>,
        %get3A_889 = vector.shape_cast %get3A_888 : vector<1x1x16xf32> to vector<16xf32>
        %get3A_890 = arith.constant 0 : i32
        %get3A_891 = arith.index_cast %get3A_890 : i32 to index
        %get3A_892 = arith.index_cast %add3A_814 : i32 to index
        %get3A_893 = arith.constant 48 : index
        %get3A_894 = tpu.vector_load %arg14[%get3A_891, %get3A_892, %get3A_893] {strides = array<i32>} : memref<2x256x64xf32, #tpu.memory_space<vmem>>, vector<1x1x16xf32>,
        %get3A_895 = vector.shape_cast %get3A_894 : vector<1x1x16xf32> to vector<16xf32>
        %add3A_896 = arith.addf %get3A_889, %get3A_895 : vector<16xf32>
        %add3A_897 = arith.addf %add3A_896, %get3A_21 : vector<16xf32>
        %mul3A_898 = arith.mulf %convert_element_type3A_810, %sub3A_44 : vector<16xf32>
        %add3A_899 = arith.addf %add3A_897, %mul3A_898 : vector<16xf32>
        %swap3A_900 = arith.constant 0 : i32
        %swap3A_901 = arith.index_cast %swap3A_900 : i32 to index
        %swap3A_902 = arith.index_cast %add3A_814 : i32 to index
        %swap3A_903 = arith.constant 48 : index
        %swap3A_904 = tpu.vector_load %arg13[%swap3A_901, %swap3A_902, %swap3A_903] {strides = array<i32>} : memref<2x256x64xf32, #tpu.memory_space<vmem>>, vector<1x1x16xf32>,
        %swap3A_905 = vector.shape_cast %swap3A_904 : vector<1x1x16xf32> to vector<16xf32>
        %swap3A_906 = vector.shape_cast %add3A_899 : vector<16xf32> to vector<1x1x16xf32>
        tpu.vector_store %arg13[%swap3A_901, %swap3A_902, %swap3A_903], %swap3A_906 {strides = array<i32>} : memref<2x256x64xf32, #tpu.memory_space<vmem>>, vector<1x1x16xf32>,
        %broadcast_in_dim3A_907 = arith.constant 6 : i32
        %broadcast_in_dim3A_908 = vector.broadcast %broadcast_in_dim3A_907 : i32 to vector<16x1xi32>
        %gather3A_909 = vector.shape_cast %broadcast_in_dim3A_908 : vector<16x1xi32> to vector<16xi32>
        %gather3A_910 = tpu.dynamic_gather %get3A_303[%gather3A_909] in [0] : vector<16xi32>, vector<16xi32> -> vector<16xi32>
        %convert_element_type3A_911 = arith.sitofp %gather3A_910 : vector<16xi32> to vector<16xf32>
        %mul3A_912 = arith.constant 16 : i32
        %mul3A_913 = arith.muli %scan3A_296, %mul3A_912 : i32
        %add3A_914 = arith.constant 6 : i32
        %add3A_915 = arith.addi %mul3A_913, %add3A_914 : i32
        %get3A_916 = arith.constant 0 : i32
        %get3A_917 = arith.index_cast %get3A_916 : i32 to index
        %get3A_918 = arith.index_cast %add3A_915 : i32 to index
        %get3A_919 = arith.constant 0 : index
        %get3A_920 = tpu.vector_load %arg13[%get3A_917, %get3A_918, %get3A_919] {strides = array<i32>} : memref<2x256x64xf32, #tpu.memory_space<vmem>>, vector<1x1x16xf32>,
        %get3A_921 = vector.shape_cast %get3A_920 : vector<1x1x16xf32> to vector<16xf32>
        %get3A_922 = arith.constant 0 : i32
        %get3A_923 = arith.index_cast %get3A_922 : i32 to index
        %get3A_924 = arith.index_cast %add3A_915 : i32 to index
        %get3A_925 = arith.constant 0 : index
        %get3A_926 = tpu.vector_load %arg14[%get3A_923, %get3A_924, %get3A_925] {strides = array<i32>} : memref<2x256x64xf32, #tpu.memory_space<vmem>>, vector<1x1x16xf32>,
        %get3A_927 = vector.shape_cast %get3A_926 : vector<1x1x16xf32> to vector<16xf32>
        %add3A_928 = arith.addf %get3A_921, %get3A_927 : vector<16xf32>
        %add3A_929 = arith.addf %add3A_928, %get3A_6 : vector<16xf32>
        %mul3A_930 = arith.mulf %convert_element_type3A_911, %sub3A : vector<16xf32>
        %add3A_931 = arith.addf %add3A_929, %mul3A_930 : vector<16xf32>
        %swap3A_932 = arith.constant 0 : i32
        %swap3A_933 = arith.index_cast %swap3A_932 : i32 to index
        %swap3A_934 = arith.index_cast %add3A_915 : i32 to index
        %swap3A_935 = arith.constant 0 : index
        %swap3A_936 = tpu.vector_load %arg13[%swap3A_933, %swap3A_934, %swap3A_935] {strides = array<i32>} : memref<2x256x64xf32, #tpu.memory_space<vmem>>, vector<1x1x16xf32>,
        %swap3A_937 = vector.shape_cast %swap3A_936 : vector<1x1x16xf32> to vector<16xf32>
        %swap3A_938 = vector.shape_cast %add3A_931 : vector<16xf32> to vector<1x1x16xf32>
        tpu.vector_store %arg13[%swap3A_933, %swap3A_934, %swap3A_935], %swap3A_938 {strides = array<i32>} : memref<2x256x64xf32, #tpu.memory_space<vmem>>, vector<1x1x16xf32>,
        %get3A_939 = arith.constant 0 : i32
        %get3A_940 = arith.index_cast %get3A_939 : i32 to index
        %get3A_941 = arith.index_cast %add3A_915 : i32 to index
        %get3A_942 = arith.constant 16 : index
        %get3A_943 = tpu.vector_load %arg13[%get3A_940, %get3A_941, %get3A_942] {strides = array<i32>} : memref<2x256x64xf32, #tpu.memory_space<vmem>>, vector<1x1x16xf32>,
        %get3A_944 = vector.shape_cast %get3A_943 : vector<1x1x16xf32> to vector<16xf32>
        %get3A_945 = arith.constant 0 : i32
        %get3A_946 = arith.index_cast %get3A_945 : i32 to index
        %get3A_947 = arith.index_cast %add3A_915 : i32 to index
        %get3A_948 = arith.constant 16 : index
        %get3A_949 = tpu.vector_load %arg14[%get3A_946, %get3A_947, %get3A_948] {strides = array<i32>} : memref<2x256x64xf32, #tpu.memory_space<vmem>>, vector<1x1x16xf32>,
        %get3A_950 = vector.shape_cast %get3A_949 : vector<1x1x16xf32> to vector<16xf32>
        %add3A_951 = arith.addf %get3A_944, %get3A_950 : vector<16xf32>
        %add3A_952 = arith.addf %add3A_951, %get3A_11 : vector<16xf32>
        %mul3A_953 = arith.mulf %convert_element_type3A_911, %sub3A_42 : vector<16xf32>
        %add3A_954 = arith.addf %add3A_952, %mul3A_953 : vector<16xf32>
        %swap3A_955 = arith.constant 0 : i32
        %swap3A_956 = arith.index_cast %swap3A_955 : i32 to index
        %swap3A_957 = arith.index_cast %add3A_915 : i32 to index
        %swap3A_958 = arith.constant 16 : index
        %swap3A_959 = tpu.vector_load %arg13[%swap3A_956, %swap3A_957, %swap3A_958] {strides = array<i32>} : memref<2x256x64xf32, #tpu.memory_space<vmem>>, vector<1x1x16xf32>,
        %swap3A_960 = vector.shape_cast %swap3A_959 : vector<1x1x16xf32> to vector<16xf32>
        %swap3A_961 = vector.shape_cast %add3A_954 : vector<16xf32> to vector<1x1x16xf32>
        tpu.vector_store %arg13[%swap3A_956, %swap3A_957, %swap3A_958], %swap3A_961 {strides = array<i32>} : memref<2x256x64xf32, #tpu.memory_space<vmem>>, vector<1x1x16xf32>,
        %get3A_962 = arith.constant 0 : i32
        %get3A_963 = arith.index_cast %get3A_962 : i32 to index
        %get3A_964 = arith.index_cast %add3A_915 : i32 to index
        %get3A_965 = arith.constant 32 : index
        %get3A_966 = tpu.vector_load %arg13[%get3A_963, %get3A_964, %get3A_965] {strides = array<i32>} : memref<2x256x64xf32, #tpu.memory_space<vmem>>, vector<1x1x16xf32>,
        %get3A_967 = vector.shape_cast %get3A_966 : vector<1x1x16xf32> to vector<16xf32>
        %get3A_968 = arith.constant 0 : i32
        %get3A_969 = arith.index_cast %get3A_968 : i32 to index
        %get3A_970 = arith.index_cast %add3A_915 : i32 to index
        %get3A_971 = arith.constant 32 : index
        %get3A_972 = tpu.vector_load %arg14[%get3A_969, %get3A_970, %get3A_971] {strides = array<i32>} : memref<2x256x64xf32, #tpu.memory_space<vmem>>, vector<1x1x16xf32>,
        %get3A_973 = vector.shape_cast %get3A_972 : vector<1x1x16xf32> to vector<16xf32>
        %add3A_974 = arith.addf %get3A_967, %get3A_973 : vector<16xf32>
        %add3A_975 = arith.addf %add3A_974, %get3A_16 : vector<16xf32>
        %mul3A_976 = arith.mulf %convert_element_type3A_911, %sub3A_43 : vector<16xf32>
        %add3A_977 = arith.addf %add3A_975, %mul3A_976 : vector<16xf32>
        %swap3A_978 = arith.constant 0 : i32
        %swap3A_979 = arith.index_cast %swap3A_978 : i32 to index
        %swap3A_980 = arith.index_cast %add3A_915 : i32 to index
        %swap3A_981 = arith.constant 32 : index
        %swap3A_982 = tpu.vector_load %arg13[%swap3A_979, %swap3A_980, %swap3A_981] {strides = array<i32>} : memref<2x256x64xf32, #tpu.memory_space<vmem>>, vector<1x1x16xf32>,
        %swap3A_983 = vector.shape_cast %swap3A_982 : vector<1x1x16xf32> to vector<16xf32>
        %swap3A_984 = vector.shape_cast %add3A_977 : vector<16xf32> to vector<1x1x16xf32>
        tpu.vector_store %arg13[%swap3A_979, %swap3A_980, %swap3A_981], %swap3A_984 {strides = array<i32>} : memref<2x256x64xf32, #tpu.memory_space<vmem>>, vector<1x1x16xf32>,
        %get3A_985 = arith.constant 0 : i32
        %get3A_986 = arith.index_cast %get3A_985 : i32 to index
        %get3A_987 = arith.index_cast %add3A_915 : i32 to index
        %get3A_988 = arith.constant 48 : index
        %get3A_989 = tpu.vector_load %arg13[%get3A_986, %get3A_987, %get3A_988] {strides = array<i32>} : memref<2x256x64xf32, #tpu.memory_space<vmem>>, vector<1x1x16xf32>,
        %get3A_990 = vector.shape_cast %get3A_989 : vector<1x1x16xf32> to vector<16xf32>
        %get3A_991 = arith.constant 0 : i32
        %get3A_992 = arith.index_cast %get3A_991 : i32 to index
        %get3A_993 = arith.index_cast %add3A_915 : i32 to index
        %get3A_994 = arith.constant 48 : index
        %get3A_995 = tpu.vector_load %arg14[%get3A_992, %get3A_993, %get3A_994] {strides = array<i32>} : memref<2x256x64xf32, #tpu.memory_space<vmem>>, vector<1x1x16xf32>,
        %get3A_996 = vector.shape_cast %get3A_995 : vector<1x1x16xf32> to vector<16xf32>
        %add3A_997 = arith.addf %get3A_990, %get3A_996 : vector<16xf32>
        %add3A_998 = arith.addf %add3A_997, %get3A_21 : vector<16xf32>
        %mul3A_999 = arith.mulf %convert_element_type3A_911, %sub3A_44 : vector<16xf32>
        %add3A_1000 = arith.addf %add3A_998, %mul3A_999 : vector<16xf32>
        %swap3A_1001 = arith.constant 0 : i32
        %swap3A_1002 = arith.index_cast %swap3A_1001 : i32 to index
        %swap3A_1003 = arith.index_cast %add3A_915 : i32 to index
        %swap3A_1004 = arith.constant 48 : index
        %swap3A_1005 = tpu.vector_load %arg13[%swap3A_1002, %swap3A_1003, %swap3A_1004] {strides = array<i32>} : memref<2x256x64xf32, #tpu.memory_space<vmem>>, vector<1x1x16xf32>,
        %swap3A_1006 = vector.shape_cast %swap3A_1005 : vector<1x1x16xf32> to vector<16xf32>
        %swap3A_1007 = vector.shape_cast %add3A_1000 : vector<16xf32> to vector<1x1x16xf32>
        tpu.vector_store %arg13[%swap3A_1002, %swap3A_1003, %swap3A_1004], %swap3A_1007 {strides = array<i32>} : memref<2x256x64xf32, #tpu.memory_space<vmem>>, vector<1x1x16xf32>,
        %broadcast_in_dim3A_1008 = arith.constant 7 : i32
        %broadcast_in_dim3A_1009 = vector.broadcast %broadcast_in_dim3A_1008 : i32 to vector<16x1xi32>
        %gather3A_1010 = vector.shape_cast %broadcast_in_dim3A_1009 : vector<16x1xi32> to vector<16xi32>
        %gather3A_1011 = tpu.dynamic_gather %get3A_303[%gather3A_1010] in [0] : vector<16xi32>, vector<16xi32> -> vector<16xi32>
        %convert_element_type3A_1012 = arith.sitofp %gather3A_1011 : vector<16xi32> to vector<16xf32>
        %mul3A_1013 = arith.constant 16 : i32
        %mul3A_1014 = arith.muli %scan3A_296, %mul3A_1013 : i32
        %add3A_1015 = arith.constant 7 : i32
        %add3A_1016 = arith.addi %mul3A_1014, %add3A_1015 : i32
        %get3A_1017 = arith.constant 0 : i32
        %get3A_1018 = arith.index_cast %get3A_1017 : i32 to index
        %get3A_1019 = arith.index_cast %add3A_1016 : i32 to index
        %get3A_1020 = arith.constant 0 : index
        %get3A_1021 = tpu.vector_load %arg13[%get3A_1018, %get3A_1019, %get3A_1020] {strides = array<i32>} : memref<2x256x64xf32, #tpu.memory_space<vmem>>, vector<1x1x16xf32>,
        %get3A_1022 = vector.shape_cast %get3A_1021 : vector<1x1x16xf32> to vector<16xf32>
        %get3A_1023 = arith.constant 0 : i32
        %get3A_1024 = arith.index_cast %get3A_1023 : i32 to index
        %get3A_1025 = arith.index_cast %add3A_1016 : i32 to index
        %get3A_1026 = arith.constant 0 : index
        %get3A_1027 = tpu.vector_load %arg14[%get3A_1024, %get3A_1025, %get3A_1026] {strides = array<i32>} : memref<2x256x64xf32, #tpu.memory_space<vmem>>, vector<1x1x16xf32>,
        %get3A_1028 = vector.shape_cast %get3A_1027 : vector<1x1x16xf32> to vector<16xf32>
        %add3A_1029 = arith.addf %get3A_1022, %get3A_1028 : vector<16xf32>
        %add3A_1030 = arith.addf %add3A_1029, %get3A_6 : vector<16xf32>
        %mul3A_1031 = arith.mulf %convert_element_type3A_1012, %sub3A : vector<16xf32>
        %add3A_1032 = arith.addf %add3A_1030, %mul3A_1031 : vector<16xf32>
        %swap3A_1033 = arith.constant 0 : i32
        %swap3A_1034 = arith.index_cast %swap3A_1033 : i32 to index
        %swap3A_1035 = arith.index_cast %add3A_1016 : i32 to index
        %swap3A_1036 = arith.constant 0 : index
        %swap3A_1037 = tpu.vector_load %arg13[%swap3A_1034, %swap3A_1035, %swap3A_1036] {strides = array<i32>} : memref<2x256x64xf32, #tpu.memory_space<vmem>>, vector<1x1x16xf32>,
        %swap3A_1038 = vector.shape_cast %swap3A_1037 : vector<1x1x16xf32> to vector<16xf32>
        %swap3A_1039 = vector.shape_cast %add3A_1032 : vector<16xf32> to vector<1x1x16xf32>
        tpu.vector_store %arg13[%swap3A_1034, %swap3A_1035, %swap3A_1036], %swap3A_1039 {strides = array<i32>} : memref<2x256x64xf32, #tpu.memory_space<vmem>>, vector<1x1x16xf32>,
        %get3A_1040 = arith.constant 0 : i32
        %get3A_1041 = arith.index_cast %get3A_1040 : i32 to index
        %get3A_1042 = arith.index_cast %add3A_1016 : i32 to index
        %get3A_1043 = arith.constant 16 : index
        %get3A_1044 = tpu.vector_load %arg13[%get3A_1041, %get3A_1042, %get3A_1043] {strides = array<i32>} : memref<2x256x64xf32, #tpu.memory_space<vmem>>, vector<1x1x16xf32>,
        %get3A_1045 = vector.shape_cast %get3A_1044 : vector<1x1x16xf32> to vector<16xf32>
        %get3A_1046 = arith.constant 0 : i32
        %get3A_1047 = arith.index_cast %get3A_1046 : i32 to index
        %get3A_1048 = arith.index_cast %add3A_1016 : i32 to index
        %get3A_1049 = arith.constant 16 : index
        %get3A_1050 = tpu.vector_load %arg14[%get3A_1047, %get3A_1048, %get3A_1049] {strides = array<i32>} : memref<2x256x64xf32, #tpu.memory_space<vmem>>, vector<1x1x16xf32>,
        %get3A_1051 = vector.shape_cast %get3A_1050 : vector<1x1x16xf32> to vector<16xf32>
        %add3A_1052 = arith.addf %get3A_1045, %get3A_1051 : vector<16xf32>
        %add3A_1053 = arith.addf %add3A_1052, %get3A_11 : vector<16xf32>
        %mul3A_1054 = arith.mulf %convert_element_type3A_1012, %sub3A_42 : vector<16xf32>
        %add3A_1055 = arith.addf %add3A_1053, %mul3A_1054 : vector<16xf32>
        %swap3A_1056 = arith.constant 0 : i32
        %swap3A_1057 = arith.index_cast %swap3A_1056 : i32 to index
        %swap3A_1058 = arith.index_cast %add3A_1016 : i32 to index
        %swap3A_1059 = arith.constant 16 : index
        %swap3A_1060 = tpu.vector_load %arg13[%swap3A_1057, %swap3A_1058, %swap3A_1059] {strides = array<i32>} : memref<2x256x64xf32, #tpu.memory_space<vmem>>, vector<1x1x16xf32>,
        %swap3A_1061 = vector.shape_cast %swap3A_1060 : vector<1x1x16xf32> to vector<16xf32>
        %swap3A_1062 = vector.shape_cast %add3A_1055 : vector<16xf32> to vector<1x1x16xf32>
        tpu.vector_store %arg13[%swap3A_1057, %swap3A_1058, %swap3A_1059], %swap3A_1062 {strides = array<i32>} : memref<2x256x64xf32, #tpu.memory_space<vmem>>, vector<1x1x16xf32>,
        %get3A_1063 = arith.constant 0 : i32
        %get3A_1064 = arith.index_cast %get3A_1063 : i32 to index
        %get3A_1065 = arith.index_cast %add3A_1016 : i32 to index
        %get3A_1066 = arith.constant 32 : index
        %get3A_1067 = tpu.vector_load %arg13[%get3A_1064, %get3A_1065, %get3A_1066] {strides = array<i32>} : memref<2x256x64xf32, #tpu.memory_space<vmem>>, vector<1x1x16xf32>,
        %get3A_1068 = vector.shape_cast %get3A_1067 : vector<1x1x16xf32> to vector<16xf32>
        %get3A_1069 = arith.constant 0 : i32
        %get3A_1070 = arith.index_cast %get3A_1069 : i32 to index
        %get3A_1071 = arith.index_cast %add3A_1016 : i32 to index
        %get3A_1072 = arith.constant 32 : index
        %get3A_1073 = tpu.vector_load %arg14[%get3A_1070, %get3A_1071, %get3A_1072] {strides = array<i32>} : memref<2x256x64xf32, #tpu.memory_space<vmem>>, vector<1x1x16xf32>,
        %get3A_1074 = vector.shape_cast %get3A_1073 : vector<1x1x16xf32> to vector<16xf32>
        %add3A_1075 = arith.addf %get3A_1068, %get3A_1074 : vector<16xf32>
        %add3A_1076 = arith.addf %add3A_1075, %get3A_16 : vector<16xf32>
        %mul3A_1077 = arith.mulf %convert_element_type3A_1012, %sub3A_43 : vector<16xf32>
        %add3A_1078 = arith.addf %add3A_1076, %mul3A_1077 : vector<16xf32>
        %swap3A_1079 = arith.constant 0 : i32
        %swap3A_1080 = arith.index_cast %swap3A_1079 : i32 to index
        %swap3A_1081 = arith.index_cast %add3A_1016 : i32 to index
        %swap3A_1082 = arith.constant 32 : index
        %swap3A_1083 = tpu.vector_load %arg13[%swap3A_1080, %swap3A_1081, %swap3A_1082] {strides = array<i32>} : memref<2x256x64xf32, #tpu.memory_space<vmem>>, vector<1x1x16xf32>,
        %swap3A_1084 = vector.shape_cast %swap3A_1083 : vector<1x1x16xf32> to vector<16xf32>
        %swap3A_1085 = vector.shape_cast %add3A_1078 : vector<16xf32> to vector<1x1x16xf32>
        tpu.vector_store %arg13[%swap3A_1080, %swap3A_1081, %swap3A_1082], %swap3A_1085 {strides = array<i32>} : memref<2x256x64xf32, #tpu.memory_space<vmem>>, vector<1x1x16xf32>,
        %get3A_1086 = arith.constant 0 : i32
        %get3A_1087 = arith.index_cast %get3A_1086 : i32 to index
        %get3A_1088 = arith.index_cast %add3A_1016 : i32 to index
        %get3A_1089 = arith.constant 48 : index
        %get3A_1090 = tpu.vector_load %arg13[%get3A_1087, %get3A_1088, %get3A_1089] {strides = array<i32>} : memref<2x256x64xf32, #tpu.memory_space<vmem>>, vector<1x1x16xf32>,
        %get3A_1091 = vector.shape_cast %get3A_1090 : vector<1x1x16xf32> to vector<16xf32>
        %get3A_1092 = arith.constant 0 : i32
        %get3A_1093 = arith.index_cast %get3A_1092 : i32 to index
        %get3A_1094 = arith.index_cast %add3A_1016 : i32 to index
        %get3A_1095 = arith.constant 48 : index
        %get3A_1096 = tpu.vector_load %arg14[%get3A_1093, %get3A_1094, %get3A_1095] {strides = array<i32>} : memref<2x256x64xf32, #tpu.memory_space<vmem>>, vector<1x1x16xf32>,
        %get3A_1097 = vector.shape_cast %get3A_1096 : vector<1x1x16xf32> to vector<16xf32>
        %add3A_1098 = arith.addf %get3A_1091, %get3A_1097 : vector<16xf32>
        %add3A_1099 = arith.addf %add3A_1098, %get3A_21 : vector<16xf32>
        %mul3A_1100 = arith.mulf %convert_element_type3A_1012, %sub3A_44 : vector<16xf32>
        %add3A_1101 = arith.addf %add3A_1099, %mul3A_1100 : vector<16xf32>
        %swap3A_1102 = arith.constant 0 : i32
        %swap3A_1103 = arith.index_cast %swap3A_1102 : i32 to index
        %swap3A_1104 = arith.index_cast %add3A_1016 : i32 to index
        %swap3A_1105 = arith.constant 48 : index
        %swap3A_1106 = tpu.vector_load %arg13[%swap3A_1103, %swap3A_1104, %swap3A_1105] {strides = array<i32>} : memref<2x256x64xf32, #tpu.memory_space<vmem>>, vector<1x1x16xf32>,
        %swap3A_1107 = vector.shape_cast %swap3A_1106 : vector<1x1x16xf32> to vector<16xf32>
        %swap3A_1108 = vector.shape_cast %add3A_1101 : vector<16xf32> to vector<1x1x16xf32>
        tpu.vector_store %arg13[%swap3A_1103, %swap3A_1104, %swap3A_1105], %swap3A_1108 {strides = array<i32>} : memref<2x256x64xf32, #tpu.memory_space<vmem>>, vector<1x1x16xf32>,
        %broadcast_in_dim3A_1109 = arith.constant 8 : i32
        %broadcast_in_dim3A_1110 = vector.broadcast %broadcast_in_dim3A_1109 : i32 to vector<16x1xi32>
        %gather3A_1111 = vector.shape_cast %broadcast_in_dim3A_1110 : vector<16x1xi32> to vector<16xi32>
        %gather3A_1112 = tpu.dynamic_gather %get3A_303[%gather3A_1111] in [0] : vector<16xi32>, vector<16xi32> -> vector<16xi32>
        %convert_element_type3A_1113 = arith.sitofp %gather3A_1112 : vector<16xi32> to vector<16xf32>
        %mul3A_1114 = arith.constant 16 : i32
        %mul3A_1115 = arith.muli %scan3A_296, %mul3A_1114 : i32
        %add3A_1116 = arith.constant 8 : i32
        %add3A_1117 = arith.addi %mul3A_1115, %add3A_1116 : i32
        %get3A_1118 = arith.constant 0 : i32
        %get3A_1119 = arith.index_cast %get3A_1118 : i32 to index
        %get3A_1120 = arith.index_cast %add3A_1117 : i32 to index
        %get3A_1121 = arith.constant 0 : index
        %get3A_1122 = tpu.vector_load %arg13[%get3A_1119, %get3A_1120, %get3A_1121] {strides = array<i32>} : memref<2x256x64xf32, #tpu.memory_space<vmem>>, vector<1x1x16xf32>,
        %get3A_1123 = vector.shape_cast %get3A_1122 : vector<1x1x16xf32> to vector<16xf32>
        %get3A_1124 = arith.constant 0 : i32
        %get3A_1125 = arith.index_cast %get3A_1124 : i32 to index
        %get3A_1126 = arith.index_cast %add3A_1117 : i32 to index
        %get3A_1127 = arith.constant 0 : index
        %get3A_1128 = tpu.vector_load %arg14[%get3A_1125, %get3A_1126, %get3A_1127] {strides = array<i32>} : memref<2x256x64xf32, #tpu.memory_space<vmem>>, vector<1x1x16xf32>,
        %get3A_1129 = vector.shape_cast %get3A_1128 : vector<1x1x16xf32> to vector<16xf32>
        %add3A_1130 = arith.addf %get3A_1123, %get3A_1129 : vector<16xf32>
        %add3A_1131 = arith.addf %add3A_1130, %get3A_6 : vector<16xf32>
        %mul3A_1132 = arith.mulf %convert_element_type3A_1113, %sub3A : vector<16xf32>
        %add3A_1133 = arith.addf %add3A_1131, %mul3A_1132 : vector<16xf32>
        %swap3A_1134 = arith.constant 0 : i32
        %swap3A_1135 = arith.index_cast %swap3A_1134 : i32 to index
        %swap3A_1136 = arith.index_cast %add3A_1117 : i32 to index
        %swap3A_1137 = arith.constant 0 : index
        %swap3A_1138 = tpu.vector_load %arg13[%swap3A_1135, %swap3A_1136, %swap3A_1137] {strides = array<i32>} : memref<2x256x64xf32, #tpu.memory_space<vmem>>, vector<1x1x16xf32>,
        %swap3A_1139 = vector.shape_cast %swap3A_1138 : vector<1x1x16xf32> to vector<16xf32>
        %swap3A_1140 = vector.shape_cast %add3A_1133 : vector<16xf32> to vector<1x1x16xf32>
        tpu.vector_store %arg13[%swap3A_1135, %swap3A_1136, %swap3A_1137], %swap3A_1140 {strides = array<i32>} : memref<2x256x64xf32, #tpu.memory_space<vmem>>, vector<1x1x16xf32>,
        %get3A_1141 = arith.constant 0 : i32
        %get3A_1142 = arith.index_cast %get3A_1141 : i32 to index
        %get3A_1143 = arith.index_cast %add3A_1117 : i32 to index
        %get3A_1144 = arith.constant 16 : index
        %get3A_1145 = tpu.vector_load %arg13[%get3A_1142, %get3A_1143, %get3A_1144] {strides = array<i32>} : memref<2x256x64xf32, #tpu.memory_space<vmem>>, vector<1x1x16xf32>,
        %get3A_1146 = vector.shape_cast %get3A_1145 : vector<1x1x16xf32> to vector<16xf32>
        %get3A_1147 = arith.constant 0 : i32
        %get3A_1148 = arith.index_cast %get3A_1147 : i32 to index
        %get3A_1149 = arith.index_cast %add3A_1117 : i32 to index
        %get3A_1150 = arith.constant 16 : index
        %get3A_1151 = tpu.vector_load %arg14[%get3A_1148, %get3A_1149, %get3A_1150] {strides = array<i32>} : memref<2x256x64xf32, #tpu.memory_space<vmem>>, vector<1x1x16xf32>,
        %get3A_1152 = vector.shape_cast %get3A_1151 : vector<1x1x16xf32> to vector<16xf32>
        %add3A_1153 = arith.addf %get3A_1146, %get3A_1152 : vector<16xf32>
        %add3A_1154 = arith.addf %add3A_1153, %get3A_11 : vector<16xf32>
        %mul3A_1155 = arith.mulf %convert_element_type3A_1113, %sub3A_42 : vector<16xf32>
        %add3A_1156 = arith.addf %add3A_1154, %mul3A_1155 : vector<16xf32>
        %swap3A_1157 = arith.constant 0 : i32
        %swap3A_1158 = arith.index_cast %swap3A_1157 : i32 to index
        %swap3A_1159 = arith.index_cast %add3A_1117 : i32 to index
        %swap3A_1160 = arith.constant 16 : index
        %swap3A_1161 = tpu.vector_load %arg13[%swap3A_1158, %swap3A_1159, %swap3A_1160] {strides = array<i32>} : memref<2x256x64xf32, #tpu.memory_space<vmem>>, vector<1x1x16xf32>,
        %swap3A_1162 = vector.shape_cast %swap3A_1161 : vector<1x1x16xf32> to vector<16xf32>
        %swap3A_1163 = vector.shape_cast %add3A_1156 : vector<16xf32> to vector<1x1x16xf32>
        tpu.vector_store %arg13[%swap3A_1158, %swap3A_1159, %swap3A_1160], %swap3A_1163 {strides = array<i32>} : memref<2x256x64xf32, #tpu.memory_space<vmem>>, vector<1x1x16xf32>,
        %get3A_1164 = arith.constant 0 : i32
        %get3A_1165 = arith.index_cast %get3A_1164 : i32 to index
        %get3A_1166 = arith.index_cast %add3A_1117 : i32 to index
        %get3A_1167 = arith.constant 32 : index
        %get3A_1168 = tpu.vector_load %arg13[%get3A_1165, %get3A_1166, %get3A_1167] {strides = array<i32>} : memref<2x256x64xf32, #tpu.memory_space<vmem>>, vector<1x1x16xf32>,
        %get3A_1169 = vector.shape_cast %get3A_1168 : vector<1x1x16xf32> to vector<16xf32>
        %get3A_1170 = arith.constant 0 : i32
        %get3A_1171 = arith.index_cast %get3A_1170 : i32 to index
        %get3A_1172 = arith.index_cast %add3A_1117 : i32 to index
        %get3A_1173 = arith.constant 32 : index
        %get3A_1174 = tpu.vector_load %arg14[%get3A_1171, %get3A_1172, %get3A_1173] {strides = array<i32>} : memref<2x256x64xf32, #tpu.memory_space<vmem>>, vector<1x1x16xf32>,
        %get3A_1175 = vector.shape_cast %get3A_1174 : vector<1x1x16xf32> to vector<16xf32>
        %add3A_1176 = arith.addf %get3A_1169, %get3A_1175 : vector<16xf32>
        %add3A_1177 = arith.addf %add3A_1176, %get3A_16 : vector<16xf32>
        %mul3A_1178 = arith.mulf %convert_element_type3A_1113, %sub3A_43 : vector<16xf32>
        %add3A_1179 = arith.addf %add3A_1177, %mul3A_1178 : vector<16xf32>
        %swap3A_1180 = arith.constant 0 : i32
        %swap3A_1181 = arith.index_cast %swap3A_1180 : i32 to index
        %swap3A_1182 = arith.index_cast %add3A_1117 : i32 to index
        %swap3A_1183 = arith.constant 32 : index
        %swap3A_1184 = tpu.vector_load %arg13[%swap3A_1181, %swap3A_1182, %swap3A_1183] {strides = array<i32>} : memref<2x256x64xf32, #tpu.memory_space<vmem>>, vector<1x1x16xf32>,
        %swap3A_1185 = vector.shape_cast %swap3A_1184 : vector<1x1x16xf32> to vector<16xf32>
        %swap3A_1186 = vector.shape_cast %add3A_1179 : vector<16xf32> to vector<1x1x16xf32>
        tpu.vector_store %arg13[%swap3A_1181, %swap3A_1182, %swap3A_1183], %swap3A_1186 {strides = array<i32>} : memref<2x256x64xf32, #tpu.memory_space<vmem>>, vector<1x1x16xf32>,
        %get3A_1187 = arith.constant 0 : i32
        %get3A_1188 = arith.index_cast %get3A_1187 : i32 to index
        %get3A_1189 = arith.index_cast %add3A_1117 : i32 to index
        %get3A_1190 = arith.constant 48 : index
        %get3A_1191 = tpu.vector_load %arg13[%get3A_1188, %get3A_1189, %get3A_1190] {strides = array<i32>} : memref<2x256x64xf32, #tpu.memory_space<vmem>>, vector<1x1x16xf32>,
        %get3A_1192 = vector.shape_cast %get3A_1191 : vector<1x1x16xf32> to vector<16xf32>
        %get3A_1193 = arith.constant 0 : i32
        %get3A_1194 = arith.index_cast %get3A_1193 : i32 to index
        %get3A_1195 = arith.index_cast %add3A_1117 : i32 to index
        %get3A_1196 = arith.constant 48 : index
        %get3A_1197 = tpu.vector_load %arg14[%get3A_1194, %get3A_1195, %get3A_1196] {strides = array<i32>} : memref<2x256x64xf32, #tpu.memory_space<vmem>>, vector<1x1x16xf32>,
        %get3A_1198 = vector.shape_cast %get3A_1197 : vector<1x1x16xf32> to vector<16xf32>
        %add3A_1199 = arith.addf %get3A_1192, %get3A_1198 : vector<16xf32>
        %add3A_1200 = arith.addf %add3A_1199, %get3A_21 : vector<16xf32>
        %mul3A_1201 = arith.mulf %convert_element_type3A_1113, %sub3A_44 : vector<16xf32>
        %add3A_1202 = arith.addf %add3A_1200, %mul3A_1201 : vector<16xf32>
        %swap3A_1203 = arith.constant 0 : i32
        %swap3A_1204 = arith.index_cast %swap3A_1203 : i32 to index
        %swap3A_1205 = arith.index_cast %add3A_1117 : i32 to index
        %swap3A_1206 = arith.constant 48 : index
        %swap3A_1207 = tpu.vector_load %arg13[%swap3A_1204, %swap3A_1205, %swap3A_1206] {strides = array<i32>} : memref<2x256x64xf32, #tpu.memory_space<vmem>>, vector<1x1x16xf32>,
        %swap3A_1208 = vector.shape_cast %swap3A_1207 : vector<1x1x16xf32> to vector<16xf32>
        %swap3A_1209 = vector.shape_cast %add3A_1202 : vector<16xf32> to vector<1x1x16xf32>
        tpu.vector_store %arg13[%swap3A_1204, %swap3A_1205, %swap3A_1206], %swap3A_1209 {strides = array<i32>} : memref<2x256x64xf32, #tpu.memory_space<vmem>>, vector<1x1x16xf32>,
        %broadcast_in_dim3A_1210 = arith.constant 9 : i32
        %broadcast_in_dim3A_1211 = vector.broadcast %broadcast_in_dim3A_1210 : i32 to vector<16x1xi32>
        %gather3A_1212 = vector.shape_cast %broadcast_in_dim3A_1211 : vector<16x1xi32> to vector<16xi32>
        %gather3A_1213 = tpu.dynamic_gather %get3A_303[%gather3A_1212] in [0] : vector<16xi32>, vector<16xi32> -> vector<16xi32>
        %convert_element_type3A_1214 = arith.sitofp %gather3A_1213 : vector<16xi32> to vector<16xf32>
        %mul3A_1215 = arith.constant 16 : i32
        %mul3A_1216 = arith.muli %scan3A_296, %mul3A_1215 : i32
        %add3A_1217 = arith.constant 9 : i32
        %add3A_1218 = arith.addi %mul3A_1216, %add3A_1217 : i32
        %get3A_1219 = arith.constant 0 : i32
        %get3A_1220 = arith.index_cast %get3A_1219 : i32 to index
        %get3A_1221 = arith.index_cast %add3A_1218 : i32 to index
        %get3A_1222 = arith.constant 0 : index
        %get3A_1223 = tpu.vector_load %arg13[%get3A_1220, %get3A_1221, %get3A_1222] {strides = array<i32>} : memref<2x256x64xf32, #tpu.memory_space<vmem>>, vector<1x1x16xf32>,
        %get3A_1224 = vector.shape_cast %get3A_1223 : vector<1x1x16xf32> to vector<16xf32>
        %get3A_1225 = arith.constant 0 : i32
        %get3A_1226 = arith.index_cast %get3A_1225 : i32 to index
        %get3A_1227 = arith.index_cast %add3A_1218 : i32 to index
        %get3A_1228 = arith.constant 0 : index
        %get3A_1229 = tpu.vector_load %arg14[%get3A_1226, %get3A_1227, %get3A_1228] {strides = array<i32>} : memref<2x256x64xf32, #tpu.memory_space<vmem>>, vector<1x1x16xf32>,
        %get3A_1230 = vector.shape_cast %get3A_1229 : vector<1x1x16xf32> to vector<16xf32>
        %add3A_1231 = arith.addf %get3A_1224, %get3A_1230 : vector<16xf32>
        %add3A_1232 = arith.addf %add3A_1231, %get3A_6 : vector<16xf32>
        %mul3A_1233 = arith.mulf %convert_element_type3A_1214, %sub3A : vector<16xf32>
        %add3A_1234 = arith.addf %add3A_1232, %mul3A_1233 : vector<16xf32>
        %swap3A_1235 = arith.constant 0 : i32
        %swap3A_1236 = arith.index_cast %swap3A_1235 : i32 to index
        %swap3A_1237 = arith.index_cast %add3A_1218 : i32 to index
        %swap3A_1238 = arith.constant 0 : index
        %swap3A_1239 = tpu.vector_load %arg13[%swap3A_1236, %swap3A_1237, %swap3A_1238] {strides = array<i32>} : memref<2x256x64xf32, #tpu.memory_space<vmem>>, vector<1x1x16xf32>,
        %swap3A_1240 = vector.shape_cast %swap3A_1239 : vector<1x1x16xf32> to vector<16xf32>
        %swap3A_1241 = vector.shape_cast %add3A_1234 : vector<16xf32> to vector<1x1x16xf32>
        tpu.vector_store %arg13[%swap3A_1236, %swap3A_1237, %swap3A_1238], %swap3A_1241 {strides = array<i32>} : memref<2x256x64xf32, #tpu.memory_space<vmem>>, vector<1x1x16xf32>,
        %get3A_1242 = arith.constant 0 : i32
        %get3A_1243 = arith.index_cast %get3A_1242 : i32 to index
        %get3A_1244 = arith.index_cast %add3A_1218 : i32 to index
        %get3A_1245 = arith.constant 16 : index
        %get3A_1246 = tpu.vector_load %arg13[%get3A_1243, %get3A_1244, %get3A_1245] {strides = array<i32>} : memref<2x256x64xf32, #tpu.memory_space<vmem>>, vector<1x1x16xf32>,
        %get3A_1247 = vector.shape_cast %get3A_1246 : vector<1x1x16xf32> to vector<16xf32>
        %get3A_1248 = arith.constant 0 : i32
        %get3A_1249 = arith.index_cast %get3A_1248 : i32 to index
        %get3A_1250 = arith.index_cast %add3A_1218 : i32 to index
        %get3A_1251 = arith.constant 16 : index
        %get3A_1252 = tpu.vector_load %arg14[%get3A_1249, %get3A_1250, %get3A_1251] {strides = array<i32>} : memref<2x256x64xf32, #tpu.memory_space<vmem>>, vector<1x1x16xf32>,
        %get3A_1253 = vector.shape_cast %get3A_1252 : vector<1x1x16xf32> to vector<16xf32>
        %add3A_1254 = arith.addf %get3A_1247, %get3A_1253 : vector<16xf32>
        %add3A_1255 = arith.addf %add3A_1254, %get3A_11 : vector<16xf32>
        %mul3A_1256 = arith.mulf %convert_element_type3A_1214, %sub3A_42 : vector<16xf32>
        %add3A_1257 = arith.addf %add3A_1255, %mul3A_1256 : vector<16xf32>
        %swap3A_1258 = arith.constant 0 : i32
        %swap3A_1259 = arith.index_cast %swap3A_1258 : i32 to index
        %swap3A_1260 = arith.index_cast %add3A_1218 : i32 to index
        %swap3A_1261 = arith.constant 16 : index
        %swap3A_1262 = tpu.vector_load %arg13[%swap3A_1259, %swap3A_1260, %swap3A_1261] {strides = array<i32>} : memref<2x256x64xf32, #tpu.memory_space<vmem>>, vector<1x1x16xf32>,
        %swap3A_1263 = vector.shape_cast %swap3A_1262 : vector<1x1x16xf32> to vector<16xf32>
        %swap3A_1264 = vector.shape_cast %add3A_1257 : vector<16xf32> to vector<1x1x16xf32>
        tpu.vector_store %arg13[%swap3A_1259, %swap3A_1260, %swap3A_1261], %swap3A_1264 {strides = array<i32>} : memref<2x256x64xf32, #tpu.memory_space<vmem>>, vector<1x1x16xf32>,
        %get3A_1265 = arith.constant 0 : i32
        %get3A_1266 = arith.index_cast %get3A_1265 : i32 to index
        %get3A_1267 = arith.index_cast %add3A_1218 : i32 to index
        %get3A_1268 = arith.constant 32 : index
        %get3A_1269 = tpu.vector_load %arg13[%get3A_1266, %get3A_1267, %get3A_1268] {strides = array<i32>} : memref<2x256x64xf32, #tpu.memory_space<vmem>>, vector<1x1x16xf32>,
        %get3A_1270 = vector.shape_cast %get3A_1269 : vector<1x1x16xf32> to vector<16xf32>
        %get3A_1271 = arith.constant 0 : i32
        %get3A_1272 = arith.index_cast %get3A_1271 : i32 to index
        %get3A_1273 = arith.index_cast %add3A_1218 : i32 to index
        %get3A_1274 = arith.constant 32 : index
        %get3A_1275 = tpu.vector_load %arg14[%get3A_1272, %get3A_1273, %get3A_1274] {strides = array<i32>} : memref<2x256x64xf32, #tpu.memory_space<vmem>>, vector<1x1x16xf32>,
        %get3A_1276 = vector.shape_cast %get3A_1275 : vector<1x1x16xf32> to vector<16xf32>
        %add3A_1277 = arith.addf %get3A_1270, %get3A_1276 : vector<16xf32>
        %add3A_1278 = arith.addf %add3A_1277, %get3A_16 : vector<16xf32>
        %mul3A_1279 = arith.mulf %convert_element_type3A_1214, %sub3A_43 : vector<16xf32>
        %add3A_1280 = arith.addf %add3A_1278, %mul3A_1279 : vector<16xf32>
        %swap3A_1281 = arith.constant 0 : i32
        %swap3A_1282 = arith.index_cast %swap3A_1281 : i32 to index
        %swap3A_1283 = arith.index_cast %add3A_1218 : i32 to index
        %swap3A_1284 = arith.constant 32 : index
        %swap3A_1285 = tpu.vector_load %arg13[%swap3A_1282, %swap3A_1283, %swap3A_1284] {strides = array<i32>} : memref<2x256x64xf32, #tpu.memory_space<vmem>>, vector<1x1x16xf32>,
        %swap3A_1286 = vector.shape_cast %swap3A_1285 : vector<1x1x16xf32> to vector<16xf32>
        %swap3A_1287 = vector.shape_cast %add3A_1280 : vector<16xf32> to vector<1x1x16xf32>
        tpu.vector_store %arg13[%swap3A_1282, %swap3A_1283, %swap3A_1284], %swap3A_1287 {strides = array<i32>} : memref<2x256x64xf32, #tpu.memory_space<vmem>>, vector<1x1x16xf32>,
        %get3A_1288 = arith.constant 0 : i32
        %get3A_1289 = arith.index_cast %get3A_1288 : i32 to index
        %get3A_1290 = arith.index_cast %add3A_1218 : i32 to index
        %get3A_1291 = arith.constant 48 : index
        %get3A_1292 = tpu.vector_load %arg13[%get3A_1289, %get3A_1290, %get3A_1291] {strides = array<i32>} : memref<2x256x64xf32, #tpu.memory_space<vmem>>, vector<1x1x16xf32>,
        %get3A_1293 = vector.shape_cast %get3A_1292 : vector<1x1x16xf32> to vector<16xf32>
        %get3A_1294 = arith.constant 0 : i32
        %get3A_1295 = arith.index_cast %get3A_1294 : i32 to index
        %get3A_1296 = arith.index_cast %add3A_1218 : i32 to index
        %get3A_1297 = arith.constant 48 : index
        %get3A_1298 = tpu.vector_load %arg14[%get3A_1295, %get3A_1296, %get3A_1297] {strides = array<i32>} : memref<2x256x64xf32, #tpu.memory_space<vmem>>, vector<1x1x16xf32>,
        %get3A_1299 = vector.shape_cast %get3A_1298 : vector<1x1x16xf32> to vector<16xf32>
        %add3A_1300 = arith.addf %get3A_1293, %get3A_1299 : vector<16xf32>
        %add3A_1301 = arith.addf %add3A_1300, %get3A_21 : vector<16xf32>
        %mul3A_1302 = arith.mulf %convert_element_type3A_1214, %sub3A_44 : vector<16xf32>
        %add3A_1303 = arith.addf %add3A_1301, %mul3A_1302 : vector<16xf32>
        %swap3A_1304 = arith.constant 0 : i32
        %swap3A_1305 = arith.index_cast %swap3A_1304 : i32 to index
        %swap3A_1306 = arith.index_cast %add3A_1218 : i32 to index
        %swap3A_1307 = arith.constant 48 : index
        %swap3A_1308 = tpu.vector_load %arg13[%swap3A_1305, %swap3A_1306, %swap3A_1307] {strides = array<i32>} : memref<2x256x64xf32, #tpu.memory_space<vmem>>, vector<1x1x16xf32>,
        %swap3A_1309 = vector.shape_cast %swap3A_1308 : vector<1x1x16xf32> to vector<16xf32>
        %swap3A_1310 = vector.shape_cast %add3A_1303 : vector<16xf32> to vector<1x1x16xf32>
        tpu.vector_store %arg13[%swap3A_1305, %swap3A_1306, %swap3A_1307], %swap3A_1310 {strides = array<i32>} : memref<2x256x64xf32, #tpu.memory_space<vmem>>, vector<1x1x16xf32>,
        %broadcast_in_dim3A_1311 = arith.constant 10 : i32
        %broadcast_in_dim3A_1312 = vector.broadcast %broadcast_in_dim3A_1311 : i32 to vector<16x1xi32>
        %gather3A_1313 = vector.shape_cast %broadcast_in_dim3A_1312 : vector<16x1xi32> to vector<16xi32>
        %gather3A_1314 = tpu.dynamic_gather %get3A_303[%gather3A_1313] in [0] : vector<16xi32>, vector<16xi32> -> vector<16xi32>
        %convert_element_type3A_1315 = arith.sitofp %gather3A_1314 : vector<16xi32> to vector<16xf32>
        %mul3A_1316 = arith.constant 16 : i32
        %mul3A_1317 = arith.muli %scan3A_296, %mul3A_1316 : i32
        %add3A_1318 = arith.constant 10 : i32
        %add3A_1319 = arith.addi %mul3A_1317, %add3A_1318 : i32
        %get3A_1320 = arith.constant 0 : i32
        %get3A_1321 = arith.index_cast %get3A_1320 : i32 to index
        %get3A_1322 = arith.index_cast %add3A_1319 : i32 to index
        %get3A_1323 = arith.constant 0 : index
        %get3A_1324 = tpu.vector_load %arg13[%get3A_1321, %get3A_1322, %get3A_1323] {strides = array<i32>} : memref<2x256x64xf32, #tpu.memory_space<vmem>>, vector<1x1x16xf32>,
        %get3A_1325 = vector.shape_cast %get3A_1324 : vector<1x1x16xf32> to vector<16xf32>
        %get3A_1326 = arith.constant 0 : i32
        %get3A_1327 = arith.index_cast %get3A_1326 : i32 to index
        %get3A_1328 = arith.index_cast %add3A_1319 : i32 to index
        %get3A_1329 = arith.constant 0 : index
        %get3A_1330 = tpu.vector_load %arg14[%get3A_1327, %get3A_1328, %get3A_1329] {strides = array<i32>} : memref<2x256x64xf32, #tpu.memory_space<vmem>>, vector<1x1x16xf32>,
        %get3A_1331 = vector.shape_cast %get3A_1330 : vector<1x1x16xf32> to vector<16xf32>
        %add3A_1332 = arith.addf %get3A_1325, %get3A_1331 : vector<16xf32>
        %add3A_1333 = arith.addf %add3A_1332, %get3A_6 : vector<16xf32>
        %mul3A_1334 = arith.mulf %convert_element_type3A_1315, %sub3A : vector<16xf32>
        %add3A_1335 = arith.addf %add3A_1333, %mul3A_1334 : vector<16xf32>
        %swap3A_1336 = arith.constant 0 : i32
        %swap3A_1337 = arith.index_cast %swap3A_1336 : i32 to index
        %swap3A_1338 = arith.index_cast %add3A_1319 : i32 to index
        %swap3A_1339 = arith.constant 0 : index
        %swap3A_1340 = tpu.vector_load %arg13[%swap3A_1337, %swap3A_1338, %swap3A_1339] {strides = array<i32>} : memref<2x256x64xf32, #tpu.memory_space<vmem>>, vector<1x1x16xf32>,
        %swap3A_1341 = vector.shape_cast %swap3A_1340 : vector<1x1x16xf32> to vector<16xf32>
        %swap3A_1342 = vector.shape_cast %add3A_1335 : vector<16xf32> to vector<1x1x16xf32>
        tpu.vector_store %arg13[%swap3A_1337, %swap3A_1338, %swap3A_1339], %swap3A_1342 {strides = array<i32>} : memref<2x256x64xf32, #tpu.memory_space<vmem>>, vector<1x1x16xf32>,
        %get3A_1343 = arith.constant 0 : i32
        %get3A_1344 = arith.index_cast %get3A_1343 : i32 to index
        %get3A_1345 = arith.index_cast %add3A_1319 : i32 to index
        %get3A_1346 = arith.constant 16 : index
        %get3A_1347 = tpu.vector_load %arg13[%get3A_1344, %get3A_1345, %get3A_1346] {strides = array<i32>} : memref<2x256x64xf32, #tpu.memory_space<vmem>>, vector<1x1x16xf32>,
        %get3A_1348 = vector.shape_cast %get3A_1347 : vector<1x1x16xf32> to vector<16xf32>
        %get3A_1349 = arith.constant 0 : i32
        %get3A_1350 = arith.index_cast %get3A_1349 : i32 to index
        %get3A_1351 = arith.index_cast %add3A_1319 : i32 to index
        %get3A_1352 = arith.constant 16 : index
        %get3A_1353 = tpu.vector_load %arg14[%get3A_1350, %get3A_1351, %get3A_1352] {strides = array<i32>} : memref<2x256x64xf32, #tpu.memory_space<vmem>>, vector<1x1x16xf32>,
        %get3A_1354 = vector.shape_cast %get3A_1353 : vector<1x1x16xf32> to vector<16xf32>
        %add3A_1355 = arith.addf %get3A_1348, %get3A_1354 : vector<16xf32>
        %add3A_1356 = arith.addf %add3A_1355, %get3A_11 : vector<16xf32>
        %mul3A_1357 = arith.mulf %convert_element_type3A_1315, %sub3A_42 : vector<16xf32>
        %add3A_1358 = arith.addf %add3A_1356, %mul3A_1357 : vector<16xf32>
        %swap3A_1359 = arith.constant 0 : i32
        %swap3A_1360 = arith.index_cast %swap3A_1359 : i32 to index
        %swap3A_1361 = arith.index_cast %add3A_1319 : i32 to index
        %swap3A_1362 = arith.constant 16 : index
        %swap3A_1363 = tpu.vector_load %arg13[%swap3A_1360, %swap3A_1361, %swap3A_1362] {strides = array<i32>} : memref<2x256x64xf32, #tpu.memory_space<vmem>>, vector<1x1x16xf32>,
        %swap3A_1364 = vector.shape_cast %swap3A_1363 : vector<1x1x16xf32> to vector<16xf32>
        %swap3A_1365 = vector.shape_cast %add3A_1358 : vector<16xf32> to vector<1x1x16xf32>
        tpu.vector_store %arg13[%swap3A_1360, %swap3A_1361, %swap3A_1362], %swap3A_1365 {strides = array<i32>} : memref<2x256x64xf32, #tpu.memory_space<vmem>>, vector<1x1x16xf32>,
        %get3A_1366 = arith.constant 0 : i32
        %get3A_1367 = arith.index_cast %get3A_1366 : i32 to index
        %get3A_1368 = arith.index_cast %add3A_1319 : i32 to index
        %get3A_1369 = arith.constant 32 : index
        %get3A_1370 = tpu.vector_load %arg13[%get3A_1367, %get3A_1368, %get3A_1369] {strides = array<i32>} : memref<2x256x64xf32, #tpu.memory_space<vmem>>, vector<1x1x16xf32>,
        %get3A_1371 = vector.shape_cast %get3A_1370 : vector<1x1x16xf32> to vector<16xf32>
        %get3A_1372 = arith.constant 0 : i32
        %get3A_1373 = arith.index_cast %get3A_1372 : i32 to index
        %get3A_1374 = arith.index_cast %add3A_1319 : i32 to index
        %get3A_1375 = arith.constant 32 : index
        %get3A_1376 = tpu.vector_load %arg14[%get3A_1373, %get3A_1374, %get3A_1375] {strides = array<i32>} : memref<2x256x64xf32, #tpu.memory_space<vmem>>, vector<1x1x16xf32>,
        %get3A_1377 = vector.shape_cast %get3A_1376 : vector<1x1x16xf32> to vector<16xf32>
        %add3A_1378 = arith.addf %get3A_1371, %get3A_1377 : vector<16xf32>
        %add3A_1379 = arith.addf %add3A_1378, %get3A_16 : vector<16xf32>
        %mul3A_1380 = arith.mulf %convert_element_type3A_1315, %sub3A_43 : vector<16xf32>
        %add3A_1381 = arith.addf %add3A_1379, %mul3A_1380 : vector<16xf32>
        %swap3A_1382 = arith.constant 0 : i32
        %swap3A_1383 = arith.index_cast %swap3A_1382 : i32 to index
        %swap3A_1384 = arith.index_cast %add3A_1319 : i32 to index
        %swap3A_1385 = arith.constant 32 : index
        %swap3A_1386 = tpu.vector_load %arg13[%swap3A_1383, %swap3A_1384, %swap3A_1385] {strides = array<i32>} : memref<2x256x64xf32, #tpu.memory_space<vmem>>, vector<1x1x16xf32>,
        %swap3A_1387 = vector.shape_cast %swap3A_1386 : vector<1x1x16xf32> to vector<16xf32>
        %swap3A_1388 = vector.shape_cast %add3A_1381 : vector<16xf32> to vector<1x1x16xf32>
        tpu.vector_store %arg13[%swap3A_1383, %swap3A_1384, %swap3A_1385], %swap3A_1388 {strides = array<i32>} : memref<2x256x64xf32, #tpu.memory_space<vmem>>, vector<1x1x16xf32>,
        %get3A_1389 = arith.constant 0 : i32
        %get3A_1390 = arith.index_cast %get3A_1389 : i32 to index
        %get3A_1391 = arith.index_cast %add3A_1319 : i32 to index
        %get3A_1392 = arith.constant 48 : index
        %get3A_1393 = tpu.vector_load %arg13[%get3A_1390, %get3A_1391, %get3A_1392] {strides = array<i32>} : memref<2x256x64xf32, #tpu.memory_space<vmem>>, vector<1x1x16xf32>,
        %get3A_1394 = vector.shape_cast %get3A_1393 : vector<1x1x16xf32> to vector<16xf32>
        %get3A_1395 = arith.constant 0 : i32
        %get3A_1396 = arith.index_cast %get3A_1395 : i32 to index
        %get3A_1397 = arith.index_cast %add3A_1319 : i32 to index
        %get3A_1398 = arith.constant 48 : index
        %get3A_1399 = tpu.vector_load %arg14[%get3A_1396, %get3A_1397, %get3A_1398] {strides = array<i32>} : memref<2x256x64xf32, #tpu.memory_space<vmem>>, vector<1x1x16xf32>,
        %get3A_1400 = vector.shape_cast %get3A_1399 : vector<1x1x16xf32> to vector<16xf32>
        %add3A_1401 = arith.addf %get3A_1394, %get3A_1400 : vector<16xf32>
        %add3A_1402 = arith.addf %add3A_1401, %get3A_21 : vector<16xf32>
        %mul3A_1403 = arith.mulf %convert_element_type3A_1315, %sub3A_44 : vector<16xf32>
        %add3A_1404 = arith.addf %add3A_1402, %mul3A_1403 : vector<16xf32>
        %swap3A_1405 = arith.constant 0 : i32
        %swap3A_1406 = arith.index_cast %swap3A_1405 : i32 to index
        %swap3A_1407 = arith.index_cast %add3A_1319 : i32 to index
        %swap3A_1408 = arith.constant 48 : index
        %swap3A_1409 = tpu.vector_load %arg13[%swap3A_1406, %swap3A_1407, %swap3A_1408] {strides = array<i32>} : memref<2x256x64xf32, #tpu.memory_space<vmem>>, vector<1x1x16xf32>,
        %swap3A_1410 = vector.shape_cast %swap3A_1409 : vector<1x1x16xf32> to vector<16xf32>
        %swap3A_1411 = vector.shape_cast %add3A_1404 : vector<16xf32> to vector<1x1x16xf32>
        tpu.vector_store %arg13[%swap3A_1406, %swap3A_1407, %swap3A_1408], %swap3A_1411 {strides = array<i32>} : memref<2x256x64xf32, #tpu.memory_space<vmem>>, vector<1x1x16xf32>,
        %broadcast_in_dim3A_1412 = arith.constant 11 : i32
        %broadcast_in_dim3A_1413 = vector.broadcast %broadcast_in_dim3A_1412 : i32 to vector<16x1xi32>
        %gather3A_1414 = vector.shape_cast %broadcast_in_dim3A_1413 : vector<16x1xi32> to vector<16xi32>
        %gather3A_1415 = tpu.dynamic_gather %get3A_303[%gather3A_1414] in [0] : vector<16xi32>, vector<16xi32> -> vector<16xi32>
        %convert_element_type3A_1416 = arith.sitofp %gather3A_1415 : vector<16xi32> to vector<16xf32>
        %mul3A_1417 = arith.constant 16 : i32
        %mul3A_1418 = arith.muli %scan3A_296, %mul3A_1417 : i32
        %add3A_1419 = arith.constant 11 : i32
        %add3A_1420 = arith.addi %mul3A_1418, %add3A_1419 : i32
        %get3A_1421 = arith.constant 0 : i32
        %get3A_1422 = arith.index_cast %get3A_1421 : i32 to index
        %get3A_1423 = arith.index_cast %add3A_1420 : i32 to index
        %get3A_1424 = arith.constant 0 : index
        %get3A_1425 = tpu.vector_load %arg13[%get3A_1422, %get3A_1423, %get3A_1424] {strides = array<i32>} : memref<2x256x64xf32, #tpu.memory_space<vmem>>, vector<1x1x16xf32>,
        %get3A_1426 = vector.shape_cast %get3A_1425 : vector<1x1x16xf32> to vector<16xf32>
        %get3A_1427 = arith.constant 0 : i32
        %get3A_1428 = arith.index_cast %get3A_1427 : i32 to index
        %get3A_1429 = arith.index_cast %add3A_1420 : i32 to index
        %get3A_1430 = arith.constant 0 : index
        %get3A_1431 = tpu.vector_load %arg14[%get3A_1428, %get3A_1429, %get3A_1430] {strides = array<i32>} : memref<2x256x64xf32, #tpu.memory_space<vmem>>, vector<1x1x16xf32>,
        %get3A_1432 = vector.shape_cast %get3A_1431 : vector<1x1x16xf32> to vector<16xf32>
        %add3A_1433 = arith.addf %get3A_1426, %get3A_1432 : vector<16xf32>
        %add3A_1434 = arith.addf %add3A_1433, %get3A_6 : vector<16xf32>
        %mul3A_1435 = arith.mulf %convert_element_type3A_1416, %sub3A : vector<16xf32>
        %add3A_1436 = arith.addf %add3A_1434, %mul3A_1435 : vector<16xf32>
        %swap3A_1437 = arith.constant 0 : i32
        %swap3A_1438 = arith.index_cast %swap3A_1437 : i32 to index
        %swap3A_1439 = arith.index_cast %add3A_1420 : i32 to index
        %swap3A_1440 = arith.constant 0 : index
        %swap3A_1441 = tpu.vector_load %arg13[%swap3A_1438, %swap3A_1439, %swap3A_1440] {strides = array<i32>} : memref<2x256x64xf32, #tpu.memory_space<vmem>>, vector<1x1x16xf32>,
        %swap3A_1442 = vector.shape_cast %swap3A_1441 : vector<1x1x16xf32> to vector<16xf32>
        %swap3A_1443 = vector.shape_cast %add3A_1436 : vector<16xf32> to vector<1x1x16xf32>
        tpu.vector_store %arg13[%swap3A_1438, %swap3A_1439, %swap3A_1440], %swap3A_1443 {strides = array<i32>} : memref<2x256x64xf32, #tpu.memory_space<vmem>>, vector<1x1x16xf32>,
        %get3A_1444 = arith.constant 0 : i32
        %get3A_1445 = arith.index_cast %get3A_1444 : i32 to index
        %get3A_1446 = arith.index_cast %add3A_1420 : i32 to index
        %get3A_1447 = arith.constant 16 : index
        %get3A_1448 = tpu.vector_load %arg13[%get3A_1445, %get3A_1446, %get3A_1447] {strides = array<i32>} : memref<2x256x64xf32, #tpu.memory_space<vmem>>, vector<1x1x16xf32>,
        %get3A_1449 = vector.shape_cast %get3A_1448 : vector<1x1x16xf32> to vector<16xf32>
        %get3A_1450 = arith.constant 0 : i32
        %get3A_1451 = arith.index_cast %get3A_1450 : i32 to index
        %get3A_1452 = arith.index_cast %add3A_1420 : i32 to index
        %get3A_1453 = arith.constant 16 : index
        %get3A_1454 = tpu.vector_load %arg14[%get3A_1451, %get3A_1452, %get3A_1453] {strides = array<i32>} : memref<2x256x64xf32, #tpu.memory_space<vmem>>, vector<1x1x16xf32>,
        %get3A_1455 = vector.shape_cast %get3A_1454 : vector<1x1x16xf32> to vector<16xf32>
        %add3A_1456 = arith.addf %get3A_1449, %get3A_1455 : vector<16xf32>
        %add3A_1457 = arith.addf %add3A_1456, %get3A_11 : vector<16xf32>
        %mul3A_1458 = arith.mulf %convert_element_type3A_1416, %sub3A_42 : vector<16xf32>
        %add3A_1459 = arith.addf %add3A_1457, %mul3A_1458 : vector<16xf32>
        %swap3A_1460 = arith.constant 0 : i32
        %swap3A_1461 = arith.index_cast %swap3A_1460 : i32 to index
        %swap3A_1462 = arith.index_cast %add3A_1420 : i32 to index
        %swap3A_1463 = arith.constant 16 : index
        %swap3A_1464 = tpu.vector_load %arg13[%swap3A_1461, %swap3A_1462, %swap3A_1463] {strides = array<i32>} : memref<2x256x64xf32, #tpu.memory_space<vmem>>, vector<1x1x16xf32>,
        %swap3A_1465 = vector.shape_cast %swap3A_1464 : vector<1x1x16xf32> to vector<16xf32>
        %swap3A_1466 = vector.shape_cast %add3A_1459 : vector<16xf32> to vector<1x1x16xf32>
        tpu.vector_store %arg13[%swap3A_1461, %swap3A_1462, %swap3A_1463], %swap3A_1466 {strides = array<i32>} : memref<2x256x64xf32, #tpu.memory_space<vmem>>, vector<1x1x16xf32>,
        %get3A_1467 = arith.constant 0 : i32
        %get3A_1468 = arith.index_cast %get3A_1467 : i32 to index
        %get3A_1469 = arith.index_cast %add3A_1420 : i32 to index
        %get3A_1470 = arith.constant 32 : index
        %get3A_1471 = tpu.vector_load %arg13[%get3A_1468, %get3A_1469, %get3A_1470] {strides = array<i32>} : memref<2x256x64xf32, #tpu.memory_space<vmem>>, vector<1x1x16xf32>,
        %get3A_1472 = vector.shape_cast %get3A_1471 : vector<1x1x16xf32> to vector<16xf32>
        %get3A_1473 = arith.constant 0 : i32
        %get3A_1474 = arith.index_cast %get3A_1473 : i32 to index
        %get3A_1475 = arith.index_cast %add3A_1420 : i32 to index
        %get3A_1476 = arith.constant 32 : index
        %get3A_1477 = tpu.vector_load %arg14[%get3A_1474, %get3A_1475, %get3A_1476] {strides = array<i32>} : memref<2x256x64xf32, #tpu.memory_space<vmem>>, vector<1x1x16xf32>,
        %get3A_1478 = vector.shape_cast %get3A_1477 : vector<1x1x16xf32> to vector<16xf32>
        %add3A_1479 = arith.addf %get3A_1472, %get3A_1478 : vector<16xf32>
        %add3A_1480 = arith.addf %add3A_1479, %get3A_16 : vector<16xf32>
        %mul3A_1481 = arith.mulf %convert_element_type3A_1416, %sub3A_43 : vector<16xf32>
        %add3A_1482 = arith.addf %add3A_1480, %mul3A_1481 : vector<16xf32>
        %swap3A_1483 = arith.constant 0 : i32
        %swap3A_1484 = arith.index_cast %swap3A_1483 : i32 to index
        %swap3A_1485 = arith.index_cast %add3A_1420 : i32 to index
        %swap3A_1486 = arith.constant 32 : index
        %swap3A_1487 = tpu.vector_load %arg13[%swap3A_1484, %swap3A_1485, %swap3A_1486] {strides = array<i32>} : memref<2x256x64xf32, #tpu.memory_space<vmem>>, vector<1x1x16xf32>,
        %swap3A_1488 = vector.shape_cast %swap3A_1487 : vector<1x1x16xf32> to vector<16xf32>
        %swap3A_1489 = vector.shape_cast %add3A_1482 : vector<16xf32> to vector<1x1x16xf32>
        tpu.vector_store %arg13[%swap3A_1484, %swap3A_1485, %swap3A_1486], %swap3A_1489 {strides = array<i32>} : memref<2x256x64xf32, #tpu.memory_space<vmem>>, vector<1x1x16xf32>,
        %get3A_1490 = arith.constant 0 : i32
        %get3A_1491 = arith.index_cast %get3A_1490 : i32 to index
        %get3A_1492 = arith.index_cast %add3A_1420 : i32 to index
        %get3A_1493 = arith.constant 48 : index
        %get3A_1494 = tpu.vector_load %arg13[%get3A_1491, %get3A_1492, %get3A_1493] {strides = array<i32>} : memref<2x256x64xf32, #tpu.memory_space<vmem>>, vector<1x1x16xf32>,
        %get3A_1495 = vector.shape_cast %get3A_1494 : vector<1x1x16xf32> to vector<16xf32>
        %get3A_1496 = arith.constant 0 : i32
        %get3A_1497 = arith.index_cast %get3A_1496 : i32 to index
        %get3A_1498 = arith.index_cast %add3A_1420 : i32 to index
        %get3A_1499 = arith.constant 48 : index
        %get3A_1500 = tpu.vector_load %arg14[%get3A_1497, %get3A_1498, %get3A_1499] {strides = array<i32>} : memref<2x256x64xf32, #tpu.memory_space<vmem>>, vector<1x1x16xf32>,
        %get3A_1501 = vector.shape_cast %get3A_1500 : vector<1x1x16xf32> to vector<16xf32>
        %add3A_1502 = arith.addf %get3A_1495, %get3A_1501 : vector<16xf32>
        %add3A_1503 = arith.addf %add3A_1502, %get3A_21 : vector<16xf32>
        %mul3A_1504 = arith.mulf %convert_element_type3A_1416, %sub3A_44 : vector<16xf32>
        %add3A_1505 = arith.addf %add3A_1503, %mul3A_1504 : vector<16xf32>
        %swap3A_1506 = arith.constant 0 : i32
        %swap3A_1507 = arith.index_cast %swap3A_1506 : i32 to index
        %swap3A_1508 = arith.index_cast %add3A_1420 : i32 to index
        %swap3A_1509 = arith.constant 48 : index
        %swap3A_1510 = tpu.vector_load %arg13[%swap3A_1507, %swap3A_1508, %swap3A_1509] {strides = array<i32>} : memref<2x256x64xf32, #tpu.memory_space<vmem>>, vector<1x1x16xf32>,
        %swap3A_1511 = vector.shape_cast %swap3A_1510 : vector<1x1x16xf32> to vector<16xf32>
        %swap3A_1512 = vector.shape_cast %add3A_1505 : vector<16xf32> to vector<1x1x16xf32>
        tpu.vector_store %arg13[%swap3A_1507, %swap3A_1508, %swap3A_1509], %swap3A_1512 {strides = array<i32>} : memref<2x256x64xf32, #tpu.memory_space<vmem>>, vector<1x1x16xf32>,
        %broadcast_in_dim3A_1513 = arith.constant 12 : i32
        %broadcast_in_dim3A_1514 = vector.broadcast %broadcast_in_dim3A_1513 : i32 to vector<16x1xi32>
        %gather3A_1515 = vector.shape_cast %broadcast_in_dim3A_1514 : vector<16x1xi32> to vector<16xi32>
        %gather3A_1516 = tpu.dynamic_gather %get3A_303[%gather3A_1515] in [0] : vector<16xi32>, vector<16xi32> -> vector<16xi32>
        %convert_element_type3A_1517 = arith.sitofp %gather3A_1516 : vector<16xi32> to vector<16xf32>
        %mul3A_1518 = arith.constant 16 : i32
        %mul3A_1519 = arith.muli %scan3A_296, %mul3A_1518 : i32
        %add3A_1520 = arith.constant 12 : i32
        %add3A_1521 = arith.addi %mul3A_1519, %add3A_1520 : i32
        %get3A_1522 = arith.constant 0 : i32
        %get3A_1523 = arith.index_cast %get3A_1522 : i32 to index
        %get3A_1524 = arith.index_cast %add3A_1521 : i32 to index
        %get3A_1525 = arith.constant 0 : index
        %get3A_1526 = tpu.vector_load %arg13[%get3A_1523, %get3A_1524, %get3A_1525] {strides = array<i32>} : memref<2x256x64xf32, #tpu.memory_space<vmem>>, vector<1x1x16xf32>,
        %get3A_1527 = vector.shape_cast %get3A_1526 : vector<1x1x16xf32> to vector<16xf32>
        %get3A_1528 = arith.constant 0 : i32
        %get3A_1529 = arith.index_cast %get3A_1528 : i32 to index
        %get3A_1530 = arith.index_cast %add3A_1521 : i32 to index
        %get3A_1531 = arith.constant 0 : index
        %get3A_1532 = tpu.vector_load %arg14[%get3A_1529, %get3A_1530, %get3A_1531] {strides = array<i32>} : memref<2x256x64xf32, #tpu.memory_space<vmem>>, vector<1x1x16xf32>,
        %get3A_1533 = vector.shape_cast %get3A_1532 : vector<1x1x16xf32> to vector<16xf32>
        %add3A_1534 = arith.addf %get3A_1527, %get3A_1533 : vector<16xf32>
        %add3A_1535 = arith.addf %add3A_1534, %get3A_6 : vector<16xf32>
        %mul3A_1536 = arith.mulf %convert_element_type3A_1517, %sub3A : vector<16xf32>
        %add3A_1537 = arith.addf %add3A_1535, %mul3A_1536 : vector<16xf32>
        %swap3A_1538 = arith.constant 0 : i32
        %swap3A_1539 = arith.index_cast %swap3A_1538 : i32 to index
        %swap3A_1540 = arith.index_cast %add3A_1521 : i32 to index
        %swap3A_1541 = arith.constant 0 : index
        %swap3A_1542 = tpu.vector_load %arg13[%swap3A_1539, %swap3A_1540, %swap3A_1541] {strides = array<i32>} : memref<2x256x64xf32, #tpu.memory_space<vmem>>, vector<1x1x16xf32>,
        %swap3A_1543 = vector.shape_cast %swap3A_1542 : vector<1x1x16xf32> to vector<16xf32>
        %swap3A_1544 = vector.shape_cast %add3A_1537 : vector<16xf32> to vector<1x1x16xf32>
        tpu.vector_store %arg13[%swap3A_1539, %swap3A_1540, %swap3A_1541], %swap3A_1544 {strides = array<i32>} : memref<2x256x64xf32, #tpu.memory_space<vmem>>, vector<1x1x16xf32>,
        %get3A_1545 = arith.constant 0 : i32
        %get3A_1546 = arith.index_cast %get3A_1545 : i32 to index
        %get3A_1547 = arith.index_cast %add3A_1521 : i32 to index
        %get3A_1548 = arith.constant 16 : index
        %get3A_1549 = tpu.vector_load %arg13[%get3A_1546, %get3A_1547, %get3A_1548] {strides = array<i32>} : memref<2x256x64xf32, #tpu.memory_space<vmem>>, vector<1x1x16xf32>,
        %get3A_1550 = vector.shape_cast %get3A_1549 : vector<1x1x16xf32> to vector<16xf32>
        %get3A_1551 = arith.constant 0 : i32
        %get3A_1552 = arith.index_cast %get3A_1551 : i32 to index
        %get3A_1553 = arith.index_cast %add3A_1521 : i32 to index
        %get3A_1554 = arith.constant 16 : index
        %get3A_1555 = tpu.vector_load %arg14[%get3A_1552, %get3A_1553, %get3A_1554] {strides = array<i32>} : memref<2x256x64xf32, #tpu.memory_space<vmem>>, vector<1x1x16xf32>,
        %get3A_1556 = vector.shape_cast %get3A_1555 : vector<1x1x16xf32> to vector<16xf32>
        %add3A_1557 = arith.addf %get3A_1550, %get3A_1556 : vector<16xf32>
        %add3A_1558 = arith.addf %add3A_1557, %get3A_11 : vector<16xf32>
        %mul3A_1559 = arith.mulf %convert_element_type3A_1517, %sub3A_42 : vector<16xf32>
        %add3A_1560 = arith.addf %add3A_1558, %mul3A_1559 : vector<16xf32>
        %swap3A_1561 = arith.constant 0 : i32
        %swap3A_1562 = arith.index_cast %swap3A_1561 : i32 to index
        %swap3A_1563 = arith.index_cast %add3A_1521 : i32 to index
        %swap3A_1564 = arith.constant 16 : index
        %swap3A_1565 = tpu.vector_load %arg13[%swap3A_1562, %swap3A_1563, %swap3A_1564] {strides = array<i32>} : memref<2x256x64xf32, #tpu.memory_space<vmem>>, vector<1x1x16xf32>,
        %swap3A_1566 = vector.shape_cast %swap3A_1565 : vector<1x1x16xf32> to vector<16xf32>
        %swap3A_1567 = vector.shape_cast %add3A_1560 : vector<16xf32> to vector<1x1x16xf32>
        tpu.vector_store %arg13[%swap3A_1562, %swap3A_1563, %swap3A_1564], %swap3A_1567 {strides = array<i32>} : memref<2x256x64xf32, #tpu.memory_space<vmem>>, vector<1x1x16xf32>,
        %get3A_1568 = arith.constant 0 : i32
        %get3A_1569 = arith.index_cast %get3A_1568 : i32 to index
        %get3A_1570 = arith.index_cast %add3A_1521 : i32 to index
        %get3A_1571 = arith.constant 32 : index
        %get3A_1572 = tpu.vector_load %arg13[%get3A_1569, %get3A_1570, %get3A_1571] {strides = array<i32>} : memref<2x256x64xf32, #tpu.memory_space<vmem>>, vector<1x1x16xf32>,
        %get3A_1573 = vector.shape_cast %get3A_1572 : vector<1x1x16xf32> to vector<16xf32>
        %get3A_1574 = arith.constant 0 : i32
        %get3A_1575 = arith.index_cast %get3A_1574 : i32 to index
        %get3A_1576 = arith.index_cast %add3A_1521 : i32 to index
        %get3A_1577 = arith.constant 32 : index
        %get3A_1578 = tpu.vector_load %arg14[%get3A_1575, %get3A_1576, %get3A_1577] {strides = array<i32>} : memref<2x256x64xf32, #tpu.memory_space<vmem>>, vector<1x1x16xf32>,
        %get3A_1579 = vector.shape_cast %get3A_1578 : vector<1x1x16xf32> to vector<16xf32>
        %add3A_1580 = arith.addf %get3A_1573, %get3A_1579 : vector<16xf32>
        %add3A_1581 = arith.addf %add3A_1580, %get3A_16 : vector<16xf32>
        %mul3A_1582 = arith.mulf %convert_element_type3A_1517, %sub3A_43 : vector<16xf32>
        %add3A_1583 = arith.addf %add3A_1581, %mul3A_1582 : vector<16xf32>
        %swap3A_1584 = arith.constant 0 : i32
        %swap3A_1585 = arith.index_cast %swap3A_1584 : i32 to index
        %swap3A_1586 = arith.index_cast %add3A_1521 : i32 to index
        %swap3A_1587 = arith.constant 32 : index
        %swap3A_1588 = tpu.vector_load %arg13[%swap3A_1585, %swap3A_1586, %swap3A_1587] {strides = array<i32>} : memref<2x256x64xf32, #tpu.memory_space<vmem>>, vector<1x1x16xf32>,
        %swap3A_1589 = vector.shape_cast %swap3A_1588 : vector<1x1x16xf32> to vector<16xf32>
        %swap3A_1590 = vector.shape_cast %add3A_1583 : vector<16xf32> to vector<1x1x16xf32>
        tpu.vector_store %arg13[%swap3A_1585, %swap3A_1586, %swap3A_1587], %swap3A_1590 {strides = array<i32>} : memref<2x256x64xf32, #tpu.memory_space<vmem>>, vector<1x1x16xf32>,
        %get3A_1591 = arith.constant 0 : i32
        %get3A_1592 = arith.index_cast %get3A_1591 : i32 to index
        %get3A_1593 = arith.index_cast %add3A_1521 : i32 to index
        %get3A_1594 = arith.constant 48 : index
        %get3A_1595 = tpu.vector_load %arg13[%get3A_1592, %get3A_1593, %get3A_1594] {strides = array<i32>} : memref<2x256x64xf32, #tpu.memory_space<vmem>>, vector<1x1x16xf32>,
        %get3A_1596 = vector.shape_cast %get3A_1595 : vector<1x1x16xf32> to vector<16xf32>
        %get3A_1597 = arith.constant 0 : i32
        %get3A_1598 = arith.index_cast %get3A_1597 : i32 to index
        %get3A_1599 = arith.index_cast %add3A_1521 : i32 to index
        %get3A_1600 = arith.constant 48 : index
        %get3A_1601 = tpu.vector_load %arg14[%get3A_1598, %get3A_1599, %get3A_1600] {strides = array<i32>} : memref<2x256x64xf32, #tpu.memory_space<vmem>>, vector<1x1x16xf32>,
        %get3A_1602 = vector.shape_cast %get3A_1601 : vector<1x1x16xf32> to vector<16xf32>
        %add3A_1603 = arith.addf %get3A_1596, %get3A_1602 : vector<16xf32>
        %add3A_1604 = arith.addf %add3A_1603, %get3A_21 : vector<16xf32>
        %mul3A_1605 = arith.mulf %convert_element_type3A_1517, %sub3A_44 : vector<16xf32>
        %add3A_1606 = arith.addf %add3A_1604, %mul3A_1605 : vector<16xf32>
        %swap3A_1607 = arith.constant 0 : i32
        %swap3A_1608 = arith.index_cast %swap3A_1607 : i32 to index
        %swap3A_1609 = arith.index_cast %add3A_1521 : i32 to index
        %swap3A_1610 = arith.constant 48 : index
        %swap3A_1611 = tpu.vector_load %arg13[%swap3A_1608, %swap3A_1609, %swap3A_1610] {strides = array<i32>} : memref<2x256x64xf32, #tpu.memory_space<vmem>>, vector<1x1x16xf32>,
        %swap3A_1612 = vector.shape_cast %swap3A_1611 : vector<1x1x16xf32> to vector<16xf32>
        %swap3A_1613 = vector.shape_cast %add3A_1606 : vector<16xf32> to vector<1x1x16xf32>
        tpu.vector_store %arg13[%swap3A_1608, %swap3A_1609, %swap3A_1610], %swap3A_1613 {strides = array<i32>} : memref<2x256x64xf32, #tpu.memory_space<vmem>>, vector<1x1x16xf32>,
        %broadcast_in_dim3A_1614 = arith.constant 13 : i32
        %broadcast_in_dim3A_1615 = vector.broadcast %broadcast_in_dim3A_1614 : i32 to vector<16x1xi32>
        %gather3A_1616 = vector.shape_cast %broadcast_in_dim3A_1615 : vector<16x1xi32> to vector<16xi32>
        %gather3A_1617 = tpu.dynamic_gather %get3A_303[%gather3A_1616] in [0] : vector<16xi32>, vector<16xi32> -> vector<16xi32>
        %convert_element_type3A_1618 = arith.sitofp %gather3A_1617 : vector<16xi32> to vector<16xf32>
        %mul3A_1619 = arith.constant 16 : i32
        %mul3A_1620 = arith.muli %scan3A_296, %mul3A_1619 : i32
        %add3A_1621 = arith.constant 13 : i32
        %add3A_1622 = arith.addi %mul3A_1620, %add3A_1621 : i32
        %get3A_1623 = arith.constant 0 : i32
        %get3A_1624 = arith.index_cast %get3A_1623 : i32 to index
        %get3A_1625 = arith.index_cast %add3A_1622 : i32 to index
        %get3A_1626 = arith.constant 0 : index
        %get3A_1627 = tpu.vector_load %arg13[%get3A_1624, %get3A_1625, %get3A_1626] {strides = array<i32>} : memref<2x256x64xf32, #tpu.memory_space<vmem>>, vector<1x1x16xf32>,
        %get3A_1628 = vector.shape_cast %get3A_1627 : vector<1x1x16xf32> to vector<16xf32>
        %get3A_1629 = arith.constant 0 : i32
        %get3A_1630 = arith.index_cast %get3A_1629 : i32 to index
        %get3A_1631 = arith.index_cast %add3A_1622 : i32 to index
        %get3A_1632 = arith.constant 0 : index
        %get3A_1633 = tpu.vector_load %arg14[%get3A_1630, %get3A_1631, %get3A_1632] {strides = array<i32>} : memref<2x256x64xf32, #tpu.memory_space<vmem>>, vector<1x1x16xf32>,
        %get3A_1634 = vector.shape_cast %get3A_1633 : vector<1x1x16xf32> to vector<16xf32>
        %add3A_1635 = arith.addf %get3A_1628, %get3A_1634 : vector<16xf32>
        %add3A_1636 = arith.addf %add3A_1635, %get3A_6 : vector<16xf32>
        %mul3A_1637 = arith.mulf %convert_element_type3A_1618, %sub3A : vector<16xf32>
        %add3A_1638 = arith.addf %add3A_1636, %mul3A_1637 : vector<16xf32>
        %swap3A_1639 = arith.constant 0 : i32
        %swap3A_1640 = arith.index_cast %swap3A_1639 : i32 to index
        %swap3A_1641 = arith.index_cast %add3A_1622 : i32 to index
        %swap3A_1642 = arith.constant 0 : index
        %swap3A_1643 = tpu.vector_load %arg13[%swap3A_1640, %swap3A_1641, %swap3A_1642] {strides = array<i32>} : memref<2x256x64xf32, #tpu.memory_space<vmem>>, vector<1x1x16xf32>,
        %swap3A_1644 = vector.shape_cast %swap3A_1643 : vector<1x1x16xf32> to vector<16xf32>
        %swap3A_1645 = vector.shape_cast %add3A_1638 : vector<16xf32> to vector<1x1x16xf32>
        tpu.vector_store %arg13[%swap3A_1640, %swap3A_1641, %swap3A_1642], %swap3A_1645 {strides = array<i32>} : memref<2x256x64xf32, #tpu.memory_space<vmem>>, vector<1x1x16xf32>,
        %get3A_1646 = arith.constant 0 : i32
        %get3A_1647 = arith.index_cast %get3A_1646 : i32 to index
        %get3A_1648 = arith.index_cast %add3A_1622 : i32 to index
        %get3A_1649 = arith.constant 16 : index
        %get3A_1650 = tpu.vector_load %arg13[%get3A_1647, %get3A_1648, %get3A_1649] {strides = array<i32>} : memref<2x256x64xf32, #tpu.memory_space<vmem>>, vector<1x1x16xf32>,
        %get3A_1651 = vector.shape_cast %get3A_1650 : vector<1x1x16xf32> to vector<16xf32>
        %get3A_1652 = arith.constant 0 : i32
        %get3A_1653 = arith.index_cast %get3A_1652 : i32 to index
        %get3A_1654 = arith.index_cast %add3A_1622 : i32 to index
        %get3A_1655 = arith.constant 16 : index
        %get3A_1656 = tpu.vector_load %arg14[%get3A_1653, %get3A_1654, %get3A_1655] {strides = array<i32>} : memref<2x256x64xf32, #tpu.memory_space<vmem>>, vector<1x1x16xf32>,
        %get3A_1657 = vector.shape_cast %get3A_1656 : vector<1x1x16xf32> to vector<16xf32>
        %add3A_1658 = arith.addf %get3A_1651, %get3A_1657 : vector<16xf32>
        %add3A_1659 = arith.addf %add3A_1658, %get3A_11 : vector<16xf32>
        %mul3A_1660 = arith.mulf %convert_element_type3A_1618, %sub3A_42 : vector<16xf32>
        %add3A_1661 = arith.addf %add3A_1659, %mul3A_1660 : vector<16xf32>
        %swap3A_1662 = arith.constant 0 : i32
        %swap3A_1663 = arith.index_cast %swap3A_1662 : i32 to index
        %swap3A_1664 = arith.index_cast %add3A_1622 : i32 to index
        %swap3A_1665 = arith.constant 16 : index
        %swap3A_1666 = tpu.vector_load %arg13[%swap3A_1663, %swap3A_1664, %swap3A_1665] {strides = array<i32>} : memref<2x256x64xf32, #tpu.memory_space<vmem>>, vector<1x1x16xf32>,
        %swap3A_1667 = vector.shape_cast %swap3A_1666 : vector<1x1x16xf32> to vector<16xf32>
        %swap3A_1668 = vector.shape_cast %add3A_1661 : vector<16xf32> to vector<1x1x16xf32>
        tpu.vector_store %arg13[%swap3A_1663, %swap3A_1664, %swap3A_1665], %swap3A_1668 {strides = array<i32>} : memref<2x256x64xf32, #tpu.memory_space<vmem>>, vector<1x1x16xf32>,
        %get3A_1669 = arith.constant 0 : i32
        %get3A_1670 = arith.index_cast %get3A_1669 : i32 to index
        %get3A_1671 = arith.index_cast %add3A_1622 : i32 to index
        %get3A_1672 = arith.constant 32 : index
        %get3A_1673 = tpu.vector_load %arg13[%get3A_1670, %get3A_1671, %get3A_1672] {strides = array<i32>} : memref<2x256x64xf32, #tpu.memory_space<vmem>>, vector<1x1x16xf32>,
        %get3A_1674 = vector.shape_cast %get3A_1673 : vector<1x1x16xf32> to vector<16xf32>
        %get3A_1675 = arith.constant 0 : i32
        %get3A_1676 = arith.index_cast %get3A_1675 : i32 to index
        %get3A_1677 = arith.index_cast %add3A_1622 : i32 to index
        %get3A_1678 = arith.constant 32 : index
        %get3A_1679 = tpu.vector_load %arg14[%get3A_1676, %get3A_1677, %get3A_1678] {strides = array<i32>} : memref<2x256x64xf32, #tpu.memory_space<vmem>>, vector<1x1x16xf32>,
        %get3A_1680 = vector.shape_cast %get3A_1679 : vector<1x1x16xf32> to vector<16xf32>
        %add3A_1681 = arith.addf %get3A_1674, %get3A_1680 : vector<16xf32>
        %add3A_1682 = arith.addf %add3A_1681, %get3A_16 : vector<16xf32>
        %mul3A_1683 = arith.mulf %convert_element_type3A_1618, %sub3A_43 : vector<16xf32>
        %add3A_1684 = arith.addf %add3A_1682, %mul3A_1683 : vector<16xf32>
        %swap3A_1685 = arith.constant 0 : i32
        %swap3A_1686 = arith.index_cast %swap3A_1685 : i32 to index
        %swap3A_1687 = arith.index_cast %add3A_1622 : i32 to index
        %swap3A_1688 = arith.constant 32 : index
        %swap3A_1689 = tpu.vector_load %arg13[%swap3A_1686, %swap3A_1687, %swap3A_1688] {strides = array<i32>} : memref<2x256x64xf32, #tpu.memory_space<vmem>>, vector<1x1x16xf32>,
        %swap3A_1690 = vector.shape_cast %swap3A_1689 : vector<1x1x16xf32> to vector<16xf32>
        %swap3A_1691 = vector.shape_cast %add3A_1684 : vector<16xf32> to vector<1x1x16xf32>
        tpu.vector_store %arg13[%swap3A_1686, %swap3A_1687, %swap3A_1688], %swap3A_1691 {strides = array<i32>} : memref<2x256x64xf32, #tpu.memory_space<vmem>>, vector<1x1x16xf32>,
        %get3A_1692 = arith.constant 0 : i32
        %get3A_1693 = arith.index_cast %get3A_1692 : i32 to index
        %get3A_1694 = arith.index_cast %add3A_1622 : i32 to index
        %get3A_1695 = arith.constant 48 : index
        %get3A_1696 = tpu.vector_load %arg13[%get3A_1693, %get3A_1694, %get3A_1695] {strides = array<i32>} : memref<2x256x64xf32, #tpu.memory_space<vmem>>, vector<1x1x16xf32>,
        %get3A_1697 = vector.shape_cast %get3A_1696 : vector<1x1x16xf32> to vector<16xf32>
        %get3A_1698 = arith.constant 0 : i32
        %get3A_1699 = arith.index_cast %get3A_1698 : i32 to index
        %get3A_1700 = arith.index_cast %add3A_1622 : i32 to index
        %get3A_1701 = arith.constant 48 : index
        %get3A_1702 = tpu.vector_load %arg14[%get3A_1699, %get3A_1700, %get3A_1701] {strides = array<i32>} : memref<2x256x64xf32, #tpu.memory_space<vmem>>, vector<1x1x16xf32>,
        %get3A_1703 = vector.shape_cast %get3A_1702 : vector<1x1x16xf32> to vector<16xf32>
        %add3A_1704 = arith.addf %get3A_1697, %get3A_1703 : vector<16xf32>
        %add3A_1705 = arith.addf %add3A_1704, %get3A_21 : vector<16xf32>
        %mul3A_1706 = arith.mulf %convert_element_type3A_1618, %sub3A_44 : vector<16xf32>
        %add3A_1707 = arith.addf %add3A_1705, %mul3A_1706 : vector<16xf32>
        %swap3A_1708 = arith.constant 0 : i32
        %swap3A_1709 = arith.index_cast %swap3A_1708 : i32 to index
        %swap3A_1710 = arith.index_cast %add3A_1622 : i32 to index
        %swap3A_1711 = arith.constant 48 : index
        %swap3A_1712 = tpu.vector_load %arg13[%swap3A_1709, %swap3A_1710, %swap3A_1711] {strides = array<i32>} : memref<2x256x64xf32, #tpu.memory_space<vmem>>, vector<1x1x16xf32>,
        %swap3A_1713 = vector.shape_cast %swap3A_1712 : vector<1x1x16xf32> to vector<16xf32>
        %swap3A_1714 = vector.shape_cast %add3A_1707 : vector<16xf32> to vector<1x1x16xf32>
        tpu.vector_store %arg13[%swap3A_1709, %swap3A_1710, %swap3A_1711], %swap3A_1714 {strides = array<i32>} : memref<2x256x64xf32, #tpu.memory_space<vmem>>, vector<1x1x16xf32>,
        %broadcast_in_dim3A_1715 = arith.constant 14 : i32
        %broadcast_in_dim3A_1716 = vector.broadcast %broadcast_in_dim3A_1715 : i32 to vector<16x1xi32>
        %gather3A_1717 = vector.shape_cast %broadcast_in_dim3A_1716 : vector<16x1xi32> to vector<16xi32>
        %gather3A_1718 = tpu.dynamic_gather %get3A_303[%gather3A_1717] in [0] : vector<16xi32>, vector<16xi32> -> vector<16xi32>
        %convert_element_type3A_1719 = arith.sitofp %gather3A_1718 : vector<16xi32> to vector<16xf32>
        %mul3A_1720 = arith.constant 16 : i32
        %mul3A_1721 = arith.muli %scan3A_296, %mul3A_1720 : i32
        %add3A_1722 = arith.constant 14 : i32
        %add3A_1723 = arith.addi %mul3A_1721, %add3A_1722 : i32
        %get3A_1724 = arith.constant 0 : i32
        %get3A_1725 = arith.index_cast %get3A_1724 : i32 to index
        %get3A_1726 = arith.index_cast %add3A_1723 : i32 to index
        %get3A_1727 = arith.constant 0 : index
        %get3A_1728 = tpu.vector_load %arg13[%get3A_1725, %get3A_1726, %get3A_1727] {strides = array<i32>} : memref<2x256x64xf32, #tpu.memory_space<vmem>>, vector<1x1x16xf32>,
        %get3A_1729 = vector.shape_cast %get3A_1728 : vector<1x1x16xf32> to vector<16xf32>
        %get3A_1730 = arith.constant 0 : i32
        %get3A_1731 = arith.index_cast %get3A_1730 : i32 to index
        %get3A_1732 = arith.index_cast %add3A_1723 : i32 to index
        %get3A_1733 = arith.constant 0 : index
        %get3A_1734 = tpu.vector_load %arg14[%get3A_1731, %get3A_1732, %get3A_1733] {strides = array<i32>} : memref<2x256x64xf32, #tpu.memory_space<vmem>>, vector<1x1x16xf32>,
        %get3A_1735 = vector.shape_cast %get3A_1734 : vector<1x1x16xf32> to vector<16xf32>
        %add3A_1736 = arith.addf %get3A_1729, %get3A_1735 : vector<16xf32>
        %add3A_1737 = arith.addf %add3A_1736, %get3A_6 : vector<16xf32>
        %mul3A_1738 = arith.mulf %convert_element_type3A_1719, %sub3A : vector<16xf32>
        %add3A_1739 = arith.addf %add3A_1737, %mul3A_1738 : vector<16xf32>
        %swap3A_1740 = arith.constant 0 : i32
        %swap3A_1741 = arith.index_cast %swap3A_1740 : i32 to index
        %swap3A_1742 = arith.index_cast %add3A_1723 : i32 to index
        %swap3A_1743 = arith.constant 0 : index
        %swap3A_1744 = tpu.vector_load %arg13[%swap3A_1741, %swap3A_1742, %swap3A_1743] {strides = array<i32>} : memref<2x256x64xf32, #tpu.memory_space<vmem>>, vector<1x1x16xf32>,
        %swap3A_1745 = vector.shape_cast %swap3A_1744 : vector<1x1x16xf32> to vector<16xf32>
        %swap3A_1746 = vector.shape_cast %add3A_1739 : vector<16xf32> to vector<1x1x16xf32>
        tpu.vector_store %arg13[%swap3A_1741, %swap3A_1742, %swap3A_1743], %swap3A_1746 {strides = array<i32>} : memref<2x256x64xf32, #tpu.memory_space<vmem>>, vector<1x1x16xf32>,
        %get3A_1747 = arith.constant 0 : i32
        %get3A_1748 = arith.index_cast %get3A_1747 : i32 to index
        %get3A_1749 = arith.index_cast %add3A_1723 : i32 to index
        %get3A_1750 = arith.constant 16 : index
        %get3A_1751 = tpu.vector_load %arg13[%get3A_1748, %get3A_1749, %get3A_1750] {strides = array<i32>} : memref<2x256x64xf32, #tpu.memory_space<vmem>>, vector<1x1x16xf32>,
        %get3A_1752 = vector.shape_cast %get3A_1751 : vector<1x1x16xf32> to vector<16xf32>
        %get3A_1753 = arith.constant 0 : i32
        %get3A_1754 = arith.index_cast %get3A_1753 : i32 to index
        %get3A_1755 = arith.index_cast %add3A_1723 : i32 to index
        %get3A_1756 = arith.constant 16 : index
        %get3A_1757 = tpu.vector_load %arg14[%get3A_1754, %get3A_1755, %get3A_1756] {strides = array<i32>} : memref<2x256x64xf32, #tpu.memory_space<vmem>>, vector<1x1x16xf32>,
        %get3A_1758 = vector.shape_cast %get3A_1757 : vector<1x1x16xf32> to vector<16xf32>
        %add3A_1759 = arith.addf %get3A_1752, %get3A_1758 : vector<16xf32>
        %add3A_1760 = arith.addf %add3A_1759, %get3A_11 : vector<16xf32>
        %mul3A_1761 = arith.mulf %convert_element_type3A_1719, %sub3A_42 : vector<16xf32>
        %add3A_1762 = arith.addf %add3A_1760, %mul3A_1761 : vector<16xf32>
        %swap3A_1763 = arith.constant 0 : i32
        %swap3A_1764 = arith.index_cast %swap3A_1763 : i32 to index
        %swap3A_1765 = arith.index_cast %add3A_1723 : i32 to index
        %swap3A_1766 = arith.constant 16 : index
        %swap3A_1767 = tpu.vector_load %arg13[%swap3A_1764, %swap3A_1765, %swap3A_1766] {strides = array<i32>} : memref<2x256x64xf32, #tpu.memory_space<vmem>>, vector<1x1x16xf32>,
        %swap3A_1768 = vector.shape_cast %swap3A_1767 : vector<1x1x16xf32> to vector<16xf32>
        %swap3A_1769 = vector.shape_cast %add3A_1762 : vector<16xf32> to vector<1x1x16xf32>
        tpu.vector_store %arg13[%swap3A_1764, %swap3A_1765, %swap3A_1766], %swap3A_1769 {strides = array<i32>} : memref<2x256x64xf32, #tpu.memory_space<vmem>>, vector<1x1x16xf32>,
        %get3A_1770 = arith.constant 0 : i32
        %get3A_1771 = arith.index_cast %get3A_1770 : i32 to index
        %get3A_1772 = arith.index_cast %add3A_1723 : i32 to index
        %get3A_1773 = arith.constant 32 : index
        %get3A_1774 = tpu.vector_load %arg13[%get3A_1771, %get3A_1772, %get3A_1773] {strides = array<i32>} : memref<2x256x64xf32, #tpu.memory_space<vmem>>, vector<1x1x16xf32>,
        %get3A_1775 = vector.shape_cast %get3A_1774 : vector<1x1x16xf32> to vector<16xf32>
        %get3A_1776 = arith.constant 0 : i32
        %get3A_1777 = arith.index_cast %get3A_1776 : i32 to index
        %get3A_1778 = arith.index_cast %add3A_1723 : i32 to index
        %get3A_1779 = arith.constant 32 : index
        %get3A_1780 = tpu.vector_load %arg14[%get3A_1777, %get3A_1778, %get3A_1779] {strides = array<i32>} : memref<2x256x64xf32, #tpu.memory_space<vmem>>, vector<1x1x16xf32>,
        %get3A_1781 = vector.shape_cast %get3A_1780 : vector<1x1x16xf32> to vector<16xf32>
        %add3A_1782 = arith.addf %get3A_1775, %get3A_1781 : vector<16xf32>
        %add3A_1783 = arith.addf %add3A_1782, %get3A_16 : vector<16xf32>
        %mul3A_1784 = arith.mulf %convert_element_type3A_1719, %sub3A_43 : vector<16xf32>
        %add3A_1785 = arith.addf %add3A_1783, %mul3A_1784 : vector<16xf32>
        %swap3A_1786 = arith.constant 0 : i32
        %swap3A_1787 = arith.index_cast %swap3A_1786 : i32 to index
        %swap3A_1788 = arith.index_cast %add3A_1723 : i32 to index
        %swap3A_1789 = arith.constant 32 : index
        %swap3A_1790 = tpu.vector_load %arg13[%swap3A_1787, %swap3A_1788, %swap3A_1789] {strides = array<i32>} : memref<2x256x64xf32, #tpu.memory_space<vmem>>, vector<1x1x16xf32>,
        %swap3A_1791 = vector.shape_cast %swap3A_1790 : vector<1x1x16xf32> to vector<16xf32>
        %swap3A_1792 = vector.shape_cast %add3A_1785 : vector<16xf32> to vector<1x1x16xf32>
        tpu.vector_store %arg13[%swap3A_1787, %swap3A_1788, %swap3A_1789], %swap3A_1792 {strides = array<i32>} : memref<2x256x64xf32, #tpu.memory_space<vmem>>, vector<1x1x16xf32>,
        %get3A_1793 = arith.constant 0 : i32
        %get3A_1794 = arith.index_cast %get3A_1793 : i32 to index
        %get3A_1795 = arith.index_cast %add3A_1723 : i32 to index
        %get3A_1796 = arith.constant 48 : index
        %get3A_1797 = tpu.vector_load %arg13[%get3A_1794, %get3A_1795, %get3A_1796] {strides = array<i32>} : memref<2x256x64xf32, #tpu.memory_space<vmem>>, vector<1x1x16xf32>,
        %get3A_1798 = vector.shape_cast %get3A_1797 : vector<1x1x16xf32> to vector<16xf32>
        %get3A_1799 = arith.constant 0 : i32
        %get3A_1800 = arith.index_cast %get3A_1799 : i32 to index
        %get3A_1801 = arith.index_cast %add3A_1723 : i32 to index
        %get3A_1802 = arith.constant 48 : index
        %get3A_1803 = tpu.vector_load %arg14[%get3A_1800, %get3A_1801, %get3A_1802] {strides = array<i32>} : memref<2x256x64xf32, #tpu.memory_space<vmem>>, vector<1x1x16xf32>,
        %get3A_1804 = vector.shape_cast %get3A_1803 : vector<1x1x16xf32> to vector<16xf32>
        %add3A_1805 = arith.addf %get3A_1798, %get3A_1804 : vector<16xf32>
        %add3A_1806 = arith.addf %add3A_1805, %get3A_21 : vector<16xf32>
        %mul3A_1807 = arith.mulf %convert_element_type3A_1719, %sub3A_44 : vector<16xf32>
        %add3A_1808 = arith.addf %add3A_1806, %mul3A_1807 : vector<16xf32>
        %swap3A_1809 = arith.constant 0 : i32
        %swap3A_1810 = arith.index_cast %swap3A_1809 : i32 to index
        %swap3A_1811 = arith.index_cast %add3A_1723 : i32 to index
        %swap3A_1812 = arith.constant 48 : index
        %swap3A_1813 = tpu.vector_load %arg13[%swap3A_1810, %swap3A_1811, %swap3A_1812] {strides = array<i32>} : memref<2x256x64xf32, #tpu.memory_space<vmem>>, vector<1x1x16xf32>,
        %swap3A_1814 = vector.shape_cast %swap3A_1813 : vector<1x1x16xf32> to vector<16xf32>
        %swap3A_1815 = vector.shape_cast %add3A_1808 : vector<16xf32> to vector<1x1x16xf32>
        tpu.vector_store %arg13[%swap3A_1810, %swap3A_1811, %swap3A_1812], %swap3A_1815 {strides = array<i32>} : memref<2x256x64xf32, #tpu.memory_space<vmem>>, vector<1x1x16xf32>,
        %broadcast_in_dim3A_1816 = arith.constant 15 : i32
        %broadcast_in_dim3A_1817 = vector.broadcast %broadcast_in_dim3A_1816 : i32 to vector<16x1xi32>
        %gather3A_1818 = vector.shape_cast %broadcast_in_dim3A_1817 : vector<16x1xi32> to vector<16xi32>
        %gather3A_1819 = tpu.dynamic_gather %get3A_303[%gather3A_1818] in [0] : vector<16xi32>, vector<16xi32> -> vector<16xi32>
        %convert_element_type3A_1820 = arith.sitofp %gather3A_1819 : vector<16xi32> to vector<16xf32>
        %mul3A_1821 = arith.constant 16 : i32
        %mul3A_1822 = arith.muli %scan3A_296, %mul3A_1821 : i32
        %add3A_1823 = arith.constant 15 : i32
        %add3A_1824 = arith.addi %mul3A_1822, %add3A_1823 : i32
        %get3A_1825 = arith.constant 0 : i32
        %get3A_1826 = arith.index_cast %get3A_1825 : i32 to index
        %get3A_1827 = arith.index_cast %add3A_1824 : i32 to index
        %get3A_1828 = arith.constant 0 : index
        %get3A_1829 = tpu.vector_load %arg13[%get3A_1826, %get3A_1827, %get3A_1828] {strides = array<i32>} : memref<2x256x64xf32, #tpu.memory_space<vmem>>, vector<1x1x16xf32>,
        %get3A_1830 = vector.shape_cast %get3A_1829 : vector<1x1x16xf32> to vector<16xf32>
        %get3A_1831 = arith.constant 0 : i32
        %get3A_1832 = arith.index_cast %get3A_1831 : i32 to index
        %get3A_1833 = arith.index_cast %add3A_1824 : i32 to index
        %get3A_1834 = arith.constant 0 : index
        %get3A_1835 = tpu.vector_load %arg14[%get3A_1832, %get3A_1833, %get3A_1834] {strides = array<i32>} : memref<2x256x64xf32, #tpu.memory_space<vmem>>, vector<1x1x16xf32>,
        %get3A_1836 = vector.shape_cast %get3A_1835 : vector<1x1x16xf32> to vector<16xf32>
        %add3A_1837 = arith.addf %get3A_1830, %get3A_1836 : vector<16xf32>
        %add3A_1838 = arith.addf %add3A_1837, %get3A_6 : vector<16xf32>
        %mul3A_1839 = arith.mulf %convert_element_type3A_1820, %sub3A : vector<16xf32>
        %add3A_1840 = arith.addf %add3A_1838, %mul3A_1839 : vector<16xf32>
        %swap3A_1841 = arith.constant 0 : i32
        %swap3A_1842 = arith.index_cast %swap3A_1841 : i32 to index
        %swap3A_1843 = arith.index_cast %add3A_1824 : i32 to index
        %swap3A_1844 = arith.constant 0 : index
        %swap3A_1845 = tpu.vector_load %arg13[%swap3A_1842, %swap3A_1843, %swap3A_1844] {strides = array<i32>} : memref<2x256x64xf32, #tpu.memory_space<vmem>>, vector<1x1x16xf32>,
        %swap3A_1846 = vector.shape_cast %swap3A_1845 : vector<1x1x16xf32> to vector<16xf32>
        %swap3A_1847 = vector.shape_cast %add3A_1840 : vector<16xf32> to vector<1x1x16xf32>
        tpu.vector_store %arg13[%swap3A_1842, %swap3A_1843, %swap3A_1844], %swap3A_1847 {strides = array<i32>} : memref<2x256x64xf32, #tpu.memory_space<vmem>>, vector<1x1x16xf32>,
        %get3A_1848 = arith.constant 0 : i32
        %get3A_1849 = arith.index_cast %get3A_1848 : i32 to index
        %get3A_1850 = arith.index_cast %add3A_1824 : i32 to index
        %get3A_1851 = arith.constant 16 : index
        %get3A_1852 = tpu.vector_load %arg13[%get3A_1849, %get3A_1850, %get3A_1851] {strides = array<i32>} : memref<2x256x64xf32, #tpu.memory_space<vmem>>, vector<1x1x16xf32>,
        %get3A_1853 = vector.shape_cast %get3A_1852 : vector<1x1x16xf32> to vector<16xf32>
        %get3A_1854 = arith.constant 0 : i32
        %get3A_1855 = arith.index_cast %get3A_1854 : i32 to index
        %get3A_1856 = arith.index_cast %add3A_1824 : i32 to index
        %get3A_1857 = arith.constant 16 : index
        %get3A_1858 = tpu.vector_load %arg14[%get3A_1855, %get3A_1856, %get3A_1857] {strides = array<i32>} : memref<2x256x64xf32, #tpu.memory_space<vmem>>, vector<1x1x16xf32>,
        %get3A_1859 = vector.shape_cast %get3A_1858 : vector<1x1x16xf32> to vector<16xf32>
        %add3A_1860 = arith.addf %get3A_1853, %get3A_1859 : vector<16xf32>
        %add3A_1861 = arith.addf %add3A_1860, %get3A_11 : vector<16xf32>
        %mul3A_1862 = arith.mulf %convert_element_type3A_1820, %sub3A_42 : vector<16xf32>
        %add3A_1863 = arith.addf %add3A_1861, %mul3A_1862 : vector<16xf32>
        %swap3A_1864 = arith.constant 0 : i32
        %swap3A_1865 = arith.index_cast %swap3A_1864 : i32 to index
        %swap3A_1866 = arith.index_cast %add3A_1824 : i32 to index
        %swap3A_1867 = arith.constant 16 : index
        %swap3A_1868 = tpu.vector_load %arg13[%swap3A_1865, %swap3A_1866, %swap3A_1867] {strides = array<i32>} : memref<2x256x64xf32, #tpu.memory_space<vmem>>, vector<1x1x16xf32>,
        %swap3A_1869 = vector.shape_cast %swap3A_1868 : vector<1x1x16xf32> to vector<16xf32>
        %swap3A_1870 = vector.shape_cast %add3A_1863 : vector<16xf32> to vector<1x1x16xf32>
        tpu.vector_store %arg13[%swap3A_1865, %swap3A_1866, %swap3A_1867], %swap3A_1870 {strides = array<i32>} : memref<2x256x64xf32, #tpu.memory_space<vmem>>, vector<1x1x16xf32>,
        %get3A_1871 = arith.constant 0 : i32
        %get3A_1872 = arith.index_cast %get3A_1871 : i32 to index
        %get3A_1873 = arith.index_cast %add3A_1824 : i32 to index
        %get3A_1874 = arith.constant 32 : index
        %get3A_1875 = tpu.vector_load %arg13[%get3A_1872, %get3A_1873, %get3A_1874] {strides = array<i32>} : memref<2x256x64xf32, #tpu.memory_space<vmem>>, vector<1x1x16xf32>,
        %get3A_1876 = vector.shape_cast %get3A_1875 : vector<1x1x16xf32> to vector<16xf32>
        %get3A_1877 = arith.constant 0 : i32
        %get3A_1878 = arith.index_cast %get3A_1877 : i32 to index
        %get3A_1879 = arith.index_cast %add3A_1824 : i32 to index
        %get3A_1880 = arith.constant 32 : index
        %get3A_1881 = tpu.vector_load %arg14[%get3A_1878, %get3A_1879, %get3A_1880] {strides = array<i32>} : memref<2x256x64xf32, #tpu.memory_space<vmem>>, vector<1x1x16xf32>,
        %get3A_1882 = vector.shape_cast %get3A_1881 : vector<1x1x16xf32> to vector<16xf32>
        %add3A_1883 = arith.addf %get3A_1876, %get3A_1882 : vector<16xf32>
        %add3A_1884 = arith.addf %add3A_1883, %get3A_16 : vector<16xf32>
        %mul3A_1885 = arith.mulf %convert_element_type3A_1820, %sub3A_43 : vector<16xf32>
        %add3A_1886 = arith.addf %add3A_1884, %mul3A_1885 : vector<16xf32>
        %swap3A_1887 = arith.constant 0 : i32
        %swap3A_1888 = arith.index_cast %swap3A_1887 : i32 to index
        %swap3A_1889 = arith.index_cast %add3A_1824 : i32 to index
        %swap3A_1890 = arith.constant 32 : index
        %swap3A_1891 = tpu.vector_load %arg13[%swap3A_1888, %swap3A_1889, %swap3A_1890] {strides = array<i32>} : memref<2x256x64xf32, #tpu.memory_space<vmem>>, vector<1x1x16xf32>,
        %swap3A_1892 = vector.shape_cast %swap3A_1891 : vector<1x1x16xf32> to vector<16xf32>
        %swap3A_1893 = vector.shape_cast %add3A_1886 : vector<16xf32> to vector<1x1x16xf32>
        tpu.vector_store %arg13[%swap3A_1888, %swap3A_1889, %swap3A_1890], %swap3A_1893 {strides = array<i32>} : memref<2x256x64xf32, #tpu.memory_space<vmem>>, vector<1x1x16xf32>,
        %get3A_1894 = arith.constant 0 : i32
        %get3A_1895 = arith.index_cast %get3A_1894 : i32 to index
        %get3A_1896 = arith.index_cast %add3A_1824 : i32 to index
        %get3A_1897 = arith.constant 48 : index
        %get3A_1898 = tpu.vector_load %arg13[%get3A_1895, %get3A_1896, %get3A_1897] {strides = array<i32>} : memref<2x256x64xf32, #tpu.memory_space<vmem>>, vector<1x1x16xf32>,
        %get3A_1899 = vector.shape_cast %get3A_1898 : vector<1x1x16xf32> to vector<16xf32>
        %get3A_1900 = arith.constant 0 : i32
        %get3A_1901 = arith.index_cast %get3A_1900 : i32 to index
        %get3A_1902 = arith.index_cast %add3A_1824 : i32 to index
        %get3A_1903 = arith.constant 48 : index
        %get3A_1904 = tpu.vector_load %arg14[%get3A_1901, %get3A_1902, %get3A_1903] {strides = array<i32>} : memref<2x256x64xf32, #tpu.memory_space<vmem>>, vector<1x1x16xf32>,
        %get3A_1905 = vector.shape_cast %get3A_1904 : vector<1x1x16xf32> to vector<16xf32>
        %add3A_1906 = arith.addf %get3A_1899, %get3A_1905 : vector<16xf32>
        %add3A_1907 = arith.addf %add3A_1906, %get3A_21 : vector<16xf32>
        %mul3A_1908 = arith.mulf %convert_element_type3A_1820, %sub3A_44 : vector<16xf32>
        %add3A_1909 = arith.addf %add3A_1907, %mul3A_1908 : vector<16xf32>
        %swap3A_1910 = arith.constant 0 : i32
        %swap3A_1911 = arith.index_cast %swap3A_1910 : i32 to index
        %swap3A_1912 = arith.index_cast %add3A_1824 : i32 to index
        %swap3A_1913 = arith.constant 48 : index
        %swap3A_1914 = tpu.vector_load %arg13[%swap3A_1911, %swap3A_1912, %swap3A_1913] {strides = array<i32>} : memref<2x256x64xf32, #tpu.memory_space<vmem>>, vector<1x1x16xf32>,
        %swap3A_1915 = vector.shape_cast %swap3A_1914 : vector<1x1x16xf32> to vector<16xf32>
        %swap3A_1916 = vector.shape_cast %add3A_1909 : vector<16xf32> to vector<1x1x16xf32>
        tpu.vector_store %arg13[%swap3A_1911, %swap3A_1912, %swap3A_1913], %swap3A_1916 {strides = array<i32>} : memref<2x256x64xf32, #tpu.memory_space<vmem>>, vector<1x1x16xf32>,
      }
      %scan3A_202 = arith.constant 16 : i32
      %mul3A_203 = arith.constant 256 : i32
      %mul3A_204 = arith.muli %add3A_125, %mul3A_203 : i32
      %add3A_205 = arith.addi %mul3A_2, %mul3A_204 : i32
      %run_scoped3A_206 = arith.constant 0 : i32
      "tpu.region"() ({
        %run_scoped3A_296 = tpu.sem_alloc : memref<!tpu.dma_semaphore, #tpu.memory_space<semaphore_mem>>
        %dma_start3A_297 = arith.constant 0 : i32
        %dma_start3A_298 = arith.constant 0 : i32
        %dma_start3A_299 = tpu.memref_slice %arg13[%run_scoped3A_206, %dma_start3A_297, %dma_start3A_298] : memref<2x256x64xf32, #tpu.memory_space<vmem>> -> memref<1x256x64xf32, #tpu.memory_space<vmem>>
        %dma_start3A_300 = tpu.memref_squeeze %dma_start3A_299 : memref<1x256x64xf32, #tpu.memory_space<vmem>> -> memref<256x64xf32, #tpu.memory_space<vmem>>
        %dma_start3A_301 = arith.constant 0 : i32
        %dma_start3A_302 = tpu.memref_slice %arg8[%add3A_205, %dma_start3A_301] : memref<819200x64xf32, #tpu.memory_space<hbm>> -> memref<256x64xf32, #tpu.memory_space<hbm>>
        %dma_start3A_303 = arith.constant 0 : i32
        %dma_start3A_304 = tpu.memref_slice %arg8[%add3A_205, %dma_start3A_303] : memref<819200x64xf32, #tpu.memory_space<hbm>> -> memref<256x64xf32, #tpu.memory_space<hbm>>
        %dma_start3A_305 = arith.constant 0 : i32
        %dma_start3A_306 = arith.constant 0 : i32
        %dma_start3A_307 = tpu.memref_slice %arg13[%run_scoped3A_206, %dma_start3A_305, %dma_start3A_306] : memref<2x256x64xf32, #tpu.memory_space<vmem>> -> memref<1x256x64xf32, #tpu.memory_space<vmem>>
        %dma_start3A_308 = tpu.memref_squeeze %dma_start3A_307 : memref<1x256x64xf32, #tpu.memory_space<vmem>> -> memref<256x64xf32, #tpu.memory_space<vmem>>
        tpu.enqueue_dma source(%dma_start3A_308 : memref<256x64xf32, #tpu.memory_space<vmem>>) target(%dma_start3A_304 : memref<256x64xf32, #tpu.memory_space<hbm>>) target_semaphore(%run_scoped3A_296 : memref<!tpu.dma_semaphore, #tpu.memory_space<semaphore_mem>>)
        %dma_wait3A_309 = arith.constant 0 : i32
        %dma_wait3A_310 = arith.constant 0 : i32
        %dma_wait3A_311 = tpu.memref_slice %arg13[%run_scoped3A_206, %dma_wait3A_309, %dma_wait3A_310] : memref<2x256x64xf32, #tpu.memory_space<vmem>> -> memref<1x256x64xf32, #tpu.memory_space<vmem>>
        %dma_wait3A_312 = tpu.memref_squeeze %dma_wait3A_311 : memref<1x256x64xf32, #tpu.memory_space<vmem>> -> memref<256x64xf32, #tpu.memory_space<vmem>>
        %dma_wait3A_313 = arith.constant 0 : i32
        %dma_wait3A_314 = tpu.memref_slice %arg8[%add3A_205, %dma_wait3A_313] : memref<819200x64xf32, #tpu.memory_space<hbm>> -> memref<256x64xf32, #tpu.memory_space<hbm>>
        %dma_wait3A_315 = arith.constant 0 : i32
        %dma_wait3A_316 = tpu.memref_slice %arg8[%add3A_205, %dma_wait3A_315] : memref<819200x64xf32, #tpu.memory_space<hbm>> -> memref<256x64xf32, #tpu.memory_space<hbm>>
        %dma_wait3A_317 = arith.constant 0 : i32
        %dma_wait3A_318 = arith.constant 0 : i32
        %dma_wait3A_319 = tpu.memref_slice %arg13[%run_scoped3A_206, %dma_wait3A_317, %dma_wait3A_318] : memref<2x256x64xf32, #tpu.memory_space<vmem>> -> memref<1x256x64xf32, #tpu.memory_space<vmem>>
        %dma_wait3A_320 = tpu.memref_squeeze %dma_wait3A_319 : memref<1x256x64xf32, #tpu.memory_space<vmem>> -> memref<256x64xf32, #tpu.memory_space<vmem>>
        tpu.wait_dma2 semaphore(%run_scoped3A_296 : memref<!tpu.dma_semaphore, #tpu.memory_space<semaphore_mem>>) src(%dma_wait3A_320 : memref<256x64xf32, #tpu.memory_space<vmem>>) dst(%dma_wait3A_316 : memref<256x64xf32, #tpu.memory_space<hbm>>)
        tpu.yield
      }) : () -> ()
      %mul3A_207 = arith.constant 2 : i32
      %mul3A_208 = arith.muli %mul3A_207, %scan3A_121 : i32
      %add3A_209 = arith.constant 1 : i32
      %add3A_210 = arith.addi %mul3A_208, %add3A_209 : i32
      %add3A_211 = arith.constant 1 : i32
      %add3A_212 = arith.addi %add3A_210, %add3A_211 : i32
      %lt3A_213 = arith.constant 100 : i32
      %lt3A_214 = arith.cmpi slt, %add3A_212, %lt3A_213 : i32
      %convert_element_type3A_215 = arith.extui %lt3A_214 : i1 to i32
      %cond3A_216 = arith.constant 0 : i32
      %cond3A_217 = arith.cmpi ne, %convert_element_type3A_215, %cond3A_216 : i32
      scf.if %cond3A_217 {
        %add3A_296 = arith.constant 1 : i32
        %add3A_297 = arith.addi %add3A_210, %add3A_296 : i32
        %mul3A_298 = arith.constant 256 : i32
        %mul3A_299 = arith.muli %add3A_297, %mul3A_298 : i32
        %add3A_300 = arith.addi %mul3A_2, %mul3A_299 : i32
        %run_scoped3A_301 = arith.constant 0 : i32
        "tpu.region"() ({
          %run_scoped3A_372 = tpu.sem_alloc : memref<!tpu.dma_semaphore, #tpu.memory_space<semaphore_mem>>
          %dma_start3A_373 = arith.constant 0 : i32
          %dma_start3A_374 = tpu.memref_slice %arg9[%run_scoped3A_301, %dma_start3A_373] : memref<2x256xi32, #tpu.memory_space<vmem>> -> memref<1x256xi32, #tpu.memory_space<vmem>>
          %dma_start3A_375 = tpu.memref_squeeze %dma_start3A_374 : memref<1x256xi32, #tpu.memory_space<vmem>> -> memref<256xi32, #tpu.memory_space<vmem>>
          %dma_start3A_376 = tpu.memref_slice %arg2[%add3A_300] : memref<819200xi32, #tpu.memory_space<hbm>> -> memref<256xi32, #tpu.memory_space<hbm>>
          %dma_start3A_377 = arith.constant 0 : i32
          %dma_start3A_378 = tpu.memref_slice %arg9[%run_scoped3A_301, %dma_start3A_377] : memref<2x256xi32, #tpu.memory_space<vmem>> -> memref<1x256xi32, #tpu.memory_space<vmem>>
          %dma_start3A_379 = tpu.memref_squeeze %dma_start3A_378 : memref<1x256xi32, #tpu.memory_space<vmem>> -> memref<256xi32, #tpu.memory_space<vmem>>
          %dma_start3A_380 = tpu.memref_slice %arg2[%add3A_300] : memref<819200xi32, #tpu.memory_space<hbm>> -> memref<256xi32, #tpu.memory_space<hbm>>
          tpu.enqueue_dma source(%dma_start3A_380 : memref<256xi32, #tpu.memory_space<hbm>>) target(%dma_start3A_379 : memref<256xi32, #tpu.memory_space<vmem>>) target_semaphore(%run_scoped3A_372 : memref<!tpu.dma_semaphore, #tpu.memory_space<semaphore_mem>>)
          %dma_wait3A_381 = arith.constant 0 : i32
          %dma_wait3A_382 = tpu.memref_slice %arg9[%run_scoped3A_301, %dma_wait3A_381] : memref<2x256xi32, #tpu.memory_space<vmem>> -> memref<1x256xi32, #tpu.memory_space<vmem>>
          %dma_wait3A_383 = tpu.memref_squeeze %dma_wait3A_382 : memref<1x256xi32, #tpu.memory_space<vmem>> -> memref<256xi32, #tpu.memory_space<vmem>>
          %dma_wait3A_384 = tpu.memref_slice %arg2[%add3A_300] : memref<819200xi32, #tpu.memory_space<hbm>> -> memref<256xi32, #tpu.memory_space<hbm>>
          %dma_wait3A_385 = arith.constant 0 : i32
          %dma_wait3A_386 = tpu.memref_slice %arg9[%run_scoped3A_301, %dma_wait3A_385] : memref<2x256xi32, #tpu.memory_space<vmem>> -> memref<1x256xi32, #tpu.memory_space<vmem>>
          %dma_wait3A_387 = tpu.memref_squeeze %dma_wait3A_386 : memref<1x256xi32, #tpu.memory_space<vmem>> -> memref<256xi32, #tpu.memory_space<vmem>>
          %dma_wait3A_388 = tpu.memref_slice %arg2[%add3A_300] : memref<819200xi32, #tpu.memory_space<hbm>> -> memref<256xi32, #tpu.memory_space<hbm>>
          tpu.wait_dma2 semaphore(%run_scoped3A_372 : memref<!tpu.dma_semaphore, #tpu.memory_space<semaphore_mem>>) src(%dma_wait3A_388 : memref<256xi32, #tpu.memory_space<hbm>>) dst(%dma_wait3A_387 : memref<256xi32, #tpu.memory_space<vmem>>)
          tpu.yield
        }) : () -> ()
        %run_scoped3A_302 = arith.constant 0 : i32
        "tpu.region"() ({
          %run_scoped3A_372 = tpu.sem_alloc : memref<!tpu.dma_semaphore, #tpu.memory_space<semaphore_mem>>
          %dma_start3A_373 = arith.constant 0 : i32
          %dma_start3A_374 = tpu.memref_slice %arg10[%run_scoped3A_302, %dma_start3A_373] : memref<2x256xi32, #tpu.memory_space<vmem>> -> memref<1x256xi32, #tpu.memory_space<vmem>>
          %dma_start3A_375 = tpu.memref_squeeze %dma_start3A_374 : memref<1x256xi32, #tpu.memory_space<vmem>> -> memref<256xi32, #tpu.memory_space<vmem>>
          %dma_start3A_376 = tpu.memref_slice %arg3[%add3A_300] : memref<819200xi32, #tpu.memory_space<hbm>> -> memref<256xi32, #tpu.memory_space<hbm>>
          %dma_start3A_377 = arith.constant 0 : i32
          %dma_start3A_378 = tpu.memref_slice %arg10[%run_scoped3A_302, %dma_start3A_377] : memref<2x256xi32, #tpu.memory_space<vmem>> -> memref<1x256xi32, #tpu.memory_space<vmem>>
          %dma_start3A_379 = tpu.memref_squeeze %dma_start3A_378 : memref<1x256xi32, #tpu.memory_space<vmem>> -> memref<256xi32, #tpu.memory_space<vmem>>
          %dma_start3A_380 = tpu.memref_slice %arg3[%add3A_300] : memref<819200xi32, #tpu.memory_space<hbm>> -> memref<256xi32, #tpu.memory_space<hbm>>
          tpu.enqueue_dma source(%dma_start3A_380 : memref<256xi32, #tpu.memory_space<hbm>>) target(%dma_start3A_379 : memref<256xi32, #tpu.memory_space<vmem>>) target_semaphore(%run_scoped3A_372 : memref<!tpu.dma_semaphore, #tpu.memory_space<semaphore_mem>>)
          %dma_wait3A_381 = arith.constant 0 : i32
          %dma_wait3A_382 = tpu.memref_slice %arg10[%run_scoped3A_302, %dma_wait3A_381] : memref<2x256xi32, #tpu.memory_space<vmem>> -> memref<1x256xi32, #tpu.memory_space<vmem>>
          %dma_wait3A_383 = tpu.memref_squeeze %dma_wait3A_382 : memref<1x256xi32, #tpu.memory_space<vmem>> -> memref<256xi32, #tpu.memory_space<vmem>>
          %dma_wait3A_384 = tpu.memref_slice %arg3[%add3A_300] : memref<819200xi32, #tpu.memory_space<hbm>> -> memref<256xi32, #tpu.memory_space<hbm>>
          %dma_wait3A_385 = arith.constant 0 : i32
          %dma_wait3A_386 = tpu.memref_slice %arg10[%run_scoped3A_302, %dma_wait3A_385] : memref<2x256xi32, #tpu.memory_space<vmem>> -> memref<1x256xi32, #tpu.memory_space<vmem>>
          %dma_wait3A_387 = tpu.memref_squeeze %dma_wait3A_386 : memref<1x256xi32, #tpu.memory_space<vmem>> -> memref<256xi32, #tpu.memory_space<vmem>>
          %dma_wait3A_388 = tpu.memref_slice %arg3[%add3A_300] : memref<819200xi32, #tpu.memory_space<hbm>> -> memref<256xi32, #tpu.memory_space<hbm>>
          tpu.wait_dma2 semaphore(%run_scoped3A_372 : memref<!tpu.dma_semaphore, #tpu.memory_space<semaphore_mem>>) src(%dma_wait3A_388 : memref<256xi32, #tpu.memory_space<hbm>>) dst(%dma_wait3A_387 : memref<256xi32, #tpu.memory_space<vmem>>)
          tpu.yield
        }) : () -> ()
        %run_scoped3A_303 = arith.constant 0 : i32
        "tpu.region"() ({
          %run_scoped3A_372 = tpu.sem_alloc : memref<!tpu.dma_semaphore, #tpu.memory_space<semaphore_mem>>
          %dma_start3A_373 = arith.constant 0 : i32
          %dma_start3A_374 = tpu.memref_slice %arg11[%run_scoped3A_303, %dma_start3A_373] : memref<2x256xi32, #tpu.memory_space<vmem>> -> memref<1x256xi32, #tpu.memory_space<vmem>>
          %dma_start3A_375 = tpu.memref_squeeze %dma_start3A_374 : memref<1x256xi32, #tpu.memory_space<vmem>> -> memref<256xi32, #tpu.memory_space<vmem>>
          %dma_start3A_376 = tpu.memref_slice %arg4[%add3A_300] : memref<819200xi32, #tpu.memory_space<hbm>> -> memref<256xi32, #tpu.memory_space<hbm>>
          %dma_start3A_377 = arith.constant 0 : i32
          %dma_start3A_378 = tpu.memref_slice %arg11[%run_scoped3A_303, %dma_start3A_377] : memref<2x256xi32, #tpu.memory_space<vmem>> -> memref<1x256xi32, #tpu.memory_space<vmem>>
          %dma_start3A_379 = tpu.memref_squeeze %dma_start3A_378 : memref<1x256xi32, #tpu.memory_space<vmem>> -> memref<256xi32, #tpu.memory_space<vmem>>
          %dma_start3A_380 = tpu.memref_slice %arg4[%add3A_300] : memref<819200xi32, #tpu.memory_space<hbm>> -> memref<256xi32, #tpu.memory_space<hbm>>
          tpu.enqueue_dma source(%dma_start3A_380 : memref<256xi32, #tpu.memory_space<hbm>>) target(%dma_start3A_379 : memref<256xi32, #tpu.memory_space<vmem>>) target_semaphore(%run_scoped3A_372 : memref<!tpu.dma_semaphore, #tpu.memory_space<semaphore_mem>>)
          %dma_wait3A_381 = arith.constant 0 : i32
          %dma_wait3A_382 = tpu.memref_slice %arg11[%run_scoped3A_303, %dma_wait3A_381] : memref<2x256xi32, #tpu.memory_space<vmem>> -> memref<1x256xi32, #tpu.memory_space<vmem>>
          %dma_wait3A_383 = tpu.memref_squeeze %dma_wait3A_382 : memref<1x256xi32, #tpu.memory_space<vmem>> -> memref<256xi32, #tpu.memory_space<vmem>>
          %dma_wait3A_384 = tpu.memref_slice %arg4[%add3A_300] : memref<819200xi32, #tpu.memory_space<hbm>> -> memref<256xi32, #tpu.memory_space<hbm>>
          %dma_wait3A_385 = arith.constant 0 : i32
          %dma_wait3A_386 = tpu.memref_slice %arg11[%run_scoped3A_303, %dma_wait3A_385] : memref<2x256xi32, #tpu.memory_space<vmem>> -> memref<1x256xi32, #tpu.memory_space<vmem>>
          %dma_wait3A_387 = tpu.memref_squeeze %dma_wait3A_386 : memref<1x256xi32, #tpu.memory_space<vmem>> -> memref<256xi32, #tpu.memory_space<vmem>>
          %dma_wait3A_388 = tpu.memref_slice %arg4[%add3A_300] : memref<819200xi32, #tpu.memory_space<hbm>> -> memref<256xi32, #tpu.memory_space<hbm>>
          tpu.wait_dma2 semaphore(%run_scoped3A_372 : memref<!tpu.dma_semaphore, #tpu.memory_space<semaphore_mem>>) src(%dma_wait3A_388 : memref<256xi32, #tpu.memory_space<hbm>>) dst(%dma_wait3A_387 : memref<256xi32, #tpu.memory_space<vmem>>)
          tpu.yield
        }) : () -> ()
        %dma_start3A_304 = arith.constant 0 : i32
        %dma_start3A_305 = arith.constant 0 : i32
        %dma_start3A_306 = arith.constant 0 : i32
        %dma_start3A_307 = arith.constant 0 : i32
        %dma_start3A_308 = tpu.memref_slice %arg13[%dma_start3A_305, %dma_start3A_306, %dma_start3A_307] : memref<2x256x64xf32, #tpu.memory_space<vmem>> -> memref<1x256x64xf32, #tpu.memory_space<vmem>>
        %dma_start3A_309 = tpu.memref_squeeze %dma_start3A_308 : memref<1x256x64xf32, #tpu.memory_space<vmem>> -> memref<256x64xf32, #tpu.memory_space<vmem>>
        %dma_start3A_310 = arith.constant 0 : i32
        %dma_start3A_311 = arith.constant 0 : i32
        %dma_start3A_312 = tpu.memref_slice %dma_start3A_309[%dma_start3A_310, %dma_start3A_311] : memref<256x64xf32, #tpu.memory_space<vmem>> -> memref<128x64xf32, #tpu.memory_space<vmem>>
        %dma_start3A_313 = arith.constant 0 : i32
        %dma_start3A_314 = tpu.memref_slice %arg9[%dma_start3A_304, %dma_start3A_313] : memref<2x256xi32, #tpu.memory_space<vmem>> -> memref<1x256xi32, #tpu.memory_space<vmem>>
        %dma_start3A_315 = tpu.memref_squeeze %dma_start3A_314 : memref<1x256xi32, #tpu.memory_space<vmem>> -> memref<256xi32, #tpu.memory_space<vmem>>
        %dma_start3A_316 = arith.constant 0 : i32
        %dma_start3A_317 = tpu.memref_slice %dma_start3A_315[%dma_start3A_316] : memref<256xi32, #tpu.memory_space<vmem>> -> memref<128xi32, #tpu.memory_space<vmem>>
        %dma_start3A_318 = arith.constant 0 : i32
        %dma_start3A_319 = arith.constant 0 : i32
        %dma_start3A_320 = tpu.memref_slice %arg5[%dma_start3A_318, %dma_start3A_319] : memref<1000000x64xf32, #tpu.memory_space<hbm>> -> memref<1000000x64xf32, #tpu.memory_space<hbm>>
        tpu.enqueue_indirect_dma source(%dma_start3A_320 : memref<1000000x64xf32, #tpu.memory_space<hbm>>) target(%dma_start3A_312 : memref<128x64xf32, #tpu.memory_space<vmem>>) offsets(%dma_start3A_317 : memref<128xi32, #tpu.memory_space<vmem>>) semaphore(%arg15 : memref<!tpu.dma_semaphore, #tpu.memory_space<semaphore_mem>>)
        %dma_start3A_321 = arith.constant 0 : i32
        %dma_start3A_322 = arith.constant 0 : i32
        %dma_start3A_323 = arith.constant 0 : i32
        %dma_start3A_324 = arith.constant 0 : i32
        %dma_start3A_325 = tpu.memref_slice %arg14[%dma_start3A_322, %dma_start3A_323, %dma_start3A_324] : memref<2x256x64xf32, #tpu.memory_space<vmem>> -> memref<1x256x64xf32, #tpu.memory_space<vmem>>
        %dma_start3A_326 = tpu.memref_squeeze %dma_start3A_325 : memref<1x256x64xf32, #tpu.memory_space<vmem>> -> memref<256x64xf32, #tpu.memory_space<vmem>>
        %dma_start3A_327 = arith.constant 0 : i32
        %dma_start3A_328 = arith.constant 0 : i32
        %dma_start3A_329 = tpu.memref_slice %dma_start3A_326[%dma_start3A_327, %dma_start3A_328] : memref<256x64xf32, #tpu.memory_space<vmem>> -> memref<128x64xf32, #tpu.memory_space<vmem>>
        %dma_start3A_330 = arith.constant 0 : i32
        %dma_start3A_331 = tpu.memref_slice %arg11[%dma_start3A_321, %dma_start3A_330] : memref<2x256xi32, #tpu.memory_space<vmem>> -> memref<1x256xi32, #tpu.memory_space<vmem>>
        %dma_start3A_332 = tpu.memref_squeeze %dma_start3A_331 : memref<1x256xi32, #tpu.memory_space<vmem>> -> memref<256xi32, #tpu.memory_space<vmem>>
        %dma_start3A_333 = arith.constant 0 : i32
        %dma_start3A_334 = tpu.memref_slice %dma_start3A_332[%dma_start3A_333] : memref<256xi32, #tpu.memory_space<vmem>> -> memref<128xi32, #tpu.memory_space<vmem>>
        %dma_start3A_335 = arith.constant 0 : i32
        %dma_start3A_336 = arith.constant 0 : i32
        %dma_start3A_337 = tpu.memref_slice %arg7[%dma_start3A_335, %dma_start3A_336] : memref<100000x64xf32, #tpu.memory_space<hbm>> -> memref<100000x64xf32, #tpu.memory_space<hbm>>
        tpu.enqueue_indirect_dma source(%dma_start3A_337 : memref<100000x64xf32, #tpu.memory_space<hbm>>) target(%dma_start3A_329 : memref<128x64xf32, #tpu.memory_space<vmem>>) offsets(%dma_start3A_334 : memref<128xi32, #tpu.memory_space<vmem>>) semaphore(%arg15 : memref<!tpu.dma_semaphore, #tpu.memory_space<semaphore_mem>>)
        %dma_start3A_338 = arith.constant 0 : i32
        %dma_start3A_339 = arith.constant 0 : i32
        %dma_start3A_340 = arith.constant 0 : i32
        %dma_start3A_341 = arith.constant 0 : i32
        %dma_start3A_342 = tpu.memref_slice %arg13[%dma_start3A_339, %dma_start3A_340, %dma_start3A_341] : memref<2x256x64xf32, #tpu.memory_space<vmem>> -> memref<1x256x64xf32, #tpu.memory_space<vmem>>
        %dma_start3A_343 = tpu.memref_squeeze %dma_start3A_342 : memref<1x256x64xf32, #tpu.memory_space<vmem>> -> memref<256x64xf32, #tpu.memory_space<vmem>>
        %dma_start3A_344 = arith.constant 128 : i32
        %dma_start3A_345 = arith.constant 0 : i32
        %dma_start3A_346 = tpu.memref_slice %dma_start3A_343[%dma_start3A_344, %dma_start3A_345] : memref<256x64xf32, #tpu.memory_space<vmem>> -> memref<128x64xf32, #tpu.memory_space<vmem>>
        %dma_start3A_347 = arith.constant 0 : i32
        %dma_start3A_348 = tpu.memref_slice %arg9[%dma_start3A_338, %dma_start3A_347] : memref<2x256xi32, #tpu.memory_space<vmem>> -> memref<1x256xi32, #tpu.memory_space<vmem>>
        %dma_start3A_349 = tpu.memref_squeeze %dma_start3A_348 : memref<1x256xi32, #tpu.memory_space<vmem>> -> memref<256xi32, #tpu.memory_space<vmem>>
        %dma_start3A_350 = arith.constant 128 : i32
        %dma_start3A_351 = tpu.memref_slice %dma_start3A_349[%dma_start3A_350] : memref<256xi32, #tpu.memory_space<vmem>> -> memref<128xi32, #tpu.memory_space<vmem>>
        %dma_start3A_352 = arith.constant 0 : i32
        %dma_start3A_353 = arith.constant 0 : i32
        %dma_start3A_354 = tpu.memref_slice %arg5[%dma_start3A_352, %dma_start3A_353] : memref<1000000x64xf32, #tpu.memory_space<hbm>> -> memref<1000000x64xf32, #tpu.memory_space<hbm>>
        tpu.enqueue_indirect_dma source(%dma_start3A_354 : memref<1000000x64xf32, #tpu.memory_space<hbm>>) target(%dma_start3A_346 : memref<128x64xf32, #tpu.memory_space<vmem>>) offsets(%dma_start3A_351 : memref<128xi32, #tpu.memory_space<vmem>>) semaphore(%arg15 : memref<!tpu.dma_semaphore, #tpu.memory_space<semaphore_mem>>)
        %dma_start3A_355 = arith.constant 0 : i32
        %dma_start3A_356 = arith.constant 0 : i32
        %dma_start3A_357 = arith.constant 0 : i32
        %dma_start3A_358 = arith.constant 0 : i32
        %dma_start3A_359 = tpu.memref_slice %arg14[%dma_start3A_356, %dma_start3A_357, %dma_start3A_358] : memref<2x256x64xf32, #tpu.memory_space<vmem>> -> memref<1x256x64xf32, #tpu.memory_space<vmem>>
        %dma_start3A_360 = tpu.memref_squeeze %dma_start3A_359 : memref<1x256x64xf32, #tpu.memory_space<vmem>> -> memref<256x64xf32, #tpu.memory_space<vmem>>
        %dma_start3A_361 = arith.constant 128 : i32
        %dma_start3A_362 = arith.constant 0 : i32
        %dma_start3A_363 = tpu.memref_slice %dma_start3A_360[%dma_start3A_361, %dma_start3A_362] : memref<256x64xf32, #tpu.memory_space<vmem>> -> memref<128x64xf32, #tpu.memory_space<vmem>>
        %dma_start3A_364 = arith.constant 0 : i32
        %dma_start3A_365 = tpu.memref_slice %arg11[%dma_start3A_355, %dma_start3A_364] : memref<2x256xi32, #tpu.memory_space<vmem>> -> memref<1x256xi32, #tpu.memory_space<vmem>>
        %dma_start3A_366 = tpu.memref_squeeze %dma_start3A_365 : memref<1x256xi32, #tpu.memory_space<vmem>> -> memref<256xi32, #tpu.memory_space<vmem>>
        %dma_start3A_367 = arith.constant 128 : i32
        %dma_start3A_368 = tpu.memref_slice %dma_start3A_366[%dma_start3A_367] : memref<256xi32, #tpu.memory_space<vmem>> -> memref<128xi32, #tpu.memory_space<vmem>>
        %dma_start3A_369 = arith.constant 0 : i32
        %dma_start3A_370 = arith.constant 0 : i32
        %dma_start3A_371 = tpu.memref_slice %arg7[%dma_start3A_369, %dma_start3A_370] : memref<100000x64xf32, #tpu.memory_space<hbm>> -> memref<100000x64xf32, #tpu.memory_space<hbm>>
        tpu.enqueue_indirect_dma source(%dma_start3A_371 : memref<100000x64xf32, #tpu.memory_space<hbm>>) target(%dma_start3A_363 : memref<128x64xf32, #tpu.memory_space<vmem>>) offsets(%dma_start3A_368 : memref<128xi32, #tpu.memory_space<vmem>>) semaphore(%arg15 : memref<!tpu.dma_semaphore, #tpu.memory_space<semaphore_mem>>)
      } else {
      }
      %dma_wait3A_218 = arith.constant 1 : i32
      %dma_wait3A_219 = arith.constant 1 : i32
      %dma_wait3A_220 = arith.constant 0 : i32
      %dma_wait3A_221 = arith.constant 0 : i32
      %dma_wait3A_222 = tpu.memref_slice %arg13[%dma_wait3A_219, %dma_wait3A_220, %dma_wait3A_221] : memref<2x256x64xf32, #tpu.memory_space<vmem>> -> memref<1x256x64xf32, #tpu.memory_space<vmem>>
      %dma_wait3A_223 = tpu.memref_squeeze %dma_wait3A_222 : memref<1x256x64xf32, #tpu.memory_space<vmem>> -> memref<256x64xf32, #tpu.memory_space<vmem>>
      %dma_wait3A_224 = arith.constant 0 : i32
      %dma_wait3A_225 = arith.constant 0 : i32
      %dma_wait3A_226 = tpu.memref_slice %dma_wait3A_223[%dma_wait3A_224, %dma_wait3A_225] : memref<256x64xf32, #tpu.memory_space<vmem>> -> memref<128x64xf32, #tpu.memory_space<vmem>>
      %dma_wait3A_227 = arith.constant 0 : i32
      %dma_wait3A_228 = tpu.memref_slice %arg9[%dma_wait3A_218, %dma_wait3A_227] : memref<2x256xi32, #tpu.memory_space<vmem>> -> memref<1x256xi32, #tpu.memory_space<vmem>>
      %dma_wait3A_229 = tpu.memref_squeeze %dma_wait3A_228 : memref<1x256xi32, #tpu.memory_space<vmem>> -> memref<256xi32, #tpu.memory_space<vmem>>
      %dma_wait3A_230 = arith.constant 0 : i32
      %dma_wait3A_231 = tpu.memref_slice %dma_wait3A_229[%dma_wait3A_230] : memref<256xi32, #tpu.memory_space<vmem>> -> memref<128xi32, #tpu.memory_space<vmem>>
      %dma_wait3A_232 = arith.constant 0 : i32
      %dma_wait3A_233 = arith.constant 0 : i32
      %dma_wait3A_234 = tpu.memref_slice %arg5[%dma_wait3A_232, %dma_wait3A_233] : memref<1000000x64xf32, #tpu.memory_space<hbm>> -> memref<1000000x64xf32, #tpu.memory_space<hbm>>
      tpu.wait_indirect_dma semaphore(%arg16 : memref<!tpu.dma_semaphore, #tpu.memory_space<semaphore_mem>>) src(%dma_wait3A_234 : memref<1000000x64xf32, #tpu.memory_space<hbm>>) dst(%dma_wait3A_226 : memref<128x64xf32, #tpu.memory_space<vmem>>)
      %dma_wait3A_235 = arith.constant 1 : i32
      %dma_wait3A_236 = arith.constant 1 : i32
      %dma_wait3A_237 = arith.constant 0 : i32
      %dma_wait3A_238 = arith.constant 0 : i32
      %dma_wait3A_239 = tpu.memref_slice %arg14[%dma_wait3A_236, %dma_wait3A_237, %dma_wait3A_238] : memref<2x256x64xf32, #tpu.memory_space<vmem>> -> memref<1x256x64xf32, #tpu.memory_space<vmem>>
      %dma_wait3A_240 = tpu.memref_squeeze %dma_wait3A_239 : memref<1x256x64xf32, #tpu.memory_space<vmem>> -> memref<256x64xf32, #tpu.memory_space<vmem>>
      %dma_wait3A_241 = arith.constant 0 : i32
      %dma_wait3A_242 = arith.constant 0 : i32
      %dma_wait3A_243 = tpu.memref_slice %dma_wait3A_240[%dma_wait3A_241, %dma_wait3A_242] : memref<256x64xf32, #tpu.memory_space<vmem>> -> memref<128x64xf32, #tpu.memory_space<vmem>>
      %dma_wait3A_244 = arith.constant 0 : i32
      %dma_wait3A_245 = tpu.memref_slice %arg11[%dma_wait3A_235, %dma_wait3A_244] : memref<2x256xi32, #tpu.memory_space<vmem>> -> memref<1x256xi32, #tpu.memory_space<vmem>>
      %dma_wait3A_246 = tpu.memref_squeeze %dma_wait3A_245 : memref<1x256xi32, #tpu.memory_space<vmem>> -> memref<256xi32, #tpu.memory_space<vmem>>
      %dma_wait3A_247 = arith.constant 0 : i32
      %dma_wait3A_248 = tpu.memref_slice %dma_wait3A_246[%dma_wait3A_247] : memref<256xi32, #tpu.memory_space<vmem>> -> memref<128xi32, #tpu.memory_space<vmem>>
      %dma_wait3A_249 = arith.constant 0 : i32
      %dma_wait3A_250 = arith.constant 0 : i32
      %dma_wait3A_251 = tpu.memref_slice %arg7[%dma_wait3A_249, %dma_wait3A_250] : memref<100000x64xf32, #tpu.memory_space<hbm>> -> memref<100000x64xf32, #tpu.memory_space<hbm>>
      tpu.wait_indirect_dma semaphore(%arg16 : memref<!tpu.dma_semaphore, #tpu.memory_space<semaphore_mem>>) src(%dma_wait3A_251 : memref<100000x64xf32, #tpu.memory_space<hbm>>) dst(%dma_wait3A_243 : memref<128x64xf32, #tpu.memory_space<vmem>>)
      %dma_wait3A_252 = arith.constant 1 : i32
      %dma_wait3A_253 = arith.constant 1 : i32
      %dma_wait3A_254 = arith.constant 0 : i32
      %dma_wait3A_255 = arith.constant 0 : i32
      %dma_wait3A_256 = tpu.memref_slice %arg13[%dma_wait3A_253, %dma_wait3A_254, %dma_wait3A_255] : memref<2x256x64xf32, #tpu.memory_space<vmem>> -> memref<1x256x64xf32, #tpu.memory_space<vmem>>
      %dma_wait3A_257 = tpu.memref_squeeze %dma_wait3A_256 : memref<1x256x64xf32, #tpu.memory_space<vmem>> -> memref<256x64xf32, #tpu.memory_space<vmem>>
      %dma_wait3A_258 = arith.constant 128 : i32
      %dma_wait3A_259 = arith.constant 0 : i32
      %dma_wait3A_260 = tpu.memref_slice %dma_wait3A_257[%dma_wait3A_258, %dma_wait3A_259] : memref<256x64xf32, #tpu.memory_space<vmem>> -> memref<128x64xf32, #tpu.memory_space<vmem>>
      %dma_wait3A_261 = arith.constant 0 : i32
      %dma_wait3A_262 = tpu.memref_slice %arg9[%dma_wait3A_252, %dma_wait3A_261] : memref<2x256xi32, #tpu.memory_space<vmem>> -> memref<1x256xi32, #tpu.memory_space<vmem>>
      %dma_wait3A_263 = tpu.memref_squeeze %dma_wait3A_262 : memref<1x256xi32, #tpu.memory_space<vmem>> -> memref<256xi32, #tpu.memory_space<vmem>>
      %dma_wait3A_264 = arith.constant 128 : i32
      %dma_wait3A_265 = tpu.memref_slice %dma_wait3A_263[%dma_wait3A_264] : memref<256xi32, #tpu.memory_space<vmem>> -> memref<128xi32, #tpu.memory_space<vmem>>
      %dma_wait3A_266 = arith.constant 0 : i32
      %dma_wait3A_267 = arith.constant 0 : i32
      %dma_wait3A_268 = tpu.memref_slice %arg5[%dma_wait3A_266, %dma_wait3A_267] : memref<1000000x64xf32, #tpu.memory_space<hbm>> -> memref<1000000x64xf32, #tpu.memory_space<hbm>>
      tpu.wait_indirect_dma semaphore(%arg16 : memref<!tpu.dma_semaphore, #tpu.memory_space<semaphore_mem>>) src(%dma_wait3A_268 : memref<1000000x64xf32, #tpu.memory_space<hbm>>) dst(%dma_wait3A_260 : memref<128x64xf32, #tpu.memory_space<vmem>>)
      %dma_wait3A_269 = arith.constant 1 : i32
      %dma_wait3A_270 = arith.constant 1 : i32
      %dma_wait3A_271 = arith.constant 0 : i32
      %dma_wait3A_272 = arith.constant 0 : i32
      %dma_wait3A_273 = tpu.memref_slice %arg14[%dma_wait3A_270, %dma_wait3A_271, %dma_wait3A_272] : memref<2x256x64xf32, #tpu.memory_space<vmem>> -> memref<1x256x64xf32, #tpu.memory_space<vmem>>
      %dma_wait3A_274 = tpu.memref_squeeze %dma_wait3A_273 : memref<1x256x64xf32, #tpu.memory_space<vmem>> -> memref<256x64xf32, #tpu.memory_space<vmem>>
      %dma_wait3A_275 = arith.constant 128 : i32
      %dma_wait3A_276 = arith.constant 0 : i32
      %dma_wait3A_277 = tpu.memref_slice %dma_wait3A_274[%dma_wait3A_275, %dma_wait3A_276] : memref<256x64xf32, #tpu.memory_space<vmem>> -> memref<128x64xf32, #tpu.memory_space<vmem>>
      %dma_wait3A_278 = arith.constant 0 : i32
      %dma_wait3A_279 = tpu.memref_slice %arg11[%dma_wait3A_269, %dma_wait3A_278] : memref<2x256xi32, #tpu.memory_space<vmem>> -> memref<1x256xi32, #tpu.memory_space<vmem>>
      %dma_wait3A_280 = tpu.memref_squeeze %dma_wait3A_279 : memref<1x256xi32, #tpu.memory_space<vmem>> -> memref<256xi32, #tpu.memory_space<vmem>>
      %dma_wait3A_281 = arith.constant 128 : i32
      %dma_wait3A_282 = tpu.memref_slice %dma_wait3A_280[%dma_wait3A_281] : memref<256xi32, #tpu.memory_space<vmem>> -> memref<128xi32, #tpu.memory_space<vmem>>
      %dma_wait3A_283 = arith.constant 0 : i32
      %dma_wait3A_284 = arith.constant 0 : i32
      %dma_wait3A_285 = tpu.memref_slice %arg7[%dma_wait3A_283, %dma_wait3A_284] : memref<100000x64xf32, #tpu.memory_space<hbm>> -> memref<100000x64xf32, #tpu.memory_space<hbm>>
      tpu.wait_indirect_dma semaphore(%arg16 : memref<!tpu.dma_semaphore, #tpu.memory_space<semaphore_mem>>) src(%dma_wait3A_285 : memref<100000x64xf32, #tpu.memory_space<hbm>>) dst(%dma_wait3A_277 : memref<128x64xf32, #tpu.memory_space<vmem>>)
      %scan3A_286 = arith.constant 0 : i32
      %scan3A_287 = arith.constant 0 : i32
      %scan3A_288 = arith.constant 16 : i32
      %scan3A_289 = arith.addi %scan3A_287, %scan3A_288 : i32
      %scan3A_290 = arith.constant 1 : i32
      scf.for %scan3A_296 = %scan3A_287 to %scan3A_289 step %scan3A_290  : i32 {
        %mul3A_297 = arith.constant 16 : i32
        %mul3A_298 = arith.muli %scan3A_296, %mul3A_297 : i32
        %get3A_299 = arith.constant 1 : i32
        %get3A_300 = arith.index_cast %get3A_299 : i32 to index
        %get3A_301 = arith.index_cast %mul3A_298 : i32 to index
        %get3A_302 = tpu.vector_load %arg10[%get3A_300, %get3A_301] {strides = array<i32>} : memref<2x256xi32, #tpu.memory_space<vmem>>, vector<1x16xi32>,
        %get3A_303 = vector.shape_cast %get3A_302 : vector<1x16xi32> to vector<16xi32>
        %broadcast_in_dim3A = arith.constant 0 : i32
        %broadcast_in_dim3A_304 = vector.broadcast %broadcast_in_dim3A : i32 to vector<16x1xi32>
        %gather3A = vector.shape_cast %broadcast_in_dim3A_304 : vector<16x1xi32> to vector<16xi32>
        %gather3A_305 = tpu.dynamic_gather %get3A_303[%gather3A] in [0] : vector<16xi32>, vector<16xi32> -> vector<16xi32>
        %convert_element_type3A_306 = arith.sitofp %gather3A_305 : vector<16xi32> to vector<16xf32>
        %mul3A_307 = arith.constant 16 : i32
        %mul3A_308 = arith.muli %scan3A_296, %mul3A_307 : i32
        %add3A_309 = arith.constant 0 : i32
        %add3A_310 = arith.addi %mul3A_308, %add3A_309 : i32
        %get3A_311 = arith.constant 1 : i32
        %get3A_312 = arith.index_cast %get3A_311 : i32 to index
        %get3A_313 = arith.index_cast %add3A_310 : i32 to index
        %get3A_314 = arith.constant 0 : index
        %get3A_315 = tpu.vector_load %arg13[%get3A_312, %get3A_313, %get3A_314] {strides = array<i32>} : memref<2x256x64xf32, #tpu.memory_space<vmem>>, vector<1x1x16xf32>,
        %get3A_316 = vector.shape_cast %get3A_315 : vector<1x1x16xf32> to vector<16xf32>
        %get3A_317 = arith.constant 1 : i32
        %get3A_318 = arith.index_cast %get3A_317 : i32 to index
        %get3A_319 = arith.index_cast %add3A_310 : i32 to index
        %get3A_320 = arith.constant 0 : index
        %get3A_321 = tpu.vector_load %arg14[%get3A_318, %get3A_319, %get3A_320] {strides = array<i32>} : memref<2x256x64xf32, #tpu.memory_space<vmem>>, vector<1x1x16xf32>,
        %get3A_322 = vector.shape_cast %get3A_321 : vector<1x1x16xf32> to vector<16xf32>
        %add3A_323 = arith.addf %get3A_316, %get3A_322 : vector<16xf32>
        %add3A_324 = arith.addf %add3A_323, %get3A_6 : vector<16xf32>
        %mul3A_325 = arith.mulf %convert_element_type3A_306, %sub3A : vector<16xf32>
        %add3A_326 = arith.addf %add3A_324, %mul3A_325 : vector<16xf32>
        %swap3A = arith.constant 1 : i32
        %swap3A_327 = arith.index_cast %swap3A : i32 to index
        %swap3A_328 = arith.index_cast %add3A_310 : i32 to index
        %swap3A_329 = arith.constant 0 : index
        %swap3A_330 = tpu.vector_load %arg13[%swap3A_327, %swap3A_328, %swap3A_329] {strides = array<i32>} : memref<2x256x64xf32, #tpu.memory_space<vmem>>, vector<1x1x16xf32>,
        %swap3A_331 = vector.shape_cast %swap3A_330 : vector<1x1x16xf32> to vector<16xf32>
        %swap3A_332 = vector.shape_cast %add3A_326 : vector<16xf32> to vector<1x1x16xf32>
        tpu.vector_store %arg13[%swap3A_327, %swap3A_328, %swap3A_329], %swap3A_332 {strides = array<i32>} : memref<2x256x64xf32, #tpu.memory_space<vmem>>, vector<1x1x16xf32>,
        %get3A_333 = arith.constant 1 : i32
        %get3A_334 = arith.index_cast %get3A_333 : i32 to index
        %get3A_335 = arith.index_cast %add3A_310 : i32 to index
        %get3A_336 = arith.constant 16 : index
        %get3A_337 = tpu.vector_load %arg13[%get3A_334, %get3A_335, %get3A_336] {strides = array<i32>} : memref<2x256x64xf32, #tpu.memory_space<vmem>>, vector<1x1x16xf32>,
        %get3A_338 = vector.shape_cast %get3A_337 : vector<1x1x16xf32> to vector<16xf32>
        %get3A_339 = arith.constant 1 : i32
        %get3A_340 = arith.index_cast %get3A_339 : i32 to index
        %get3A_341 = arith.index_cast %add3A_310 : i32 to index
        %get3A_342 = arith.constant 16 : index
        %get3A_343 = tpu.vector_load %arg14[%get3A_340, %get3A_341, %get3A_342] {strides = array<i32>} : memref<2x256x64xf32, #tpu.memory_space<vmem>>, vector<1x1x16xf32>,
        %get3A_344 = vector.shape_cast %get3A_343 : vector<1x1x16xf32> to vector<16xf32>
        %add3A_345 = arith.addf %get3A_338, %get3A_344 : vector<16xf32>
        %add3A_346 = arith.addf %add3A_345, %get3A_11 : vector<16xf32>
        %mul3A_347 = arith.mulf %convert_element_type3A_306, %sub3A_42 : vector<16xf32>
        %add3A_348 = arith.addf %add3A_346, %mul3A_347 : vector<16xf32>
        %swap3A_349 = arith.constant 1 : i32
        %swap3A_350 = arith.index_cast %swap3A_349 : i32 to index
        %swap3A_351 = arith.index_cast %add3A_310 : i32 to index
        %swap3A_352 = arith.constant 16 : index
        %swap3A_353 = tpu.vector_load %arg13[%swap3A_350, %swap3A_351, %swap3A_352] {strides = array<i32>} : memref<2x256x64xf32, #tpu.memory_space<vmem>>, vector<1x1x16xf32>,
        %swap3A_354 = vector.shape_cast %swap3A_353 : vector<1x1x16xf32> to vector<16xf32>
        %swap3A_355 = vector.shape_cast %add3A_348 : vector<16xf32> to vector<1x1x16xf32>
        tpu.vector_store %arg13[%swap3A_350, %swap3A_351, %swap3A_352], %swap3A_355 {strides = array<i32>} : memref<2x256x64xf32, #tpu.memory_space<vmem>>, vector<1x1x16xf32>,
        %get3A_356 = arith.constant 1 : i32
        %get3A_357 = arith.index_cast %get3A_356 : i32 to index
        %get3A_358 = arith.index_cast %add3A_310 : i32 to index
        %get3A_359 = arith.constant 32 : index
        %get3A_360 = tpu.vector_load %arg13[%get3A_357, %get3A_358, %get3A_359] {strides = array<i32>} : memref<2x256x64xf32, #tpu.memory_space<vmem>>, vector<1x1x16xf32>,
        %get3A_361 = vector.shape_cast %get3A_360 : vector<1x1x16xf32> to vector<16xf32>
        %get3A_362 = arith.constant 1 : i32
        %get3A_363 = arith.index_cast %get3A_362 : i32 to index
        %get3A_364 = arith.index_cast %add3A_310 : i32 to index
        %get3A_365 = arith.constant 32 : index
        %get3A_366 = tpu.vector_load %arg14[%get3A_363, %get3A_364, %get3A_365] {strides = array<i32>} : memref<2x256x64xf32, #tpu.memory_space<vmem>>, vector<1x1x16xf32>,
        %get3A_367 = vector.shape_cast %get3A_366 : vector<1x1x16xf32> to vector<16xf32>
        %add3A_368 = arith.addf %get3A_361, %get3A_367 : vector<16xf32>
        %add3A_369 = arith.addf %add3A_368, %get3A_16 : vector<16xf32>
        %mul3A_370 = arith.mulf %convert_element_type3A_306, %sub3A_43 : vector<16xf32>
        %add3A_371 = arith.addf %add3A_369, %mul3A_370 : vector<16xf32>
        %swap3A_372 = arith.constant 1 : i32
        %swap3A_373 = arith.index_cast %swap3A_372 : i32 to index
        %swap3A_374 = arith.index_cast %add3A_310 : i32 to index
        %swap3A_375 = arith.constant 32 : index
        %swap3A_376 = tpu.vector_load %arg13[%swap3A_373, %swap3A_374, %swap3A_375] {strides = array<i32>} : memref<2x256x64xf32, #tpu.memory_space<vmem>>, vector<1x1x16xf32>,
        %swap3A_377 = vector.shape_cast %swap3A_376 : vector<1x1x16xf32> to vector<16xf32>
        %swap3A_378 = vector.shape_cast %add3A_371 : vector<16xf32> to vector<1x1x16xf32>
        tpu.vector_store %arg13[%swap3A_373, %swap3A_374, %swap3A_375], %swap3A_378 {strides = array<i32>} : memref<2x256x64xf32, #tpu.memory_space<vmem>>, vector<1x1x16xf32>,
        %get3A_379 = arith.constant 1 : i32
        %get3A_380 = arith.index_cast %get3A_379 : i32 to index
        %get3A_381 = arith.index_cast %add3A_310 : i32 to index
        %get3A_382 = arith.constant 48 : index
        %get3A_383 = tpu.vector_load %arg13[%get3A_380, %get3A_381, %get3A_382] {strides = array<i32>} : memref<2x256x64xf32, #tpu.memory_space<vmem>>, vector<1x1x16xf32>,
        %get3A_384 = vector.shape_cast %get3A_383 : vector<1x1x16xf32> to vector<16xf32>
        %get3A_385 = arith.constant 1 : i32
        %get3A_386 = arith.index_cast %get3A_385 : i32 to index
        %get3A_387 = arith.index_cast %add3A_310 : i32 to index
        %get3A_388 = arith.constant 48 : index
        %get3A_389 = tpu.vector_load %arg14[%get3A_386, %get3A_387, %get3A_388] {strides = array<i32>} : memref<2x256x64xf32, #tpu.memory_space<vmem>>, vector<1x1x16xf32>,
        %get3A_390 = vector.shape_cast %get3A_389 : vector<1x1x16xf32> to vector<16xf32>
        %add3A_391 = arith.addf %get3A_384, %get3A_390 : vector<16xf32>
        %add3A_392 = arith.addf %add3A_391, %get3A_21 : vector<16xf32>
        %mul3A_393 = arith.mulf %convert_element_type3A_306, %sub3A_44 : vector<16xf32>
        %add3A_394 = arith.addf %add3A_392, %mul3A_393 : vector<16xf32>
        %swap3A_395 = arith.constant 1 : i32
        %swap3A_396 = arith.index_cast %swap3A_395 : i32 to index
        %swap3A_397 = arith.index_cast %add3A_310 : i32 to index
        %swap3A_398 = arith.constant 48 : index
        %swap3A_399 = tpu.vector_load %arg13[%swap3A_396, %swap3A_397, %swap3A_398] {strides = array<i32>} : memref<2x256x64xf32, #tpu.memory_space<vmem>>, vector<1x1x16xf32>,
        %swap3A_400 = vector.shape_cast %swap3A_399 : vector<1x1x16xf32> to vector<16xf32>
        %swap3A_401 = vector.shape_cast %add3A_394 : vector<16xf32> to vector<1x1x16xf32>
        tpu.vector_store %arg13[%swap3A_396, %swap3A_397, %swap3A_398], %swap3A_401 {strides = array<i32>} : memref<2x256x64xf32, #tpu.memory_space<vmem>>, vector<1x1x16xf32>,
        %broadcast_in_dim3A_402 = arith.constant 1 : i32
        %broadcast_in_dim3A_403 = vector.broadcast %broadcast_in_dim3A_402 : i32 to vector<16x1xi32>
        %gather3A_404 = vector.shape_cast %broadcast_in_dim3A_403 : vector<16x1xi32> to vector<16xi32>
        %gather3A_405 = tpu.dynamic_gather %get3A_303[%gather3A_404] in [0] : vector<16xi32>, vector<16xi32> -> vector<16xi32>
        %convert_element_type3A_406 = arith.sitofp %gather3A_405 : vector<16xi32> to vector<16xf32>
        %mul3A_407 = arith.constant 16 : i32
        %mul3A_408 = arith.muli %scan3A_296, %mul3A_407 : i32
        %add3A_409 = arith.constant 1 : i32
        %add3A_410 = arith.addi %mul3A_408, %add3A_409 : i32
        %get3A_411 = arith.constant 1 : i32
        %get3A_412 = arith.index_cast %get3A_411 : i32 to index
        %get3A_413 = arith.index_cast %add3A_410 : i32 to index
        %get3A_414 = arith.constant 0 : index
        %get3A_415 = tpu.vector_load %arg13[%get3A_412, %get3A_413, %get3A_414] {strides = array<i32>} : memref<2x256x64xf32, #tpu.memory_space<vmem>>, vector<1x1x16xf32>,
        %get3A_416 = vector.shape_cast %get3A_415 : vector<1x1x16xf32> to vector<16xf32>
        %get3A_417 = arith.constant 1 : i32
        %get3A_418 = arith.index_cast %get3A_417 : i32 to index
        %get3A_419 = arith.index_cast %add3A_410 : i32 to index
        %get3A_420 = arith.constant 0 : index
        %get3A_421 = tpu.vector_load %arg14[%get3A_418, %get3A_419, %get3A_420] {strides = array<i32>} : memref<2x256x64xf32, #tpu.memory_space<vmem>>, vector<1x1x16xf32>,
        %get3A_422 = vector.shape_cast %get3A_421 : vector<1x1x16xf32> to vector<16xf32>
        %add3A_423 = arith.addf %get3A_416, %get3A_422 : vector<16xf32>
        %add3A_424 = arith.addf %add3A_423, %get3A_6 : vector<16xf32>
        %mul3A_425 = arith.mulf %convert_element_type3A_406, %sub3A : vector<16xf32>
        %add3A_426 = arith.addf %add3A_424, %mul3A_425 : vector<16xf32>
        %swap3A_427 = arith.constant 1 : i32
        %swap3A_428 = arith.index_cast %swap3A_427 : i32 to index
        %swap3A_429 = arith.index_cast %add3A_410 : i32 to index
        %swap3A_430 = arith.constant 0 : index
        %swap3A_431 = tpu.vector_load %arg13[%swap3A_428, %swap3A_429, %swap3A_430] {strides = array<i32>} : memref<2x256x64xf32, #tpu.memory_space<vmem>>, vector<1x1x16xf32>,
        %swap3A_432 = vector.shape_cast %swap3A_431 : vector<1x1x16xf32> to vector<16xf32>
        %swap3A_433 = vector.shape_cast %add3A_426 : vector<16xf32> to vector<1x1x16xf32>
        tpu.vector_store %arg13[%swap3A_428, %swap3A_429, %swap3A_430], %swap3A_433 {strides = array<i32>} : memref<2x256x64xf32, #tpu.memory_space<vmem>>, vector<1x1x16xf32>,
        %get3A_434 = arith.constant 1 : i32
        %get3A_435 = arith.index_cast %get3A_434 : i32 to index
        %get3A_436 = arith.index_cast %add3A_410 : i32 to index
        %get3A_437 = arith.constant 16 : index
        %get3A_438 = tpu.vector_load %arg13[%get3A_435, %get3A_436, %get3A_437] {strides = array<i32>} : memref<2x256x64xf32, #tpu.memory_space<vmem>>, vector<1x1x16xf32>,
        %get3A_439 = vector.shape_cast %get3A_438 : vector<1x1x16xf32> to vector<16xf32>
        %get3A_440 = arith.constant 1 : i32
        %get3A_441 = arith.index_cast %get3A_440 : i32 to index
        %get3A_442 = arith.index_cast %add3A_410 : i32 to index
        %get3A_443 = arith.constant 16 : index
        %get3A_444 = tpu.vector_load %arg14[%get3A_441, %get3A_442, %get3A_443] {strides = array<i32>} : memref<2x256x64xf32, #tpu.memory_space<vmem>>, vector<1x1x16xf32>,
        %get3A_445 = vector.shape_cast %get3A_444 : vector<1x1x16xf32> to vector<16xf32>
        %add3A_446 = arith.addf %get3A_439, %get3A_445 : vector<16xf32>
        %add3A_447 = arith.addf %add3A_446, %get3A_11 : vector<16xf32>
        %mul3A_448 = arith.mulf %convert_element_type3A_406, %sub3A_42 : vector<16xf32>
        %add3A_449 = arith.addf %add3A_447, %mul3A_448 : vector<16xf32>
        %swap3A_450 = arith.constant 1 : i32
        %swap3A_451 = arith.index_cast %swap3A_450 : i32 to index
        %swap3A_452 = arith.index_cast %add3A_410 : i32 to index
        %swap3A_453 = arith.constant 16 : index
        %swap3A_454 = tpu.vector_load %arg13[%swap3A_451, %swap3A_452, %swap3A_453] {strides = array<i32>} : memref<2x256x64xf32, #tpu.memory_space<vmem>>, vector<1x1x16xf32>,
        %swap3A_455 = vector.shape_cast %swap3A_454 : vector<1x1x16xf32> to vector<16xf32>
        %swap3A_456 = vector.shape_cast %add3A_449 : vector<16xf32> to vector<1x1x16xf32>
        tpu.vector_store %arg13[%swap3A_451, %swap3A_452, %swap3A_453], %swap3A_456 {strides = array<i32>} : memref<2x256x64xf32, #tpu.memory_space<vmem>>, vector<1x1x16xf32>,
        %get3A_457 = arith.constant 1 : i32
        %get3A_458 = arith.index_cast %get3A_457 : i32 to index
        %get3A_459 = arith.index_cast %add3A_410 : i32 to index
        %get3A_460 = arith.constant 32 : index
        %get3A_461 = tpu.vector_load %arg13[%get3A_458, %get3A_459, %get3A_460] {strides = array<i32>} : memref<2x256x64xf32, #tpu.memory_space<vmem>>, vector<1x1x16xf32>,
        %get3A_462 = vector.shape_cast %get3A_461 : vector<1x1x16xf32> to vector<16xf32>
        %get3A_463 = arith.constant 1 : i32
        %get3A_464 = arith.index_cast %get3A_463 : i32 to index
        %get3A_465 = arith.index_cast %add3A_410 : i32 to index
        %get3A_466 = arith.constant 32 : index
        %get3A_467 = tpu.vector_load %arg14[%get3A_464, %get3A_465, %get3A_466] {strides = array<i32>} : memref<2x256x64xf32, #tpu.memory_space<vmem>>, vector<1x1x16xf32>,
        %get3A_468 = vector.shape_cast %get3A_467 : vector<1x1x16xf32> to vector<16xf32>
        %add3A_469 = arith.addf %get3A_462, %get3A_468 : vector<16xf32>
        %add3A_470 = arith.addf %add3A_469, %get3A_16 : vector<16xf32>
        %mul3A_471 = arith.mulf %convert_element_type3A_406, %sub3A_43 : vector<16xf32>
        %add3A_472 = arith.addf %add3A_470, %mul3A_471 : vector<16xf32>
        %swap3A_473 = arith.constant 1 : i32
        %swap3A_474 = arith.index_cast %swap3A_473 : i32 to index
        %swap3A_475 = arith.index_cast %add3A_410 : i32 to index
        %swap3A_476 = arith.constant 32 : index
        %swap3A_477 = tpu.vector_load %arg13[%swap3A_474, %swap3A_475, %swap3A_476] {strides = array<i32>} : memref<2x256x64xf32, #tpu.memory_space<vmem>>, vector<1x1x16xf32>,
        %swap3A_478 = vector.shape_cast %swap3A_477 : vector<1x1x16xf32> to vector<16xf32>
        %swap3A_479 = vector.shape_cast %add3A_472 : vector<16xf32> to vector<1x1x16xf32>
        tpu.vector_store %arg13[%swap3A_474, %swap3A_475, %swap3A_476], %swap3A_479 {strides = array<i32>} : memref<2x256x64xf32, #tpu.memory_space<vmem>>, vector<1x1x16xf32>,
        %get3A_480 = arith.constant 1 : i32
        %get3A_481 = arith.index_cast %get3A_480 : i32 to index
        %get3A_482 = arith.index_cast %add3A_410 : i32 to index
        %get3A_483 = arith.constant 48 : index
        %get3A_484 = tpu.vector_load %arg13[%get3A_481, %get3A_482, %get3A_483] {strides = array<i32>} : memref<2x256x64xf32, #tpu.memory_space<vmem>>, vector<1x1x16xf32>,
        %get3A_485 = vector.shape_cast %get3A_484 : vector<1x1x16xf32> to vector<16xf32>
        %get3A_486 = arith.constant 1 : i32
        %get3A_487 = arith.index_cast %get3A_486 : i32 to index
        %get3A_488 = arith.index_cast %add3A_410 : i32 to index
        %get3A_489 = arith.constant 48 : index
        %get3A_490 = tpu.vector_load %arg14[%get3A_487, %get3A_488, %get3A_489] {strides = array<i32>} : memref<2x256x64xf32, #tpu.memory_space<vmem>>, vector<1x1x16xf32>,
        %get3A_491 = vector.shape_cast %get3A_490 : vector<1x1x16xf32> to vector<16xf32>
        %add3A_492 = arith.addf %get3A_485, %get3A_491 : vector<16xf32>
        %add3A_493 = arith.addf %add3A_492, %get3A_21 : vector<16xf32>
        %mul3A_494 = arith.mulf %convert_element_type3A_406, %sub3A_44 : vector<16xf32>
        %add3A_495 = arith.addf %add3A_493, %mul3A_494 : vector<16xf32>
        %swap3A_496 = arith.constant 1 : i32
        %swap3A_497 = arith.index_cast %swap3A_496 : i32 to index
        %swap3A_498 = arith.index_cast %add3A_410 : i32 to index
        %swap3A_499 = arith.constant 48 : index
        %swap3A_500 = tpu.vector_load %arg13[%swap3A_497, %swap3A_498, %swap3A_499] {strides = array<i32>} : memref<2x256x64xf32, #tpu.memory_space<vmem>>, vector<1x1x16xf32>,
        %swap3A_501 = vector.shape_cast %swap3A_500 : vector<1x1x16xf32> to vector<16xf32>
        %swap3A_502 = vector.shape_cast %add3A_495 : vector<16xf32> to vector<1x1x16xf32>
        tpu.vector_store %arg13[%swap3A_497, %swap3A_498, %swap3A_499], %swap3A_502 {strides = array<i32>} : memref<2x256x64xf32, #tpu.memory_space<vmem>>, vector<1x1x16xf32>,
        %broadcast_in_dim3A_503 = arith.constant 2 : i32
        %broadcast_in_dim3A_504 = vector.broadcast %broadcast_in_dim3A_503 : i32 to vector<16x1xi32>
        %gather3A_505 = vector.shape_cast %broadcast_in_dim3A_504 : vector<16x1xi32> to vector<16xi32>
        %gather3A_506 = tpu.dynamic_gather %get3A_303[%gather3A_505] in [0] : vector<16xi32>, vector<16xi32> -> vector<16xi32>
        %convert_element_type3A_507 = arith.sitofp %gather3A_506 : vector<16xi32> to vector<16xf32>
        %mul3A_508 = arith.constant 16 : i32
        %mul3A_509 = arith.muli %scan3A_296, %mul3A_508 : i32
        %add3A_510 = arith.constant 2 : i32
        %add3A_511 = arith.addi %mul3A_509, %add3A_510 : i32
        %get3A_512 = arith.constant 1 : i32
        %get3A_513 = arith.index_cast %get3A_512 : i32 to index
        %get3A_514 = arith.index_cast %add3A_511 : i32 to index
        %get3A_515 = arith.constant 0 : index
        %get3A_516 = tpu.vector_load %arg13[%get3A_513, %get3A_514, %get3A_515] {strides = array<i32>} : memref<2x256x64xf32, #tpu.memory_space<vmem>>, vector<1x1x16xf32>,
        %get3A_517 = vector.shape_cast %get3A_516 : vector<1x1x16xf32> to vector<16xf32>
        %get3A_518 = arith.constant 1 : i32
        %get3A_519 = arith.index_cast %get3A_518 : i32 to index
        %get3A_520 = arith.index_cast %add3A_511 : i32 to index
        %get3A_521 = arith.constant 0 : index
        %get3A_522 = tpu.vector_load %arg14[%get3A_519, %get3A_520, %get3A_521] {strides = array<i32>} : memref<2x256x64xf32, #tpu.memory_space<vmem>>, vector<1x1x16xf32>,
        %get3A_523 = vector.shape_cast %get3A_522 : vector<1x1x16xf32> to vector<16xf32>
        %add3A_524 = arith.addf %get3A_517, %get3A_523 : vector<16xf32>
        %add3A_525 = arith.addf %add3A_524, %get3A_6 : vector<16xf32>
        %mul3A_526 = arith.mulf %convert_element_type3A_507, %sub3A : vector<16xf32>
        %add3A_527 = arith.addf %add3A_525, %mul3A_526 : vector<16xf32>
        %swap3A_528 = arith.constant 1 : i32
        %swap3A_529 = arith.index_cast %swap3A_528 : i32 to index
        %swap3A_530 = arith.index_cast %add3A_511 : i32 to index
        %swap3A_531 = arith.constant 0 : index
        %swap3A_532 = tpu.vector_load %arg13[%swap3A_529, %swap3A_530, %swap3A_531] {strides = array<i32>} : memref<2x256x64xf32, #tpu.memory_space<vmem>>, vector<1x1x16xf32>,
        %swap3A_533 = vector.shape_cast %swap3A_532 : vector<1x1x16xf32> to vector<16xf32>
        %swap3A_534 = vector.shape_cast %add3A_527 : vector<16xf32> to vector<1x1x16xf32>
        tpu.vector_store %arg13[%swap3A_529, %swap3A_530, %swap3A_531], %swap3A_534 {strides = array<i32>} : memref<2x256x64xf32, #tpu.memory_space<vmem>>, vector<1x1x16xf32>,
        %get3A_535 = arith.constant 1 : i32
        %get3A_536 = arith.index_cast %get3A_535 : i32 to index
        %get3A_537 = arith.index_cast %add3A_511 : i32 to index
        %get3A_538 = arith.constant 16 : index
        %get3A_539 = tpu.vector_load %arg13[%get3A_536, %get3A_537, %get3A_538] {strides = array<i32>} : memref<2x256x64xf32, #tpu.memory_space<vmem>>, vector<1x1x16xf32>,
        %get3A_540 = vector.shape_cast %get3A_539 : vector<1x1x16xf32> to vector<16xf32>
        %get3A_541 = arith.constant 1 : i32
        %get3A_542 = arith.index_cast %get3A_541 : i32 to index
        %get3A_543 = arith.index_cast %add3A_511 : i32 to index
        %get3A_544 = arith.constant 16 : index
        %get3A_545 = tpu.vector_load %arg14[%get3A_542, %get3A_543, %get3A_544] {strides = array<i32>} : memref<2x256x64xf32, #tpu.memory_space<vmem>>, vector<1x1x16xf32>,
        %get3A_546 = vector.shape_cast %get3A_545 : vector<1x1x16xf32> to vector<16xf32>
        %add3A_547 = arith.addf %get3A_540, %get3A_546 : vector<16xf32>
        %add3A_548 = arith.addf %add3A_547, %get3A_11 : vector<16xf32>
        %mul3A_549 = arith.mulf %convert_element_type3A_507, %sub3A_42 : vector<16xf32>
        %add3A_550 = arith.addf %add3A_548, %mul3A_549 : vector<16xf32>
        %swap3A_551 = arith.constant 1 : i32
        %swap3A_552 = arith.index_cast %swap3A_551 : i32 to index
        %swap3A_553 = arith.index_cast %add3A_511 : i32 to index
        %swap3A_554 = arith.constant 16 : index
        %swap3A_555 = tpu.vector_load %arg13[%swap3A_552, %swap3A_553, %swap3A_554] {strides = array<i32>} : memref<2x256x64xf32, #tpu.memory_space<vmem>>, vector<1x1x16xf32>,
        %swap3A_556 = vector.shape_cast %swap3A_555 : vector<1x1x16xf32> to vector<16xf32>
        %swap3A_557 = vector.shape_cast %add3A_550 : vector<16xf32> to vector<1x1x16xf32>
        tpu.vector_store %arg13[%swap3A_552, %swap3A_553, %swap3A_554], %swap3A_557 {strides = array<i32>} : memref<2x256x64xf32, #tpu.memory_space<vmem>>, vector<1x1x16xf32>,
        %get3A_558 = arith.constant 1 : i32
        %get3A_559 = arith.index_cast %get3A_558 : i32 to index
        %get3A_560 = arith.index_cast %add3A_511 : i32 to index
        %get3A_561 = arith.constant 32 : index
        %get3A_562 = tpu.vector_load %arg13[%get3A_559, %get3A_560, %get3A_561] {strides = array<i32>} : memref<2x256x64xf32, #tpu.memory_space<vmem>>, vector<1x1x16xf32>,
        %get3A_563 = vector.shape_cast %get3A_562 : vector<1x1x16xf32> to vector<16xf32>
        %get3A_564 = arith.constant 1 : i32
        %get3A_565 = arith.index_cast %get3A_564 : i32 to index
        %get3A_566 = arith.index_cast %add3A_511 : i32 to index
        %get3A_567 = arith.constant 32 : index
        %get3A_568 = tpu.vector_load %arg14[%get3A_565, %get3A_566, %get3A_567] {strides = array<i32>} : memref<2x256x64xf32, #tpu.memory_space<vmem>>, vector<1x1x16xf32>,
        %get3A_569 = vector.shape_cast %get3A_568 : vector<1x1x16xf32> to vector<16xf32>
        %add3A_570 = arith.addf %get3A_563, %get3A_569 : vector<16xf32>
        %add3A_571 = arith.addf %add3A_570, %get3A_16 : vector<16xf32>
        %mul3A_572 = arith.mulf %convert_element_type3A_507, %sub3A_43 : vector<16xf32>
        %add3A_573 = arith.addf %add3A_571, %mul3A_572 : vector<16xf32>
        %swap3A_574 = arith.constant 1 : i32
        %swap3A_575 = arith.index_cast %swap3A_574 : i32 to index
        %swap3A_576 = arith.index_cast %add3A_511 : i32 to index
        %swap3A_577 = arith.constant 32 : index
        %swap3A_578 = tpu.vector_load %arg13[%swap3A_575, %swap3A_576, %swap3A_577] {strides = array<i32>} : memref<2x256x64xf32, #tpu.memory_space<vmem>>, vector<1x1x16xf32>,
        %swap3A_579 = vector.shape_cast %swap3A_578 : vector<1x1x16xf32> to vector<16xf32>
        %swap3A_580 = vector.shape_cast %add3A_573 : vector<16xf32> to vector<1x1x16xf32>
        tpu.vector_store %arg13[%swap3A_575, %swap3A_576, %swap3A_577], %swap3A_580 {strides = array<i32>} : memref<2x256x64xf32, #tpu.memory_space<vmem>>, vector<1x1x16xf32>,
        %get3A_581 = arith.constant 1 : i32
        %get3A_582 = arith.index_cast %get3A_581 : i32 to index
        %get3A_583 = arith.index_cast %add3A_511 : i32 to index
        %get3A_584 = arith.constant 48 : index
        %get3A_585 = tpu.vector_load %arg13[%get3A_582, %get3A_583, %get3A_584] {strides = array<i32>} : memref<2x256x64xf32, #tpu.memory_space<vmem>>, vector<1x1x16xf32>,
        %get3A_586 = vector.shape_cast %get3A_585 : vector<1x1x16xf32> to vector<16xf32>
        %get3A_587 = arith.constant 1 : i32
        %get3A_588 = arith.index_cast %get3A_587 : i32 to index
        %get3A_589 = arith.index_cast %add3A_511 : i32 to index
        %get3A_590 = arith.constant 48 : index
        %get3A_591 = tpu.vector_load %arg14[%get3A_588, %get3A_589, %get3A_590] {strides = array<i32>} : memref<2x256x64xf32, #tpu.memory_space<vmem>>, vector<1x1x16xf32>,
        %get3A_592 = vector.shape_cast %get3A_591 : vector<1x1x16xf32> to vector<16xf32>
        %add3A_593 = arith.addf %get3A_586, %get3A_592 : vector<16xf32>
        %add3A_594 = arith.addf %add3A_593, %get3A_21 : vector<16xf32>
        %mul3A_595 = arith.mulf %convert_element_type3A_507, %sub3A_44 : vector<16xf32>
        %add3A_596 = arith.addf %add3A_594, %mul3A_595 : vector<16xf32>
        %swap3A_597 = arith.constant 1 : i32
        %swap3A_598 = arith.index_cast %swap3A_597 : i32 to index
        %swap3A_599 = arith.index_cast %add3A_511 : i32 to index
        %swap3A_600 = arith.constant 48 : index
        %swap3A_601 = tpu.vector_load %arg13[%swap3A_598, %swap3A_599, %swap3A_600] {strides = array<i32>} : memref<2x256x64xf32, #tpu.memory_space<vmem>>, vector<1x1x16xf32>,
        %swap3A_602 = vector.shape_cast %swap3A_601 : vector<1x1x16xf32> to vector<16xf32>
        %swap3A_603 = vector.shape_cast %add3A_596 : vector<16xf32> to vector<1x1x16xf32>
        tpu.vector_store %arg13[%swap3A_598, %swap3A_599, %swap3A_600], %swap3A_603 {strides = array<i32>} : memref<2x256x64xf32, #tpu.memory_space<vmem>>, vector<1x1x16xf32>,
        %broadcast_in_dim3A_604 = arith.constant 3 : i32
        %broadcast_in_dim3A_605 = vector.broadcast %broadcast_in_dim3A_604 : i32 to vector<16x1xi32>
        %gather3A_606 = vector.shape_cast %broadcast_in_dim3A_605 : vector<16x1xi32> to vector<16xi32>
        %gather3A_607 = tpu.dynamic_gather %get3A_303[%gather3A_606] in [0] : vector<16xi32>, vector<16xi32> -> vector<16xi32>
        %convert_element_type3A_608 = arith.sitofp %gather3A_607 : vector<16xi32> to vector<16xf32>
        %mul3A_609 = arith.constant 16 : i32
        %mul3A_610 = arith.muli %scan3A_296, %mul3A_609 : i32
        %add3A_611 = arith.constant 3 : i32
        %add3A_612 = arith.addi %mul3A_610, %add3A_611 : i32
        %get3A_613 = arith.constant 1 : i32
        %get3A_614 = arith.index_cast %get3A_613 : i32 to index
        %get3A_615 = arith.index_cast %add3A_612 : i32 to index
        %get3A_616 = arith.constant 0 : index
        %get3A_617 = tpu.vector_load %arg13[%get3A_614, %get3A_615, %get3A_616] {strides = array<i32>} : memref<2x256x64xf32, #tpu.memory_space<vmem>>, vector<1x1x16xf32>,
        %get3A_618 = vector.shape_cast %get3A_617 : vector<1x1x16xf32> to vector<16xf32>
        %get3A_619 = arith.constant 1 : i32
        %get3A_620 = arith.index_cast %get3A_619 : i32 to index
        %get3A_621 = arith.index_cast %add3A_612 : i32 to index
        %get3A_622 = arith.constant 0 : index
        %get3A_623 = tpu.vector_load %arg14[%get3A_620, %get3A_621, %get3A_622] {strides = array<i32>} : memref<2x256x64xf32, #tpu.memory_space<vmem>>, vector<1x1x16xf32>,
        %get3A_624 = vector.shape_cast %get3A_623 : vector<1x1x16xf32> to vector<16xf32>
        %add3A_625 = arith.addf %get3A_618, %get3A_624 : vector<16xf32>
        %add3A_626 = arith.addf %add3A_625, %get3A_6 : vector<16xf32>
        %mul3A_627 = arith.mulf %convert_element_type3A_608, %sub3A : vector<16xf32>
        %add3A_628 = arith.addf %add3A_626, %mul3A_627 : vector<16xf32>
        %swap3A_629 = arith.constant 1 : i32
        %swap3A_630 = arith.index_cast %swap3A_629 : i32 to index
        %swap3A_631 = arith.index_cast %add3A_612 : i32 to index
        %swap3A_632 = arith.constant 0 : index
        %swap3A_633 = tpu.vector_load %arg13[%swap3A_630, %swap3A_631, %swap3A_632] {strides = array<i32>} : memref<2x256x64xf32, #tpu.memory_space<vmem>>, vector<1x1x16xf32>,
        %swap3A_634 = vector.shape_cast %swap3A_633 : vector<1x1x16xf32> to vector<16xf32>
        %swap3A_635 = vector.shape_cast %add3A_628 : vector<16xf32> to vector<1x1x16xf32>
        tpu.vector_store %arg13[%swap3A_630, %swap3A_631, %swap3A_632], %swap3A_635 {strides = array<i32>} : memref<2x256x64xf32, #tpu.memory_space<vmem>>, vector<1x1x16xf32>,
        %get3A_636 = arith.constant 1 : i32
        %get3A_637 = arith.index_cast %get3A_636 : i32 to index
        %get3A_638 = arith.index_cast %add3A_612 : i32 to index
        %get3A_639 = arith.constant 16 : index
        %get3A_640 = tpu.vector_load %arg13[%get3A_637, %get3A_638, %get3A_639] {strides = array<i32>} : memref<2x256x64xf32, #tpu.memory_space<vmem>>, vector<1x1x16xf32>,
        %get3A_641 = vector.shape_cast %get3A_640 : vector<1x1x16xf32> to vector<16xf32>
        %get3A_642 = arith.constant 1 : i32
        %get3A_643 = arith.index_cast %get3A_642 : i32 to index
        %get3A_644 = arith.index_cast %add3A_612 : i32 to index
        %get3A_645 = arith.constant 16 : index
        %get3A_646 = tpu.vector_load %arg14[%get3A_643, %get3A_644, %get3A_645] {strides = array<i32>} : memref<2x256x64xf32, #tpu.memory_space<vmem>>, vector<1x1x16xf32>,
        %get3A_647 = vector.shape_cast %get3A_646 : vector<1x1x16xf32> to vector<16xf32>
        %add3A_648 = arith.addf %get3A_641, %get3A_647 : vector<16xf32>
        %add3A_649 = arith.addf %add3A_648, %get3A_11 : vector<16xf32>
        %mul3A_650 = arith.mulf %convert_element_type3A_608, %sub3A_42 : vector<16xf32>
        %add3A_651 = arith.addf %add3A_649, %mul3A_650 : vector<16xf32>
        %swap3A_652 = arith.constant 1 : i32
        %swap3A_653 = arith.index_cast %swap3A_652 : i32 to index
        %swap3A_654 = arith.index_cast %add3A_612 : i32 to index
        %swap3A_655 = arith.constant 16 : index
        %swap3A_656 = tpu.vector_load %arg13[%swap3A_653, %swap3A_654, %swap3A_655] {strides = array<i32>} : memref<2x256x64xf32, #tpu.memory_space<vmem>>, vector<1x1x16xf32>,
        %swap3A_657 = vector.shape_cast %swap3A_656 : vector<1x1x16xf32> to vector<16xf32>
        %swap3A_658 = vector.shape_cast %add3A_651 : vector<16xf32> to vector<1x1x16xf32>
        tpu.vector_store %arg13[%swap3A_653, %swap3A_654, %swap3A_655], %swap3A_658 {strides = array<i32>} : memref<2x256x64xf32, #tpu.memory_space<vmem>>, vector<1x1x16xf32>,
        %get3A_659 = arith.constant 1 : i32
        %get3A_660 = arith.index_cast %get3A_659 : i32 to index
        %get3A_661 = arith.index_cast %add3A_612 : i32 to index
        %get3A_662 = arith.constant 32 : index
        %get3A_663 = tpu.vector_load %arg13[%get3A_660, %get3A_661, %get3A_662] {strides = array<i32>} : memref<2x256x64xf32, #tpu.memory_space<vmem>>, vector<1x1x16xf32>,
        %get3A_664 = vector.shape_cast %get3A_663 : vector<1x1x16xf32> to vector<16xf32>
        %get3A_665 = arith.constant 1 : i32
        %get3A_666 = arith.index_cast %get3A_665 : i32 to index
        %get3A_667 = arith.index_cast %add3A_612 : i32 to index
        %get3A_668 = arith.constant 32 : index
        %get3A_669 = tpu.vector_load %arg14[%get3A_666, %get3A_667, %get3A_668] {strides = array<i32>} : memref<2x256x64xf32, #tpu.memory_space<vmem>>, vector<1x1x16xf32>,
        %get3A_670 = vector.shape_cast %get3A_669 : vector<1x1x16xf32> to vector<16xf32>
        %add3A_671 = arith.addf %get3A_664, %get3A_670 : vector<16xf32>
        %add3A_672 = arith.addf %add3A_671, %get3A_16 : vector<16xf32>
        %mul3A_673 = arith.mulf %convert_element_type3A_608, %sub3A_43 : vector<16xf32>
        %add3A_674 = arith.addf %add3A_672, %mul3A_673 : vector<16xf32>
        %swap3A_675 = arith.constant 1 : i32
        %swap3A_676 = arith.index_cast %swap3A_675 : i32 to index
        %swap3A_677 = arith.index_cast %add3A_612 : i32 to index
        %swap3A_678 = arith.constant 32 : index
        %swap3A_679 = tpu.vector_load %arg13[%swap3A_676, %swap3A_677, %swap3A_678] {strides = array<i32>} : memref<2x256x64xf32, #tpu.memory_space<vmem>>, vector<1x1x16xf32>,
        %swap3A_680 = vector.shape_cast %swap3A_679 : vector<1x1x16xf32> to vector<16xf32>
        %swap3A_681 = vector.shape_cast %add3A_674 : vector<16xf32> to vector<1x1x16xf32>
        tpu.vector_store %arg13[%swap3A_676, %swap3A_677, %swap3A_678], %swap3A_681 {strides = array<i32>} : memref<2x256x64xf32, #tpu.memory_space<vmem>>, vector<1x1x16xf32>,
        %get3A_682 = arith.constant 1 : i32
        %get3A_683 = arith.index_cast %get3A_682 : i32 to index
        %get3A_684 = arith.index_cast %add3A_612 : i32 to index
        %get3A_685 = arith.constant 48 : index
        %get3A_686 = tpu.vector_load %arg13[%get3A_683, %get3A_684, %get3A_685] {strides = array<i32>} : memref<2x256x64xf32, #tpu.memory_space<vmem>>, vector<1x1x16xf32>,
        %get3A_687 = vector.shape_cast %get3A_686 : vector<1x1x16xf32> to vector<16xf32>
        %get3A_688 = arith.constant 1 : i32
        %get3A_689 = arith.index_cast %get3A_688 : i32 to index
        %get3A_690 = arith.index_cast %add3A_612 : i32 to index
        %get3A_691 = arith.constant 48 : index
        %get3A_692 = tpu.vector_load %arg14[%get3A_689, %get3A_690, %get3A_691] {strides = array<i32>} : memref<2x256x64xf32, #tpu.memory_space<vmem>>, vector<1x1x16xf32>,
        %get3A_693 = vector.shape_cast %get3A_692 : vector<1x1x16xf32> to vector<16xf32>
        %add3A_694 = arith.addf %get3A_687, %get3A_693 : vector<16xf32>
        %add3A_695 = arith.addf %add3A_694, %get3A_21 : vector<16xf32>
        %mul3A_696 = arith.mulf %convert_element_type3A_608, %sub3A_44 : vector<16xf32>
        %add3A_697 = arith.addf %add3A_695, %mul3A_696 : vector<16xf32>
        %swap3A_698 = arith.constant 1 : i32
        %swap3A_699 = arith.index_cast %swap3A_698 : i32 to index
        %swap3A_700 = arith.index_cast %add3A_612 : i32 to index
        %swap3A_701 = arith.constant 48 : index
        %swap3A_702 = tpu.vector_load %arg13[%swap3A_699, %swap3A_700, %swap3A_701] {strides = array<i32>} : memref<2x256x64xf32, #tpu.memory_space<vmem>>, vector<1x1x16xf32>,
        %swap3A_703 = vector.shape_cast %swap3A_702 : vector<1x1x16xf32> to vector<16xf32>
        %swap3A_704 = vector.shape_cast %add3A_697 : vector<16xf32> to vector<1x1x16xf32>
        tpu.vector_store %arg13[%swap3A_699, %swap3A_700, %swap3A_701], %swap3A_704 {strides = array<i32>} : memref<2x256x64xf32, #tpu.memory_space<vmem>>, vector<1x1x16xf32>,
        %broadcast_in_dim3A_705 = arith.constant 4 : i32
        %broadcast_in_dim3A_706 = vector.broadcast %broadcast_in_dim3A_705 : i32 to vector<16x1xi32>
        %gather3A_707 = vector.shape_cast %broadcast_in_dim3A_706 : vector<16x1xi32> to vector<16xi32>
        %gather3A_708 = tpu.dynamic_gather %get3A_303[%gather3A_707] in [0] : vector<16xi32>, vector<16xi32> -> vector<16xi32>
        %convert_element_type3A_709 = arith.sitofp %gather3A_708 : vector<16xi32> to vector<16xf32>
        %mul3A_710 = arith.constant 16 : i32
        %mul3A_711 = arith.muli %scan3A_296, %mul3A_710 : i32
        %add3A_712 = arith.constant 4 : i32
        %add3A_713 = arith.addi %mul3A_711, %add3A_712 : i32
        %get3A_714 = arith.constant 1 : i32
        %get3A_715 = arith.index_cast %get3A_714 : i32 to index
        %get3A_716 = arith.index_cast %add3A_713 : i32 to index
        %get3A_717 = arith.constant 0 : index
        %get3A_718 = tpu.vector_load %arg13[%get3A_715, %get3A_716, %get3A_717] {strides = array<i32>} : memref<2x256x64xf32, #tpu.memory_space<vmem>>, vector<1x1x16xf32>,
        %get3A_719 = vector.shape_cast %get3A_718 : vector<1x1x16xf32> to vector<16xf32>
        %get3A_720 = arith.constant 1 : i32
        %get3A_721 = arith.index_cast %get3A_720 : i32 to index
        %get3A_722 = arith.index_cast %add3A_713 : i32 to index
        %get3A_723 = arith.constant 0 : index
        %get3A_724 = tpu.vector_load %arg14[%get3A_721, %get3A_722, %get3A_723] {strides = array<i32>} : memref<2x256x64xf32, #tpu.memory_space<vmem>>, vector<1x1x16xf32>,
        %get3A_725 = vector.shape_cast %get3A_724 : vector<1x1x16xf32> to vector<16xf32>
        %add3A_726 = arith.addf %get3A_719, %get3A_725 : vector<16xf32>
        %add3A_727 = arith.addf %add3A_726, %get3A_6 : vector<16xf32>
        %mul3A_728 = arith.mulf %convert_element_type3A_709, %sub3A : vector<16xf32>
        %add3A_729 = arith.addf %add3A_727, %mul3A_728 : vector<16xf32>
        %swap3A_730 = arith.constant 1 : i32
        %swap3A_731 = arith.index_cast %swap3A_730 : i32 to index
        %swap3A_732 = arith.index_cast %add3A_713 : i32 to index
        %swap3A_733 = arith.constant 0 : index
        %swap3A_734 = tpu.vector_load %arg13[%swap3A_731, %swap3A_732, %swap3A_733] {strides = array<i32>} : memref<2x256x64xf32, #tpu.memory_space<vmem>>, vector<1x1x16xf32>,
        %swap3A_735 = vector.shape_cast %swap3A_734 : vector<1x1x16xf32> to vector<16xf32>
        %swap3A_736 = vector.shape_cast %add3A_729 : vector<16xf32> to vector<1x1x16xf32>
        tpu.vector_store %arg13[%swap3A_731, %swap3A_732, %swap3A_733], %swap3A_736 {strides = array<i32>} : memref<2x256x64xf32, #tpu.memory_space<vmem>>, vector<1x1x16xf32>,
        %get3A_737 = arith.constant 1 : i32
        %get3A_738 = arith.index_cast %get3A_737 : i32 to index
        %get3A_739 = arith.index_cast %add3A_713 : i32 to index
        %get3A_740 = arith.constant 16 : index
        %get3A_741 = tpu.vector_load %arg13[%get3A_738, %get3A_739, %get3A_740] {strides = array<i32>} : memref<2x256x64xf32, #tpu.memory_space<vmem>>, vector<1x1x16xf32>,
        %get3A_742 = vector.shape_cast %get3A_741 : vector<1x1x16xf32> to vector<16xf32>
        %get3A_743 = arith.constant 1 : i32
        %get3A_744 = arith.index_cast %get3A_743 : i32 to index
        %get3A_745 = arith.index_cast %add3A_713 : i32 to index
        %get3A_746 = arith.constant 16 : index
        %get3A_747 = tpu.vector_load %arg14[%get3A_744, %get3A_745, %get3A_746] {strides = array<i32>} : memref<2x256x64xf32, #tpu.memory_space<vmem>>, vector<1x1x16xf32>,
        %get3A_748 = vector.shape_cast %get3A_747 : vector<1x1x16xf32> to vector<16xf32>
        %add3A_749 = arith.addf %get3A_742, %get3A_748 : vector<16xf32>
        %add3A_750 = arith.addf %add3A_749, %get3A_11 : vector<16xf32>
        %mul3A_751 = arith.mulf %convert_element_type3A_709, %sub3A_42 : vector<16xf32>
        %add3A_752 = arith.addf %add3A_750, %mul3A_751 : vector<16xf32>
        %swap3A_753 = arith.constant 1 : i32
        %swap3A_754 = arith.index_cast %swap3A_753 : i32 to index
        %swap3A_755 = arith.index_cast %add3A_713 : i32 to index
        %swap3A_756 = arith.constant 16 : index
        %swap3A_757 = tpu.vector_load %arg13[%swap3A_754, %swap3A_755, %swap3A_756] {strides = array<i32>} : memref<2x256x64xf32, #tpu.memory_space<vmem>>, vector<1x1x16xf32>,
        %swap3A_758 = vector.shape_cast %swap3A_757 : vector<1x1x16xf32> to vector<16xf32>
        %swap3A_759 = vector.shape_cast %add3A_752 : vector<16xf32> to vector<1x1x16xf32>
        tpu.vector_store %arg13[%swap3A_754, %swap3A_755, %swap3A_756], %swap3A_759 {strides = array<i32>} : memref<2x256x64xf32, #tpu.memory_space<vmem>>, vector<1x1x16xf32>,
        %get3A_760 = arith.constant 1 : i32
        %get3A_761 = arith.index_cast %get3A_760 : i32 to index
        %get3A_762 = arith.index_cast %add3A_713 : i32 to index
        %get3A_763 = arith.constant 32 : index
        %get3A_764 = tpu.vector_load %arg13[%get3A_761, %get3A_762, %get3A_763] {strides = array<i32>} : memref<2x256x64xf32, #tpu.memory_space<vmem>>, vector<1x1x16xf32>,
        %get3A_765 = vector.shape_cast %get3A_764 : vector<1x1x16xf32> to vector<16xf32>
        %get3A_766 = arith.constant 1 : i32
        %get3A_767 = arith.index_cast %get3A_766 : i32 to index
        %get3A_768 = arith.index_cast %add3A_713 : i32 to index
        %get3A_769 = arith.constant 32 : index
        %get3A_770 = tpu.vector_load %arg14[%get3A_767, %get3A_768, %get3A_769] {strides = array<i32>} : memref<2x256x64xf32, #tpu.memory_space<vmem>>, vector<1x1x16xf32>,
        %get3A_771 = vector.shape_cast %get3A_770 : vector<1x1x16xf32> to vector<16xf32>
        %add3A_772 = arith.addf %get3A_765, %get3A_771 : vector<16xf32>
        %add3A_773 = arith.addf %add3A_772, %get3A_16 : vector<16xf32>
        %mul3A_774 = arith.mulf %convert_element_type3A_709, %sub3A_43 : vector<16xf32>
        %add3A_775 = arith.addf %add3A_773, %mul3A_774 : vector<16xf32>
        %swap3A_776 = arith.constant 1 : i32
        %swap3A_777 = arith.index_cast %swap3A_776 : i32 to index
        %swap3A_778 = arith.index_cast %add3A_713 : i32 to index
        %swap3A_779 = arith.constant 32 : index
        %swap3A_780 = tpu.vector_load %arg13[%swap3A_777, %swap3A_778, %swap3A_779] {strides = array<i32>} : memref<2x256x64xf32, #tpu.memory_space<vmem>>, vector<1x1x16xf32>,
        %swap3A_781 = vector.shape_cast %swap3A_780 : vector<1x1x16xf32> to vector<16xf32>
        %swap3A_782 = vector.shape_cast %add3A_775 : vector<16xf32> to vector<1x1x16xf32>
        tpu.vector_store %arg13[%swap3A_777, %swap3A_778, %swap3A_779], %swap3A_782 {strides = array<i32>} : memref<2x256x64xf32, #tpu.memory_space<vmem>>, vector<1x1x16xf32>,
        %get3A_783 = arith.constant 1 : i32
        %get3A_784 = arith.index_cast %get3A_783 : i32 to index
        %get3A_785 = arith.index_cast %add3A_713 : i32 to index
        %get3A_786 = arith.constant 48 : index
        %get3A_787 = tpu.vector_load %arg13[%get3A_784, %get3A_785, %get3A_786] {strides = array<i32>} : memref<2x256x64xf32, #tpu.memory_space<vmem>>, vector<1x1x16xf32>,
        %get3A_788 = vector.shape_cast %get3A_787 : vector<1x1x16xf32> to vector<16xf32>
        %get3A_789 = arith.constant 1 : i32
        %get3A_790 = arith.index_cast %get3A_789 : i32 to index
        %get3A_791 = arith.index_cast %add3A_713 : i32 to index
        %get3A_792 = arith.constant 48 : index
        %get3A_793 = tpu.vector_load %arg14[%get3A_790, %get3A_791, %get3A_792] {strides = array<i32>} : memref<2x256x64xf32, #tpu.memory_space<vmem>>, vector<1x1x16xf32>,
        %get3A_794 = vector.shape_cast %get3A_793 : vector<1x1x16xf32> to vector<16xf32>
        %add3A_795 = arith.addf %get3A_788, %get3A_794 : vector<16xf32>
        %add3A_796 = arith.addf %add3A_795, %get3A_21 : vector<16xf32>
        %mul3A_797 = arith.mulf %convert_element_type3A_709, %sub3A_44 : vector<16xf32>
        %add3A_798 = arith.addf %add3A_796, %mul3A_797 : vector<16xf32>
        %swap3A_799 = arith.constant 1 : i32
        %swap3A_800 = arith.index_cast %swap3A_799 : i32 to index
        %swap3A_801 = arith.index_cast %add3A_713 : i32 to index
        %swap3A_802 = arith.constant 48 : index
        %swap3A_803 = tpu.vector_load %arg13[%swap3A_800, %swap3A_801, %swap3A_802] {strides = array<i32>} : memref<2x256x64xf32, #tpu.memory_space<vmem>>, vector<1x1x16xf32>,
        %swap3A_804 = vector.shape_cast %swap3A_803 : vector<1x1x16xf32> to vector<16xf32>
        %swap3A_805 = vector.shape_cast %add3A_798 : vector<16xf32> to vector<1x1x16xf32>
        tpu.vector_store %arg13[%swap3A_800, %swap3A_801, %swap3A_802], %swap3A_805 {strides = array<i32>} : memref<2x256x64xf32, #tpu.memory_space<vmem>>, vector<1x1x16xf32>,
        %broadcast_in_dim3A_806 = arith.constant 5 : i32
        %broadcast_in_dim3A_807 = vector.broadcast %broadcast_in_dim3A_806 : i32 to vector<16x1xi32>
        %gather3A_808 = vector.shape_cast %broadcast_in_dim3A_807 : vector<16x1xi32> to vector<16xi32>
        %gather3A_809 = tpu.dynamic_gather %get3A_303[%gather3A_808] in [0] : vector<16xi32>, vector<16xi32> -> vector<16xi32>
        %convert_element_type3A_810 = arith.sitofp %gather3A_809 : vector<16xi32> to vector<16xf32>
        %mul3A_811 = arith.constant 16 : i32
        %mul3A_812 = arith.muli %scan3A_296, %mul3A_811 : i32
        %add3A_813 = arith.constant 5 : i32
        %add3A_814 = arith.addi %mul3A_812, %add3A_813 : i32
        %get3A_815 = arith.constant 1 : i32
        %get3A_816 = arith.index_cast %get3A_815 : i32 to index
        %get3A_817 = arith.index_cast %add3A_814 : i32 to index
        %get3A_818 = arith.constant 0 : index
        %get3A_819 = tpu.vector_load %arg13[%get3A_816, %get3A_817, %get3A_818] {strides = array<i32>} : memref<2x256x64xf32, #tpu.memory_space<vmem>>, vector<1x1x16xf32>,
        %get3A_820 = vector.shape_cast %get3A_819 : vector<1x1x16xf32> to vector<16xf32>
        %get3A_821 = arith.constant 1 : i32
        %get3A_822 = arith.index_cast %get3A_821 : i32 to index
        %get3A_823 = arith.index_cast %add3A_814 : i32 to index
        %get3A_824 = arith.constant 0 : index
        %get3A_825 = tpu.vector_load %arg14[%get3A_822, %get3A_823, %get3A_824] {strides = array<i32>} : memref<2x256x64xf32, #tpu.memory_space<vmem>>, vector<1x1x16xf32>,
        %get3A_826 = vector.shape_cast %get3A_825 : vector<1x1x16xf32> to vector<16xf32>
        %add3A_827 = arith.addf %get3A_820, %get3A_826 : vector<16xf32>
        %add3A_828 = arith.addf %add3A_827, %get3A_6 : vector<16xf32>
        %mul3A_829 = arith.mulf %convert_element_type3A_810, %sub3A : vector<16xf32>
        %add3A_830 = arith.addf %add3A_828, %mul3A_829 : vector<16xf32>
        %swap3A_831 = arith.constant 1 : i32
        %swap3A_832 = arith.index_cast %swap3A_831 : i32 to index
        %swap3A_833 = arith.index_cast %add3A_814 : i32 to index
        %swap3A_834 = arith.constant 0 : index
        %swap3A_835 = tpu.vector_load %arg13[%swap3A_832, %swap3A_833, %swap3A_834] {strides = array<i32>} : memref<2x256x64xf32, #tpu.memory_space<vmem>>, vector<1x1x16xf32>,
        %swap3A_836 = vector.shape_cast %swap3A_835 : vector<1x1x16xf32> to vector<16xf32>
        %swap3A_837 = vector.shape_cast %add3A_830 : vector<16xf32> to vector<1x1x16xf32>
        tpu.vector_store %arg13[%swap3A_832, %swap3A_833, %swap3A_834], %swap3A_837 {strides = array<i32>} : memref<2x256x64xf32, #tpu.memory_space<vmem>>, vector<1x1x16xf32>,
        %get3A_838 = arith.constant 1 : i32
        %get3A_839 = arith.index_cast %get3A_838 : i32 to index
        %get3A_840 = arith.index_cast %add3A_814 : i32 to index
        %get3A_841 = arith.constant 16 : index
        %get3A_842 = tpu.vector_load %arg13[%get3A_839, %get3A_840, %get3A_841] {strides = array<i32>} : memref<2x256x64xf32, #tpu.memory_space<vmem>>, vector<1x1x16xf32>,
        %get3A_843 = vector.shape_cast %get3A_842 : vector<1x1x16xf32> to vector<16xf32>
        %get3A_844 = arith.constant 1 : i32
        %get3A_845 = arith.index_cast %get3A_844 : i32 to index
        %get3A_846 = arith.index_cast %add3A_814 : i32 to index
        %get3A_847 = arith.constant 16 : index
        %get3A_848 = tpu.vector_load %arg14[%get3A_845, %get3A_846, %get3A_847] {strides = array<i32>} : memref<2x256x64xf32, #tpu.memory_space<vmem>>, vector<1x1x16xf32>,
        %get3A_849 = vector.shape_cast %get3A_848 : vector<1x1x16xf32> to vector<16xf32>
        %add3A_850 = arith.addf %get3A_843, %get3A_849 : vector<16xf32>
        %add3A_851 = arith.addf %add3A_850, %get3A_11 : vector<16xf32>
        %mul3A_852 = arith.mulf %convert_element_type3A_810, %sub3A_42 : vector<16xf32>
        %add3A_853 = arith.addf %add3A_851, %mul3A_852 : vector<16xf32>
        %swap3A_854 = arith.constant 1 : i32
        %swap3A_855 = arith.index_cast %swap3A_854 : i32 to index
        %swap3A_856 = arith.index_cast %add3A_814 : i32 to index
        %swap3A_857 = arith.constant 16 : index
        %swap3A_858 = tpu.vector_load %arg13[%swap3A_855, %swap3A_856, %swap3A_857] {strides = array<i32>} : memref<2x256x64xf32, #tpu.memory_space<vmem>>, vector<1x1x16xf32>,
        %swap3A_859 = vector.shape_cast %swap3A_858 : vector<1x1x16xf32> to vector<16xf32>
        %swap3A_860 = vector.shape_cast %add3A_853 : vector<16xf32> to vector<1x1x16xf32>
        tpu.vector_store %arg13[%swap3A_855, %swap3A_856, %swap3A_857], %swap3A_860 {strides = array<i32>} : memref<2x256x64xf32, #tpu.memory_space<vmem>>, vector<1x1x16xf32>,
        %get3A_861 = arith.constant 1 : i32
        %get3A_862 = arith.index_cast %get3A_861 : i32 to index
        %get3A_863 = arith.index_cast %add3A_814 : i32 to index
        %get3A_864 = arith.constant 32 : index
        %get3A_865 = tpu.vector_load %arg13[%get3A_862, %get3A_863, %get3A_864] {strides = array<i32>} : memref<2x256x64xf32, #tpu.memory_space<vmem>>, vector<1x1x16xf32>,
        %get3A_866 = vector.shape_cast %get3A_865 : vector<1x1x16xf32> to vector<16xf32>
        %get3A_867 = arith.constant 1 : i32
        %get3A_868 = arith.index_cast %get3A_867 : i32 to index
        %get3A_869 = arith.index_cast %add3A_814 : i32 to index
        %get3A_870 = arith.constant 32 : index
        %get3A_871 = tpu.vector_load %arg14[%get3A_868, %get3A_869, %get3A_870] {strides = array<i32>} : memref<2x256x64xf32, #tpu.memory_space<vmem>>, vector<1x1x16xf32>,
        %get3A_872 = vector.shape_cast %get3A_871 : vector<1x1x16xf32> to vector<16xf32>
        %add3A_873 = arith.addf %get3A_866, %get3A_872 : vector<16xf32>
        %add3A_874 = arith.addf %add3A_873, %get3A_16 : vector<16xf32>
        %mul3A_875 = arith.mulf %convert_element_type3A_810, %sub3A_43 : vector<16xf32>
        %add3A_876 = arith.addf %add3A_874, %mul3A_875 : vector<16xf32>
        %swap3A_877 = arith.constant 1 : i32
        %swap3A_878 = arith.index_cast %swap3A_877 : i32 to index
        %swap3A_879 = arith.index_cast %add3A_814 : i32 to index
        %swap3A_880 = arith.constant 32 : index
        %swap3A_881 = tpu.vector_load %arg13[%swap3A_878, %swap3A_879, %swap3A_880] {strides = array<i32>} : memref<2x256x64xf32, #tpu.memory_space<vmem>>, vector<1x1x16xf32>,
        %swap3A_882 = vector.shape_cast %swap3A_881 : vector<1x1x16xf32> to vector<16xf32>
        %swap3A_883 = vector.shape_cast %add3A_876 : vector<16xf32> to vector<1x1x16xf32>
        tpu.vector_store %arg13[%swap3A_878, %swap3A_879, %swap3A_880], %swap3A_883 {strides = array<i32>} : memref<2x256x64xf32, #tpu.memory_space<vmem>>, vector<1x1x16xf32>,
        %get3A_884 = arith.constant 1 : i32
        %get3A_885 = arith.index_cast %get3A_884 : i32 to index
        %get3A_886 = arith.index_cast %add3A_814 : i32 to index
        %get3A_887 = arith.constant 48 : index
        %get3A_888 = tpu.vector_load %arg13[%get3A_885, %get3A_886, %get3A_887] {strides = array<i32>} : memref<2x256x64xf32, #tpu.memory_space<vmem>>, vector<1x1x16xf32>,
        %get3A_889 = vector.shape_cast %get3A_888 : vector<1x1x16xf32> to vector<16xf32>
        %get3A_890 = arith.constant 1 : i32
        %get3A_891 = arith.index_cast %get3A_890 : i32 to index
        %get3A_892 = arith.index_cast %add3A_814 : i32 to index
        %get3A_893 = arith.constant 48 : index
        %get3A_894 = tpu.vector_load %arg14[%get3A_891, %get3A_892, %get3A_893] {strides = array<i32>} : memref<2x256x64xf32, #tpu.memory_space<vmem>>, vector<1x1x16xf32>,
        %get3A_895 = vector.shape_cast %get3A_894 : vector<1x1x16xf32> to vector<16xf32>
        %add3A_896 = arith.addf %get3A_889, %get3A_895 : vector<16xf32>
        %add3A_897 = arith.addf %add3A_896, %get3A_21 : vector<16xf32>
        %mul3A_898 = arith.mulf %convert_element_type3A_810, %sub3A_44 : vector<16xf32>
        %add3A_899 = arith.addf %add3A_897, %mul3A_898 : vector<16xf32>
        %swap3A_900 = arith.constant 1 : i32
        %swap3A_901 = arith.index_cast %swap3A_900 : i32 to index
        %swap3A_902 = arith.index_cast %add3A_814 : i32 to index
        %swap3A_903 = arith.constant 48 : index
        %swap3A_904 = tpu.vector_load %arg13[%swap3A_901, %swap3A_902, %swap3A_903] {strides = array<i32>} : memref<2x256x64xf32, #tpu.memory_space<vmem>>, vector<1x1x16xf32>,
        %swap3A_905 = vector.shape_cast %swap3A_904 : vector<1x1x16xf32> to vector<16xf32>
        %swap3A_906 = vector.shape_cast %add3A_899 : vector<16xf32> to vector<1x1x16xf32>
        tpu.vector_store %arg13[%swap3A_901, %swap3A_902, %swap3A_903], %swap3A_906 {strides = array<i32>} : memref<2x256x64xf32, #tpu.memory_space<vmem>>, vector<1x1x16xf32>,
        %broadcast_in_dim3A_907 = arith.constant 6 : i32
        %broadcast_in_dim3A_908 = vector.broadcast %broadcast_in_dim3A_907 : i32 to vector<16x1xi32>
        %gather3A_909 = vector.shape_cast %broadcast_in_dim3A_908 : vector<16x1xi32> to vector<16xi32>
        %gather3A_910 = tpu.dynamic_gather %get3A_303[%gather3A_909] in [0] : vector<16xi32>, vector<16xi32> -> vector<16xi32>
        %convert_element_type3A_911 = arith.sitofp %gather3A_910 : vector<16xi32> to vector<16xf32>
        %mul3A_912 = arith.constant 16 : i32
        %mul3A_913 = arith.muli %scan3A_296, %mul3A_912 : i32
        %add3A_914 = arith.constant 6 : i32
        %add3A_915 = arith.addi %mul3A_913, %add3A_914 : i32
        %get3A_916 = arith.constant 1 : i32
        %get3A_917 = arith.index_cast %get3A_916 : i32 to index
        %get3A_918 = arith.index_cast %add3A_915 : i32 to index
        %get3A_919 = arith.constant 0 : index
        %get3A_920 = tpu.vector_load %arg13[%get3A_917, %get3A_918, %get3A_919] {strides = array<i32>} : memref<2x256x64xf32, #tpu.memory_space<vmem>>, vector<1x1x16xf32>,
        %get3A_921 = vector.shape_cast %get3A_920 : vector<1x1x16xf32> to vector<16xf32>
        %get3A_922 = arith.constant 1 : i32
        %get3A_923 = arith.index_cast %get3A_922 : i32 to index
        %get3A_924 = arith.index_cast %add3A_915 : i32 to index
        %get3A_925 = arith.constant 0 : index
        %get3A_926 = tpu.vector_load %arg14[%get3A_923, %get3A_924, %get3A_925] {strides = array<i32>} : memref<2x256x64xf32, #tpu.memory_space<vmem>>, vector<1x1x16xf32>,
        %get3A_927 = vector.shape_cast %get3A_926 : vector<1x1x16xf32> to vector<16xf32>
        %add3A_928 = arith.addf %get3A_921, %get3A_927 : vector<16xf32>
        %add3A_929 = arith.addf %add3A_928, %get3A_6 : vector<16xf32>
        %mul3A_930 = arith.mulf %convert_element_type3A_911, %sub3A : vector<16xf32>
        %add3A_931 = arith.addf %add3A_929, %mul3A_930 : vector<16xf32>
        %swap3A_932 = arith.constant 1 : i32
        %swap3A_933 = arith.index_cast %swap3A_932 : i32 to index
        %swap3A_934 = arith.index_cast %add3A_915 : i32 to index
        %swap3A_935 = arith.constant 0 : index
        %swap3A_936 = tpu.vector_load %arg13[%swap3A_933, %swap3A_934, %swap3A_935] {strides = array<i32>} : memref<2x256x64xf32, #tpu.memory_space<vmem>>, vector<1x1x16xf32>,
        %swap3A_937 = vector.shape_cast %swap3A_936 : vector<1x1x16xf32> to vector<16xf32>
        %swap3A_938 = vector.shape_cast %add3A_931 : vector<16xf32> to vector<1x1x16xf32>
        tpu.vector_store %arg13[%swap3A_933, %swap3A_934, %swap3A_935], %swap3A_938 {strides = array<i32>} : memref<2x256x64xf32, #tpu.memory_space<vmem>>, vector<1x1x16xf32>,
        %get3A_939 = arith.constant 1 : i32
        %get3A_940 = arith.index_cast %get3A_939 : i32 to index
        %get3A_941 = arith.index_cast %add3A_915 : i32 to index
        %get3A_942 = arith.constant 16 : index
        %get3A_943 = tpu.vector_load %arg13[%get3A_940, %get3A_941, %get3A_942] {strides = array<i32>} : memref<2x256x64xf32, #tpu.memory_space<vmem>>, vector<1x1x16xf32>,
        %get3A_944 = vector.shape_cast %get3A_943 : vector<1x1x16xf32> to vector<16xf32>
        %get3A_945 = arith.constant 1 : i32
        %get3A_946 = arith.index_cast %get3A_945 : i32 to index
        %get3A_947 = arith.index_cast %add3A_915 : i32 to index
        %get3A_948 = arith.constant 16 : index
        %get3A_949 = tpu.vector_load %arg14[%get3A_946, %get3A_947, %get3A_948] {strides = array<i32>} : memref<2x256x64xf32, #tpu.memory_space<vmem>>, vector<1x1x16xf32>,
        %get3A_950 = vector.shape_cast %get3A_949 : vector<1x1x16xf32> to vector<16xf32>
        %add3A_951 = arith.addf %get3A_944, %get3A_950 : vector<16xf32>
        %add3A_952 = arith.addf %add3A_951, %get3A_11 : vector<16xf32>
        %mul3A_953 = arith.mulf %convert_element_type3A_911, %sub3A_42 : vector<16xf32>
        %add3A_954 = arith.addf %add3A_952, %mul3A_953 : vector<16xf32>
        %swap3A_955 = arith.constant 1 : i32
        %swap3A_956 = arith.index_cast %swap3A_955 : i32 to index
        %swap3A_957 = arith.index_cast %add3A_915 : i32 to index
        %swap3A_958 = arith.constant 16 : index
        %swap3A_959 = tpu.vector_load %arg13[%swap3A_956, %swap3A_957, %swap3A_958] {strides = array<i32>} : memref<2x256x64xf32, #tpu.memory_space<vmem>>, vector<1x1x16xf32>,
        %swap3A_960 = vector.shape_cast %swap3A_959 : vector<1x1x16xf32> to vector<16xf32>
        %swap3A_961 = vector.shape_cast %add3A_954 : vector<16xf32> to vector<1x1x16xf32>
        tpu.vector_store %arg13[%swap3A_956, %swap3A_957, %swap3A_958], %swap3A_961 {strides = array<i32>} : memref<2x256x64xf32, #tpu.memory_space<vmem>>, vector<1x1x16xf32>,
        %get3A_962 = arith.constant 1 : i32
        %get3A_963 = arith.index_cast %get3A_962 : i32 to index
        %get3A_964 = arith.index_cast %add3A_915 : i32 to index
        %get3A_965 = arith.constant 32 : index
        %get3A_966 = tpu.vector_load %arg13[%get3A_963, %get3A_964, %get3A_965] {strides = array<i32>} : memref<2x256x64xf32, #tpu.memory_space<vmem>>, vector<1x1x16xf32>,
        %get3A_967 = vector.shape_cast %get3A_966 : vector<1x1x16xf32> to vector<16xf32>
        %get3A_968 = arith.constant 1 : i32
        %get3A_969 = arith.index_cast %get3A_968 : i32 to index
        %get3A_970 = arith.index_cast %add3A_915 : i32 to index
        %get3A_971 = arith.constant 32 : index
        %get3A_972 = tpu.vector_load %arg14[%get3A_969, %get3A_970, %get3A_971] {strides = array<i32>} : memref<2x256x64xf32, #tpu.memory_space<vmem>>, vector<1x1x16xf32>,
        %get3A_973 = vector.shape_cast %get3A_972 : vector<1x1x16xf32> to vector<16xf32>
        %add3A_974 = arith.addf %get3A_967, %get3A_973 : vector<16xf32>
        %add3A_975 = arith.addf %add3A_974, %get3A_16 : vector<16xf32>
        %mul3A_976 = arith.mulf %convert_element_type3A_911, %sub3A_43 : vector<16xf32>
        %add3A_977 = arith.addf %add3A_975, %mul3A_976 : vector<16xf32>
        %swap3A_978 = arith.constant 1 : i32
        %swap3A_979 = arith.index_cast %swap3A_978 : i32 to index
        %swap3A_980 = arith.index_cast %add3A_915 : i32 to index
        %swap3A_981 = arith.constant 32 : index
        %swap3A_982 = tpu.vector_load %arg13[%swap3A_979, %swap3A_980, %swap3A_981] {strides = array<i32>} : memref<2x256x64xf32, #tpu.memory_space<vmem>>, vector<1x1x16xf32>,
        %swap3A_983 = vector.shape_cast %swap3A_982 : vector<1x1x16xf32> to vector<16xf32>
        %swap3A_984 = vector.shape_cast %add3A_977 : vector<16xf32> to vector<1x1x16xf32>
        tpu.vector_store %arg13[%swap3A_979, %swap3A_980, %swap3A_981], %swap3A_984 {strides = array<i32>} : memref<2x256x64xf32, #tpu.memory_space<vmem>>, vector<1x1x16xf32>,
        %get3A_985 = arith.constant 1 : i32
        %get3A_986 = arith.index_cast %get3A_985 : i32 to index
        %get3A_987 = arith.index_cast %add3A_915 : i32 to index
        %get3A_988 = arith.constant 48 : index
        %get3A_989 = tpu.vector_load %arg13[%get3A_986, %get3A_987, %get3A_988] {strides = array<i32>} : memref<2x256x64xf32, #tpu.memory_space<vmem>>, vector<1x1x16xf32>,
        %get3A_990 = vector.shape_cast %get3A_989 : vector<1x1x16xf32> to vector<16xf32>
        %get3A_991 = arith.constant 1 : i32
        %get3A_992 = arith.index_cast %get3A_991 : i32 to index
        %get3A_993 = arith.index_cast %add3A_915 : i32 to index
        %get3A_994 = arith.constant 48 : index
        %get3A_995 = tpu.vector_load %arg14[%get3A_992, %get3A_993, %get3A_994] {strides = array<i32>} : memref<2x256x64xf32, #tpu.memory_space<vmem>>, vector<1x1x16xf32>,
        %get3A_996 = vector.shape_cast %get3A_995 : vector<1x1x16xf32> to vector<16xf32>
        %add3A_997 = arith.addf %get3A_990, %get3A_996 : vector<16xf32>
        %add3A_998 = arith.addf %add3A_997, %get3A_21 : vector<16xf32>
        %mul3A_999 = arith.mulf %convert_element_type3A_911, %sub3A_44 : vector<16xf32>
        %add3A_1000 = arith.addf %add3A_998, %mul3A_999 : vector<16xf32>
        %swap3A_1001 = arith.constant 1 : i32
        %swap3A_1002 = arith.index_cast %swap3A_1001 : i32 to index
        %swap3A_1003 = arith.index_cast %add3A_915 : i32 to index
        %swap3A_1004 = arith.constant 48 : index
        %swap3A_1005 = tpu.vector_load %arg13[%swap3A_1002, %swap3A_1003, %swap3A_1004] {strides = array<i32>} : memref<2x256x64xf32, #tpu.memory_space<vmem>>, vector<1x1x16xf32>,
        %swap3A_1006 = vector.shape_cast %swap3A_1005 : vector<1x1x16xf32> to vector<16xf32>
        %swap3A_1007 = vector.shape_cast %add3A_1000 : vector<16xf32> to vector<1x1x16xf32>
        tpu.vector_store %arg13[%swap3A_1002, %swap3A_1003, %swap3A_1004], %swap3A_1007 {strides = array<i32>} : memref<2x256x64xf32, #tpu.memory_space<vmem>>, vector<1x1x16xf32>,
        %broadcast_in_dim3A_1008 = arith.constant 7 : i32
        %broadcast_in_dim3A_1009 = vector.broadcast %broadcast_in_dim3A_1008 : i32 to vector<16x1xi32>
        %gather3A_1010 = vector.shape_cast %broadcast_in_dim3A_1009 : vector<16x1xi32> to vector<16xi32>
        %gather3A_1011 = tpu.dynamic_gather %get3A_303[%gather3A_1010] in [0] : vector<16xi32>, vector<16xi32> -> vector<16xi32>
        %convert_element_type3A_1012 = arith.sitofp %gather3A_1011 : vector<16xi32> to vector<16xf32>
        %mul3A_1013 = arith.constant 16 : i32
        %mul3A_1014 = arith.muli %scan3A_296, %mul3A_1013 : i32
        %add3A_1015 = arith.constant 7 : i32
        %add3A_1016 = arith.addi %mul3A_1014, %add3A_1015 : i32
        %get3A_1017 = arith.constant 1 : i32
        %get3A_1018 = arith.index_cast %get3A_1017 : i32 to index
        %get3A_1019 = arith.index_cast %add3A_1016 : i32 to index
        %get3A_1020 = arith.constant 0 : index
        %get3A_1021 = tpu.vector_load %arg13[%get3A_1018, %get3A_1019, %get3A_1020] {strides = array<i32>} : memref<2x256x64xf32, #tpu.memory_space<vmem>>, vector<1x1x16xf32>,
        %get3A_1022 = vector.shape_cast %get3A_1021 : vector<1x1x16xf32> to vector<16xf32>
        %get3A_1023 = arith.constant 1 : i32
        %get3A_1024 = arith.index_cast %get3A_1023 : i32 to index
        %get3A_1025 = arith.index_cast %add3A_1016 : i32 to index
        %get3A_1026 = arith.constant 0 : index
        %get3A_1027 = tpu.vector_load %arg14[%get3A_1024, %get3A_1025, %get3A_1026] {strides = array<i32>} : memref<2x256x64xf32, #tpu.memory_space<vmem>>, vector<1x1x16xf32>,
        %get3A_1028 = vector.shape_cast %get3A_1027 : vector<1x1x16xf32> to vector<16xf32>
        %add3A_1029 = arith.addf %get3A_1022, %get3A_1028 : vector<16xf32>
        %add3A_1030 = arith.addf %add3A_1029, %get3A_6 : vector<16xf32>
        %mul3A_1031 = arith.mulf %convert_element_type3A_1012, %sub3A : vector<16xf32>
        %add3A_1032 = arith.addf %add3A_1030, %mul3A_1031 : vector<16xf32>
        %swap3A_1033 = arith.constant 1 : i32
        %swap3A_1034 = arith.index_cast %swap3A_1033 : i32 to index
        %swap3A_1035 = arith.index_cast %add3A_1016 : i32 to index
        %swap3A_1036 = arith.constant 0 : index
        %swap3A_1037 = tpu.vector_load %arg13[%swap3A_1034, %swap3A_1035, %swap3A_1036] {strides = array<i32>} : memref<2x256x64xf32, #tpu.memory_space<vmem>>, vector<1x1x16xf32>,
        %swap3A_1038 = vector.shape_cast %swap3A_1037 : vector<1x1x16xf32> to vector<16xf32>
        %swap3A_1039 = vector.shape_cast %add3A_1032 : vector<16xf32> to vector<1x1x16xf32>
        tpu.vector_store %arg13[%swap3A_1034, %swap3A_1035, %swap3A_1036], %swap3A_1039 {strides = array<i32>} : memref<2x256x64xf32, #tpu.memory_space<vmem>>, vector<1x1x16xf32>,
        %get3A_1040 = arith.constant 1 : i32
        %get3A_1041 = arith.index_cast %get3A_1040 : i32 to index
        %get3A_1042 = arith.index_cast %add3A_1016 : i32 to index
        %get3A_1043 = arith.constant 16 : index
        %get3A_1044 = tpu.vector_load %arg13[%get3A_1041, %get3A_1042, %get3A_1043] {strides = array<i32>} : memref<2x256x64xf32, #tpu.memory_space<vmem>>, vector<1x1x16xf32>,
        %get3A_1045 = vector.shape_cast %get3A_1044 : vector<1x1x16xf32> to vector<16xf32>
        %get3A_1046 = arith.constant 1 : i32
        %get3A_1047 = arith.index_cast %get3A_1046 : i32 to index
        %get3A_1048 = arith.index_cast %add3A_1016 : i32 to index
        %get3A_1049 = arith.constant 16 : index
        %get3A_1050 = tpu.vector_load %arg14[%get3A_1047, %get3A_1048, %get3A_1049] {strides = array<i32>} : memref<2x256x64xf32, #tpu.memory_space<vmem>>, vector<1x1x16xf32>,
        %get3A_1051 = vector.shape_cast %get3A_1050 : vector<1x1x16xf32> to vector<16xf32>
        %add3A_1052 = arith.addf %get3A_1045, %get3A_1051 : vector<16xf32>
        %add3A_1053 = arith.addf %add3A_1052, %get3A_11 : vector<16xf32>
        %mul3A_1054 = arith.mulf %convert_element_type3A_1012, %sub3A_42 : vector<16xf32>
        %add3A_1055 = arith.addf %add3A_1053, %mul3A_1054 : vector<16xf32>
        %swap3A_1056 = arith.constant 1 : i32
        %swap3A_1057 = arith.index_cast %swap3A_1056 : i32 to index
        %swap3A_1058 = arith.index_cast %add3A_1016 : i32 to index
        %swap3A_1059 = arith.constant 16 : index
        %swap3A_1060 = tpu.vector_load %arg13[%swap3A_1057, %swap3A_1058, %swap3A_1059] {strides = array<i32>} : memref<2x256x64xf32, #tpu.memory_space<vmem>>, vector<1x1x16xf32>,
        %swap3A_1061 = vector.shape_cast %swap3A_1060 : vector<1x1x16xf32> to vector<16xf32>
        %swap3A_1062 = vector.shape_cast %add3A_1055 : vector<16xf32> to vector<1x1x16xf32>
        tpu.vector_store %arg13[%swap3A_1057, %swap3A_1058, %swap3A_1059], %swap3A_1062 {strides = array<i32>} : memref<2x256x64xf32, #tpu.memory_space<vmem>>, vector<1x1x16xf32>,
        %get3A_1063 = arith.constant 1 : i32
        %get3A_1064 = arith.index_cast %get3A_1063 : i32 to index
        %get3A_1065 = arith.index_cast %add3A_1016 : i32 to index
        %get3A_1066 = arith.constant 32 : index
        %get3A_1067 = tpu.vector_load %arg13[%get3A_1064, %get3A_1065, %get3A_1066] {strides = array<i32>} : memref<2x256x64xf32, #tpu.memory_space<vmem>>, vector<1x1x16xf32>,
        %get3A_1068 = vector.shape_cast %get3A_1067 : vector<1x1x16xf32> to vector<16xf32>
        %get3A_1069 = arith.constant 1 : i32
        %get3A_1070 = arith.index_cast %get3A_1069 : i32 to index
        %get3A_1071 = arith.index_cast %add3A_1016 : i32 to index
        %get3A_1072 = arith.constant 32 : index
        %get3A_1073 = tpu.vector_load %arg14[%get3A_1070, %get3A_1071, %get3A_1072] {strides = array<i32>} : memref<2x256x64xf32, #tpu.memory_space<vmem>>, vector<1x1x16xf32>,
        %get3A_1074 = vector.shape_cast %get3A_1073 : vector<1x1x16xf32> to vector<16xf32>
        %add3A_1075 = arith.addf %get3A_1068, %get3A_1074 : vector<16xf32>
        %add3A_1076 = arith.addf %add3A_1075, %get3A_16 : vector<16xf32>
        %mul3A_1077 = arith.mulf %convert_element_type3A_1012, %sub3A_43 : vector<16xf32>
        %add3A_1078 = arith.addf %add3A_1076, %mul3A_1077 : vector<16xf32>
        %swap3A_1079 = arith.constant 1 : i32
        %swap3A_1080 = arith.index_cast %swap3A_1079 : i32 to index
        %swap3A_1081 = arith.index_cast %add3A_1016 : i32 to index
        %swap3A_1082 = arith.constant 32 : index
        %swap3A_1083 = tpu.vector_load %arg13[%swap3A_1080, %swap3A_1081, %swap3A_1082] {strides = array<i32>} : memref<2x256x64xf32, #tpu.memory_space<vmem>>, vector<1x1x16xf32>,
        %swap3A_1084 = vector.shape_cast %swap3A_1083 : vector<1x1x16xf32> to vector<16xf32>
        %swap3A_1085 = vector.shape_cast %add3A_1078 : vector<16xf32> to vector<1x1x16xf32>
        tpu.vector_store %arg13[%swap3A_1080, %swap3A_1081, %swap3A_1082], %swap3A_1085 {strides = array<i32>} : memref<2x256x64xf32, #tpu.memory_space<vmem>>, vector<1x1x16xf32>,
        %get3A_1086 = arith.constant 1 : i32
        %get3A_1087 = arith.index_cast %get3A_1086 : i32 to index
        %get3A_1088 = arith.index_cast %add3A_1016 : i32 to index
        %get3A_1089 = arith.constant 48 : index
        %get3A_1090 = tpu.vector_load %arg13[%get3A_1087, %get3A_1088, %get3A_1089] {strides = array<i32>} : memref<2x256x64xf32, #tpu.memory_space<vmem>>, vector<1x1x16xf32>,
        %get3A_1091 = vector.shape_cast %get3A_1090 : vector<1x1x16xf32> to vector<16xf32>
        %get3A_1092 = arith.constant 1 : i32
        %get3A_1093 = arith.index_cast %get3A_1092 : i32 to index
        %get3A_1094 = arith.index_cast %add3A_1016 : i32 to index
        %get3A_1095 = arith.constant 48 : index
        %get3A_1096 = tpu.vector_load %arg14[%get3A_1093, %get3A_1094, %get3A_1095] {strides = array<i32>} : memref<2x256x64xf32, #tpu.memory_space<vmem>>, vector<1x1x16xf32>,
        %get3A_1097 = vector.shape_cast %get3A_1096 : vector<1x1x16xf32> to vector<16xf32>
        %add3A_1098 = arith.addf %get3A_1091, %get3A_1097 : vector<16xf32>
        %add3A_1099 = arith.addf %add3A_1098, %get3A_21 : vector<16xf32>
        %mul3A_1100 = arith.mulf %convert_element_type3A_1012, %sub3A_44 : vector<16xf32>
        %add3A_1101 = arith.addf %add3A_1099, %mul3A_1100 : vector<16xf32>
        %swap3A_1102 = arith.constant 1 : i32
        %swap3A_1103 = arith.index_cast %swap3A_1102 : i32 to index
        %swap3A_1104 = arith.index_cast %add3A_1016 : i32 to index
        %swap3A_1105 = arith.constant 48 : index
        %swap3A_1106 = tpu.vector_load %arg13[%swap3A_1103, %swap3A_1104, %swap3A_1105] {strides = array<i32>} : memref<2x256x64xf32, #tpu.memory_space<vmem>>, vector<1x1x16xf32>,
        %swap3A_1107 = vector.shape_cast %swap3A_1106 : vector<1x1x16xf32> to vector<16xf32>
        %swap3A_1108 = vector.shape_cast %add3A_1101 : vector<16xf32> to vector<1x1x16xf32>
        tpu.vector_store %arg13[%swap3A_1103, %swap3A_1104, %swap3A_1105], %swap3A_1108 {strides = array<i32>} : memref<2x256x64xf32, #tpu.memory_space<vmem>>, vector<1x1x16xf32>,
        %broadcast_in_dim3A_1109 = arith.constant 8 : i32
        %broadcast_in_dim3A_1110 = vector.broadcast %broadcast_in_dim3A_1109 : i32 to vector<16x1xi32>
        %gather3A_1111 = vector.shape_cast %broadcast_in_dim3A_1110 : vector<16x1xi32> to vector<16xi32>
        %gather3A_1112 = tpu.dynamic_gather %get3A_303[%gather3A_1111] in [0] : vector<16xi32>, vector<16xi32> -> vector<16xi32>
        %convert_element_type3A_1113 = arith.sitofp %gather3A_1112 : vector<16xi32> to vector<16xf32>
        %mul3A_1114 = arith.constant 16 : i32
        %mul3A_1115 = arith.muli %scan3A_296, %mul3A_1114 : i32
        %add3A_1116 = arith.constant 8 : i32
        %add3A_1117 = arith.addi %mul3A_1115, %add3A_1116 : i32
        %get3A_1118 = arith.constant 1 : i32
        %get3A_1119 = arith.index_cast %get3A_1118 : i32 to index
        %get3A_1120 = arith.index_cast %add3A_1117 : i32 to index
        %get3A_1121 = arith.constant 0 : index
        %get3A_1122 = tpu.vector_load %arg13[%get3A_1119, %get3A_1120, %get3A_1121] {strides = array<i32>} : memref<2x256x64xf32, #tpu.memory_space<vmem>>, vector<1x1x16xf32>,
        %get3A_1123 = vector.shape_cast %get3A_1122 : vector<1x1x16xf32> to vector<16xf32>
        %get3A_1124 = arith.constant 1 : i32
        %get3A_1125 = arith.index_cast %get3A_1124 : i32 to index
        %get3A_1126 = arith.index_cast %add3A_1117 : i32 to index
        %get3A_1127 = arith.constant 0 : index
        %get3A_1128 = tpu.vector_load %arg14[%get3A_1125, %get3A_1126, %get3A_1127] {strides = array<i32>} : memref<2x256x64xf32, #tpu.memory_space<vmem>>, vector<1x1x16xf32>,
        %get3A_1129 = vector.shape_cast %get3A_1128 : vector<1x1x16xf32> to vector<16xf32>
        %add3A_1130 = arith.addf %get3A_1123, %get3A_1129 : vector<16xf32>
        %add3A_1131 = arith.addf %add3A_1130, %get3A_6 : vector<16xf32>
        %mul3A_1132 = arith.mulf %convert_element_type3A_1113, %sub3A : vector<16xf32>
        %add3A_1133 = arith.addf %add3A_1131, %mul3A_1132 : vector<16xf32>
        %swap3A_1134 = arith.constant 1 : i32
        %swap3A_1135 = arith.index_cast %swap3A_1134 : i32 to index
        %swap3A_1136 = arith.index_cast %add3A_1117 : i32 to index
        %swap3A_1137 = arith.constant 0 : index
        %swap3A_1138 = tpu.vector_load %arg13[%swap3A_1135, %swap3A_1136, %swap3A_1137] {strides = array<i32>} : memref<2x256x64xf32, #tpu.memory_space<vmem>>, vector<1x1x16xf32>,
        %swap3A_1139 = vector.shape_cast %swap3A_1138 : vector<1x1x16xf32> to vector<16xf32>
        %swap3A_1140 = vector.shape_cast %add3A_1133 : vector<16xf32> to vector<1x1x16xf32>
        tpu.vector_store %arg13[%swap3A_1135, %swap3A_1136, %swap3A_1137], %swap3A_1140 {strides = array<i32>} : memref<2x256x64xf32, #tpu.memory_space<vmem>>, vector<1x1x16xf32>,
        %get3A_1141 = arith.constant 1 : i32
        %get3A_1142 = arith.index_cast %get3A_1141 : i32 to index
        %get3A_1143 = arith.index_cast %add3A_1117 : i32 to index
        %get3A_1144 = arith.constant 16 : index
        %get3A_1145 = tpu.vector_load %arg13[%get3A_1142, %get3A_1143, %get3A_1144] {strides = array<i32>} : memref<2x256x64xf32, #tpu.memory_space<vmem>>, vector<1x1x16xf32>,
        %get3A_1146 = vector.shape_cast %get3A_1145 : vector<1x1x16xf32> to vector<16xf32>
        %get3A_1147 = arith.constant 1 : i32
        %get3A_1148 = arith.index_cast %get3A_1147 : i32 to index
        %get3A_1149 = arith.index_cast %add3A_1117 : i32 to index
        %get3A_1150 = arith.constant 16 : index
        %get3A_1151 = tpu.vector_load %arg14[%get3A_1148, %get3A_1149, %get3A_1150] {strides = array<i32>} : memref<2x256x64xf32, #tpu.memory_space<vmem>>, vector<1x1x16xf32>,
        %get3A_1152 = vector.shape_cast %get3A_1151 : vector<1x1x16xf32> to vector<16xf32>
        %add3A_1153 = arith.addf %get3A_1146, %get3A_1152 : vector<16xf32>
        %add3A_1154 = arith.addf %add3A_1153, %get3A_11 : vector<16xf32>
        %mul3A_1155 = arith.mulf %convert_element_type3A_1113, %sub3A_42 : vector<16xf32>
        %add3A_1156 = arith.addf %add3A_1154, %mul3A_1155 : vector<16xf32>
        %swap3A_1157 = arith.constant 1 : i32
        %swap3A_1158 = arith.index_cast %swap3A_1157 : i32 to index
        %swap3A_1159 = arith.index_cast %add3A_1117 : i32 to index
        %swap3A_1160 = arith.constant 16 : index
        %swap3A_1161 = tpu.vector_load %arg13[%swap3A_1158, %swap3A_1159, %swap3A_1160] {strides = array<i32>} : memref<2x256x64xf32, #tpu.memory_space<vmem>>, vector<1x1x16xf32>,
        %swap3A_1162 = vector.shape_cast %swap3A_1161 : vector<1x1x16xf32> to vector<16xf32>
        %swap3A_1163 = vector.shape_cast %add3A_1156 : vector<16xf32> to vector<1x1x16xf32>
        tpu.vector_store %arg13[%swap3A_1158, %swap3A_1159, %swap3A_1160], %swap3A_1163 {strides = array<i32>} : memref<2x256x64xf32, #tpu.memory_space<vmem>>, vector<1x1x16xf32>,
        %get3A_1164 = arith.constant 1 : i32
        %get3A_1165 = arith.index_cast %get3A_1164 : i32 to index
        %get3A_1166 = arith.index_cast %add3A_1117 : i32 to index
        %get3A_1167 = arith.constant 32 : index
        %get3A_1168 = tpu.vector_load %arg13[%get3A_1165, %get3A_1166, %get3A_1167] {strides = array<i32>} : memref<2x256x64xf32, #tpu.memory_space<vmem>>, vector<1x1x16xf32>,
        %get3A_1169 = vector.shape_cast %get3A_1168 : vector<1x1x16xf32> to vector<16xf32>
        %get3A_1170 = arith.constant 1 : i32
        %get3A_1171 = arith.index_cast %get3A_1170 : i32 to index
        %get3A_1172 = arith.index_cast %add3A_1117 : i32 to index
        %get3A_1173 = arith.constant 32 : index
        %get3A_1174 = tpu.vector_load %arg14[%get3A_1171, %get3A_1172, %get3A_1173] {strides = array<i32>} : memref<2x256x64xf32, #tpu.memory_space<vmem>>, vector<1x1x16xf32>,
        %get3A_1175 = vector.shape_cast %get3A_1174 : vector<1x1x16xf32> to vector<16xf32>
        %add3A_1176 = arith.addf %get3A_1169, %get3A_1175 : vector<16xf32>
        %add3A_1177 = arith.addf %add3A_1176, %get3A_16 : vector<16xf32>
        %mul3A_1178 = arith.mulf %convert_element_type3A_1113, %sub3A_43 : vector<16xf32>
        %add3A_1179 = arith.addf %add3A_1177, %mul3A_1178 : vector<16xf32>
        %swap3A_1180 = arith.constant 1 : i32
        %swap3A_1181 = arith.index_cast %swap3A_1180 : i32 to index
        %swap3A_1182 = arith.index_cast %add3A_1117 : i32 to index
        %swap3A_1183 = arith.constant 32 : index
        %swap3A_1184 = tpu.vector_load %arg13[%swap3A_1181, %swap3A_1182, %swap3A_1183] {strides = array<i32>} : memref<2x256x64xf32, #tpu.memory_space<vmem>>, vector<1x1x16xf32>,
        %swap3A_1185 = vector.shape_cast %swap3A_1184 : vector<1x1x16xf32> to vector<16xf32>
        %swap3A_1186 = vector.shape_cast %add3A_1179 : vector<16xf32> to vector<1x1x16xf32>
        tpu.vector_store %arg13[%swap3A_1181, %swap3A_1182, %swap3A_1183], %swap3A_1186 {strides = array<i32>} : memref<2x256x64xf32, #tpu.memory_space<vmem>>, vector<1x1x16xf32>,
        %get3A_1187 = arith.constant 1 : i32
        %get3A_1188 = arith.index_cast %get3A_1187 : i32 to index
        %get3A_1189 = arith.index_cast %add3A_1117 : i32 to index
        %get3A_1190 = arith.constant 48 : index
        %get3A_1191 = tpu.vector_load %arg13[%get3A_1188, %get3A_1189, %get3A_1190] {strides = array<i32>} : memref<2x256x64xf32, #tpu.memory_space<vmem>>, vector<1x1x16xf32>,
        %get3A_1192 = vector.shape_cast %get3A_1191 : vector<1x1x16xf32> to vector<16xf32>
        %get3A_1193 = arith.constant 1 : i32
        %get3A_1194 = arith.index_cast %get3A_1193 : i32 to index
        %get3A_1195 = arith.index_cast %add3A_1117 : i32 to index
        %get3A_1196 = arith.constant 48 : index
        %get3A_1197 = tpu.vector_load %arg14[%get3A_1194, %get3A_1195, %get3A_1196] {strides = array<i32>} : memref<2x256x64xf32, #tpu.memory_space<vmem>>, vector<1x1x16xf32>,
        %get3A_1198 = vector.shape_cast %get3A_1197 : vector<1x1x16xf32> to vector<16xf32>
        %add3A_1199 = arith.addf %get3A_1192, %get3A_1198 : vector<16xf32>
        %add3A_1200 = arith.addf %add3A_1199, %get3A_21 : vector<16xf32>
        %mul3A_1201 = arith.mulf %convert_element_type3A_1113, %sub3A_44 : vector<16xf32>
        %add3A_1202 = arith.addf %add3A_1200, %mul3A_1201 : vector<16xf32>
        %swap3A_1203 = arith.constant 1 : i32
        %swap3A_1204 = arith.index_cast %swap3A_1203 : i32 to index
        %swap3A_1205 = arith.index_cast %add3A_1117 : i32 to index
        %swap3A_1206 = arith.constant 48 : index
        %swap3A_1207 = tpu.vector_load %arg13[%swap3A_1204, %swap3A_1205, %swap3A_1206] {strides = array<i32>} : memref<2x256x64xf32, #tpu.memory_space<vmem>>, vector<1x1x16xf32>,
        %swap3A_1208 = vector.shape_cast %swap3A_1207 : vector<1x1x16xf32> to vector<16xf32>
        %swap3A_1209 = vector.shape_cast %add3A_1202 : vector<16xf32> to vector<1x1x16xf32>
        tpu.vector_store %arg13[%swap3A_1204, %swap3A_1205, %swap3A_1206], %swap3A_1209 {strides = array<i32>} : memref<2x256x64xf32, #tpu.memory_space<vmem>>, vector<1x1x16xf32>,
        %broadcast_in_dim3A_1210 = arith.constant 9 : i32
        %broadcast_in_dim3A_1211 = vector.broadcast %broadcast_in_dim3A_1210 : i32 to vector<16x1xi32>
        %gather3A_1212 = vector.shape_cast %broadcast_in_dim3A_1211 : vector<16x1xi32> to vector<16xi32>
        %gather3A_1213 = tpu.dynamic_gather %get3A_303[%gather3A_1212] in [0] : vector<16xi32>, vector<16xi32> -> vector<16xi32>
        %convert_element_type3A_1214 = arith.sitofp %gather3A_1213 : vector<16xi32> to vector<16xf32>
        %mul3A_1215 = arith.constant 16 : i32
        %mul3A_1216 = arith.muli %scan3A_296, %mul3A_1215 : i32
        %add3A_1217 = arith.constant 9 : i32
        %add3A_1218 = arith.addi %mul3A_1216, %add3A_1217 : i32
        %get3A_1219 = arith.constant 1 : i32
        %get3A_1220 = arith.index_cast %get3A_1219 : i32 to index
        %get3A_1221 = arith.index_cast %add3A_1218 : i32 to index
        %get3A_1222 = arith.constant 0 : index
        %get3A_1223 = tpu.vector_load %arg13[%get3A_1220, %get3A_1221, %get3A_1222] {strides = array<i32>} : memref<2x256x64xf32, #tpu.memory_space<vmem>>, vector<1x1x16xf32>,
        %get3A_1224 = vector.shape_cast %get3A_1223 : vector<1x1x16xf32> to vector<16xf32>
        %get3A_1225 = arith.constant 1 : i32
        %get3A_1226 = arith.index_cast %get3A_1225 : i32 to index
        %get3A_1227 = arith.index_cast %add3A_1218 : i32 to index
        %get3A_1228 = arith.constant 0 : index
        %get3A_1229 = tpu.vector_load %arg14[%get3A_1226, %get3A_1227, %get3A_1228] {strides = array<i32>} : memref<2x256x64xf32, #tpu.memory_space<vmem>>, vector<1x1x16xf32>,
        %get3A_1230 = vector.shape_cast %get3A_1229 : vector<1x1x16xf32> to vector<16xf32>
        %add3A_1231 = arith.addf %get3A_1224, %get3A_1230 : vector<16xf32>
        %add3A_1232 = arith.addf %add3A_1231, %get3A_6 : vector<16xf32>
        %mul3A_1233 = arith.mulf %convert_element_type3A_1214, %sub3A : vector<16xf32>
        %add3A_1234 = arith.addf %add3A_1232, %mul3A_1233 : vector<16xf32>
        %swap3A_1235 = arith.constant 1 : i32
        %swap3A_1236 = arith.index_cast %swap3A_1235 : i32 to index
        %swap3A_1237 = arith.index_cast %add3A_1218 : i32 to index
        %swap3A_1238 = arith.constant 0 : index
        %swap3A_1239 = tpu.vector_load %arg13[%swap3A_1236, %swap3A_1237, %swap3A_1238] {strides = array<i32>} : memref<2x256x64xf32, #tpu.memory_space<vmem>>, vector<1x1x16xf32>,
        %swap3A_1240 = vector.shape_cast %swap3A_1239 : vector<1x1x16xf32> to vector<16xf32>
        %swap3A_1241 = vector.shape_cast %add3A_1234 : vector<16xf32> to vector<1x1x16xf32>
        tpu.vector_store %arg13[%swap3A_1236, %swap3A_1237, %swap3A_1238], %swap3A_1241 {strides = array<i32>} : memref<2x256x64xf32, #tpu.memory_space<vmem>>, vector<1x1x16xf32>,
        %get3A_1242 = arith.constant 1 : i32
        %get3A_1243 = arith.index_cast %get3A_1242 : i32 to index
        %get3A_1244 = arith.index_cast %add3A_1218 : i32 to index
        %get3A_1245 = arith.constant 16 : index
        %get3A_1246 = tpu.vector_load %arg13[%get3A_1243, %get3A_1244, %get3A_1245] {strides = array<i32>} : memref<2x256x64xf32, #tpu.memory_space<vmem>>, vector<1x1x16xf32>,
        %get3A_1247 = vector.shape_cast %get3A_1246 : vector<1x1x16xf32> to vector<16xf32>
        %get3A_1248 = arith.constant 1 : i32
        %get3A_1249 = arith.index_cast %get3A_1248 : i32 to index
        %get3A_1250 = arith.index_cast %add3A_1218 : i32 to index
        %get3A_1251 = arith.constant 16 : index
        %get3A_1252 = tpu.vector_load %arg14[%get3A_1249, %get3A_1250, %get3A_1251] {strides = array<i32>} : memref<2x256x64xf32, #tpu.memory_space<vmem>>, vector<1x1x16xf32>,
        %get3A_1253 = vector.shape_cast %get3A_1252 : vector<1x1x16xf32> to vector<16xf32>
        %add3A_1254 = arith.addf %get3A_1247, %get3A_1253 : vector<16xf32>
        %add3A_1255 = arith.addf %add3A_1254, %get3A_11 : vector<16xf32>
        %mul3A_1256 = arith.mulf %convert_element_type3A_1214, %sub3A_42 : vector<16xf32>
        %add3A_1257 = arith.addf %add3A_1255, %mul3A_1256 : vector<16xf32>
        %swap3A_1258 = arith.constant 1 : i32
        %swap3A_1259 = arith.index_cast %swap3A_1258 : i32 to index
        %swap3A_1260 = arith.index_cast %add3A_1218 : i32 to index
        %swap3A_1261 = arith.constant 16 : index
        %swap3A_1262 = tpu.vector_load %arg13[%swap3A_1259, %swap3A_1260, %swap3A_1261] {strides = array<i32>} : memref<2x256x64xf32, #tpu.memory_space<vmem>>, vector<1x1x16xf32>,
        %swap3A_1263 = vector.shape_cast %swap3A_1262 : vector<1x1x16xf32> to vector<16xf32>
        %swap3A_1264 = vector.shape_cast %add3A_1257 : vector<16xf32> to vector<1x1x16xf32>
        tpu.vector_store %arg13[%swap3A_1259, %swap3A_1260, %swap3A_1261], %swap3A_1264 {strides = array<i32>} : memref<2x256x64xf32, #tpu.memory_space<vmem>>, vector<1x1x16xf32>,
        %get3A_1265 = arith.constant 1 : i32
        %get3A_1266 = arith.index_cast %get3A_1265 : i32 to index
        %get3A_1267 = arith.index_cast %add3A_1218 : i32 to index
        %get3A_1268 = arith.constant 32 : index
        %get3A_1269 = tpu.vector_load %arg13[%get3A_1266, %get3A_1267, %get3A_1268] {strides = array<i32>} : memref<2x256x64xf32, #tpu.memory_space<vmem>>, vector<1x1x16xf32>,
        %get3A_1270 = vector.shape_cast %get3A_1269 : vector<1x1x16xf32> to vector<16xf32>
        %get3A_1271 = arith.constant 1 : i32
        %get3A_1272 = arith.index_cast %get3A_1271 : i32 to index
        %get3A_1273 = arith.index_cast %add3A_1218 : i32 to index
        %get3A_1274 = arith.constant 32 : index
        %get3A_1275 = tpu.vector_load %arg14[%get3A_1272, %get3A_1273, %get3A_1274] {strides = array<i32>} : memref<2x256x64xf32, #tpu.memory_space<vmem>>, vector<1x1x16xf32>,
        %get3A_1276 = vector.shape_cast %get3A_1275 : vector<1x1x16xf32> to vector<16xf32>
        %add3A_1277 = arith.addf %get3A_1270, %get3A_1276 : vector<16xf32>
        %add3A_1278 = arith.addf %add3A_1277, %get3A_16 : vector<16xf32>
        %mul3A_1279 = arith.mulf %convert_element_type3A_1214, %sub3A_43 : vector<16xf32>
        %add3A_1280 = arith.addf %add3A_1278, %mul3A_1279 : vector<16xf32>
        %swap3A_1281 = arith.constant 1 : i32
        %swap3A_1282 = arith.index_cast %swap3A_1281 : i32 to index
        %swap3A_1283 = arith.index_cast %add3A_1218 : i32 to index
        %swap3A_1284 = arith.constant 32 : index
        %swap3A_1285 = tpu.vector_load %arg13[%swap3A_1282, %swap3A_1283, %swap3A_1284] {strides = array<i32>} : memref<2x256x64xf32, #tpu.memory_space<vmem>>, vector<1x1x16xf32>,
        %swap3A_1286 = vector.shape_cast %swap3A_1285 : vector<1x1x16xf32> to vector<16xf32>
        %swap3A_1287 = vector.shape_cast %add3A_1280 : vector<16xf32> to vector<1x1x16xf32>
        tpu.vector_store %arg13[%swap3A_1282, %swap3A_1283, %swap3A_1284], %swap3A_1287 {strides = array<i32>} : memref<2x256x64xf32, #tpu.memory_space<vmem>>, vector<1x1x16xf32>,
        %get3A_1288 = arith.constant 1 : i32
        %get3A_1289 = arith.index_cast %get3A_1288 : i32 to index
        %get3A_1290 = arith.index_cast %add3A_1218 : i32 to index
        %get3A_1291 = arith.constant 48 : index
        %get3A_1292 = tpu.vector_load %arg13[%get3A_1289, %get3A_1290, %get3A_1291] {strides = array<i32>} : memref<2x256x64xf32, #tpu.memory_space<vmem>>, vector<1x1x16xf32>,
        %get3A_1293 = vector.shape_cast %get3A_1292 : vector<1x1x16xf32> to vector<16xf32>
        %get3A_1294 = arith.constant 1 : i32
        %get3A_1295 = arith.index_cast %get3A_1294 : i32 to index
        %get3A_1296 = arith.index_cast %add3A_1218 : i32 to index
        %get3A_1297 = arith.constant 48 : index
        %get3A_1298 = tpu.vector_load %arg14[%get3A_1295, %get3A_1296, %get3A_1297] {strides = array<i32>} : memref<2x256x64xf32, #tpu.memory_space<vmem>>, vector<1x1x16xf32>,
        %get3A_1299 = vector.shape_cast %get3A_1298 : vector<1x1x16xf32> to vector<16xf32>
        %add3A_1300 = arith.addf %get3A_1293, %get3A_1299 : vector<16xf32>
        %add3A_1301 = arith.addf %add3A_1300, %get3A_21 : vector<16xf32>
        %mul3A_1302 = arith.mulf %convert_element_type3A_1214, %sub3A_44 : vector<16xf32>
        %add3A_1303 = arith.addf %add3A_1301, %mul3A_1302 : vector<16xf32>
        %swap3A_1304 = arith.constant 1 : i32
        %swap3A_1305 = arith.index_cast %swap3A_1304 : i32 to index
        %swap3A_1306 = arith.index_cast %add3A_1218 : i32 to index
        %swap3A_1307 = arith.constant 48 : index
        %swap3A_1308 = tpu.vector_load %arg13[%swap3A_1305, %swap3A_1306, %swap3A_1307] {strides = array<i32>} : memref<2x256x64xf32, #tpu.memory_space<vmem>>, vector<1x1x16xf32>,
        %swap3A_1309 = vector.shape_cast %swap3A_1308 : vector<1x1x16xf32> to vector<16xf32>
        %swap3A_1310 = vector.shape_cast %add3A_1303 : vector<16xf32> to vector<1x1x16xf32>
        tpu.vector_store %arg13[%swap3A_1305, %swap3A_1306, %swap3A_1307], %swap3A_1310 {strides = array<i32>} : memref<2x256x64xf32, #tpu.memory_space<vmem>>, vector<1x1x16xf32>,
        %broadcast_in_dim3A_1311 = arith.constant 10 : i32
        %broadcast_in_dim3A_1312 = vector.broadcast %broadcast_in_dim3A_1311 : i32 to vector<16x1xi32>
        %gather3A_1313 = vector.shape_cast %broadcast_in_dim3A_1312 : vector<16x1xi32> to vector<16xi32>
        %gather3A_1314 = tpu.dynamic_gather %get3A_303[%gather3A_1313] in [0] : vector<16xi32>, vector<16xi32> -> vector<16xi32>
        %convert_element_type3A_1315 = arith.sitofp %gather3A_1314 : vector<16xi32> to vector<16xf32>
        %mul3A_1316 = arith.constant 16 : i32
        %mul3A_1317 = arith.muli %scan3A_296, %mul3A_1316 : i32
        %add3A_1318 = arith.constant 10 : i32
        %add3A_1319 = arith.addi %mul3A_1317, %add3A_1318 : i32
        %get3A_1320 = arith.constant 1 : i32
        %get3A_1321 = arith.index_cast %get3A_1320 : i32 to index
        %get3A_1322 = arith.index_cast %add3A_1319 : i32 to index
        %get3A_1323 = arith.constant 0 : index
        %get3A_1324 = tpu.vector_load %arg13[%get3A_1321, %get3A_1322, %get3A_1323] {strides = array<i32>} : memref<2x256x64xf32, #tpu.memory_space<vmem>>, vector<1x1x16xf32>,
        %get3A_1325 = vector.shape_cast %get3A_1324 : vector<1x1x16xf32> to vector<16xf32>
        %get3A_1326 = arith.constant 1 : i32
        %get3A_1327 = arith.index_cast %get3A_1326 : i32 to index
        %get3A_1328 = arith.index_cast %add3A_1319 : i32 to index
        %get3A_1329 = arith.constant 0 : index
        %get3A_1330 = tpu.vector_load %arg14[%get3A_1327, %get3A_1328, %get3A_1329] {strides = array<i32>} : memref<2x256x64xf32, #tpu.memory_space<vmem>>, vector<1x1x16xf32>,
        %get3A_1331 = vector.shape_cast %get3A_1330 : vector<1x1x16xf32> to vector<16xf32>
        %add3A_1332 = arith.addf %get3A_1325, %get3A_1331 : vector<16xf32>
        %add3A_1333 = arith.addf %add3A_1332, %get3A_6 : vector<16xf32>
        %mul3A_1334 = arith.mulf %convert_element_type3A_1315, %sub3A : vector<16xf32>
        %add3A_1335 = arith.addf %add3A_1333, %mul3A_1334 : vector<16xf32>
        %swap3A_1336 = arith.constant 1 : i32
        %swap3A_1337 = arith.index_cast %swap3A_1336 : i32 to index
        %swap3A_1338 = arith.index_cast %add3A_1319 : i32 to index
        %swap3A_1339 = arith.constant 0 : index
        %swap3A_1340 = tpu.vector_load %arg13[%swap3A_1337, %swap3A_1338, %swap3A_1339] {strides = array<i32>} : memref<2x256x64xf32, #tpu.memory_space<vmem>>, vector<1x1x16xf32>,
        %swap3A_1341 = vector.shape_cast %swap3A_1340 : vector<1x1x16xf32> to vector<16xf32>
        %swap3A_1342 = vector.shape_cast %add3A_1335 : vector<16xf32> to vector<1x1x16xf32>
        tpu.vector_store %arg13[%swap3A_1337, %swap3A_1338, %swap3A_1339], %swap3A_1342 {strides = array<i32>} : memref<2x256x64xf32, #tpu.memory_space<vmem>>, vector<1x1x16xf32>,
        %get3A_1343 = arith.constant 1 : i32
        %get3A_1344 = arith.index_cast %get3A_1343 : i32 to index
        %get3A_1345 = arith.index_cast %add3A_1319 : i32 to index
        %get3A_1346 = arith.constant 16 : index
        %get3A_1347 = tpu.vector_load %arg13[%get3A_1344, %get3A_1345, %get3A_1346] {strides = array<i32>} : memref<2x256x64xf32, #tpu.memory_space<vmem>>, vector<1x1x16xf32>,
        %get3A_1348 = vector.shape_cast %get3A_1347 : vector<1x1x16xf32> to vector<16xf32>
        %get3A_1349 = arith.constant 1 : i32
        %get3A_1350 = arith.index_cast %get3A_1349 : i32 to index
        %get3A_1351 = arith.index_cast %add3A_1319 : i32 to index
        %get3A_1352 = arith.constant 16 : index
        %get3A_1353 = tpu.vector_load %arg14[%get3A_1350, %get3A_1351, %get3A_1352] {strides = array<i32>} : memref<2x256x64xf32, #tpu.memory_space<vmem>>, vector<1x1x16xf32>,
        %get3A_1354 = vector.shape_cast %get3A_1353 : vector<1x1x16xf32> to vector<16xf32>
        %add3A_1355 = arith.addf %get3A_1348, %get3A_1354 : vector<16xf32>
        %add3A_1356 = arith.addf %add3A_1355, %get3A_11 : vector<16xf32>
        %mul3A_1357 = arith.mulf %convert_element_type3A_1315, %sub3A_42 : vector<16xf32>
        %add3A_1358 = arith.addf %add3A_1356, %mul3A_1357 : vector<16xf32>
        %swap3A_1359 = arith.constant 1 : i32
        %swap3A_1360 = arith.index_cast %swap3A_1359 : i32 to index
        %swap3A_1361 = arith.index_cast %add3A_1319 : i32 to index
        %swap3A_1362 = arith.constant 16 : index
        %swap3A_1363 = tpu.vector_load %arg13[%swap3A_1360, %swap3A_1361, %swap3A_1362] {strides = array<i32>} : memref<2x256x64xf32, #tpu.memory_space<vmem>>, vector<1x1x16xf32>,
        %swap3A_1364 = vector.shape_cast %swap3A_1363 : vector<1x1x16xf32> to vector<16xf32>
        %swap3A_1365 = vector.shape_cast %add3A_1358 : vector<16xf32> to vector<1x1x16xf32>
        tpu.vector_store %arg13[%swap3A_1360, %swap3A_1361, %swap3A_1362], %swap3A_1365 {strides = array<i32>} : memref<2x256x64xf32, #tpu.memory_space<vmem>>, vector<1x1x16xf32>,
        %get3A_1366 = arith.constant 1 : i32
        %get3A_1367 = arith.index_cast %get3A_1366 : i32 to index
        %get3A_1368 = arith.index_cast %add3A_1319 : i32 to index
        %get3A_1369 = arith.constant 32 : index
        %get3A_1370 = tpu.vector_load %arg13[%get3A_1367, %get3A_1368, %get3A_1369] {strides = array<i32>} : memref<2x256x64xf32, #tpu.memory_space<vmem>>, vector<1x1x16xf32>,
        %get3A_1371 = vector.shape_cast %get3A_1370 : vector<1x1x16xf32> to vector<16xf32>
        %get3A_1372 = arith.constant 1 : i32
        %get3A_1373 = arith.index_cast %get3A_1372 : i32 to index
        %get3A_1374 = arith.index_cast %add3A_1319 : i32 to index
        %get3A_1375 = arith.constant 32 : index
        %get3A_1376 = tpu.vector_load %arg14[%get3A_1373, %get3A_1374, %get3A_1375] {strides = array<i32>} : memref<2x256x64xf32, #tpu.memory_space<vmem>>, vector<1x1x16xf32>,
        %get3A_1377 = vector.shape_cast %get3A_1376 : vector<1x1x16xf32> to vector<16xf32>
        %add3A_1378 = arith.addf %get3A_1371, %get3A_1377 : vector<16xf32>
        %add3A_1379 = arith.addf %add3A_1378, %get3A_16 : vector<16xf32>
        %mul3A_1380 = arith.mulf %convert_element_type3A_1315, %sub3A_43 : vector<16xf32>
        %add3A_1381 = arith.addf %add3A_1379, %mul3A_1380 : vector<16xf32>
        %swap3A_1382 = arith.constant 1 : i32
        %swap3A_1383 = arith.index_cast %swap3A_1382 : i32 to index
        %swap3A_1384 = arith.index_cast %add3A_1319 : i32 to index
        %swap3A_1385 = arith.constant 32 : index
        %swap3A_1386 = tpu.vector_load %arg13[%swap3A_1383, %swap3A_1384, %swap3A_1385] {strides = array<i32>} : memref<2x256x64xf32, #tpu.memory_space<vmem>>, vector<1x1x16xf32>,
        %swap3A_1387 = vector.shape_cast %swap3A_1386 : vector<1x1x16xf32> to vector<16xf32>
        %swap3A_1388 = vector.shape_cast %add3A_1381 : vector<16xf32> to vector<1x1x16xf32>
        tpu.vector_store %arg13[%swap3A_1383, %swap3A_1384, %swap3A_1385], %swap3A_1388 {strides = array<i32>} : memref<2x256x64xf32, #tpu.memory_space<vmem>>, vector<1x1x16xf32>,
        %get3A_1389 = arith.constant 1 : i32
        %get3A_1390 = arith.index_cast %get3A_1389 : i32 to index
        %get3A_1391 = arith.index_cast %add3A_1319 : i32 to index
        %get3A_1392 = arith.constant 48 : index
        %get3A_1393 = tpu.vector_load %arg13[%get3A_1390, %get3A_1391, %get3A_1392] {strides = array<i32>} : memref<2x256x64xf32, #tpu.memory_space<vmem>>, vector<1x1x16xf32>,
        %get3A_1394 = vector.shape_cast %get3A_1393 : vector<1x1x16xf32> to vector<16xf32>
        %get3A_1395 = arith.constant 1 : i32
        %get3A_1396 = arith.index_cast %get3A_1395 : i32 to index
        %get3A_1397 = arith.index_cast %add3A_1319 : i32 to index
        %get3A_1398 = arith.constant 48 : index
        %get3A_1399 = tpu.vector_load %arg14[%get3A_1396, %get3A_1397, %get3A_1398] {strides = array<i32>} : memref<2x256x64xf32, #tpu.memory_space<vmem>>, vector<1x1x16xf32>,
        %get3A_1400 = vector.shape_cast %get3A_1399 : vector<1x1x16xf32> to vector<16xf32>
        %add3A_1401 = arith.addf %get3A_1394, %get3A_1400 : vector<16xf32>
        %add3A_1402 = arith.addf %add3A_1401, %get3A_21 : vector<16xf32>
        %mul3A_1403 = arith.mulf %convert_element_type3A_1315, %sub3A_44 : vector<16xf32>
        %add3A_1404 = arith.addf %add3A_1402, %mul3A_1403 : vector<16xf32>
        %swap3A_1405 = arith.constant 1 : i32
        %swap3A_1406 = arith.index_cast %swap3A_1405 : i32 to index
        %swap3A_1407 = arith.index_cast %add3A_1319 : i32 to index
        %swap3A_1408 = arith.constant 48 : index
        %swap3A_1409 = tpu.vector_load %arg13[%swap3A_1406, %swap3A_1407, %swap3A_1408] {strides = array<i32>} : memref<2x256x64xf32, #tpu.memory_space<vmem>>, vector<1x1x16xf32>,
        %swap3A_1410 = vector.shape_cast %swap3A_1409 : vector<1x1x16xf32> to vector<16xf32>
        %swap3A_1411 = vector.shape_cast %add3A_1404 : vector<16xf32> to vector<1x1x16xf32>
        tpu.vector_store %arg13[%swap3A_1406, %swap3A_1407, %swap3A_1408], %swap3A_1411 {strides = array<i32>} : memref<2x256x64xf32, #tpu.memory_space<vmem>>, vector<1x1x16xf32>,
        %broadcast_in_dim3A_1412 = arith.constant 11 : i32
        %broadcast_in_dim3A_1413 = vector.broadcast %broadcast_in_dim3A_1412 : i32 to vector<16x1xi32>
        %gather3A_1414 = vector.shape_cast %broadcast_in_dim3A_1413 : vector<16x1xi32> to vector<16xi32>
        %gather3A_1415 = tpu.dynamic_gather %get3A_303[%gather3A_1414] in [0] : vector<16xi32>, vector<16xi32> -> vector<16xi32>
        %convert_element_type3A_1416 = arith.sitofp %gather3A_1415 : vector<16xi32> to vector<16xf32>
        %mul3A_1417 = arith.constant 16 : i32
        %mul3A_1418 = arith.muli %scan3A_296, %mul3A_1417 : i32
        %add3A_1419 = arith.constant 11 : i32
        %add3A_1420 = arith.addi %mul3A_1418, %add3A_1419 : i32
        %get3A_1421 = arith.constant 1 : i32
        %get3A_1422 = arith.index_cast %get3A_1421 : i32 to index
        %get3A_1423 = arith.index_cast %add3A_1420 : i32 to index
        %get3A_1424 = arith.constant 0 : index
        %get3A_1425 = tpu.vector_load %arg13[%get3A_1422, %get3A_1423, %get3A_1424] {strides = array<i32>} : memref<2x256x64xf32, #tpu.memory_space<vmem>>, vector<1x1x16xf32>,
        %get3A_1426 = vector.shape_cast %get3A_1425 : vector<1x1x16xf32> to vector<16xf32>
        %get3A_1427 = arith.constant 1 : i32
        %get3A_1428 = arith.index_cast %get3A_1427 : i32 to index
        %get3A_1429 = arith.index_cast %add3A_1420 : i32 to index
        %get3A_1430 = arith.constant 0 : index
        %get3A_1431 = tpu.vector_load %arg14[%get3A_1428, %get3A_1429, %get3A_1430] {strides = array<i32>} : memref<2x256x64xf32, #tpu.memory_space<vmem>>, vector<1x1x16xf32>,
        %get3A_1432 = vector.shape_cast %get3A_1431 : vector<1x1x16xf32> to vector<16xf32>
        %add3A_1433 = arith.addf %get3A_1426, %get3A_1432 : vector<16xf32>
        %add3A_1434 = arith.addf %add3A_1433, %get3A_6 : vector<16xf32>
        %mul3A_1435 = arith.mulf %convert_element_type3A_1416, %sub3A : vector<16xf32>
        %add3A_1436 = arith.addf %add3A_1434, %mul3A_1435 : vector<16xf32>
        %swap3A_1437 = arith.constant 1 : i32
        %swap3A_1438 = arith.index_cast %swap3A_1437 : i32 to index
        %swap3A_1439 = arith.index_cast %add3A_1420 : i32 to index
        %swap3A_1440 = arith.constant 0 : index
        %swap3A_1441 = tpu.vector_load %arg13[%swap3A_1438, %swap3A_1439, %swap3A_1440] {strides = array<i32>} : memref<2x256x64xf32, #tpu.memory_space<vmem>>, vector<1x1x16xf32>,
        %swap3A_1442 = vector.shape_cast %swap3A_1441 : vector<1x1x16xf32> to vector<16xf32>
        %swap3A_1443 = vector.shape_cast %add3A_1436 : vector<16xf32> to vector<1x1x16xf32>
        tpu.vector_store %arg13[%swap3A_1438, %swap3A_1439, %swap3A_1440], %swap3A_1443 {strides = array<i32>} : memref<2x256x64xf32, #tpu.memory_space<vmem>>, vector<1x1x16xf32>,
        %get3A_1444 = arith.constant 1 : i32
        %get3A_1445 = arith.index_cast %get3A_1444 : i32 to index
        %get3A_1446 = arith.index_cast %add3A_1420 : i32 to index
        %get3A_1447 = arith.constant 16 : index
        %get3A_1448 = tpu.vector_load %arg13[%get3A_1445, %get3A_1446, %get3A_1447] {strides = array<i32>} : memref<2x256x64xf32, #tpu.memory_space<vmem>>, vector<1x1x16xf32>,
        %get3A_1449 = vector.shape_cast %get3A_1448 : vector<1x1x16xf32> to vector<16xf32>
        %get3A_1450 = arith.constant 1 : i32
        %get3A_1451 = arith.index_cast %get3A_1450 : i32 to index
        %get3A_1452 = arith.index_cast %add3A_1420 : i32 to index
        %get3A_1453 = arith.constant 16 : index
        %get3A_1454 = tpu.vector_load %arg14[%get3A_1451, %get3A_1452, %get3A_1453] {strides = array<i32>} : memref<2x256x64xf32, #tpu.memory_space<vmem>>, vector<1x1x16xf32>,
        %get3A_1455 = vector.shape_cast %get3A_1454 : vector<1x1x16xf32> to vector<16xf32>
        %add3A_1456 = arith.addf %get3A_1449, %get3A_1455 : vector<16xf32>
        %add3A_1457 = arith.addf %add3A_1456, %get3A_11 : vector<16xf32>
        %mul3A_1458 = arith.mulf %convert_element_type3A_1416, %sub3A_42 : vector<16xf32>
        %add3A_1459 = arith.addf %add3A_1457, %mul3A_1458 : vector<16xf32>
        %swap3A_1460 = arith.constant 1 : i32
        %swap3A_1461 = arith.index_cast %swap3A_1460 : i32 to index
        %swap3A_1462 = arith.index_cast %add3A_1420 : i32 to index
        %swap3A_1463 = arith.constant 16 : index
        %swap3A_1464 = tpu.vector_load %arg13[%swap3A_1461, %swap3A_1462, %swap3A_1463] {strides = array<i32>} : memref<2x256x64xf32, #tpu.memory_space<vmem>>, vector<1x1x16xf32>,
        %swap3A_1465 = vector.shape_cast %swap3A_1464 : vector<1x1x16xf32> to vector<16xf32>
        %swap3A_1466 = vector.shape_cast %add3A_1459 : vector<16xf32> to vector<1x1x16xf32>
        tpu.vector_store %arg13[%swap3A_1461, %swap3A_1462, %swap3A_1463], %swap3A_1466 {strides = array<i32>} : memref<2x256x64xf32, #tpu.memory_space<vmem>>, vector<1x1x16xf32>,
        %get3A_1467 = arith.constant 1 : i32
        %get3A_1468 = arith.index_cast %get3A_1467 : i32 to index
        %get3A_1469 = arith.index_cast %add3A_1420 : i32 to index
        %get3A_1470 = arith.constant 32 : index
        %get3A_1471 = tpu.vector_load %arg13[%get3A_1468, %get3A_1469, %get3A_1470] {strides = array<i32>} : memref<2x256x64xf32, #tpu.memory_space<vmem>>, vector<1x1x16xf32>,
        %get3A_1472 = vector.shape_cast %get3A_1471 : vector<1x1x16xf32> to vector<16xf32>
        %get3A_1473 = arith.constant 1 : i32
        %get3A_1474 = arith.index_cast %get3A_1473 : i32 to index
        %get3A_1475 = arith.index_cast %add3A_1420 : i32 to index
        %get3A_1476 = arith.constant 32 : index
        %get3A_1477 = tpu.vector_load %arg14[%get3A_1474, %get3A_1475, %get3A_1476] {strides = array<i32>} : memref<2x256x64xf32, #tpu.memory_space<vmem>>, vector<1x1x16xf32>,
        %get3A_1478 = vector.shape_cast %get3A_1477 : vector<1x1x16xf32> to vector<16xf32>
        %add3A_1479 = arith.addf %get3A_1472, %get3A_1478 : vector<16xf32>
        %add3A_1480 = arith.addf %add3A_1479, %get3A_16 : vector<16xf32>
        %mul3A_1481 = arith.mulf %convert_element_type3A_1416, %sub3A_43 : vector<16xf32>
        %add3A_1482 = arith.addf %add3A_1480, %mul3A_1481 : vector<16xf32>
        %swap3A_1483 = arith.constant 1 : i32
        %swap3A_1484 = arith.index_cast %swap3A_1483 : i32 to index
        %swap3A_1485 = arith.index_cast %add3A_1420 : i32 to index
        %swap3A_1486 = arith.constant 32 : index
        %swap3A_1487 = tpu.vector_load %arg13[%swap3A_1484, %swap3A_1485, %swap3A_1486] {strides = array<i32>} : memref<2x256x64xf32, #tpu.memory_space<vmem>>, vector<1x1x16xf32>,
        %swap3A_1488 = vector.shape_cast %swap3A_1487 : vector<1x1x16xf32> to vector<16xf32>
        %swap3A_1489 = vector.shape_cast %add3A_1482 : vector<16xf32> to vector<1x1x16xf32>
        tpu.vector_store %arg13[%swap3A_1484, %swap3A_1485, %swap3A_1486], %swap3A_1489 {strides = array<i32>} : memref<2x256x64xf32, #tpu.memory_space<vmem>>, vector<1x1x16xf32>,
        %get3A_1490 = arith.constant 1 : i32
        %get3A_1491 = arith.index_cast %get3A_1490 : i32 to index
        %get3A_1492 = arith.index_cast %add3A_1420 : i32 to index
        %get3A_1493 = arith.constant 48 : index
        %get3A_1494 = tpu.vector_load %arg13[%get3A_1491, %get3A_1492, %get3A_1493] {strides = array<i32>} : memref<2x256x64xf32, #tpu.memory_space<vmem>>, vector<1x1x16xf32>,
        %get3A_1495 = vector.shape_cast %get3A_1494 : vector<1x1x16xf32> to vector<16xf32>
        %get3A_1496 = arith.constant 1 : i32
        %get3A_1497 = arith.index_cast %get3A_1496 : i32 to index
        %get3A_1498 = arith.index_cast %add3A_1420 : i32 to index
        %get3A_1499 = arith.constant 48 : index
        %get3A_1500 = tpu.vector_load %arg14[%get3A_1497, %get3A_1498, %get3A_1499] {strides = array<i32>} : memref<2x256x64xf32, #tpu.memory_space<vmem>>, vector<1x1x16xf32>,
        %get3A_1501 = vector.shape_cast %get3A_1500 : vector<1x1x16xf32> to vector<16xf32>
        %add3A_1502 = arith.addf %get3A_1495, %get3A_1501 : vector<16xf32>
        %add3A_1503 = arith.addf %add3A_1502, %get3A_21 : vector<16xf32>
        %mul3A_1504 = arith.mulf %convert_element_type3A_1416, %sub3A_44 : vector<16xf32>
        %add3A_1505 = arith.addf %add3A_1503, %mul3A_1504 : vector<16xf32>
        %swap3A_1506 = arith.constant 1 : i32
        %swap3A_1507 = arith.index_cast %swap3A_1506 : i32 to index
        %swap3A_1508 = arith.index_cast %add3A_1420 : i32 to index
        %swap3A_1509 = arith.constant 48 : index
        %swap3A_1510 = tpu.vector_load %arg13[%swap3A_1507, %swap3A_1508, %swap3A_1509] {strides = array<i32>} : memref<2x256x64xf32, #tpu.memory_space<vmem>>, vector<1x1x16xf32>,
        %swap3A_1511 = vector.shape_cast %swap3A_1510 : vector<1x1x16xf32> to vector<16xf32>
        %swap3A_1512 = vector.shape_cast %add3A_1505 : vector<16xf32> to vector<1x1x16xf32>
        tpu.vector_store %arg13[%swap3A_1507, %swap3A_1508, %swap3A_1509], %swap3A_1512 {strides = array<i32>} : memref<2x256x64xf32, #tpu.memory_space<vmem>>, vector<1x1x16xf32>,
        %broadcast_in_dim3A_1513 = arith.constant 12 : i32
        %broadcast_in_dim3A_1514 = vector.broadcast %broadcast_in_dim3A_1513 : i32 to vector<16x1xi32>
        %gather3A_1515 = vector.shape_cast %broadcast_in_dim3A_1514 : vector<16x1xi32> to vector<16xi32>
        %gather3A_1516 = tpu.dynamic_gather %get3A_303[%gather3A_1515] in [0] : vector<16xi32>, vector<16xi32> -> vector<16xi32>
        %convert_element_type3A_1517 = arith.sitofp %gather3A_1516 : vector<16xi32> to vector<16xf32>
        %mul3A_1518 = arith.constant 16 : i32
        %mul3A_1519 = arith.muli %scan3A_296, %mul3A_1518 : i32
        %add3A_1520 = arith.constant 12 : i32
        %add3A_1521 = arith.addi %mul3A_1519, %add3A_1520 : i32
        %get3A_1522 = arith.constant 1 : i32
        %get3A_1523 = arith.index_cast %get3A_1522 : i32 to index
        %get3A_1524 = arith.index_cast %add3A_1521 : i32 to index
        %get3A_1525 = arith.constant 0 : index
        %get3A_1526 = tpu.vector_load %arg13[%get3A_1523, %get3A_1524, %get3A_1525] {strides = array<i32>} : memref<2x256x64xf32, #tpu.memory_space<vmem>>, vector<1x1x16xf32>,
        %get3A_1527 = vector.shape_cast %get3A_1526 : vector<1x1x16xf32> to vector<16xf32>
        %get3A_1528 = arith.constant 1 : i32
        %get3A_1529 = arith.index_cast %get3A_1528 : i32 to index
        %get3A_1530 = arith.index_cast %add3A_1521 : i32 to index
        %get3A_1531 = arith.constant 0 : index
        %get3A_1532 = tpu.vector_load %arg14[%get3A_1529, %get3A_1530, %get3A_1531] {strides = array<i32>} : memref<2x256x64xf32, #tpu.memory_space<vmem>>, vector<1x1x16xf32>,
        %get3A_1533 = vector.shape_cast %get3A_1532 : vector<1x1x16xf32> to vector<16xf32>
        %add3A_1534 = arith.addf %get3A_1527, %get3A_1533 : vector<16xf32>
        %add3A_1535 = arith.addf %add3A_1534, %get3A_6 : vector<16xf32>
        %mul3A_1536 = arith.mulf %convert_element_type3A_1517, %sub3A : vector<16xf32>
        %add3A_1537 = arith.addf %add3A_1535, %mul3A_1536 : vector<16xf32>
        %swap3A_1538 = arith.constant 1 : i32
        %swap3A_1539 = arith.index_cast %swap3A_1538 : i32 to index
        %swap3A_1540 = arith.index_cast %add3A_1521 : i32 to index
        %swap3A_1541 = arith.constant 0 : index
        %swap3A_1542 = tpu.vector_load %arg13[%swap3A_1539, %swap3A_1540, %swap3A_1541] {strides = array<i32>} : memref<2x256x64xf32, #tpu.memory_space<vmem>>, vector<1x1x16xf32>,
        %swap3A_1543 = vector.shape_cast %swap3A_1542 : vector<1x1x16xf32> to vector<16xf32>
        %swap3A_1544 = vector.shape_cast %add3A_1537 : vector<16xf32> to vector<1x1x16xf32>
        tpu.vector_store %arg13[%swap3A_1539, %swap3A_1540, %swap3A_1541], %swap3A_1544 {strides = array<i32>} : memref<2x256x64xf32, #tpu.memory_space<vmem>>, vector<1x1x16xf32>,
        %get3A_1545 = arith.constant 1 : i32
        %get3A_1546 = arith.index_cast %get3A_1545 : i32 to index
        %get3A_1547 = arith.index_cast %add3A_1521 : i32 to index
        %get3A_1548 = arith.constant 16 : index
        %get3A_1549 = tpu.vector_load %arg13[%get3A_1546, %get3A_1547, %get3A_1548] {strides = array<i32>} : memref<2x256x64xf32, #tpu.memory_space<vmem>>, vector<1x1x16xf32>,
        %get3A_1550 = vector.shape_cast %get3A_1549 : vector<1x1x16xf32> to vector<16xf32>
        %get3A_1551 = arith.constant 1 : i32
        %get3A_1552 = arith.index_cast %get3A_1551 : i32 to index
        %get3A_1553 = arith.index_cast %add3A_1521 : i32 to index
        %get3A_1554 = arith.constant 16 : index
        %get3A_1555 = tpu.vector_load %arg14[%get3A_1552, %get3A_1553, %get3A_1554] {strides = array<i32>} : memref<2x256x64xf32, #tpu.memory_space<vmem>>, vector<1x1x16xf32>,
        %get3A_1556 = vector.shape_cast %get3A_1555 : vector<1x1x16xf32> to vector<16xf32>
        %add3A_1557 = arith.addf %get3A_1550, %get3A_1556 : vector<16xf32>
        %add3A_1558 = arith.addf %add3A_1557, %get3A_11 : vector<16xf32>
        %mul3A_1559 = arith.mulf %convert_element_type3A_1517, %sub3A_42 : vector<16xf32>
        %add3A_1560 = arith.addf %add3A_1558, %mul3A_1559 : vector<16xf32>
        %swap3A_1561 = arith.constant 1 : i32
        %swap3A_1562 = arith.index_cast %swap3A_1561 : i32 to index
        %swap3A_1563 = arith.index_cast %add3A_1521 : i32 to index
        %swap3A_1564 = arith.constant 16 : index
        %swap3A_1565 = tpu.vector_load %arg13[%swap3A_1562, %swap3A_1563, %swap3A_1564] {strides = array<i32>} : memref<2x256x64xf32, #tpu.memory_space<vmem>>, vector<1x1x16xf32>,
        %swap3A_1566 = vector.shape_cast %swap3A_1565 : vector<1x1x16xf32> to vector<16xf32>
        %swap3A_1567 = vector.shape_cast %add3A_1560 : vector<16xf32> to vector<1x1x16xf32>
        tpu.vector_store %arg13[%swap3A_1562, %swap3A_1563, %swap3A_1564], %swap3A_1567 {strides = array<i32>} : memref<2x256x64xf32, #tpu.memory_space<vmem>>, vector<1x1x16xf32>,
        %get3A_1568 = arith.constant 1 : i32
        %get3A_1569 = arith.index_cast %get3A_1568 : i32 to index
        %get3A_1570 = arith.index_cast %add3A_1521 : i32 to index
        %get3A_1571 = arith.constant 32 : index
        %get3A_1572 = tpu.vector_load %arg13[%get3A_1569, %get3A_1570, %get3A_1571] {strides = array<i32>} : memref<2x256x64xf32, #tpu.memory_space<vmem>>, vector<1x1x16xf32>,
        %get3A_1573 = vector.shape_cast %get3A_1572 : vector<1x1x16xf32> to vector<16xf32>
        %get3A_1574 = arith.constant 1 : i32
        %get3A_1575 = arith.index_cast %get3A_1574 : i32 to index
        %get3A_1576 = arith.index_cast %add3A_1521 : i32 to index
        %get3A_1577 = arith.constant 32 : index
        %get3A_1578 = tpu.vector_load %arg14[%get3A_1575, %get3A_1576, %get3A_1577] {strides = array<i32>} : memref<2x256x64xf32, #tpu.memory_space<vmem>>, vector<1x1x16xf32>,
        %get3A_1579 = vector.shape_cast %get3A_1578 : vector<1x1x16xf32> to vector<16xf32>
        %add3A_1580 = arith.addf %get3A_1573, %get3A_1579 : vector<16xf32>
        %add3A_1581 = arith.addf %add3A_1580, %get3A_16 : vector<16xf32>
        %mul3A_1582 = arith.mulf %convert_element_type3A_1517, %sub3A_43 : vector<16xf32>
        %add3A_1583 = arith.addf %add3A_1581, %mul3A_1582 : vector<16xf32>
        %swap3A_1584 = arith.constant 1 : i32
        %swap3A_1585 = arith.index_cast %swap3A_1584 : i32 to index
        %swap3A_1586 = arith.index_cast %add3A_1521 : i32 to index
        %swap3A_1587 = arith.constant 32 : index
        %swap3A_1588 = tpu.vector_load %arg13[%swap3A_1585, %swap3A_1586, %swap3A_1587] {strides = array<i32>} : memref<2x256x64xf32, #tpu.memory_space<vmem>>, vector<1x1x16xf32>,
        %swap3A_1589 = vector.shape_cast %swap3A_1588 : vector<1x1x16xf32> to vector<16xf32>
        %swap3A_1590 = vector.shape_cast %add3A_1583 : vector<16xf32> to vector<1x1x16xf32>
        tpu.vector_store %arg13[%swap3A_1585, %swap3A_1586, %swap3A_1587], %swap3A_1590 {strides = array<i32>} : memref<2x256x64xf32, #tpu.memory_space<vmem>>, vector<1x1x16xf32>,
        %get3A_1591 = arith.constant 1 : i32
        %get3A_1592 = arith.index_cast %get3A_1591 : i32 to index
        %get3A_1593 = arith.index_cast %add3A_1521 : i32 to index
        %get3A_1594 = arith.constant 48 : index
        %get3A_1595 = tpu.vector_load %arg13[%get3A_1592, %get3A_1593, %get3A_1594] {strides = array<i32>} : memref<2x256x64xf32, #tpu.memory_space<vmem>>, vector<1x1x16xf32>,
        %get3A_1596 = vector.shape_cast %get3A_1595 : vector<1x1x16xf32> to vector<16xf32>
        %get3A_1597 = arith.constant 1 : i32
        %get3A_1598 = arith.index_cast %get3A_1597 : i32 to index
        %get3A_1599 = arith.index_cast %add3A_1521 : i32 to index
        %get3A_1600 = arith.constant 48 : index
        %get3A_1601 = tpu.vector_load %arg14[%get3A_1598, %get3A_1599, %get3A_1600] {strides = array<i32>} : memref<2x256x64xf32, #tpu.memory_space<vmem>>, vector<1x1x16xf32>,
        %get3A_1602 = vector.shape_cast %get3A_1601 : vector<1x1x16xf32> to vector<16xf32>
        %add3A_1603 = arith.addf %get3A_1596, %get3A_1602 : vector<16xf32>
        %add3A_1604 = arith.addf %add3A_1603, %get3A_21 : vector<16xf32>
        %mul3A_1605 = arith.mulf %convert_element_type3A_1517, %sub3A_44 : vector<16xf32>
        %add3A_1606 = arith.addf %add3A_1604, %mul3A_1605 : vector<16xf32>
        %swap3A_1607 = arith.constant 1 : i32
        %swap3A_1608 = arith.index_cast %swap3A_1607 : i32 to index
        %swap3A_1609 = arith.index_cast %add3A_1521 : i32 to index
        %swap3A_1610 = arith.constant 48 : index
        %swap3A_1611 = tpu.vector_load %arg13[%swap3A_1608, %swap3A_1609, %swap3A_1610] {strides = array<i32>} : memref<2x256x64xf32, #tpu.memory_space<vmem>>, vector<1x1x16xf32>,
        %swap3A_1612 = vector.shape_cast %swap3A_1611 : vector<1x1x16xf32> to vector<16xf32>
        %swap3A_1613 = vector.shape_cast %add3A_1606 : vector<16xf32> to vector<1x1x16xf32>
        tpu.vector_store %arg13[%swap3A_1608, %swap3A_1609, %swap3A_1610], %swap3A_1613 {strides = array<i32>} : memref<2x256x64xf32, #tpu.memory_space<vmem>>, vector<1x1x16xf32>,
        %broadcast_in_dim3A_1614 = arith.constant 13 : i32
        %broadcast_in_dim3A_1615 = vector.broadcast %broadcast_in_dim3A_1614 : i32 to vector<16x1xi32>
        %gather3A_1616 = vector.shape_cast %broadcast_in_dim3A_1615 : vector<16x1xi32> to vector<16xi32>
        %gather3A_1617 = tpu.dynamic_gather %get3A_303[%gather3A_1616] in [0] : vector<16xi32>, vector<16xi32> -> vector<16xi32>
        %convert_element_type3A_1618 = arith.sitofp %gather3A_1617 : vector<16xi32> to vector<16xf32>
        %mul3A_1619 = arith.constant 16 : i32
        %mul3A_1620 = arith.muli %scan3A_296, %mul3A_1619 : i32
        %add3A_1621 = arith.constant 13 : i32
        %add3A_1622 = arith.addi %mul3A_1620, %add3A_1621 : i32
        %get3A_1623 = arith.constant 1 : i32
        %get3A_1624 = arith.index_cast %get3A_1623 : i32 to index
        %get3A_1625 = arith.index_cast %add3A_1622 : i32 to index
        %get3A_1626 = arith.constant 0 : index
        %get3A_1627 = tpu.vector_load %arg13[%get3A_1624, %get3A_1625, %get3A_1626] {strides = array<i32>} : memref<2x256x64xf32, #tpu.memory_space<vmem>>, vector<1x1x16xf32>,
        %get3A_1628 = vector.shape_cast %get3A_1627 : vector<1x1x16xf32> to vector<16xf32>
        %get3A_1629 = arith.constant 1 : i32
        %get3A_1630 = arith.index_cast %get3A_1629 : i32 to index
        %get3A_1631 = arith.index_cast %add3A_1622 : i32 to index
        %get3A_1632 = arith.constant 0 : index
        %get3A_1633 = tpu.vector_load %arg14[%get3A_1630, %get3A_1631, %get3A_1632] {strides = array<i32>} : memref<2x256x64xf32, #tpu.memory_space<vmem>>, vector<1x1x16xf32>,
        %get3A_1634 = vector.shape_cast %get3A_1633 : vector<1x1x16xf32> to vector<16xf32>
        %add3A_1635 = arith.addf %get3A_1628, %get3A_1634 : vector<16xf32>
        %add3A_1636 = arith.addf %add3A_1635, %get3A_6 : vector<16xf32>
        %mul3A_1637 = arith.mulf %convert_element_type3A_1618, %sub3A : vector<16xf32>
        %add3A_1638 = arith.addf %add3A_1636, %mul3A_1637 : vector<16xf32>
        %swap3A_1639 = arith.constant 1 : i32
        %swap3A_1640 = arith.index_cast %swap3A_1639 : i32 to index
        %swap3A_1641 = arith.index_cast %add3A_1622 : i32 to index
        %swap3A_1642 = arith.constant 0 : index
        %swap3A_1643 = tpu.vector_load %arg13[%swap3A_1640, %swap3A_1641, %swap3A_1642] {strides = array<i32>} : memref<2x256x64xf32, #tpu.memory_space<vmem>>, vector<1x1x16xf32>,
        %swap3A_1644 = vector.shape_cast %swap3A_1643 : vector<1x1x16xf32> to vector<16xf32>
        %swap3A_1645 = vector.shape_cast %add3A_1638 : vector<16xf32> to vector<1x1x16xf32>
        tpu.vector_store %arg13[%swap3A_1640, %swap3A_1641, %swap3A_1642], %swap3A_1645 {strides = array<i32>} : memref<2x256x64xf32, #tpu.memory_space<vmem>>, vector<1x1x16xf32>,
        %get3A_1646 = arith.constant 1 : i32
        %get3A_1647 = arith.index_cast %get3A_1646 : i32 to index
        %get3A_1648 = arith.index_cast %add3A_1622 : i32 to index
        %get3A_1649 = arith.constant 16 : index
        %get3A_1650 = tpu.vector_load %arg13[%get3A_1647, %get3A_1648, %get3A_1649] {strides = array<i32>} : memref<2x256x64xf32, #tpu.memory_space<vmem>>, vector<1x1x16xf32>,
        %get3A_1651 = vector.shape_cast %get3A_1650 : vector<1x1x16xf32> to vector<16xf32>
        %get3A_1652 = arith.constant 1 : i32
        %get3A_1653 = arith.index_cast %get3A_1652 : i32 to index
        %get3A_1654 = arith.index_cast %add3A_1622 : i32 to index
        %get3A_1655 = arith.constant 16 : index
        %get3A_1656 = tpu.vector_load %arg14[%get3A_1653, %get3A_1654, %get3A_1655] {strides = array<i32>} : memref<2x256x64xf32, #tpu.memory_space<vmem>>, vector<1x1x16xf32>,
        %get3A_1657 = vector.shape_cast %get3A_1656 : vector<1x1x16xf32> to vector<16xf32>
        %add3A_1658 = arith.addf %get3A_1651, %get3A_1657 : vector<16xf32>
        %add3A_1659 = arith.addf %add3A_1658, %get3A_11 : vector<16xf32>
        %mul3A_1660 = arith.mulf %convert_element_type3A_1618, %sub3A_42 : vector<16xf32>
        %add3A_1661 = arith.addf %add3A_1659, %mul3A_1660 : vector<16xf32>
        %swap3A_1662 = arith.constant 1 : i32
        %swap3A_1663 = arith.index_cast %swap3A_1662 : i32 to index
        %swap3A_1664 = arith.index_cast %add3A_1622 : i32 to index
        %swap3A_1665 = arith.constant 16 : index
        %swap3A_1666 = tpu.vector_load %arg13[%swap3A_1663, %swap3A_1664, %swap3A_1665] {strides = array<i32>} : memref<2x256x64xf32, #tpu.memory_space<vmem>>, vector<1x1x16xf32>,
        %swap3A_1667 = vector.shape_cast %swap3A_1666 : vector<1x1x16xf32> to vector<16xf32>
        %swap3A_1668 = vector.shape_cast %add3A_1661 : vector<16xf32> to vector<1x1x16xf32>
        tpu.vector_store %arg13[%swap3A_1663, %swap3A_1664, %swap3A_1665], %swap3A_1668 {strides = array<i32>} : memref<2x256x64xf32, #tpu.memory_space<vmem>>, vector<1x1x16xf32>,
        %get3A_1669 = arith.constant 1 : i32
        %get3A_1670 = arith.index_cast %get3A_1669 : i32 to index
        %get3A_1671 = arith.index_cast %add3A_1622 : i32 to index
        %get3A_1672 = arith.constant 32 : index
        %get3A_1673 = tpu.vector_load %arg13[%get3A_1670, %get3A_1671, %get3A_1672] {strides = array<i32>} : memref<2x256x64xf32, #tpu.memory_space<vmem>>, vector<1x1x16xf32>,
        %get3A_1674 = vector.shape_cast %get3A_1673 : vector<1x1x16xf32> to vector<16xf32>
        %get3A_1675 = arith.constant 1 : i32
        %get3A_1676 = arith.index_cast %get3A_1675 : i32 to index
        %get3A_1677 = arith.index_cast %add3A_1622 : i32 to index
        %get3A_1678 = arith.constant 32 : index
        %get3A_1679 = tpu.vector_load %arg14[%get3A_1676, %get3A_1677, %get3A_1678] {strides = array<i32>} : memref<2x256x64xf32, #tpu.memory_space<vmem>>, vector<1x1x16xf32>,
        %get3A_1680 = vector.shape_cast %get3A_1679 : vector<1x1x16xf32> to vector<16xf32>
        %add3A_1681 = arith.addf %get3A_1674, %get3A_1680 : vector<16xf32>
        %add3A_1682 = arith.addf %add3A_1681, %get3A_16 : vector<16xf32>
        %mul3A_1683 = arith.mulf %convert_element_type3A_1618, %sub3A_43 : vector<16xf32>
        %add3A_1684 = arith.addf %add3A_1682, %mul3A_1683 : vector<16xf32>
        %swap3A_1685 = arith.constant 1 : i32
        %swap3A_1686 = arith.index_cast %swap3A_1685 : i32 to index
        %swap3A_1687 = arith.index_cast %add3A_1622 : i32 to index
        %swap3A_1688 = arith.constant 32 : index
        %swap3A_1689 = tpu.vector_load %arg13[%swap3A_1686, %swap3A_1687, %swap3A_1688] {strides = array<i32>} : memref<2x256x64xf32, #tpu.memory_space<vmem>>, vector<1x1x16xf32>,
        %swap3A_1690 = vector.shape_cast %swap3A_1689 : vector<1x1x16xf32> to vector<16xf32>
        %swap3A_1691 = vector.shape_cast %add3A_1684 : vector<16xf32> to vector<1x1x16xf32>
        tpu.vector_store %arg13[%swap3A_1686, %swap3A_1687, %swap3A_1688], %swap3A_1691 {strides = array<i32>} : memref<2x256x64xf32, #tpu.memory_space<vmem>>, vector<1x1x16xf32>,
        %get3A_1692 = arith.constant 1 : i32
        %get3A_1693 = arith.index_cast %get3A_1692 : i32 to index
        %get3A_1694 = arith.index_cast %add3A_1622 : i32 to index
        %get3A_1695 = arith.constant 48 : index
        %get3A_1696 = tpu.vector_load %arg13[%get3A_1693, %get3A_1694, %get3A_1695] {strides = array<i32>} : memref<2x256x64xf32, #tpu.memory_space<vmem>>, vector<1x1x16xf32>,
        %get3A_1697 = vector.shape_cast %get3A_1696 : vector<1x1x16xf32> to vector<16xf32>
        %get3A_1698 = arith.constant 1 : i32
        %get3A_1699 = arith.index_cast %get3A_1698 : i32 to index
        %get3A_1700 = arith.index_cast %add3A_1622 : i32 to index
        %get3A_1701 = arith.constant 48 : index
        %get3A_1702 = tpu.vector_load %arg14[%get3A_1699, %get3A_1700, %get3A_1701] {strides = array<i32>} : memref<2x256x64xf32, #tpu.memory_space<vmem>>, vector<1x1x16xf32>,
        %get3A_1703 = vector.shape_cast %get3A_1702 : vector<1x1x16xf32> to vector<16xf32>
        %add3A_1704 = arith.addf %get3A_1697, %get3A_1703 : vector<16xf32>
        %add3A_1705 = arith.addf %add3A_1704, %get3A_21 : vector<16xf32>
        %mul3A_1706 = arith.mulf %convert_element_type3A_1618, %sub3A_44 : vector<16xf32>
        %add3A_1707 = arith.addf %add3A_1705, %mul3A_1706 : vector<16xf32>
        %swap3A_1708 = arith.constant 1 : i32
        %swap3A_1709 = arith.index_cast %swap3A_1708 : i32 to index
        %swap3A_1710 = arith.index_cast %add3A_1622 : i32 to index
        %swap3A_1711 = arith.constant 48 : index
        %swap3A_1712 = tpu.vector_load %arg13[%swap3A_1709, %swap3A_1710, %swap3A_1711] {strides = array<i32>} : memref<2x256x64xf32, #tpu.memory_space<vmem>>, vector<1x1x16xf32>,
        %swap3A_1713 = vector.shape_cast %swap3A_1712 : vector<1x1x16xf32> to vector<16xf32>
        %swap3A_1714 = vector.shape_cast %add3A_1707 : vector<16xf32> to vector<1x1x16xf32>
        tpu.vector_store %arg13[%swap3A_1709, %swap3A_1710, %swap3A_1711], %swap3A_1714 {strides = array<i32>} : memref<2x256x64xf32, #tpu.memory_space<vmem>>, vector<1x1x16xf32>,
        %broadcast_in_dim3A_1715 = arith.constant 14 : i32
        %broadcast_in_dim3A_1716 = vector.broadcast %broadcast_in_dim3A_1715 : i32 to vector<16x1xi32>
        %gather3A_1717 = vector.shape_cast %broadcast_in_dim3A_1716 : vector<16x1xi32> to vector<16xi32>
        %gather3A_1718 = tpu.dynamic_gather %get3A_303[%gather3A_1717] in [0] : vector<16xi32>, vector<16xi32> -> vector<16xi32>
        %convert_element_type3A_1719 = arith.sitofp %gather3A_1718 : vector<16xi32> to vector<16xf32>
        %mul3A_1720 = arith.constant 16 : i32
        %mul3A_1721 = arith.muli %scan3A_296, %mul3A_1720 : i32
        %add3A_1722 = arith.constant 14 : i32
        %add3A_1723 = arith.addi %mul3A_1721, %add3A_1722 : i32
        %get3A_1724 = arith.constant 1 : i32
        %get3A_1725 = arith.index_cast %get3A_1724 : i32 to index
        %get3A_1726 = arith.index_cast %add3A_1723 : i32 to index
        %get3A_1727 = arith.constant 0 : index
        %get3A_1728 = tpu.vector_load %arg13[%get3A_1725, %get3A_1726, %get3A_1727] {strides = array<i32>} : memref<2x256x64xf32, #tpu.memory_space<vmem>>, vector<1x1x16xf32>,
        %get3A_1729 = vector.shape_cast %get3A_1728 : vector<1x1x16xf32> to vector<16xf32>
        %get3A_1730 = arith.constant 1 : i32
        %get3A_1731 = arith.index_cast %get3A_1730 : i32 to index
        %get3A_1732 = arith.index_cast %add3A_1723 : i32 to index
        %get3A_1733 = arith.constant 0 : index
        %get3A_1734 = tpu.vector_load %arg14[%get3A_1731, %get3A_1732, %get3A_1733] {strides = array<i32>} : memref<2x256x64xf32, #tpu.memory_space<vmem>>, vector<1x1x16xf32>,
        %get3A_1735 = vector.shape_cast %get3A_1734 : vector<1x1x16xf32> to vector<16xf32>
        %add3A_1736 = arith.addf %get3A_1729, %get3A_1735 : vector<16xf32>
        %add3A_1737 = arith.addf %add3A_1736, %get3A_6 : vector<16xf32>
        %mul3A_1738 = arith.mulf %convert_element_type3A_1719, %sub3A : vector<16xf32>
        %add3A_1739 = arith.addf %add3A_1737, %mul3A_1738 : vector<16xf32>
        %swap3A_1740 = arith.constant 1 : i32
        %swap3A_1741 = arith.index_cast %swap3A_1740 : i32 to index
        %swap3A_1742 = arith.index_cast %add3A_1723 : i32 to index
        %swap3A_1743 = arith.constant 0 : index
        %swap3A_1744 = tpu.vector_load %arg13[%swap3A_1741, %swap3A_1742, %swap3A_1743] {strides = array<i32>} : memref<2x256x64xf32, #tpu.memory_space<vmem>>, vector<1x1x16xf32>,
        %swap3A_1745 = vector.shape_cast %swap3A_1744 : vector<1x1x16xf32> to vector<16xf32>
        %swap3A_1746 = vector.shape_cast %add3A_1739 : vector<16xf32> to vector<1x1x16xf32>
        tpu.vector_store %arg13[%swap3A_1741, %swap3A_1742, %swap3A_1743], %swap3A_1746 {strides = array<i32>} : memref<2x256x64xf32, #tpu.memory_space<vmem>>, vector<1x1x16xf32>,
        %get3A_1747 = arith.constant 1 : i32
        %get3A_1748 = arith.index_cast %get3A_1747 : i32 to index
        %get3A_1749 = arith.index_cast %add3A_1723 : i32 to index
        %get3A_1750 = arith.constant 16 : index
        %get3A_1751 = tpu.vector_load %arg13[%get3A_1748, %get3A_1749, %get3A_1750] {strides = array<i32>} : memref<2x256x64xf32, #tpu.memory_space<vmem>>, vector<1x1x16xf32>,
        %get3A_1752 = vector.shape_cast %get3A_1751 : vector<1x1x16xf32> to vector<16xf32>
        %get3A_1753 = arith.constant 1 : i32
        %get3A_1754 = arith.index_cast %get3A_1753 : i32 to index
        %get3A_1755 = arith.index_cast %add3A_1723 : i32 to index
        %get3A_1756 = arith.constant 16 : index
        %get3A_1757 = tpu.vector_load %arg14[%get3A_1754, %get3A_1755, %get3A_1756] {strides = array<i32>} : memref<2x256x64xf32, #tpu.memory_space<vmem>>, vector<1x1x16xf32>,
        %get3A_1758 = vector.shape_cast %get3A_1757 : vector<1x1x16xf32> to vector<16xf32>
        %add3A_1759 = arith.addf %get3A_1752, %get3A_1758 : vector<16xf32>
        %add3A_1760 = arith.addf %add3A_1759, %get3A_11 : vector<16xf32>
        %mul3A_1761 = arith.mulf %convert_element_type3A_1719, %sub3A_42 : vector<16xf32>
        %add3A_1762 = arith.addf %add3A_1760, %mul3A_1761 : vector<16xf32>
        %swap3A_1763 = arith.constant 1 : i32
        %swap3A_1764 = arith.index_cast %swap3A_1763 : i32 to index
        %swap3A_1765 = arith.index_cast %add3A_1723 : i32 to index
        %swap3A_1766 = arith.constant 16 : index
        %swap3A_1767 = tpu.vector_load %arg13[%swap3A_1764, %swap3A_1765, %swap3A_1766] {strides = array<i32>} : memref<2x256x64xf32, #tpu.memory_space<vmem>>, vector<1x1x16xf32>,
        %swap3A_1768 = vector.shape_cast %swap3A_1767 : vector<1x1x16xf32> to vector<16xf32>
        %swap3A_1769 = vector.shape_cast %add3A_1762 : vector<16xf32> to vector<1x1x16xf32>
        tpu.vector_store %arg13[%swap3A_1764, %swap3A_1765, %swap3A_1766], %swap3A_1769 {strides = array<i32>} : memref<2x256x64xf32, #tpu.memory_space<vmem>>, vector<1x1x16xf32>,
        %get3A_1770 = arith.constant 1 : i32
        %get3A_1771 = arith.index_cast %get3A_1770 : i32 to index
        %get3A_1772 = arith.index_cast %add3A_1723 : i32 to index
        %get3A_1773 = arith.constant 32 : index
        %get3A_1774 = tpu.vector_load %arg13[%get3A_1771, %get3A_1772, %get3A_1773] {strides = array<i32>} : memref<2x256x64xf32, #tpu.memory_space<vmem>>, vector<1x1x16xf32>,
        %get3A_1775 = vector.shape_cast %get3A_1774 : vector<1x1x16xf32> to vector<16xf32>
        %get3A_1776 = arith.constant 1 : i32
        %get3A_1777 = arith.index_cast %get3A_1776 : i32 to index
        %get3A_1778 = arith.index_cast %add3A_1723 : i32 to index
        %get3A_1779 = arith.constant 32 : index
        %get3A_1780 = tpu.vector_load %arg14[%get3A_1777, %get3A_1778, %get3A_1779] {strides = array<i32>} : memref<2x256x64xf32, #tpu.memory_space<vmem>>, vector<1x1x16xf32>,
        %get3A_1781 = vector.shape_cast %get3A_1780 : vector<1x1x16xf32> to vector<16xf32>
        %add3A_1782 = arith.addf %get3A_1775, %get3A_1781 : vector<16xf32>
        %add3A_1783 = arith.addf %add3A_1782, %get3A_16 : vector<16xf32>
        %mul3A_1784 = arith.mulf %convert_element_type3A_1719, %sub3A_43 : vector<16xf32>
        %add3A_1785 = arith.addf %add3A_1783, %mul3A_1784 : vector<16xf32>
        %swap3A_1786 = arith.constant 1 : i32
        %swap3A_1787 = arith.index_cast %swap3A_1786 : i32 to index
        %swap3A_1788 = arith.index_cast %add3A_1723 : i32 to index
        %swap3A_1789 = arith.constant 32 : index
        %swap3A_1790 = tpu.vector_load %arg13[%swap3A_1787, %swap3A_1788, %swap3A_1789] {strides = array<i32>} : memref<2x256x64xf32, #tpu.memory_space<vmem>>, vector<1x1x16xf32>,
        %swap3A_1791 = vector.shape_cast %swap3A_1790 : vector<1x1x16xf32> to vector<16xf32>
        %swap3A_1792 = vector.shape_cast %add3A_1785 : vector<16xf32> to vector<1x1x16xf32>
        tpu.vector_store %arg13[%swap3A_1787, %swap3A_1788, %swap3A_1789], %swap3A_1792 {strides = array<i32>} : memref<2x256x64xf32, #tpu.memory_space<vmem>>, vector<1x1x16xf32>,
        %get3A_1793 = arith.constant 1 : i32
        %get3A_1794 = arith.index_cast %get3A_1793 : i32 to index
        %get3A_1795 = arith.index_cast %add3A_1723 : i32 to index
        %get3A_1796 = arith.constant 48 : index
        %get3A_1797 = tpu.vector_load %arg13[%get3A_1794, %get3A_1795, %get3A_1796] {strides = array<i32>} : memref<2x256x64xf32, #tpu.memory_space<vmem>>, vector<1x1x16xf32>,
        %get3A_1798 = vector.shape_cast %get3A_1797 : vector<1x1x16xf32> to vector<16xf32>
        %get3A_1799 = arith.constant 1 : i32
        %get3A_1800 = arith.index_cast %get3A_1799 : i32 to index
        %get3A_1801 = arith.index_cast %add3A_1723 : i32 to index
        %get3A_1802 = arith.constant 48 : index
        %get3A_1803 = tpu.vector_load %arg14[%get3A_1800, %get3A_1801, %get3A_1802] {strides = array<i32>} : memref<2x256x64xf32, #tpu.memory_space<vmem>>, vector<1x1x16xf32>,
        %get3A_1804 = vector.shape_cast %get3A_1803 : vector<1x1x16xf32> to vector<16xf32>
        %add3A_1805 = arith.addf %get3A_1798, %get3A_1804 : vector<16xf32>
        %add3A_1806 = arith.addf %add3A_1805, %get3A_21 : vector<16xf32>
        %mul3A_1807 = arith.mulf %convert_element_type3A_1719, %sub3A_44 : vector<16xf32>
        %add3A_1808 = arith.addf %add3A_1806, %mul3A_1807 : vector<16xf32>
        %swap3A_1809 = arith.constant 1 : i32
        %swap3A_1810 = arith.index_cast %swap3A_1809 : i32 to index
        %swap3A_1811 = arith.index_cast %add3A_1723 : i32 to index
        %swap3A_1812 = arith.constant 48 : index
        %swap3A_1813 = tpu.vector_load %arg13[%swap3A_1810, %swap3A_1811, %swap3A_1812] {strides = array<i32>} : memref<2x256x64xf32, #tpu.memory_space<vmem>>, vector<1x1x16xf32>,
        %swap3A_1814 = vector.shape_cast %swap3A_1813 : vector<1x1x16xf32> to vector<16xf32>
        %swap3A_1815 = vector.shape_cast %add3A_1808 : vector<16xf32> to vector<1x1x16xf32>
        tpu.vector_store %arg13[%swap3A_1810, %swap3A_1811, %swap3A_1812], %swap3A_1815 {strides = array<i32>} : memref<2x256x64xf32, #tpu.memory_space<vmem>>, vector<1x1x16xf32>,
        %broadcast_in_dim3A_1816 = arith.constant 15 : i32
        %broadcast_in_dim3A_1817 = vector.broadcast %broadcast_in_dim3A_1816 : i32 to vector<16x1xi32>
        %gather3A_1818 = vector.shape_cast %broadcast_in_dim3A_1817 : vector<16x1xi32> to vector<16xi32>
        %gather3A_1819 = tpu.dynamic_gather %get3A_303[%gather3A_1818] in [0] : vector<16xi32>, vector<16xi32> -> vector<16xi32>
        %convert_element_type3A_1820 = arith.sitofp %gather3A_1819 : vector<16xi32> to vector<16xf32>
        %mul3A_1821 = arith.constant 16 : i32
        %mul3A_1822 = arith.muli %scan3A_296, %mul3A_1821 : i32
        %add3A_1823 = arith.constant 15 : i32
        %add3A_1824 = arith.addi %mul3A_1822, %add3A_1823 : i32
        %get3A_1825 = arith.constant 1 : i32
        %get3A_1826 = arith.index_cast %get3A_1825 : i32 to index
        %get3A_1827 = arith.index_cast %add3A_1824 : i32 to index
        %get3A_1828 = arith.constant 0 : index
        %get3A_1829 = tpu.vector_load %arg13[%get3A_1826, %get3A_1827, %get3A_1828] {strides = array<i32>} : memref<2x256x64xf32, #tpu.memory_space<vmem>>, vector<1x1x16xf32>,
        %get3A_1830 = vector.shape_cast %get3A_1829 : vector<1x1x16xf32> to vector<16xf32>
        %get3A_1831 = arith.constant 1 : i32
        %get3A_1832 = arith.index_cast %get3A_1831 : i32 to index
        %get3A_1833 = arith.index_cast %add3A_1824 : i32 to index
        %get3A_1834 = arith.constant 0 : index
        %get3A_1835 = tpu.vector_load %arg14[%get3A_1832, %get3A_1833, %get3A_1834] {strides = array<i32>} : memref<2x256x64xf32, #tpu.memory_space<vmem>>, vector<1x1x16xf32>,
        %get3A_1836 = vector.shape_cast %get3A_1835 : vector<1x1x16xf32> to vector<16xf32>
        %add3A_1837 = arith.addf %get3A_1830, %get3A_1836 : vector<16xf32>
        %add3A_1838 = arith.addf %add3A_1837, %get3A_6 : vector<16xf32>
        %mul3A_1839 = arith.mulf %convert_element_type3A_1820, %sub3A : vector<16xf32>
        %add3A_1840 = arith.addf %add3A_1838, %mul3A_1839 : vector<16xf32>
        %swap3A_1841 = arith.constant 1 : i32
        %swap3A_1842 = arith.index_cast %swap3A_1841 : i32 to index
        %swap3A_1843 = arith.index_cast %add3A_1824 : i32 to index
        %swap3A_1844 = arith.constant 0 : index
        %swap3A_1845 = tpu.vector_load %arg13[%swap3A_1842, %swap3A_1843, %swap3A_1844] {strides = array<i32>} : memref<2x256x64xf32, #tpu.memory_space<vmem>>, vector<1x1x16xf32>,
        %swap3A_1846 = vector.shape_cast %swap3A_1845 : vector<1x1x16xf32> to vector<16xf32>
        %swap3A_1847 = vector.shape_cast %add3A_1840 : vector<16xf32> to vector<1x1x16xf32>
        tpu.vector_store %arg13[%swap3A_1842, %swap3A_1843, %swap3A_1844], %swap3A_1847 {strides = array<i32>} : memref<2x256x64xf32, #tpu.memory_space<vmem>>, vector<1x1x16xf32>,
        %get3A_1848 = arith.constant 1 : i32
        %get3A_1849 = arith.index_cast %get3A_1848 : i32 to index
        %get3A_1850 = arith.index_cast %add3A_1824 : i32 to index
        %get3A_1851 = arith.constant 16 : index
        %get3A_1852 = tpu.vector_load %arg13[%get3A_1849, %get3A_1850, %get3A_1851] {strides = array<i32>} : memref<2x256x64xf32, #tpu.memory_space<vmem>>, vector<1x1x16xf32>,
        %get3A_1853 = vector.shape_cast %get3A_1852 : vector<1x1x16xf32> to vector<16xf32>
        %get3A_1854 = arith.constant 1 : i32
        %get3A_1855 = arith.index_cast %get3A_1854 : i32 to index
        %get3A_1856 = arith.index_cast %add3A_1824 : i32 to index
        %get3A_1857 = arith.constant 16 : index
        %get3A_1858 = tpu.vector_load %arg14[%get3A_1855, %get3A_1856, %get3A_1857] {strides = array<i32>} : memref<2x256x64xf32, #tpu.memory_space<vmem>>, vector<1x1x16xf32>,
        %get3A_1859 = vector.shape_cast %get3A_1858 : vector<1x1x16xf32> to vector<16xf32>
        %add3A_1860 = arith.addf %get3A_1853, %get3A_1859 : vector<16xf32>
        %add3A_1861 = arith.addf %add3A_1860, %get3A_11 : vector<16xf32>
        %mul3A_1862 = arith.mulf %convert_element_type3A_1820, %sub3A_42 : vector<16xf32>
        %add3A_1863 = arith.addf %add3A_1861, %mul3A_1862 : vector<16xf32>
        %swap3A_1864 = arith.constant 1 : i32
        %swap3A_1865 = arith.index_cast %swap3A_1864 : i32 to index
        %swap3A_1866 = arith.index_cast %add3A_1824 : i32 to index
        %swap3A_1867 = arith.constant 16 : index
        %swap3A_1868 = tpu.vector_load %arg13[%swap3A_1865, %swap3A_1866, %swap3A_1867] {strides = array<i32>} : memref<2x256x64xf32, #tpu.memory_space<vmem>>, vector<1x1x16xf32>,
        %swap3A_1869 = vector.shape_cast %swap3A_1868 : vector<1x1x16xf32> to vector<16xf32>
        %swap3A_1870 = vector.shape_cast %add3A_1863 : vector<16xf32> to vector<1x1x16xf32>
        tpu.vector_store %arg13[%swap3A_1865, %swap3A_1866, %swap3A_1867], %swap3A_1870 {strides = array<i32>} : memref<2x256x64xf32, #tpu.memory_space<vmem>>, vector<1x1x16xf32>,
        %get3A_1871 = arith.constant 1 : i32
        %get3A_1872 = arith.index_cast %get3A_1871 : i32 to index
        %get3A_1873 = arith.index_cast %add3A_1824 : i32 to index
        %get3A_1874 = arith.constant 32 : index
        %get3A_1875 = tpu.vector_load %arg13[%get3A_1872, %get3A_1873, %get3A_1874] {strides = array<i32>} : memref<2x256x64xf32, #tpu.memory_space<vmem>>, vector<1x1x16xf32>,
        %get3A_1876 = vector.shape_cast %get3A_1875 : vector<1x1x16xf32> to vector<16xf32>
        %get3A_1877 = arith.constant 1 : i32
        %get3A_1878 = arith.index_cast %get3A_1877 : i32 to index
        %get3A_1879 = arith.index_cast %add3A_1824 : i32 to index
        %get3A_1880 = arith.constant 32 : index
        %get3A_1881 = tpu.vector_load %arg14[%get3A_1878, %get3A_1879, %get3A_1880] {strides = array<i32>} : memref<2x256x64xf32, #tpu.memory_space<vmem>>, vector<1x1x16xf32>,
        %get3A_1882 = vector.shape_cast %get3A_1881 : vector<1x1x16xf32> to vector<16xf32>
        %add3A_1883 = arith.addf %get3A_1876, %get3A_1882 : vector<16xf32>
        %add3A_1884 = arith.addf %add3A_1883, %get3A_16 : vector<16xf32>
        %mul3A_1885 = arith.mulf %convert_element_type3A_1820, %sub3A_43 : vector<16xf32>
        %add3A_1886 = arith.addf %add3A_1884, %mul3A_1885 : vector<16xf32>
        %swap3A_1887 = arith.constant 1 : i32
        %swap3A_1888 = arith.index_cast %swap3A_1887 : i32 to index
        %swap3A_1889 = arith.index_cast %add3A_1824 : i32 to index
        %swap3A_1890 = arith.constant 32 : index
        %swap3A_1891 = tpu.vector_load %arg13[%swap3A_1888, %swap3A_1889, %swap3A_1890] {strides = array<i32>} : memref<2x256x64xf32, #tpu.memory_space<vmem>>, vector<1x1x16xf32>,
        %swap3A_1892 = vector.shape_cast %swap3A_1891 : vector<1x1x16xf32> to vector<16xf32>
        %swap3A_1893 = vector.shape_cast %add3A_1886 : vector<16xf32> to vector<1x1x16xf32>
        tpu.vector_store %arg13[%swap3A_1888, %swap3A_1889, %swap3A_1890], %swap3A_1893 {strides = array<i32>} : memref<2x256x64xf32, #tpu.memory_space<vmem>>, vector<1x1x16xf32>,
        %get3A_1894 = arith.constant 1 : i32
        %get3A_1895 = arith.index_cast %get3A_1894 : i32 to index
        %get3A_1896 = arith.index_cast %add3A_1824 : i32 to index
        %get3A_1897 = arith.constant 48 : index
        %get3A_1898 = tpu.vector_load %arg13[%get3A_1895, %get3A_1896, %get3A_1897] {strides = array<i32>} : memref<2x256x64xf32, #tpu.memory_space<vmem>>, vector<1x1x16xf32>,
        %get3A_1899 = vector.shape_cast %get3A_1898 : vector<1x1x16xf32> to vector<16xf32>
        %get3A_1900 = arith.constant 1 : i32
        %get3A_1901 = arith.index_cast %get3A_1900 : i32 to index
        %get3A_1902 = arith.index_cast %add3A_1824 : i32 to index
        %get3A_1903 = arith.constant 48 : index
        %get3A_1904 = tpu.vector_load %arg14[%get3A_1901, %get3A_1902, %get3A_1903] {strides = array<i32>} : memref<2x256x64xf32, #tpu.memory_space<vmem>>, vector<1x1x16xf32>,
        %get3A_1905 = vector.shape_cast %get3A_1904 : vector<1x1x16xf32> to vector<16xf32>
        %add3A_1906 = arith.addf %get3A_1899, %get3A_1905 : vector<16xf32>
        %add3A_1907 = arith.addf %add3A_1906, %get3A_21 : vector<16xf32>
        %mul3A_1908 = arith.mulf %convert_element_type3A_1820, %sub3A_44 : vector<16xf32>
        %add3A_1909 = arith.addf %add3A_1907, %mul3A_1908 : vector<16xf32>
        %swap3A_1910 = arith.constant 1 : i32
        %swap3A_1911 = arith.index_cast %swap3A_1910 : i32 to index
        %swap3A_1912 = arith.index_cast %add3A_1824 : i32 to index
        %swap3A_1913 = arith.constant 48 : index
        %swap3A_1914 = tpu.vector_load %arg13[%swap3A_1911, %swap3A_1912, %swap3A_1913] {strides = array<i32>} : memref<2x256x64xf32, #tpu.memory_space<vmem>>, vector<1x1x16xf32>,
        %swap3A_1915 = vector.shape_cast %swap3A_1914 : vector<1x1x16xf32> to vector<16xf32>
        %swap3A_1916 = vector.shape_cast %add3A_1909 : vector<16xf32> to vector<1x1x16xf32>
        tpu.vector_store %arg13[%swap3A_1911, %swap3A_1912, %swap3A_1913], %swap3A_1916 {strides = array<i32>} : memref<2x256x64xf32, #tpu.memory_space<vmem>>, vector<1x1x16xf32>,
      }
      %scan3A_291 = arith.constant 16 : i32
      %mul3A_292 = arith.constant 256 : i32
      %mul3A_293 = arith.muli %add3A_210, %mul3A_292 : i32
      %add3A_294 = arith.addi %mul3A_2, %mul3A_293 : i32
      %run_scoped3A_295 = arith.constant 1 : i32
      "tpu.region"() ({
        %run_scoped3A_296 = tpu.sem_alloc : memref<!tpu.dma_semaphore, #tpu.memory_space<semaphore_mem>>
        %dma_start3A_297 = arith.constant 0 : i32
        %dma_start3A_298 = arith.constant 0 : i32
        %dma_start3A_299 = tpu.memref_slice %arg13[%run_scoped3A_295, %dma_start3A_297, %dma_start3A_298] : memref<2x256x64xf32, #tpu.memory_space<vmem>> -> memref<1x256x64xf32, #tpu.memory_space<vmem>>
        %dma_start3A_300 = tpu.memref_squeeze %dma_start3A_299 : memref<1x256x64xf32, #tpu.memory_space<vmem>> -> memref<256x64xf32, #tpu.memory_space<vmem>>
        %dma_start3A_301 = arith.constant 0 : i32
        %dma_start3A_302 = tpu.memref_slice %arg8[%add3A_294, %dma_start3A_301] : memref<819200x64xf32, #tpu.memory_space<hbm>> -> memref<256x64xf32, #tpu.memory_space<hbm>>
        %dma_start3A_303 = arith.constant 0 : i32
        %dma_start3A_304 = tpu.memref_slice %arg8[%add3A_294, %dma_start3A_303] : memref<819200x64xf32, #tpu.memory_space<hbm>> -> memref<256x64xf32, #tpu.memory_space<hbm>>
        %dma_start3A_305 = arith.constant 0 : i32
        %dma_start3A_306 = arith.constant 0 : i32
        %dma_start3A_307 = tpu.memref_slice %arg13[%run_scoped3A_295, %dma_start3A_305, %dma_start3A_306] : memref<2x256x64xf32, #tpu.memory_space<vmem>> -> memref<1x256x64xf32, #tpu.memory_space<vmem>>
        %dma_start3A_308 = tpu.memref_squeeze %dma_start3A_307 : memref<1x256x64xf32, #tpu.memory_space<vmem>> -> memref<256x64xf32, #tpu.memory_space<vmem>>
        tpu.enqueue_dma source(%dma_start3A_308 : memref<256x64xf32, #tpu.memory_space<vmem>>) target(%dma_start3A_304 : memref<256x64xf32, #tpu.memory_space<hbm>>) target_semaphore(%run_scoped3A_296 : memref<!tpu.dma_semaphore, #tpu.memory_space<semaphore_mem>>)
        %dma_wait3A_309 = arith.constant 0 : i32
        %dma_wait3A_310 = arith.constant 0 : i32
        %dma_wait3A_311 = tpu.memref_slice %arg13[%run_scoped3A_295, %dma_wait3A_309, %dma_wait3A_310] : memref<2x256x64xf32, #tpu.memory_space<vmem>> -> memref<1x256x64xf32, #tpu.memory_space<vmem>>
        %dma_wait3A_312 = tpu.memref_squeeze %dma_wait3A_311 : memref<1x256x64xf32, #tpu.memory_space<vmem>> -> memref<256x64xf32, #tpu.memory_space<vmem>>
        %dma_wait3A_313 = arith.constant 0 : i32
        %dma_wait3A_314 = tpu.memref_slice %arg8[%add3A_294, %dma_wait3A_313] : memref<819200x64xf32, #tpu.memory_space<hbm>> -> memref<256x64xf32, #tpu.memory_space<hbm>>
        %dma_wait3A_315 = arith.constant 0 : i32
        %dma_wait3A_316 = tpu.memref_slice %arg8[%add3A_294, %dma_wait3A_315] : memref<819200x64xf32, #tpu.memory_space<hbm>> -> memref<256x64xf32, #tpu.memory_space<hbm>>
        %dma_wait3A_317 = arith.constant 0 : i32
        %dma_wait3A_318 = arith.constant 0 : i32
        %dma_wait3A_319 = tpu.memref_slice %arg13[%run_scoped3A_295, %dma_wait3A_317, %dma_wait3A_318] : memref<2x256x64xf32, #tpu.memory_space<vmem>> -> memref<1x256x64xf32, #tpu.memory_space<vmem>>
        %dma_wait3A_320 = tpu.memref_squeeze %dma_wait3A_319 : memref<1x256x64xf32, #tpu.memory_space<vmem>> -> memref<256x64xf32, #tpu.memory_space<vmem>>
        tpu.wait_dma2 semaphore(%run_scoped3A_296 : memref<!tpu.dma_semaphore, #tpu.memory_space<semaphore_mem>>) src(%dma_wait3A_320 : memref<256x64xf32, #tpu.memory_space<vmem>>) dst(%dma_wait3A_316 : memref<256x64xf32, #tpu.memory_space<hbm>>)
        tpu.yield
      }) : () -> ()
    }
    %scan3A_120 = arith.constant 50 : i32
    return
  }
}

</mosaic_0001>

<sc_bundles>
// kernel: kernel.3.cloned.1.call-start
scs
__scs_entry_jumppad:
0x0: {  	(pc) =	sbr.rel $0x88, $3  }
0x1: {  	(tag) =	ssettag $0x0;
	lr =	simm.s32 $0x1  }
0x2: {  	[smem:$0x3F9B] =	sst lr;
	_ =	strace $0xD0000000  }
0x3: {  	_ = 	snop  }
0x4: {  	_ = 	snop  }
0x5: {  	_ = 	snop  }
0x6: {  	_ = 	snop  }
0x7: {  	_ = 	snop  }
__scs_overlays_trampoline_lowered:
0x8: {  	[smem:$0x3FAA] =	sst s0  }
0x9: {  	[smem:$0x3FAB] =	sst s1  }
0xa: {  	[smem:$0x3FAC] =	sst s2  }
0xb: {  	[smem:$0x3FAD] =	sst s3  }
0xc: {  	[smem:$0x3FAE] =	sst s4  }
0xd: {  	[smem:$0x3FAF] =	sst s5  }
0xe: {  	[smem:$0x3FB0] =	sst s6  }
0xf: {  	[smem:$0x3FB1] =	sst s7  }
0x10: {  	[smem:$0x3FB2] =	sst s8  }
0x11: {  	[smem:$0x3FB3] =	sst s9;
	s0 =	simm.s32 @!p0 $0x0  }
0x12: {  	s1 =	sld [smem:$0x3F99];
	s0 =	simm.s32 @p0 $0x1  }
0x13: {  	[smem:$0x3FB4] =	sst s0;
	s0 =	simm.s32 @!p1 $0x0  }
0x14: {  	s2 =	sld [smem:$0x3F98];
	s0 =	simm.s32 @p1 $0x1  }
0x15: {  	[smem:$0x3FB5] =	sst s0;
	s0 =	simm.s32 @!p2 $0x0  }
0x16: {  	s3 =	sld [smem:$0x3FDB];
	s0 =	simm.s32 @p2 $0x1  }
0x17: {  	s4 =	simm.s32 $0x1BF5;
	[smem:$0x3FB7] =	sst s0  }
0x18: {  	s0 =	sld [smem:$0x3F9A];
	_ =	swait.ge [sflag:s4], $0x0  }
0x19: {  	s7 =	sld [smem:$0x3F9B]  }
0x1a: {  	s8 =	sadd.s32 $0xFFFFE003, lr  }
0x1b: {  	s9 =	sadd.s32 $0xFFFFFEF7, lr;
	s5 =	simm.s32 $0xFFFFFFFF;
	p2 =	slt.u32 s8, $0xFFFFF086  }
0x1c: {  	p1 =	slt.u32 s9, $0xF7A;
	s5 =	simm.s32 @!p2 $0x0  }
0x1d: {  	s5 =	simm.s32 @p1 $0x1;
	p0 =	seq.s32 s7, s2  }
0x1e: {  	s7 =	smul.u32 @!p0 $0xF7A, s2;
	p2 =	seq.s32 @!p0 s5, $0x0  }
0x1f: {  	s9 =	smul.u32 $0xF7A, s1;
	s8 =	simm.s32 @!p0 $0x1BF5;
	p2 =	por !p2, p0  }
0x20: {  	[sflag:s8] =	ssyncset.s32 @!p0 $0xFFFFF086;
	s6 =	sadd.s32 @!p0 s3, s7;
	s7 =	simm.s32 @!p0 $0x108  }
0x21: {  	s3 =	sadd.s32 s3, s9;
	s6 =	sadd.s32 @!p0 $0x88, s6;
	s7 =	simm.s32 @p2 $0x1082  }
0x22: {  	[simem:s7], [sflag:s8] =	dma.local @!p0 [hbm:s6], $0xF7A  }
0x23: {  	s9 =	sor.u32 $0xD0000000, s2;
	s6 =	simm.s32 $0x108;
	_ =	swait.ge @!p0 [sflag:s8], $0x0  }
0x24: {  	s3 =	sadd.s32 $0x88, s3;
	s6 =	simm.s32 @!p1 $0x1082;
	[sflag:s4] =	ssyncset.s32 $0xFFFFF086  }
0x25: {  	[simem:s6], [sflag:s4] =	dma.local [hbm:s3], $0xF7A  }
0x26: {  	[smem:$0x3F9B] =	sst s1;
	(tag) =	ssettag s2;
	_ =	strace s9  }
0x27: {  	s1 =	sld [smem:$0x3FAB]  }
0x28: {  	s2 =	sld [smem:$0x3FAC]  }
0x29: {  	s4 =	sld [smem:$0x3FAE]  }
0x2a: {  	p0 =	seq.s32 s5, $0x0;
	s5 =	sld [smem:$0x3FAF]  }
0x2b: {  	s6 =	sld [smem:$0x3FB0]  }
0x2c: {  	s7 =	sld [smem:$0x3FB1]  }
0x2d: {  	s3 =	simm.s32 $0x108;
	s8 =	sld [smem:$0x3FB2]  }
0x2e: {  	s3 =	simm.s32 @!p0 $0x1082;
	s9 =	sld [smem:$0x3FB3]  }
0x2f: {  	lr =	sadd.s32 s0, s3;
	s0 =	sld [smem:$0x3FAA]  }
0x30: {  	s3 =	sld [smem:$0x3FAD]  }
0x31: {  	[smem:$0x3FB6] =	sst s10  }
0x32: {  	s10 =	sld [smem:$0x3FB4];
	_ =	sdelay $0x3  }
0x33: {  	p0 =	seq.s32 s10, $0x1;
	s10 =	sld [smem:$0x3FB6];
	_ =	sdelay $0x3  }
0x34: {  	[smem:$0x3FB6] =	sst s10  }
0x35: {  	s10 =	sld [smem:$0x3FB5];
	_ =	sdelay $0x3  }
0x36: {  	p1 =	seq.s32 s10, $0x1;
	s10 =	sld [smem:$0x3FB6];
	_ =	sdelay $0x3  }
0x37: {  	[smem:$0x3FB6] =	sst s10  }
0x38: {  	s10 =	sld [smem:$0x3FB7]  }
0x39: {  	_ = 	snop;
	(pc) =	sbr.ind lr, $3  }
0x3a: {  	_ = 	snop  }
0x3b: {  	_ = 	snop  }
0x3c: {  	p2 =	seq.s32 s10, $0x1;
	s10 =	sld [smem:$0x3FB6]  }
0x3d: {  	_ =	shalt  }
0x3e: {  	_ =	shalt  }
0x3f: {  	_ =	shalt  }
0x40: {  	_ =	shalt  }
0x41: {  	_ =	shalt  }
0x42: {  	_ =	shalt  }
0x43: {  	_ =	shalt  }
0x44: {  	_ =	shalt  }
0x45: {  	_ =	shalt  }
0x46: {  	_ =	shalt  }
0x47: {  	_ =	shalt  }
0x48: {  	_ =	shalt  }
0x49: {  	_ =	shalt  }
0x4a: {  	_ =	shalt  }
0x4b: {  	_ =	shalt  }
0x4c: {  	_ =	shalt  }
0x4d: {  	_ =	shalt  }
0x4e: {  	_ =	shalt  }
0x4f: {  	_ =	shalt  }
0x50: {  	_ =	shalt  }
0x51: {  	_ =	shalt  }
0x52: {  	_ =	shalt  }
0x53: {  	_ =	shalt  }
0x54: {  	_ =	shalt  }
0x55: {  	_ =	shalt  }
0x56: {  	_ =	shalt  }
0x57: {  	_ =	shalt  }
0x58: {  	_ =	shalt  }
0x59: {  	_ =	shalt  }
0x5a: {  	_ =	shalt  }
0x5b: {  	_ =	shalt  }
0x5c: {  	_ =	shalt  }
0x5d: {  	_ =	shalt  }
0x5e: {  	_ =	shalt  }
0x5f: {  	_ =	shalt  }
0x60: {  	_ =	shalt  }
0x61: {  	_ =	shalt  }
0x62: {  	_ =	shalt  }
0x63: {  	_ =	shalt  }
0x64: {  	_ =	shalt  }
0x65: {  	_ =	shalt  }
0x66: {  	_ =	shalt  }
0x67: {  	_ =	shalt  }
0x68: {  	_ =	shalt  }
0x69: {  	_ =	shalt  }
0x6a: {  	_ =	shalt  }
0x6b: {  	_ =	shalt  }
0x6c: {  	_ =	shalt  }
0x6d: {  	_ =	shalt  }
0x6e: {  	_ =	shalt  }
0x6f: {  	_ =	shalt  }
0x70: {  	_ =	shalt  }
0x71: {  	_ =	shalt  }
0x72: {  	_ =	shalt  }
0x73: {  	_ =	shalt  }
0x74: {  	_ =	shalt  }
0x75: {  	_ =	shalt  }
0x76: {  	_ =	shalt  }
0x77: {  	_ =	shalt  }
0x78: {  	_ =	shalt  }
0x79: {  	_ =	shalt  }
0x7a: {  	_ =	shalt  }
0x7b: {  	_ =	shalt  }
0x7c: {  	_ =	shalt  }
0x7d: {  	_ =	shalt  }
0x7e: {  	_ =	shalt  }
0x7f: {  	_ =	shalt  }
0x80: {  	_ =	shalt  }
0x81: {  	_ =	shalt  }
0x82: {  	_ =	shalt  }
0x83: {  	_ =	shalt  }
0x84: {  	_ =	shalt  }
0x85: {  	_ =	shalt  }
0x86: {  	_ =	shalt  }
0x87: {  	_ =	shalt  }
.Lfunc_end0:
.L_simem_size_0:
called_computation.1_lowered:
.L_overlay_start_0:
0x88: {  	s2 =	sld [smem:$0x3FD9]  }
0x89: {  	s3 =	sld [smem:$0x3FFE];
	_ =	sdelay $0x1  }
0x8a: {  	s1 =	srdreg.scid  }
0x8b: {  	s0 =	sand.u32 $0x1, s1  }
0x8c: {  	s17 =	sshll.u32 s0, $0xA;
	s2 =	sadd.s32 s3, s2  }
0x8d: {  	s2 =	sadd.s32 s2, s17  }
0x8e: {  	[smem:$0x3FC2] =	sst s2  }
0x8f: {  	_ = 	snop  }
0x90: {  	s2 =	sld [smem:$0x3FD0];
	(tm) =	ssettm $0x1  }
0x91: {  	s18 =	sld [smem:$0x3FFB];
	_ =	sdelay $0x3  }
0x92: {  	_ =	strace s18  }
0x93: {  	s3 =	sld [smem:$0x3FFC];
	_ =	sdelay $0x3  }
0x94: {  	_ =	strace s3  }
0x95: {  	s3 =	sld [smem:$0x3FFD];
	_ =	sdelay $0x3  }
0x96: {  	_ =	strace s3  }
0x97: {  	_ =	strace $0x8FFFFFFF  }
0x98: {  	s19 =	sld [smem:$0x3FDB];
	_ =	sdelay $0x1  }
0x99: {  	s4 =	simm.s32 $_scs_section_size  }
0x9a: {  	s5 =	simm.s32 $_size__tile_overlayer_lowered;
	s6 =	simm.s32 $_tile_overlayer_lowered  }
0x9b: {  	s22 =	simm.s32 $0x1BFF;
	s21 =	sshll.u32 s6, $0x1;
	s3 =	sadd.s32 s4, s19  }
0x9c: {  	s7 =	simm.s32 $0x0;
	s20 =	sshll.u32 s5, $0x1;
	s5 =	sadd.s32 s21, s3  }
0x9d: {  	[timem:s7], [sflag:s22] =	dma.local [hbm:s5], s20  }
0x9e: {  	_ =	swait.ge [sflag:s22], s20  }
0x9f: {  	s4 =	ssub.s32 $0x0, s20;
	[sflag:s22] =	ssyncset.done $0x0  }
0xa0: {  	[sflag:s22] =	ssyncadd.s32 s4;
	_ =	sdelay $0x1  }
0xa1: {  	s23 =	simm.s32 $0x1B8B  }
0xa2: {  	_ =	swait.ge [sflag:s23], $0x1  }
0xa3: {  	[sflag:s23] =	ssyncset.done $0x0  }
0xa4: {  	s25 =	simm.s32 $0x1B8E;
	s24 =	sld [smem:$0x3FFE];
	[sflag:s23] =	ssyncadd.s32 $0xFFFFFFFF  }
0xa5: {  	s26 =	simm.s32 $execute0_lowered;
	[smem:$0x3FD2] =	sst s25  }
0xa6: {  	s5 =	sshll.u32 s26, $0x1;
	_ =	strace $0x80000046;
	[dreg:$0x1] =	wrdreg $0xFFFFFFFF  }
0xa7: {  	s28 =	simm.s32 $_size_execute0_lowered;
	s3 =	sadd.s32 s3, s5;
	[dreg:$0x0] =	wrdreg $0x0  }
0xa8: {  	s5 =	sshll.u32 s28, $0x1;
	[dreg:$0x2] =	wrdreg s3  }
0xa9: {  	[dreg:$0x3] =	wrdreg s5  }
0xaa: {  	[dreg:$0x4] =	wrdreg $0xC0  }
0xab: {  	_ =	task [dreg:s7], $0x5FFFF  }
0xac: {  	[dreg:$0x1] =	wrdreg $0xFFFFFFFF  }
0xad: {  	[dreg:$0x0] =	wrdreg $0x60  }
0xae: {  	[dreg:$0x2] =	wrdreg s24  }
0xaf: {  	[dreg:$0x3] =	wrdreg s2  }
0xb0: {  	[dreg:$0x4] =	wrdreg $0x9  }
0xb1: {  	_ =	task.clear_ibuf [dreg:s7], $0x5FFFF;
	_ =	strace $0x90000046  }
0xb2: {  	s29 =	simm.s32 $0x9;
	_ =	strace $0x80000048  }
0xb3: {  	_ =	swait.ge [sflag:s29], $0x1  }
0xb4: {  	[sflag:s29] =	ssyncadd.s32 $0xFFFFFFFF  }
0xb5: {  	_ =	strace $0x90000048  }
0xb6: {  	_ =	sfence  }
0xb7: {  	s30 =	sld [smem:$0x0];
	_ =	sdelay $0x2  }
0xb8: {  	s31 =	sshll.u32 s1, $0xD;
	s1 =	sshrl.u32 s1, $0x2  }
0xb9: {  	s3 =	sand.u32 $0x4000, s31;
	s1 =	sadd.s32 s1, s30  }
0xba: {  	s0 =	sor.u32 s3, s0;
	s1 =	sshll.u32 s1, $0x11  }
0xbb: {  	s0 =	sor.u32 s1, s0  }
0xbc: {  	s0 =	sadd.s32 $0x8F2B, s0  }
0xbd: {  	[sflag:s0] =	ssyncadd.remote.s32 $0x1  }
0xbe: {  	_ =	sfence.sel $0xFFFF  }
0xbf: {  	[dreg:$0x0] =	wrdreg $0xFFFFFFFF;
	(pc) =	sbr.abs _section_cstart, $3  }
0xc0: {  	[dreg:$0x1] =	wrdreg $0xFFFFFFFF  }
0xc1: {  	_ =	task.clear_ibuf [dreg:s7], $0x2FFFF;
	_ =	strace $0x9FFFFFFF  }
0xc2: {  	(tm) =	ssettm $0x7FFFFFFF  }
0xc3: {  	_ =	shalt  }
tec
execute0_lowered:
.L_overlay_start_1:
0x0: {  	(tag) =	ssettag $0x1  }
0x1: {  	s0 =	rddreg [dreg:$0x0]  }
0x2: {  	s2 =	rddreg [dreg:$0x1]  }
0x3: {  	s3 =	simm.s32 $0x0;
	s1 =	srdreg.scid;
	s4 =	stileid.u32  }
0x4: {  	s18 =	simm.s32 $0x3;
	s21 =	simm.s32 $0x80;
	s22 =	simm.s32 $0x680  }
0x5: {  	s28 =	simm.s32 $0x100;
	s29 =	simm.s32 $0x300;
	s30 =	simm.s32 $0x500  }
0x6: {  	s31 =	simm.s32 $0x4680;
	s17 =	simm.s32 $0x6680;
	s19 =	simm.s32 $0x580  }
0x7: {  	[smem:$0x7FF] =	sst s3;
	s1 =	sand.u32 $0x1, s1;
	s4 =	sshll.u32 s4, $0x1  }
0x8: {  	s5 =	sadd.s32 $0xDD800, s0;
	s7 =	sadd.s32 $0xC4800, s0;
	s8 =	sadd.s32 $0xF43600, s0  }
0x9: {  	s10 =	sadd.s32 $0x10F800, s0;
	_ =	strace $0x80000047;
	s9 =	sor.u32 s1, s4  }
0xa: {  	s4 =	sadd.s32 $0xF6800, s0;
	s1 =	ssub.s32 $0x2, s1;
	[dreg:$0x3] =	wrdreg s10  }
0xb: {  	s10 =	sadd.s32 $0x1200, s0;
	s6 =	smul.u32 $0x6400, s9;
	s11 =	sshrl.u32 s1, $0x1  }
0xc: {  	s14 =	smul.u32 $0x190000, s9;
	s23 =	ssub.s32 s1, s11;
	s1 =	simm.s32 $0x180  }
0xd: {  	s11 =	simm.s32 $0x0;
	s12 =	sshrl.u32 s6, $0x3;
	s0 =	smax.u32 s23, $0x1  }
0xe: {  	s15 =	sor.u32 $0x200, s6;
	s24 =	sadd.s32 s4, s12;
	[dreg:$0x7] =	wrdreg s0  }
0xf: {  	s23 =	simm.s32 $0xE680;
	s25 =	sadd.s32 s5, s12;
	[dreg:$0x4] =	wrdreg s24  }
0x10: {  	s26 =	sadd.s32 s7, s12;
	s0 =	simm.s32 $0xC680;
	[dreg:$0x5] =	wrdreg s25  }
0x11: {  	[dreg:$0x6] =	wrdreg s26;
	s24 =	simm.s32 $0x1;
	s25 =	simm.s32 $0x2  }
.LBB2_1:
0x12: {  	[dreg:$0x8] =	wrdreg s11  }
0x13: {  	s9 =	rddreg [dreg:$0x3];
	s13 =	simm.s32 $0x600  }
0x14: {  	[tilespmem:s13], [sflag:$0x3] =	stream.linear.gather [hbm4b:s9+s3], $0x80, $0x38;
	[tilespmem:$0x10680] =	vst v63  }
0x15: {  	_ =	swait.ge [sflag:s18], $0x80  }
0x16: {  	[sflag:s18] =	ssyncset.done $0x0  }
0x17: {  	[sflag:s18] =	ssyncadd.s32 $0xFFFFFF80  }
0x18: {  	v49 =	vld [tilespmem:$0x600]  }
0x19: {  	v17 =	vld [tilespmem:$0x610]  }
0x1a: {  	v18 =	vld [tilespmem:$0x620]  }
0x1b: {  	v19 =	vld [tilespmem:$0x630]  }
0x1c: {  	v0 =	vld [tilespmem:$0x640]  }
0x1d: {  	v1 =	vld [tilespmem:$0x650]  }
0x1e: {  	s16 =	rddreg [dreg:$0x4];
	v2 =	vld [tilespmem:$0x660]  }
0x1f: {  	v3 =	vld [tilespmem:$0x670];
	[tilespmem:s3], [sflag:$0x3] =	stream.linear.gather [hbm4b:s16+s3], $0x100, $0x38  }
0x20: {  	_ =	swait.ge [sflag:s18], $0x100  }
0x21: {  	[sflag:s18] =	ssyncset.done $0x0  }
0x22: {  	s26 =	simm.s32 $0x200;
	s20 =	rddreg [dreg:$0x5];
	[sflag:s18] =	ssyncadd.s32 $0xFFFFFF00  }
0x23: {  	[tilespmem:s26], [sflag:$0x3] =	stream.linear.gather [hbm4b:s20+s3], $0x100, $0x38;
	[tilespmem:$0x10680] =	vst v63  }
0x24: {  	_ =	swait.ge [sflag:s18], $0x100  }
0x25: {  	[sflag:s18] =	ssyncset.done $0x0  }
0x26: {  	s12 =	simm.s32 $0x400;
	s11 =	rddreg [dreg:$0x6];
	[sflag:s18] =	ssyncadd.s32 $0xFFFFFF00  }
0x27: {  	[tilespmem:s12], [sflag:$0x3] =	stream.linear.gather [hbm4b:s11+s3], $0x100, $0x38;
	[tilespmem:$0x10680] =	vst v63  }
0x28: {  	_ =	swait.ge [sflag:s18], $0x100  }
0x29: {  	[sflag:s18] =	ssyncset.done $0x0  }
0x2a: {  	[sflag:s18] =	ssyncadd.s32 $0xFFFFFF00  }
0x2b: {  	[tilespmem:s22], [sflag:$0x1] =	stream.indirect.gather [hbm4b:s8+s21], $0x40, s3, s21, $0xb8;
	[tilespmem:$0x10680] =	vst v63  }
0x2c: {  	s13 =	simm.s32 $0x8680  }
0x2d: {  	[tilespmem:s13], [sflag:$0x1] =	stream.indirect.gather [hbm4b:s10+s21], $0x40, s12, s21, $0xb8;
	[tilespmem:$0x10680] =	vst v63  }
0x2e: {  	s16 =	simm.s32 $0x2680  }
0x2f: {  	[tilespmem:s16], [sflag:$0x1] =	stream.indirect.gather [hbm4b:s8+s21], $0x40, s21, s21, $0xb8;
	[tilespmem:$0x10680] =	vst v63  }
0x30: {  	s20 =	simm.s32 $0x480;
	s26 =	simm.s32 $0xA680  }
0x31: {  	v20 =	vsub.f32 v0, v49;
	v21 =	vsub.f32 v1, v17;
	[tilespmem:s26], [sflag:$0x1] =	stream.indirect.gather [hbm4b:s10+s21], $0x40, s20, s21, $0xb8;
	[tilespmem:$0x10680] =	vst v63  }
0x32: {  	v22 =	vsub.f32 v2, v18;
	v23 =	vsub.f32 v3, v19;
	s20 =	simm.s32 $0x0  }
.LBB2_2:
0x33: {  	s9 =	sshllo.u32 s20, $0x1  }
0x34: {  	s11 =	sshll.u32 s9, $0x8  }
0x35: {  	s11 =	sadd.s32 s6, s11  }
0x36: {  	s11 =	sshrl.u32 s11, $0x3  }
0x37: {  	s13 =	simm.s32 $0x0;
	s12 =	sadd.s32 s4, s11  }
0x38: {  	[tilespmem:s28], [sflag:$0x3] =	stream.linear.gather [hbm4b:s12+s13], $0x100, $0x38;
	[tilespmem:$0x10680] =	vst v63  }
0x39: {  	_ =	swait.ge [sflag:s18], $0x100  }
0x3a: {  	[sflag:s18] =	ssyncset.done $0x0  }
0x3b: {  	s26 =	sadd.s32 s5, s11;
	[sflag:s18] =	ssyncadd.s32 $0xFFFFFF00  }
0x3c: {  	[tilespmem:s29], [sflag:$0x3] =	stream.linear.gather [hbm4b:s26+s13], $0x100, $0x38;
	[tilespmem:$0x10680] =	vst v63  }
0x3d: {  	_ =	swait.ge [sflag:s18], $0x100  }
0x3e: {  	[sflag:s18] =	ssyncset.done $0x0  }
0x3f: {  	s11 =	sadd.s32 s7, s11;
	[sflag:s18] =	ssyncadd.s32 $0xFFFFFF00  }
0x40: {  	[tilespmem:s30], [sflag:$0x3] =	stream.linear.gather [hbm4b:s11+s13], $0x100, $0x38;
	[tilespmem:$0x10680] =	vst v63  }
0x41: {  	_ =	swait.ge [sflag:s18], $0x100  }
0x42: {  	[sflag:s18] =	ssyncset.done $0x0  }
0x43: {  	[sflag:s18] =	ssyncadd.s32 $0xFFFFFF00  }
0x44: {  	[tilespmem:s31], [sflag:$0x2] =	stream.indirect.gather [hbm4b:s8+s21], $0x40, s28, s21, $0xb8;
	[tilespmem:$0x10680] =	vst v63  }
0x45: {  	_ = 	snop  }
0x46: {  	[tilespmem:s0], [sflag:$0x2] =	stream.indirect.gather [hbm4b:s10+s21], $0x40, s30, s21, $0xb8;
	[tilespmem:$0x10680] =	vst v63  }
0x47: {  	_ = 	snop  }
0x48: {  	[tilespmem:s17], [sflag:$0x2] =	stream.indirect.gather [hbm4b:s8+s21], $0x40, s1, s21, $0xb8;
	[tilespmem:$0x10680] =	vst v63  }
0x49: {  	_ = 	snop  }
0x4a: {  	[tilespmem:s23], [sflag:$0x2] =	stream.indirect.gather [hbm4b:s10+s21], $0x40, s19, s21, $0xb8;
	[tilespmem:$0x10680] =	vst v63  }
0x4b: {  	_ =	swait.ge [sflag:s24], $0x2000  }
0x4c: {  	[sflag:s24] =	ssyncset.done $0x0  }
0x4d: {  	[sflag:s24] =	ssyncadd.s32 $0xFFFFE000  }
0x4e: {  	_ =	swait.ge [sflag:s24], $0x2000  }
0x4f: {  	[sflag:s24] =	ssyncset.done $0x0  }
0x50: {  	[sflag:s24] =	ssyncadd.s32 $0xFFFFE000  }
0x51: {  	_ =	swait.ge [sflag:s24], $0x2000  }
0x52: {  	[sflag:s24] =	ssyncset.done $0x0  }
0x53: {  	[sflag:s24] =	ssyncadd.s32 $0xFFFFE000  }
0x54: {  	_ =	swait.ge [sflag:s24], $0x2000  }
0x55: {  	[sflag:s24] =	ssyncset.done $0x0  }
0x56: {  	s11 =	simm.s32 $0x0;
	[sflag:s24] =	ssyncadd.s32 $0xFFFFE000  }
0x57: {  	v0 =	vld [tilespmem:s11+$0x8680];
	_ =	sdelay $0x4  }
0x58: {  	[tilespmem:$0x1FDF0] =	vst v0;
	v0 =	vld [tilespmem:s11+$0x8690];
	_ =	sdelay $0x4  }
0x59: {  	[tilespmem:$0x1FE00] =	vst v0;
	v0 =	vld [tilespmem:s11+$0x86B0]  }
0x5a: {  	v62 =	vld [tilespmem:s11+$0x87F0]  }
0x5b: {  	v25 =	vld [tilespmem:s11+$0x8810]  }
0x5c: {  	v24 =	vld [tilespmem:s11+$0x8820]  }
0x5d: {  	v26 =	vld [tilespmem:s11+$0x8830]  }
0x5e: {  	[tilespmem:$0x1FE10] =	vst v0;
	v0 =	vld [tilespmem:s11+$0x86C0]  }
0x5f: {  	v27 =	vld [tilespmem:s11+$0x8840]  }
0x60: {  	v28 =	vld [tilespmem:s11+$0x8850]  }
0x61: {  	v29 =	vld [tilespmem:s11+$0x8860]  }
0x62: {  	v30 =	vld [tilespmem:s11+$0x8870]  }
0x63: {  	[tilespmem:$0x1FE20] =	vst v0;
	v0 =	vld [tilespmem:s11+$0x86F0]  }
0x64: {  	v31 =	vld [tilespmem:s11+$0x8880]  }
0x65: {  	v32 =	vld [tilespmem:s11+$0x8890]  }
0x66: {  	v34 =	vld [tilespmem:s11+$0x88B0]  }
0x67: {  	v36 =	vld [tilespmem:s11+$0x88D0]  }
0x68: {  	[tilespmem:$0x1FFE0] =	vst v0;
	v0 =	vld [tilespmem:s11+$0x8700]  }
0x69: {  	v37 =	vld [tilespmem:s11+$0x88E0]  }
0x6a: {  	v39 =	vld [tilespmem:s11+$0x88F0]  }
0x6b: {  	v40 =	vld [tilespmem:s11+$0x8900]  }
0x6c: {  	v41 =	vld [tilespmem:s11+$0x8910]  }
0x6d: {  	[tilespmem:$0x1FFF0] =	vst v0;
	v0 =	vld [tilespmem:s11+$0x8710]  }
0x6e: {  	v42 =	vld [tilespmem:s11+$0x8920]  }
0x6f: {  	v43 =	vld [tilespmem:s11+$0x8930]  }
0x70: {  	v44 =	vld [tilespmem:s11+$0x8950]  }
0x71: {  	v45 =	vld [tilespmem:s11+$0x8960]  }
0x72: {  	[tilespmem:$0x1FFC0] =	vst v0;
	v0 =	vld [tilespmem:s11+$0x8730]  }
0x73: {  	v46 =	vld [tilespmem:s11+$0x8970]  }
0x74: {  	v47 =	vld [tilespmem:s11+$0x8980]  }
0x75: {  	v48 =	vld [tilespmem:s11+$0x8990]  }
0x76: {  	v54 =	vld [tilespmem:s11+$0x89A0]  }
0x77: {  	[tilespmem:$0x1FF90] =	vst v0;
	v0 =	vld [tilespmem:s11+$0x8740]  }
0x78: {  	v50 =	vld [tilespmem:s11+$0x89B0]  }
0x79: {  	v51 =	vld [tilespmem:s11+$0x89C0]  }
0x7a: {  	v52 =	vld [tilespmem:s11+$0x89D0]  }
0x7b: {  	v53 =	vld [tilespmem:s11+$0x89E0]  }
0x7c: {  	[tilespmem:$0x1FFA0] =	vst v0;
	v0 =	vld [tilespmem:s11+$0x8750]  }
0x7d: {  	v59 =	vld [tilespmem:s11+$0x89F0]  }
0x7e: {  	v16 =	vld [tilespmem:s11+$0x8A00]  }
0x7f: {  	v56 =	vld [tilespmem:s11+$0x8A10]  }
0x80: {  	v57 =	vld [tilespmem:s11+$0x8A20]  }
0x81: {  	[tilespmem:$0x1FF70] =	vst v0;
	v0 =	vld [tilespmem:s11+$0x8760]  }
0x82: {  	v38 =	vld [tilespmem:s11+$0x8A30]  }
0x83: {  	v55 =	vld [tilespmem:s11+$0x8A40]  }
0x84: {  	v60 =	vld [tilespmem:s11+$0x8A50]  }
0x85: {  	v61 =	vld [tilespmem:s11+$0x8A60]  }
0x86: {  	[tilespmem:$0x1FF80] =	vst v0;
	v0 =	vld [tilespmem:s11+$0x8770]  }
0x87: {  	v58 =	vld [tilespmem:s11+$0x8A70]  }
0x88: {  	v63 =	vld [tilespmem:s11+$0xA70]  }
0x89: {  	v5 =	vld [tilespmem:s11+$0xA60]  }
0x8a: {  	v1 =	vld [tilespmem:s11+$0xA50]  }
0x8b: {  	[tilespmem:$0x1FF40] =	vst v0;
	v0 =	vld [tilespmem:s11+$0x8790]  }
0x8c: {  	v4 =	vld [tilespmem:s11+$0xA40]  }
0x8d: {  	v9 =	vld [tilespmem:s11+$0xA20]  }
0x8e: {  	v3 =	vld [tilespmem:s11+$0xA10]  }
0x8f: {  	v7 =	vld [tilespmem:s11+$0xA00]  }
0x90: {  	[tilespmem:$0x1FF60] =	vst v0;
	v0 =	vld [tilespmem:s11+$0x87A0]  }
0x91: {  	v2 =	vld [tilespmem:s11+$0x9F0]  }
0x92: {  	v10 =	vld [tilespmem:s11+$0x9E0]  }
0x93: {  	v6 =	vld [tilespmem:s11+$0x9D0]  }
0x94: {  	v12 =	vld [tilespmem:s11+$0x9C0]  }
0x95: {  	[tilespmem:$0x1FF50] =	vst v0;
	v0 =	vld [tilespmem:s11+$0x87B0]  }
0x96: {  	v8 =	vld [tilespmem:s11+$0x9B0]  }
0x97: {  	v14 =	vld [tilespmem:s11+$0x9A0]  }
0x98: {  	v11 =	vld [tilespmem:s11+$0x990]  }
0x99: {  	v15 =	vld [tilespmem:s11+$0x980]  }
0x9a: {  	[tilespmem:$0x1FF30] =	vst v0;
	v0 =	vld [tilespmem:s11+$0x87C0]  }
0x9b: {  	v13 =	vld [tilespmem:s11+$0x970]  }
0x9c: {  	v58 =	vadd.f32 v58, v63;
	v63 =	vld [tilespmem:s11+$0x960]  }
0x9d: {  	v1 =	vadd.f32 v60, v1;
	v60 =	vld [tilespmem:s11+$0x950]  }
0x9e: {  	v4 =	vadd.f32 v55, v4;
	v55 =	vld [tilespmem:s11+$0x8E0]  }
0x9f: {  	v5 =	vadd.f32 v61, v5;
	[tilespmem:$0x1FF20] =	vst v0;
	v0 =	vld [tilespmem:s11+$0x87D0]  }
0xa0: {  	v3 =	vadd.f32 v56, v3;
	v56 =	vld [tilespmem:s11+$0x8D0]  }
0xa1: {  	v2 =	vadd.f32 v59, v2;
	v59 =	vld [tilespmem:s11+$0x8B0];
	[tilespmem:$0x1FE30] =	vst v5  }
0xa2: {  	[tilespmem:$0x1FE40] =	vst v4;
	v4 =	vld [tilespmem:s11+$0x930]  }
0xa3: {  	v8 =	vadd.f32 v50, v8;
	[tilespmem:$0x1FE50] =	vst v3;
	v3 =	vld [tilespmem:s11+$0x920];
	v5 =	vadd.f32 v57, v9  }
0xa4: {  	[tilespmem:$0x1FF10] =	vst v0;
	v0 =	vld [tilespmem:s11+$0x87E0]  }
0xa5: {  	v9 =	vld [tilespmem:s11+$0x900];
	v8 =	vadd.f32 v8, v19;
	[tilespmem:$0x1FE60] =	vst v5;
	v5 =	vadd.f32 v16, v7  }
0xa6: {  	v7 =	vadd.f32 v53, v10;
	v10 =	vadd.f32 v51, v12;
	v12 =	vld [tilespmem:s11+$0x8F0]  }
0xa7: {  	v6 =	vadd.f32 v52, v6;
	v13 =	vadd.f32 v46, v13;
	[tilespmem:$0x1FEB0] =	vst v8;
	v8 =	vld [tilespmem:s11+$0x830]  }
0xa8: {  	v1 =	vadd.f32 v1, v17;
	v46 =	vadd.f32 v44, v60;
	v60 =	vld [tilespmem:s11+$0x890]  }
0xa9: {  	v11 =	vadd.f32 v48, v11;
	v14 =	vadd.f32 v54, v14;
	[tilespmem:$0x1FEF0] =	vst v0;
	v0 =	vld [tilespmem:s11+$0x8800]  }
0xaa: {  	v15 =	vadd.f32 v47, v15;
	[tilespmem:$0x1FE90] =	vst v1;
	v1 =	vadd.f32 v36, v56;
	v36 =	vld [tilespmem:s11+$0x860]  }
0xab: {  	v2 =	vadd.f32 v2, v19;
	v52 =	vadd.f32 v37, v55;
	v37 =	vld [tilespmem:s11+$0x850]  }
0xac: {  	v11 =	vadd.f32 v11, v17;
	v14 =	vadd.f32 v14, v18;
	[tilespmem:$0x1FE70] =	vst v5;
	v5 =	vld [tilespmem:s11+$0x910]  }
0xad: {  	v16 =	vadd.f32 v58, v19;
	[tilespmem:$0x1FEA0] =	vst v2;
	v51 =	vadd.f32 v7, v18;
	v7 =	vld [tilespmem:s11+$0x840]  }
0xae: {  	v2 =	vadd.f32 v34, v59;
	v10 =	vadd.f32 v10, v49;
	[tilespmem:$0x1FF00] =	vst v0;
	v0 =	vld [tilespmem:s11+$0xA30]  }
0xaf: {  	v4 =	vadd.f32 v43, v4;
	v43 =	vadd.f32 v45, v63;
	v63 =	vld [tilespmem:s11+$0x880]  }
0xb0: {  	v44 =	vadd.f32 v15, v49;
	v3 =	vadd.f32 v42, v3;
	[tilespmem:$0x1FEC0] =	vst v10;
	v10 =	vld [tilespmem:s11+$0x820]  }
0xb1: {  	v47 =	vadd.f32 v4, v19;
	v4 =	vadd.f32 v26, v8;
	v8 =	vld [tilespmem:s11+$0x7D0]  }
0xb2: {  	[tilespmem:$0x1FED0] =	vst v11;
	v45 =	vadd.f32 v13, v19;
	v11 =	vadd.f32 v29, v36;
	v29 =	vld [tilespmem:s11+$0x810]  }
0xb3: {  	v13 =	vadd.f32 v28, v37;
	v28 =	vld [tilespmem:s11+$0x7F0];
	v0 =	vadd.f32 v38, v0  }
0xb4: {  	v9 =	vadd.f32 v40, v9;
	v15 =	vadd.f32 v27, v7;
	v7 =	vld [tilespmem:s11+$0x7E0]  }
0xb5: {  	v5 =	vadd.f32 v41, v5;
	v50 =	vadd.f32 v0, v19;
	v0 =	vld [tilespmem:s11+$0x870]  }
0xb6: {  	v56 =	vadd.f32 v1, v17;
	v58 =	vadd.f32 v2, v19;
	v2 =	vld [tilespmem:$0x1FF10]  }
0xb7: {  	v12 =	vadd.f32 v39, v12;
	v54 =	vadd.f32 v5, v17;
	v5 =	vld [tilespmem:$0x1FEF0]  }
0xb8: {  	[tilespmem:$0x1FEE0] =	vst v14;
	v48 =	vadd.f32 v3, v18;
	v14 =	vadd.f32 v24, v10;
	v10 =	vld [tilespmem:s11+$0x7B0]  }
0xb9: {  	v53 =	vadd.f32 v9, v49;
	v3 =	vadd.f32 v25, v29;
	v1 =	vld [tilespmem:$0x1FF00]  }
0xba: {  	v9 =	vadd.f32 v62, v28;
	v0 =	vadd.f32 v30, v0;
	v30 =	vld [tilespmem:s11+$0x800]  }
0xbb: {  	v25 =	vld [tilespmem:s11+$0x7C0];
	v62 =	vadd.f32 v12, v19;
	v28 =	vadd.f32 v2, v8  }
0xbc: {  	v2 =	vld [tilespmem:$0x1FF20];
	v12 =	vadd.f32 v5, v7;
	v7 =	vadd.f32 v11, v18  }
0xbd: {  	v11 =	vadd.f32 v13, v17;
	v13 =	vadd.f32 v15, v49;
	v15 =	vld [tilespmem:$0x1FF90]  }
0xbe: {  	v5 =	vadd.f32 v0, v19;
	v0 =	vld [tilespmem:$0x1FF30]  }
0xbf: {  	v24 =	vadd.f32 v1, v30;
	v30 =	vld [tilespmem:s11+$0x730]  }
0xc0: {  	v42 =	vadd.f32 v6, v17;
	v6 =	vadd.f32 v32, v60  }
0xc1: {  	v27 =	vld [tilespmem:s11+$0x770];
	v59 =	vadd.f32 v31, v63  }
0xc2: {  	v63 =	vadd.f32 v6, v17;
	v6 =	vadd.f32 v2, v25;
	v2 =	vld [tilespmem:$0x1FF40]  }
0xc3: {  	v10 =	vadd.f32 v0, v10;
	v0 =	vld [tilespmem:s11+$0x740]  }
0xc4: {  	v38 =	vadd.f32 v15, v30;
	v15 =	vld [tilespmem:$0x1FFA0]  }
0xc5: {  	v26 =	vld [tilespmem:s11+$0x7A0]  }
0xc6: {  	v8 =	vld [tilespmem:$0x1FF60]  }
0xc7: {  	v27 =	vadd.f32 v2, v27;
	v2 =	vld [tilespmem:$0x1FF50]  }
0xc8: {  	v1 =	vld [tilespmem:s11+$0x790]  }
0xc9: {  	v40 =	vadd.f32 v15, v0;
	v0 =	vld [tilespmem:s11+$0x86D0];
	_ =	sdelay $0x1  }
0xca: {  	v25 =	vld [tilespmem:s11+$0x750]  }
0xcb: {  	v2 =	vadd.f32 v2, v26;
	v26 =	vld [tilespmem:s11+$0x710]  }
0xcc: {  	v8 =	vadd.f32 v8, v1;
	v1 =	vld [tilespmem:$0x1FF70]  }
0xcd: {  	[tilespmem:$0x1FFB0] =	vst v0;
	v0 =	vadd.f32 v9, v19;
	v9 =	vld [tilespmem:$0x1FFC0];
	_ =	sdelay $0x1  }
0xce: {  	v33 =	vld [tilespmem:s11+$0x88A0]  }
0xcf: {  	v60 =	vadd.f32 v4, v19;
	v29 =	vld [tilespmem:s11+$0x760]  }
0xd0: {  	v4 =	vadd.f32 v1, v25;
	v1 =	vadd.f32 v3, v17;
	v3 =	vld [tilespmem:$0x1FF80]  }
0xd1: {  	v26 =	vadd.f32 v9, v26;
	v9 =	vld [tilespmem:s11+$0x86E0]  }
0xd2: {  	v35 =	vld [tilespmem:s11+$0x88C0]  }
0xd3: {  	v61 =	vld [tilespmem:s11+$0x8A0]  }
0xd4: {  	v57 =	vld [tilespmem:s11+$0x8C0]  }
0xd5: {  	v3 =	vadd.f32 v3, v29;
	v29 =	vld [tilespmem:s11+$0x6F0]  }
0xd6: {  	[tilespmem:$0x1FFD0] =	vst v9;
	v9 =	vadd.f32 v6, v49;
	v6 =	vld [tilespmem:$0x1FFE0]  }
0xd7: {  	v31 =	vld [tilespmem:s11+$0x8720]  }
0xd8: {  	v25 =	vld [tilespmem:s11+$0x720];
	_ =	sdelay $0x1  }
0xd9: {  	v55 =	vadd.f32 v33, v61;
	v39 =	vld [tilespmem:s11+$0x700]  }
0xda: {  	[tilespmem:$0x1FE80] =	vst v16;
	v16 =	vadd.f32 v35, v57;
	v29 =	vadd.f32 v6, v29;
	v6 =	vld [tilespmem:$0x1FFF0]  }
0xdb: {  	v34 =	vld [tilespmem:s11+$0x6B0];
	v61 =	vadd.f32 v27, v19;
	v15 =	vadd.f32 v12, v18  }
0xdc: {  	v33 =	vld [tilespmem:s11+$0x86A0];
	v12 =	vadd.f32 v28, v17;
	v28 =	vadd.f32 v31, v25  }
0xdd: {  	s12 =	simm.s32 $0x200;
	v35 =	vld [tilespmem:s11+$0x6A0];
	v10 =	vadd.f32 v10, v19;
	v25 =	vadd.f32 v38, v19  }
0xde: {  	v57 =	vld [tilespmem:s12+$0x0];
	v27 =	vadd.f32 v26, v17;
	v26 =	vadd.f32 v28, v18  }
0xdf: {  	v32 =	vld [tilespmem:s11+$0x6C0];
	v29 =	vadd.f32 v29, v19;
	v41 =	vadd.f32 v6, v39  }
0xe0: {  	v30 =	vld [tilespmem:s11+$0x6E0];
	v6 =	vadd.f32 v4, v17;
	v4 =	vadd.f32 v3, v18  }
0xe1: {  	s13 =	simm.s32 $0x1000;
	v31 =	vld [tilespmem:s11+$0x6D0];
	v3 =	vadd.f32 v40, v49;
	v28 =	vadd.f32 v41, v49  }
.LBB2_3:
0xe2: {  	v40 =	vld [tilespmem:$0x1FFD0];
	_ =	sdelay $0x1  }
0xe3: {  	[tilespmem:$0x1FD00] =	vst v50;
	v50 =	vld [tilespmem:s11+$0x680]  }
0xe4: {  	v39 =	vld [tilespmem:$0x1FDF0];
	_ =	sdelay $0x1  }
0xe5: {  	v30 =	vadd.f32 v40, v30;
	v40 =	vimm.s32 $0x0  }
0xe6: {  	v38 =	vperm.xlane v57, v40;
	_ =	sdelay $0x1  }
0xe7: {  	v50 =	vadd.f32 v39, v50;
	v38 =	vcvt.s32.f32 v38  }
0xe8: {  	[tilespmem:$0x1FCF0] =	vst v51;
	v51 =	vld [tilespmem:$0x1FE20]  }
0xe9: {  	v36 =	vld [tilespmem:s11+$0x690];
	v50 =	vadd.f32 v50, v49;
	v39 =	vmul.f32 v38, v20  }
0xea: {  	v37 =	vld [tilespmem:$0x1FFB0];
	s16 =	sshra.s32 s13, $0x2  }
0xeb: {  	v39 =	vadd.f32 v50, v39;
	v50 =	vld [tilespmem:s16+$0x8680]  }
0xec: {  	v41 =	vld [tilespmem:$0x1FE10]  }
0xed: {  	v32 =	vadd.f32 v51, v32;
	v51 =	vld [tilespmem:$0x1FE00];
	_ =	sdelay $0x2  }
0xee: {  	[tilespmem:$0x1FDF0] =	vst v50;
	v50 =	vld [tilespmem:s16+$0x8690]  }
0xef: {  	v33 =	vadd.f32 v33, v35;
	v31 =	vadd.f32 v37, v31  }
0xf0: {  	v34 =	vadd.f32 v41, v34;
	v41 =	vimm.s32 $0x1;
	v36 =	vadd.f32 v51, v36  }
0xf1: {  	v35 =	vperm.xlane v57, v41;
	v40 =	vimm.s32 $0x2;
	v41 =	vimm.s32 $0x3  }
0xf2: {  	v51 =	vperm.xlane v57, v40;
	v40 =	vmul.f32 v38, v21;
	v36 =	vadd.f32 v36, v17;
	[tilespmem:s11+$0x680] =	vst v39  }
0xf3: {  	v33 =	vadd.f32 v33, v18;
	v37 =	vperm.xlane v57, v41;
	v41 =	vmul.f32 v38, v22;
	[tilespmem:$0x1FE00] =	vst v50;
	v50 =	vld [tilespmem:s16+$0x86B0]  }
0xf4: {  	v34 =	vadd.f32 v34, v19;
	v36 =	vadd.f32 v36, v40  }
0xf5: {  	v35 =	vcvt.s32.f32 v35;
	v38 =	vmul.f32 v38, v23;
	v33 =	vadd.f32 v33, v41  }
0xf6: {  	v51 =	vcvt.s32.f32 v51;
	[tilespmem:s11+$0x690] =	vst v36  }
0xf7: {  	v32 =	vadd.f32 v32, v49;
	v34 =	vadd.f32 v34, v38;
	v40 =	vmul.f32 v35, v20;
	[tilespmem:s11+$0x6A0] =	vst v33  }
0xf8: {  	v31 =	vadd.f32 v31, v17;
	[tilespmem:$0x1FE10] =	vst v50;
	v50 =	vmul.f32 v51, v20  }
0xf9: {  	v38 =	vmul.f32 v35, v21;
	v41 =	vmul.f32 v51, v22;
	v32 =	vadd.f32 v32, v40;
	[tilespmem:s11+$0x6B0] =	vst v34  }
0xfa: {  	v40 =	vmul.f32 v51, v21;
	v28 =	vadd.f32 v28, v50;
	v50 =	vmul.f32 v51, v23;
	v51 =	vld [tilespmem:s16+$0x86C0];
	_ =	sdelay $0x1  }
0xfb: {  	v30 =	vadd.f32 v30, v18;
	v31 =	vadd.f32 v31, v38;
	v39 =	vmul.f32 v35, v22;
	[tilespmem:s11+$0x6C0] =	vst v32  }
0xfc: {  	v37 =	vcvt.s32.f32 v37;
	v26 =	vadd.f32 v26, v41;
	v35 =	vmul.f32 v35, v23;
	v41 =	vld [tilespmem:s16+$0x86D0]  }
0xfd: {  	v30 =	vadd.f32 v30, v39;
	[tilespmem:s11+$0x6D0] =	vst v31  }
0xfe: {  	v29 =	vadd.f32 v29, v35;
	v35 =	vld [tilespmem:s11+$0x8780];
	v31 =	vmul.f32 v37, v22;
	[tilespmem:$0x1FE20] =	vst v51  }
0xff: {  	v51 =	vld [tilespmem:s16+$0x86E0];
	[tilespmem:s11+$0x6E0] =	vst v30  }
0x100: {  	v38 =	vld [tilespmem:s16+$0x86F0];
	[tilespmem:s11+$0x6F0] =	vst v29;
	v29 =	vadd.f32 v4, v31;
	v4 =	vimm.s32 $0x5  }
0x101: {  	v27 =	vadd.f32 v27, v40;
	v36 =	vld [tilespmem:s11+$0x780];
	[tilespmem:$0x1FFB0] =	vst v41;
	v4 =	vperm.xlane v57, v4  }
0x102: {  	v25 =	vadd.f32 v25, v50;
	v50 =	vmul.f32 v37, v23;
	v39 =	vld [tilespmem:s16+$0x8700];
	[tilespmem:s11+$0x700] =	vst v28  }
0x103: {  	v41 =	vld [tilespmem:s16+$0x8710];
	[tilespmem:s11+$0x710] =	vst v27;
	v27 =	vcvt.s32.f32 v4;
	v4 =	vimm.s32 $0x7  }
0x104: {  	v30 =	vimm.s32 $0x4;
	v31 =	vadd.f32 v61, v50;
	v50 =	vperm.xlane v57, v4;
	v4 =	vld [tilespmem:s16+$0x8720]  }
0x105: {  	v30 =	vperm.xlane v57, v30  }
0x106: {  	v32 =	vmul.f32 v37, v20;
	[tilespmem:$0x1FFD0] =	vst v51  }
0x107: {  	v28 =	vcvt.s32.f32 v30;
	v30 =	vadd.f32 v35, v36;
	[tilespmem:s11+$0x720] =	vst v26  }
0x108: {  	v3 =	vadd.f32 v3, v32;
	v51 =	vld [tilespmem:s16+$0x8730];
	[tilespmem:s11+$0x730] =	vst v25  }
0x109: {  	v26 =	vmul.f32 v28, v20;
	[tilespmem:$0x1FDC0] =	vst v4;
	v4 =	vadd.f32 v30, v49  }
0x10a: {  	v61 =	vld [tilespmem:s16+$0x8740];
	[tilespmem:s11+$0x740] =	vst v3  }
0x10b: {  	v40 =	vmul.f32 v37, v21;
	v3 =	vadd.f32 v4, v26;
	v4 =	vld [tilespmem:s16+$0x8750];
	_ =	sdelay $0x1  }
0x10c: {  	v6 =	vadd.f32 v6, v40;
	_ =	sdelay $0x1  }
0x10d: {  	[tilespmem:s11+$0x750] =	vst v6  }
0x10e: {  	[tilespmem:$0x1FD70] =	vst v4;
	v4 =	vld [tilespmem:s16+$0x8760];
	_ =	sdelay $0x3  }
0x10f: {  	[tilespmem:s11+$0x760] =	vst v29  }
0x110: {  	[tilespmem:$0x1FD80] =	vst v4;
	v4 =	vld [tilespmem:s16+$0x8770]  }
0x111: {  	v8 =	vadd.f32 v8, v17  }
0x112: {  	v2 =	vadd.f32 v2, v18;
	v25 =	vmul.f32 v28, v22;
	v30 =	vmul.f32 v28, v21  }
0x113: {  	[tilespmem:$0x1FDD0] =	vst v38;
	v28 =	vmul.f32 v28, v23  }
0x114: {  	v2 =	vadd.f32 v2, v25;
	v26 =	vadd.f32 v8, v30;
	[tilespmem:s11+$0x770] =	vst v31  }
0x115: {  	v8 =	vmul.f32 v27, v20;
	v25 =	vadd.f32 v10, v28;
	v10 =	vmul.f32 v27, v21;
	[tilespmem:$0x1FD40] =	vst v4;
	v4 =	vld [tilespmem:s16+$0x8790]  }
0x116: {  	[tilespmem:$0x1FDE0] =	vst v39;
	v29 =	vmul.f32 v27, v22;
	v27 =	vmul.f32 v27, v23  }
0x117: {  	[tilespmem:$0x1FDB0] =	vst v41  }
0x118: {  	v27 =	vadd.f32 v0, v27;
	v0 =	vimm.s32 $0x8;
	[tilespmem:s11+$0x780] =	vst v3  }
0x119: {  	v3 =	vadd.f32 v15, v29;
	v29 =	vperm.xlane v57, v0;
	v0 =	vld [tilespmem:s16+$0x87A0];
	[tilespmem:s11+$0x790] =	vst v26  }
0x11a: {  	v40 =	vimm.s32 $0x6;
	[tilespmem:$0x1FD60] =	vst v4;
	v4 =	vld [tilespmem:s16+$0x87B0]  }
0x11b: {  	v32 =	vperm.xlane v57, v40;
	[tilespmem:$0x1FD90] =	vst v51  }
0x11c: {  	[tilespmem:$0x1FDA0] =	vst v61  }
0x11d: {  	v31 =	vcvt.s32.f32 v32;
	[tilespmem:s11+$0x7A0] =	vst v2  }
0x11e: {  	v36 =	vcvt.s32.f32 v50;
	v28 =	vadd.f32 v9, v8;
	[tilespmem:$0x1FD50] =	vst v0  }
0x11f: {  	v26 =	vmul.f32 v31, v21;
	v0 =	vadd.f32 v24, v49;
	v24 =	vmul.f32 v31, v20;
	[tilespmem:$0x1FD30] =	vst v4  }
0x120: {  	v30 =	vadd.f32 v12, v10;
	v2 =	vadd.f32 v14, v18;
	v14 =	vmul.f32 v31, v22;
	v4 =	vld [tilespmem:s16+$0x87C0];
	[tilespmem:s11+$0x7B0] =	vst v25  }
0x121: {  	v26 =	vadd.f32 v1, v26;
	v1 =	vmul.f32 v36, v20;
	v25 =	vadd.f32 v0, v24;
	v0 =	vld [tilespmem:s16+$0x87D0];
	[tilespmem:s11+$0x7C0] =	vst v28  }
0x122: {  	v2 =	vadd.f32 v2, v14;
	v14 =	vmul.f32 v36, v21;
	v24 =	vld [tilespmem:s16+$0x87E0];
	[tilespmem:s11+$0x7D0] =	vst v30  }
0x123: {  	v31 =	vmul.f32 v31, v23;
	v30 =	vadd.f32 v13, v1;
	v13 =	vmul.f32 v36, v22;
	v15 =	vld [tilespmem:s16+$0x87F0];
	[tilespmem:s11+$0x7E0] =	vst v3  }
0x124: {  	v3 =	vadd.f32 v11, v14;
	v11 =	vcvt.s32.f32 v29;
	v61 =	vld [tilespmem:s16+$0x8800];
	[tilespmem:s11+$0x7F0] =	vst v27  }
0x125: {  	v28 =	vadd.f32 v60, v31;
	v27 =	vadd.f32 v7, v13;
	v13 =	vld [tilespmem:s16+$0x8810];
	[tilespmem:s11+$0x800] =	vst v25  }
0x126: {  	v31 =	vmul.f32 v36, v23;
	v7 =	vadd.f32 v59, v49;
	v25 =	vmul.f32 v11, v20;
	[tilespmem:$0x1FD10] =	vst v0  }
0x127: {  	v37 =	vmul.f32 v11, v21;
	v38 =	vmul.f32 v11, v22;
	v0 =	vimm.s32 $0x9;
	v14 =	vld [tilespmem:s16+$0x8820];
	[tilespmem:s11+$0x810] =	vst v26  }
0x128: {  	v31 =	vadd.f32 v5, v31;
	v39 =	vmul.f32 v11, v23;
	v29 =	vperm.xlane v57, v0;
	v12 =	vld [tilespmem:s16+$0x8830];
	[tilespmem:s11+$0x820] =	vst v2  }
0x129: {  	v26 =	vadd.f32 v55, v18;
	v0 =	vimm.s32 $0xA;
	v2 =	vadd.f32 v7, v25;
	v11 =	vld [tilespmem:s16+$0x8840];
	[tilespmem:s11+$0x830] =	vst v28  }
0x12a: {  	v25 =	vadd.f32 v63, v37;
	v5 =	vperm.xlane v57, v0;
	v29 =	vcvt.s32.f32 v29;
	v10 =	vld [tilespmem:s16+$0x8850];
	[tilespmem:s11+$0x840] =	vst v30  }
0x12b: {  	v51 =	vld [tilespmem:s11+$0x8940];
	v26 =	vadd.f32 v26, v38;
	v28 =	vadd.f32 v58, v39;
	[tilespmem:s11+$0x850] =	vst v3  }
0x12c: {  	v55 =	vld [tilespmem:s11+$0x940];
	v0 =	vimm.s32 $0xB;
	[tilespmem:s11+$0x860] =	vst v27;
	v32 =	vcvt.s32.f32 v5;
	v40 =	vmul.f32 v29, v20  }
0x12d: {  	v30 =	vadd.f32 v16, v49;
	v60 =	vld [tilespmem:s16+$0x8860];
	[tilespmem:s11+$0x870] =	vst v31;
	v41 =	vmul.f32 v29, v21;
	v50 =	vmul.f32 v29, v22  }
0x12e: {  	v3 =	vadd.f32 v52, v18;
	v29 =	vmul.f32 v29, v23;
	v59 =	vld [tilespmem:s16+$0x8870];
	[tilespmem:s11+$0x880] =	vst v2;
	v52 =	vmul.f32 v32, v20  }
0x12f: {  	v31 =	vmul.f32 v32, v21;
	v63 =	vmul.f32 v32, v22;
	v9 =	vld [tilespmem:s16+$0x8880];
	[tilespmem:s11+$0x890] =	vst v25;
	v27 =	vadd.f32 v30, v40  }
0x130: {  	v32 =	vmul.f32 v32, v23;
	v30 =	vadd.f32 v56, v41;
	v3 =	vadd.f32 v3, v50;
	v8 =	vld [tilespmem:s16+$0x8890];
	[tilespmem:s11+$0x8A0] =	vst v26  }
0x131: {  	v25 =	vadd.f32 v54, v31;
	v31 =	vperm.xlane v57, v0;
	v0 =	vimm.s32 $0xC;
	v7 =	vld [tilespmem:s16+$0x88A0];
	[tilespmem:s11+$0x8B0] =	vst v28  }
0x132: {  	v29 =	vadd.f32 v62, v29;
	v40 =	vperm.xlane v57, v0;
	v0 =	vimm.s32 $0xD;
	v56 =	vld [tilespmem:s16+$0x88B0];
	[tilespmem:s11+$0x8C0] =	vst v27  }
0x133: {  	v33 =	vadd.f32 v53, v52;
	v32 =	vadd.f32 v47, v32;
	v41 =	vperm.xlane v57, v0;
	v6 =	vld [tilespmem:s16+$0x88C0];
	[tilespmem:s11+$0x8D0] =	vst v30  }
0x134: {  	v28 =	vcvt.s32.f32 v31;
	v31 =	vadd.f32 v51, v55;
	v0 =	vimm.s32 $0xE;
	v52 =	vld [tilespmem:s16+$0x88D0]  }
0x135: {  	v47 =	vcvt.s32.f32 v40;
	v36 =	vperm.xlane v57, v0;
	[tilespmem:s11+$0x8E0] =	vst v3;
	v3 =	vadd.f32 v43, v18;
	v0 =	vld [tilespmem:$0x1FED0]  }
0x136: {  	v30 =	vadd.f32 v31, v49;
	v31 =	vmul.f32 v28, v20;
	v51 =	vmul.f32 v28, v22;
	_ =	sdelay $0x1  }
0x137: {  	v62 =	vld [tilespmem:s16+$0x88E0];
	[tilespmem:s11+$0x8F0] =	vst v29;
	v29 =	vadd.f32 v30, v31;
	v31 =	vadd.f32 v3, v51;
	v3 =	vmul.f32 v47, v21;
	_ =	sdelay $0x1  }
0x138: {  	v34 =	vadd.f32 v0, v3;
	v0 =	vld [tilespmem:$0x1FEE0];
	_ =	sdelay $0x1  }
0x139: {  	v54 =	vld [tilespmem:s16+$0x88F0];
	[tilespmem:s11+$0x900] =	vst v33  }
0x13a: {  	v26 =	vadd.f32 v48, v63;
	v48 =	vld [tilespmem:s16+$0x8900];
	[tilespmem:s11+$0x910] =	vst v25;
	v25 =	vmul.f32 v47, v22;
	_ =	sdelay $0x1  }
0x13b: {  	v63 =	vadd.f32 v0, v25;
	v0 =	vld [tilespmem:$0x1FEB0];
	_ =	sdelay $0x2  }
0x13c: {  	v55 =	vmul.f32 v47, v23;
	_ =	sdelay $0x1  }
0x13d: {  	v33 =	vadd.f32 v0, v55;
	v0 =	vld [tilespmem:$0x1FEC0]  }
0x13e: {  	v35 =	vcvt.s32.f32 v41  }
0x13f: {  	v30 =	vmul.f32 v47, v20;
	v47 =	vld [tilespmem:s16+$0x8910];
	[tilespmem:s11+$0x920] =	vst v26  }
0x140: {  	v27 =	vadd.f32 v46, v17;
	v26 =	vmul.f32 v35, v20;
	v46 =	vld [tilespmem:s16+$0x8920];
	[tilespmem:s11+$0x930] =	vst v32  }
0x141: {  	v5 =	vld [tilespmem:s16+$0x8930]  }
0x142: {  	[tilespmem:s11+$0x940] =	vst v29;
	v29 =	vadd.f32 v0, v26;
	v0 =	vld [tilespmem:$0x1FCF0]  }
0x143: {  	v50 =	vmul.f32 v28, v21;
	v28 =	vmul.f32 v28, v23;
	_ =	sdelay $0x1  }
0x144: {  	v28 =	vadd.f32 v45, v28;
	v45 =	vmul.f32 v35, v22  }
0x145: {  	v58 =	vmul.f32 v35, v21  }
0x146: {  	v26 =	vmul.f32 v35, v23;
	v35 =	vadd.f32 v0, v45;
	v0 =	vimm.s32 $0xF  }
0x147: {  	v27 =	vadd.f32 v27, v50;
	v50 =	vperm.xlane v57, v0;
	v0 =	vld [tilespmem:$0x1FEA0];
	_ =	sdelay $0x2  }
0x148: {  	v25 =	vld [tilespmem:s16+$0x8950];
	[tilespmem:s11+$0x950] =	vst v27  }
0x149: {  	v43 =	vld [tilespmem:s16+$0x8960]  }
0x14a: {  	[tilespmem:s11+$0x960] =	vst v31;
	v31 =	vadd.f32 v0, v26;
	v0 =	vld [tilespmem:$0x1FE50];
	_ =	sdelay $0x4  }
0x14b: {  	v51 =	vadd.f32 v0, v17;
	v0 =	vld [tilespmem:$0x1FE70];
	_ =	sdelay $0x3  }
0x14c: {  	v26 =	vld [tilespmem:s16+$0x8970]  }
0x14d: {  	[tilespmem:s11+$0x970] =	vst v28;
	v28 =	vadd.f32 v0, v49;
	v0 =	vld [tilespmem:$0x1FE60];
	_ =	sdelay $0x2  }
0x14e: {  	v30 =	vadd.f32 v44, v30  }
0x14f: {  	v41 =	vld [tilespmem:s16+$0x8980]  }
0x150: {  	[tilespmem:s11+$0x980] =	vst v30;
	v30 =	vadd.f32 v0, v18;
	v0 =	vld [tilespmem:$0x1FD00]  }
0x151: {  	v27 =	vcvt.s32.f32 v36;
	_ =	sdelay $0x1  }
0x152: {  	v37 =	vadd.f32 v42, v58;
	v58 =	vmul.f32 v27, v23;
	_ =	sdelay $0x1  }
0x153: {  	v32 =	vadd.f32 v0, v58;
	v0 =	vld [tilespmem:$0x1FE40]  }
0x154: {  	v53 =	vmul.f32 v27, v20  }
0x155: {  	v55 =	vmul.f32 v27, v21;
	v57 =	vmul.f32 v27, v22;
	v27 =	vld [tilespmem:s16+$0x8990];
	[tilespmem:s11+$0x990] =	vst v34  }
0x156: {  	v39 =	vld [tilespmem:s16+$0x89A0];
	[tilespmem:s11+$0x9A0] =	vst v63  }
0x157: {  	v40 =	vld [tilespmem:s16+$0x89B0]  }
0x158: {  	[tilespmem:s11+$0x9B0] =	vst v33;
	v33 =	vadd.f32 v0, v49;
	v0 =	vld [tilespmem:$0x1FE30];
	_ =	sdelay $0x3  }
0x159: {  	v45 =	vld [tilespmem:s16+$0x89C0]  }
0x15a: {  	[tilespmem:s11+$0x9C0] =	vst v29;
	v29 =	vadd.f32 v0, v18;
	v0 =	vld [tilespmem:$0x1FE90]  }
0x15b: {  	v36 =	vcvt.s32.f32 v50;
	_ =	sdelay $0x1  }
0x15c: {  	v63 =	vmul.f32 v36, v21;
	_ =	sdelay $0x1  }
0x15d: {  	v58 =	vadd.f32 v0, v63;
	v0 =	vld [tilespmem:$0x1FE80];
	_ =	sdelay $0x1  }
0x15e: {  	v42 =	vmul.f32 v36, v20  }
0x15f: {  	v50 =	vmul.f32 v36, v22;
	v36 =	vmul.f32 v36, v23;
	v30 =	vadd.f32 v30, v57;
	v57 =	vld [tilespmem:s16+$0x89D0];
	[tilespmem:s11+$0x9D0] =	vst v37  }
0x160: {  	v28 =	vadd.f32 v28, v53;
	v33 =	vadd.f32 v33, v42;
	v42 =	vld [tilespmem:s16+$0x89E0];
	[tilespmem:s11+$0x9E0] =	vst v35  }
0x161: {  	v34 =	vadd.f32 v51, v55;
	v63 =	vadd.f32 v0, v36;
	v36 =	vld [tilespmem:s16+$0x89F0];
	[tilespmem:s11+$0x9F0] =	vst v31  }
0x162: {  	v31 =	vld [tilespmem:s16+$0x8A00];
	[tilespmem:s11+$0xA00] =	vst v28  }
0x163: {  	v28 =	vld [tilespmem:s16+$0x8A10];
	[tilespmem:s11+$0xA10] =	vst v34  }
0x164: {  	v34 =	vld [tilespmem:s16+$0x8A20];
	[tilespmem:s11+$0xA20] =	vst v30  }
0x165: {  	v30 =	vld [tilespmem:s16+$0x8A30];
	[tilespmem:s11+$0xA30] =	vst v32  }
0x166: {  	v29 =	vadd.f32 v29, v50;
	v32 =	vld [tilespmem:s16+$0x8A40];
	[tilespmem:s11+$0xA40] =	vst v33  }
0x167: {  	v33 =	vld [tilespmem:s16+$0x8A50];
	[tilespmem:s11+$0xA50] =	vst v58  }
0x168: {  	v37 =	vld [tilespmem:s16+$0x8A60];
	[tilespmem:s11+$0xA60] =	vst v29  }
0x169: {  	v29 =	vld [tilespmem:s16+$0x8A70];
	[tilespmem:s11+$0xA70] =	vst v63;
	s11 =	smov.u32 s16  }
0x16a: {  	v35 =	vld [tilespmem:s11+$0xA70]  }
0x16b: {  	v44 =	vld [tilespmem:s11+$0xA60]  }
0x16c: {  	v53 =	vld [tilespmem:s11+$0xA50]  }
0x16d: {  	v63 =	vld [tilespmem:s11+$0xA40]  }
0x16e: {  	v0 =	vld [tilespmem:s11+$0xA30]  }
0x16f: {  	v38 =	vld [tilespmem:s11+$0xA20]  }
0x170: {  	v1 =	vld [tilespmem:s11+$0xA10]  }
0x171: {  	v2 =	vld [tilespmem:s11+$0xA00]  }
0x172: {  	v50 =	vld [tilespmem:s11+$0x9F0]  }
0x173: {  	v51 =	vld [tilespmem:s11+$0x9E0]  }
0x174: {  	v16 =	vld [tilespmem:s11+$0x9D0]  }
0x175: {  	v3 =	vld [tilespmem:s11+$0x9C0]  }
0x176: {  	v55 =	vld [tilespmem:s11+$0x9B0]  }
0x177: {  	[tilespmem:$0x1FD20] =	vst v4;
	v4 =	vld [tilespmem:s11+$0x9A0];
	v29 =	vadd.f32 v29, v35;
	v33 =	vadd.f32 v33, v53  }
0x178: {  	v58 =	vld [tilespmem:s11+$0x980];
	v0 =	vadd.f32 v30, v0;
	v30 =	vadd.f32 v37, v44  }
0x179: {  	v35 =	vld [tilespmem:s11+$0x990];
	v32 =	vadd.f32 v32, v63;
	v53 =	vadd.f32 v36, v50  }
0x17a: {  	v1 =	vadd.f32 v28, v1;
	v2 =	vadd.f32 v31, v2;
	v31 =	vld [tilespmem:s11+$0x900]  }
0x17b: {  	v16 =	vadd.f32 v57, v16;
	v63 =	vadd.f32 v40, v55;
	v36 =	vld [tilespmem:s11+$0x8F0];
	[tilespmem:$0x1FE30] =	vst v30  }
0x17c: {  	v3 =	vadd.f32 v45, v3;
	v29 =	vadd.f32 v29, v19;
	v30 =	vld [tilespmem:s11+$0x960];
	[tilespmem:$0x1FE50] =	vst v1  }
0x17d: {  	v50 =	vadd.f32 v0, v19;
	v0 =	vld [tilespmem:s11+$0x930];
	v1 =	vadd.f32 v34, v38;
	[tilespmem:$0x1FE70] =	vst v2  }
0x17e: {  	v4 =	vadd.f32 v39, v4;
	v28 =	vadd.f32 v53, v19;
	v2 =	vld [tilespmem:s11+$0x910];
	[tilespmem:$0x1FE80] =	vst v29  }
0x17f: {  	v44 =	vadd.f32 v33, v17;
	v3 =	vadd.f32 v3, v49;
	v29 =	vld [tilespmem:s11+$0x970];
	[tilespmem:$0x1FE60] =	vst v1  }
0x180: {  	v1 =	vld [tilespmem:s11+$0x920];
	[tilespmem:$0x1FEA0] =	vst v28;
	v28 =	vadd.f32 v42, v51;
	v27 =	vadd.f32 v27, v35  }
0x181: {  	[tilespmem:$0x1FE40] =	vst v32;
	v32 =	vld [tilespmem:s11+$0x950];
	v4 =	vadd.f32 v4, v18;
	v42 =	vadd.f32 v16, v17  }
0x182: {  	[tilespmem:$0x1FEC0] =	vst v3;
	v3 =	vld [tilespmem:s11+$0x8D0];
	v51 =	vadd.f32 v28, v18;
	v27 =	vadd.f32 v27, v17  }
0x183: {  	[tilespmem:$0x1FEE0] =	vst v4;
	v4 =	vld [tilespmem:s11+$0x8A0];
	v0 =	vadd.f32 v5, v0;
	v43 =	vadd.f32 v43, v30  }
0x184: {  	v37 =	vld [tilespmem:s11+$0x8B0];
	v2 =	vadd.f32 v47, v2;
	v26 =	vadd.f32 v26, v29  }
0x185: {  	v5 =	vld [tilespmem:s11+$0x880];
	v29 =	vadd.f32 v41, v58;
	v1 =	vadd.f32 v46, v1  }
0x186: {  	v46 =	vadd.f32 v25, v32;
	v25 =	vld [tilespmem:s11+$0x870];
	v47 =	vadd.f32 v0, v19  }
0x187: {  	[tilespmem:$0x1FED0] =	vst v27;
	v0 =	vld [tilespmem:s11+$0x860];
	v27 =	vadd.f32 v48, v31;
	v3 =	vadd.f32 v52, v3  }
0x188: {  	v55 =	vadd.f32 v7, v4;
	v45 =	vadd.f32 v26, v19;
	v26 =	vld [tilespmem:s11+$0x890]  }
0x189: {  	[tilespmem:$0x1FE90] =	vst v44;
	v44 =	vadd.f32 v29, v49;
	v53 =	vadd.f32 v27, v49;
	v27 =	vld [tilespmem:s11+$0x830]  }
0x18a: {  	v16 =	vld [tilespmem:s11+$0x8E0];
	v48 =	vadd.f32 v1, v18;
	v29 =	vadd.f32 v54, v36  }
0x18b: {  	v1 =	vld [tilespmem:s11+$0x850];
	v54 =	vadd.f32 v2, v17;
	v7 =	vadd.f32 v59, v25  }
0x18c: {  	v2 =	vld [tilespmem:s11+$0x840];
	v0 =	vadd.f32 v60, v0;
	v59 =	vadd.f32 v9, v5  }
0x18d: {  	v9 =	vld [tilespmem:s11+$0x7D0];
	v8 =	vadd.f32 v8, v26;
	v5 =	vadd.f32 v7, v19  }
0x18e: {  	v7 =	vadd.f32 v0, v18;
	v0 =	vadd.f32 v12, v27;
	v12 =	vld [tilespmem:$0x1FD10]  }
0x18f: {  	v30 =	vadd.f32 v56, v37;
	v56 =	vadd.f32 v3, v17;
	v3 =	vld [tilespmem:s11+$0x810]  }
0x190: {  	v28 =	vadd.f32 v63, v19;
	v63 =	vadd.f32 v8, v17;
	v8 =	vld [tilespmem:s11+$0x7E0]  }
0x191: {  	v4 =	vld [tilespmem:s11+$0x7F0]  }
0x192: {  	v1 =	vadd.f32 v10, v1;
	v10 =	vld [tilespmem:s11+$0x7C0]  }
0x193: {  	v9 =	vadd.f32 v12, v9;
	v12 =	vld [tilespmem:$0x1FD20]  }
0x194: {  	[tilespmem:$0x1FEB0] =	vst v28;
	v28 =	vld [tilespmem:s11+$0x8C0];
	v2 =	vadd.f32 v11, v2;
	v11 =	vadd.f32 v1, v17  }
0x195: {  	v25 =	vld [tilespmem:s11+$0x7B0];
	v1 =	vadd.f32 v13, v3;
	v8 =	vadd.f32 v24, v8  }
0x196: {  	v13 =	vadd.f32 v2, v49;
	v60 =	vadd.f32 v0, v19;
	v2 =	vld [tilespmem:s11+$0x770]  }
0x197: {  	v0 =	vadd.f32 v15, v4;
	v15 =	vadd.f32 v8, v18;
	v8 =	vld [tilespmem:$0x1FD30]  }
0x198: {  	v10 =	vadd.f32 v12, v10;
	v12 =	vadd.f32 v9, v17;
	v9 =	vld [tilespmem:$0x1FD40];
	_ =	sdelay $0x2  }
0x199: {  	v52 =	vadd.f32 v62, v16  }
0x19a: {  	v16 =	vadd.f32 v6, v28;
	v6 =	vld [tilespmem:s11+$0x800];
	v8 =	vadd.f32 v8, v25  }
0x19b: {  	v3 =	vld [tilespmem:s11+$0x790];
	v25 =	vadd.f32 v9, v2  }
0x19c: {  	v9 =	vadd.f32 v10, v49;
	v10 =	vadd.f32 v8, v19;
	v8 =	vld [tilespmem:$0x1FD60];
	_ =	sdelay $0x3  }
0x19d: {  	v24 =	vadd.f32 v61, v6;
	v6 =	vld [tilespmem:s11+$0x750]  }
0x19e: {  	v8 =	vadd.f32 v8, v3;
	v3 =	vld [tilespmem:$0x1FD70];
	_ =	sdelay $0x3  }
0x19f: {  	v4 =	vld [tilespmem:s11+$0x760]  }
0x1a0: {  	v3 =	vadd.f32 v3, v6;
	v6 =	vld [tilespmem:$0x1FD80];
	_ =	sdelay $0x2  }
0x1a1: {  	v62 =	vadd.f32 v29, v19;
	v29 =	vld [tilespmem:s11+$0x820]  }
0x1a2: {  	v28 =	vld [tilespmem:s11+$0x730]  }
0x1a3: {  	v4 =	vadd.f32 v6, v4;
	v6 =	vld [tilespmem:$0x1FD90]  }
0x1a4: {  	v26 =	vld [tilespmem:s11+$0x7A0]  }
0x1a5: {  	v27 =	vld [tilespmem:s11+$0x740]  }
0x1a6: {  	v14 =	vadd.f32 v14, v29;
	v29 =	vld [tilespmem:s11+$0x720]  }
0x1a7: {  	v2 =	vld [tilespmem:$0x1FD50]  }
0x1a8: {  	v61 =	vadd.f32 v25, v19;
	v25 =	vadd.f32 v6, v28;
	v6 =	vld [tilespmem:$0x1FDA0]  }
0x1a9: {  	v28 =	vld [tilespmem:$0x1FDC0]  }
0x1aa: {  	v39 =	vld [tilespmem:s11+$0x6F0]  }
0x1ab: {  	v40 =	vld [tilespmem:$0x1FDE0]  }
0x1ac: {  	v38 =	vld [tilespmem:s11+$0x710]  }
0x1ad: {  	v2 =	vadd.f32 v2, v26;
	v26 =	vld [tilespmem:s11+$0x700];
	v27 =	vadd.f32 v6, v27  }
0x1ae: {  	v28 =	vadd.f32 v28, v29;
	v29 =	vld [tilespmem:$0x1FDD0]  }
0x1af: {  	s12 =	sadd.s32 $0x10, s12;
	v6 =	vadd.f32 v3, v17;
	v3 =	vadd.f32 v27, v49;
	v27 =	vld [tilespmem:$0x1FDB0]  }
0x1b0: {  	v57 =	vld [tilespmem:s12+$0x0]  }
0x1b1: {  	p0 =	sne.s32 s13, $0xF000;
	v34 =	vld [tilespmem:s11+$0x6B0];
	v58 =	vadd.f32 v30, v19;
	v1 =	vadd.f32 v1, v17  }
.Ltmp0:
0x1b2: {  	v33 =	vld [tilespmem:s11+$0x86A0];
	v0 =	vadd.f32 v0, v19;
	v41 =	vadd.f32 v40, v26;
	(pc) =	sbr.rel @p0 .LBB2_3-.Ltmp0, $4  }
0x1b3: {  	v35 =	vld [tilespmem:s11+$0x6A0];
	v4 =	vadd.f32 v4, v18;
	v25 =	vadd.f32 v25, v19  }
0x1b4: {  	v30 =	vld [tilespmem:s11+$0x6E0];
	v29 =	vadd.f32 v29, v39;
	v27 =	vadd.f32 v27, v38  }
0x1b5: {  	v31 =	vld [tilespmem:s11+$0x6D0];
	v26 =	vadd.f32 v28, v18;
	v28 =	vadd.f32 v41, v49  }
0x1b6: {  	s13 =	sadd.s32 $0x1000, s13;
	v32 =	vld [tilespmem:s11+$0x6C0];
	v29 =	vadd.f32 v29, v19;
	v27 =	vadd.f32 v27, v17  }
0x1b7: {  	v36 =	vld [tilespmem:s11+$0x680]  }
0x1b8: {  	v39 =	vld [tilespmem:$0x1FDF0];
	_ =	sdelay $0x4  }
0x1b9: {  	v36 =	vadd.f32 v39, v36;
	v39 =	vld [tilespmem:$0x1FE10];
	_ =	sdelay $0x3  }
0x1ba: {  	v37 =	vld [tilespmem:s11+$0x690]  }
0x1bb: {  	v34 =	vadd.f32 v39, v34;
	v39 =	vld [tilespmem:$0x1FE00]  }
0x1bc: {  	v38 =	vimm.s32 $0x0;
	v41 =	vld [tilespmem:$0x1FE20]  }
0x1bd: {  	v38 =	vperm.xlane v57, v38;
	_ =	sdelay $0x1  }
0x1be: {  	v38 =	vcvt.s32.f32 v38  }
0x1bf: {  	v37 =	vadd.f32 v39, v37  }
0x1c0: {  	v33 =	vadd.f32 v33, v35;
	v40 =	vmul.f32 v38, v21;
	v32 =	vadd.f32 v41, v32  }
0x1c1: {  	v41 =	vld [tilespmem:$0x1FFD0];
	v35 =	vadd.f32 v36, v49;
	v36 =	vmul.f32 v38, v20;
	v37 =	vadd.f32 v37, v17;
	_ =	sdelay $0x1  }
0x1c2: {  	v35 =	vadd.f32 v35, v36;
	v39 =	vimm.s32 $0x1;
	v37 =	vadd.f32 v37, v40;
	v40 =	vld [tilespmem:$0x1FFB0]  }
0x1c3: {  	v33 =	vadd.f32 v33, v18;
	v39 =	vperm.xlane v57, v39  }
0x1c4: {  	v36 =	vmul.f32 v38, v22;
	[tilespmem:s11+$0x680] =	vst v35;
	v35 =	vmul.f32 v38, v23;
	v34 =	vadd.f32 v34, v19  }
0x1c5: {  	v30 =	vadd.f32 v41, v30;
	v39 =	vcvt.s32.f32 v39  }
0x1c6: {  	v33 =	vadd.f32 v33, v36;
	v34 =	vadd.f32 v34, v35  }
0x1c7: {  	v36 =	vmul.f32 v39, v20;
	v31 =	vadd.f32 v40, v31;
	v40 =	vimm.s32 $0x2  }
0x1c8: {  	v30 =	vadd.f32 v30, v18;
	v41 =	vmul.f32 v39, v21;
	v35 =	vperm.xlane v57, v40  }
0x1c9: {  	[tilespmem:s11+$0x6B0] =	vst v34;
	v34 =	vmul.f32 v39, v22;
	v40 =	vimm.s32 $0x3;
	v31 =	vadd.f32 v31, v17  }
0x1ca: {  	[tilespmem:s11+$0x6A0] =	vst v33;
	v33 =	vperm.xlane v57, v40;
	v35 =	vcvt.s32.f32 v35  }
0x1cb: {  	v30 =	vadd.f32 v30, v34;
	v31 =	vadd.f32 v31, v41;
	v41 =	vmul.f32 v39, v23  }
0x1cc: {  	v33 =	vcvt.s32.f32 v33;
	v39 =	vmul.f32 v35, v20  }
0x1cd: {  	[tilespmem:s11+$0x6E0] =	vst v30;
	v40 =	vmul.f32 v35, v21;
	v30 =	vmul.f32 v35, v23;
	v29 =	vadd.f32 v29, v41  }
0x1ce: {  	[tilespmem:s11+$0x6D0] =	vst v31;
	v31 =	vmul.f32 v35, v22;
	v28 =	vadd.f32 v28, v39  }
0x1cf: {  	v41 =	vmul.f32 v33, v20;
	v27 =	vadd.f32 v27, v40;
	v25 =	vadd.f32 v25, v30;
	[tilespmem:s11+$0x6F0] =	vst v29  }
0x1d0: {  	v30 =	vmul.f32 v33, v23;
	v26 =	vadd.f32 v26, v31;
	v31 =	vimm.s32 $0x4;
	[tilespmem:s11+$0x700] =	vst v28  }
0x1d1: {  	v29 =	vmul.f32 v33, v21;
	v31 =	vperm.xlane v57, v31;
	[tilespmem:s11+$0x710] =	vst v27  }
0x1d2: {  	v3 =	vadd.f32 v3, v41;
	v28 =	vmul.f32 v33, v22;
	[tilespmem:s11+$0x720] =	vst v26;
	v26 =	vimm.s32 $0x5  }
0x1d3: {  	[tilespmem:s11+$0x730] =	vst v25;
	v25 =	vadd.f32 v61, v30;
	v27 =	vcvt.s32.f32 v31;
	v26 =	vperm.xlane v57, v26  }
0x1d4: {  	v6 =	vadd.f32 v6, v29;
	[tilespmem:s11+$0x740] =	vst v3;
	v3 =	vadd.f32 v8, v17  }
0x1d5: {  	v4 =	vadd.f32 v4, v28;
	[tilespmem:s11+$0x770] =	vst v25;
	v8 =	vcvt.s32.f32 v26;
	v26 =	vmul.f32 v27, v21  }
0x1d6: {  	v2 =	vadd.f32 v2, v18;
	v25 =	vimm.s32 $0x6;
	[tilespmem:s11+$0x750] =	vst v6;
	v6 =	vmul.f32 v27, v22  }
0x1d7: {  	v25 =	vperm.xlane v57, v25;
	[tilespmem:s11+$0x760] =	vst v4;
	v4 =	vmul.f32 v27, v23;
	v3 =	vadd.f32 v3, v26  }
0x1d8: {  	v26 =	vmul.f32 v8, v20;
	v2 =	vadd.f32 v2, v6  }
0x1d9: {  	v4 =	vadd.f32 v10, v4;
	v6 =	vmul.f32 v8, v21;
	v10 =	vcvt.s32.f32 v25;
	[tilespmem:s11+$0x790] =	vst v3  }
0x1da: {  	v3 =	vadd.f32 v9, v26;
	v9 =	vmul.f32 v8, v22;
	[tilespmem:s11+$0x7A0] =	vst v2;
	v2 =	vimm.s32 $0x7  }
0x1db: {  	v8 =	vmul.f32 v8, v23;
	v6 =	vadd.f32 v12, v6;
	[tilespmem:s11+$0x7B0] =	vst v4;
	v2 =	vperm.xlane v57, v2  }
0x1dc: {  	v4 =	vadd.f32 v15, v9;
	v9 =	vadd.f32 v24, v49;
	[tilespmem:s11+$0x7C0] =	vst v3;
	v3 =	vmul.f32 v10, v21  }
0x1dd: {  	v12 =	vmul.f32 v10, v20;
	v0 =	vadd.f32 v0, v8;
	[tilespmem:s11+$0x7D0] =	vst v6;
	v6 =	vadd.f32 v14, v18  }
0x1de: {  	v8 =	vmul.f32 v10, v22;
	v2 =	vcvt.s32.f32 v2;
	v1 =	vadd.f32 v1, v3  }
0x1df: {  	v9 =	vadd.f32 v9, v12;
	[tilespmem:s11+$0x7F0] =	vst v0  }
0x1e0: {  	v3 =	vadd.f32 v6, v8;
	v0 =	vmul.f32 v2, v20;
	[tilespmem:s11+$0x810] =	vst v1;
	v1 =	vimm.s32 $0x8  }
0x1e1: {  	[tilespmem:s11+$0x7E0] =	vst v4;
	v4 =	vmul.f32 v10, v23;
	v8 =	vadd.f32 v55, v18;
	v1 =	vperm.xlane v57, v1  }
0x1e2: {  	v6 =	vmul.f32 v2, v21;
	[tilespmem:s11+$0x820] =	vst v3;
	v3 =	vmul.f32 v2, v22;
	v0 =	vadd.f32 v13, v0  }
0x1e3: {  	v4 =	vadd.f32 v60, v4;
	v2 =	vmul.f32 v2, v23;
	v1 =	vcvt.s32.f32 v1  }
0x1e4: {  	v6 =	vadd.f32 v11, v6;
	v3 =	vadd.f32 v7, v3;
	[tilespmem:s11+$0x840] =	vst v0;
	v0 =	vimm.s32 $0x9  }
0x1e5: {  	[tilespmem:s11+$0x800] =	vst v9;
	v2 =	vadd.f32 v5, v2;
	v0 =	vperm.xlane v57, v0;
	v5 =	vmul.f32 v1, v20  }
0x1e6: {  	[tilespmem:s11+$0x830] =	vst v4;
	v4 =	vadd.f32 v59, v49;
	v7 =	vmul.f32 v1, v21;
	v9 =	vmul.f32 v1, v22  }
0x1e7: {  	v10 =	vadd.f32 v52, v18;
	[tilespmem:s11+$0x850] =	vst v6;
	v1 =	vmul.f32 v1, v23;
	v0 =	vcvt.s32.f32 v0  }
0x1e8: {  	[tilespmem:s11+$0x860] =	vst v3;
	v3 =	vadd.f32 v4, v5;
	v5 =	vimm.s32 $0xA;
	v7 =	vadd.f32 v63, v7  }
0x1e9: {  	v6 =	vld [tilespmem:s11+$0x8940];
	[tilespmem:s11+$0x870] =	vst v2;
	v2 =	vadd.f32 v16, v49;
	v8 =	vadd.f32 v8, v9;
	v5 =	vperm.xlane v57, v5  }
0x1ea: {  	v4 =	vld [tilespmem:s11+$0x940];
	v1 =	vadd.f32 v58, v1;
	v9 =	vmul.f32 v0, v20;
	[tilespmem:s11+$0x890] =	vst v7;
	v7 =	vmul.f32 v0, v22  }
0x1eb: {  	[tilespmem:s11+$0x880] =	vst v3;
	v3 =	vcvt.s32.f32 v5;
	v5 =	vmul.f32 v0, v21  }
0x1ec: {  	[tilespmem:s11+$0x8B0] =	vst v1;
	v0 =	vmul.f32 v0, v23;
	v2 =	vadd.f32 v2, v9;
	v1 =	vadd.f32 v10, v7  }
0x1ed: {  	[tilespmem:s11+$0x8A0] =	vst v8;
	v7 =	vimm.s32 $0xB;
	v5 =	vadd.f32 v56, v5;
	v8 =	vmul.f32 v3, v20  }
0x1ee: {  	v0 =	vadd.f32 v62, v0;
	v7 =	vperm.xlane v57, v7;
	[tilespmem:s11+$0x8C0] =	vst v2;
	v2 =	vmul.f32 v3, v21  }
0x1ef: {  	v9 =	vmul.f32 v3, v22;
	v3 =	vmul.f32 v3, v23;
	v4 =	vadd.f32 v6, v4;
	[tilespmem:s11+$0x8E0] =	vst v1  }
0x1f0: {  	v8 =	vadd.f32 v53, v8;
	[tilespmem:s11+$0x8D0] =	vst v5;
	v5 =	vcvt.s32.f32 v7;
	v1 =	vadd.f32 v54, v2  }
0x1f1: {  	v2 =	vimm.s32 $0xC;
	v6 =	vadd.f32 v48, v9;
	[tilespmem:s11+$0x8F0] =	vst v0;
	v0 =	vadd.f32 v47, v3  }
0x1f2: {  	v3 =	vadd.f32 v4, v49;
	v2 =	vperm.xlane v57, v2;
	v4 =	vmul.f32 v5, v20;
	[tilespmem:s11+$0x900] =	vst v8  }
0x1f3: {  	v7 =	vadd.f32 v46, v17;
	v8 =	vmul.f32 v5, v21;
	[tilespmem:s11+$0x910] =	vst v1;
	v1 =	vadd.f32 v43, v18  }
0x1f4: {  	v9 =	vmul.f32 v5, v22;
	v2 =	vcvt.s32.f32 v2;
	v3 =	vadd.f32 v3, v4  }
0x1f5: {  	[tilespmem:s11+$0x920] =	vst v6;
	v4 =	vmul.f32 v5, v23;
	v5 =	vadd.f32 v7, v8  }
0x1f6: {  	v1 =	vadd.f32 v1, v9;
	v6 =	vmul.f32 v2, v20;
	[tilespmem:s11+$0x940] =	vst v3  }
0x1f7: {  	v3 =	vadd.f32 v45, v4;
	v4 =	vmul.f32 v2, v21;
	[tilespmem:s11+$0x950] =	vst v5  }
0x1f8: {  	[tilespmem:s11+$0x960] =	vst v1;
	v1 =	vmul.f32 v2, v23;
	v5 =	vadd.f32 v44, v6;
	v6 =	vmul.f32 v2, v22;
	v2 =	vld [tilespmem:$0x1FED0]  }
0x1f9: {  	v7 =	vld [tilespmem:$0x1FEE0];
	_ =	sdelay $0x3  }
0x1fa: {  	[tilespmem:s11+$0x930] =	vst v0;
	v0 =	vimm.s32 $0xD;
	v2 =	vadd.f32 v2, v4  }
0x1fb: {  	v0 =	vperm.xlane v57, v0;
	v6 =	vadd.f32 v7, v6;
	v7 =	vld [tilespmem:$0x1FEB0]  }
0x1fc: {  	[tilespmem:s11+$0x990] =	vst v2;
	v2 =	vld [tilespmem:$0x1FEC0]  }
0x1fd: {  	v0 =	vcvt.s32.f32 v0;
	_ =	sdelay $0x1  }
0x1fe: {  	v4 =	vmul.f32 v0, v20  }
0x1ff: {  	v1 =	vadd.f32 v7, v1  }
0x200: {  	v9 =	vld [tilespmem:$0x1FE60];
	[tilespmem:s11+$0x970] =	vst v3;
	v2 =	vadd.f32 v2, v4  }
0x201: {  	[tilespmem:s11+$0x9B0] =	vst v1;
	v1 =	vld [tilespmem:$0x1FEA0]  }
0x202: {  	v3 =	vimm.s32 $0xE;
	[tilespmem:s11+$0x9C0] =	vst v2;
	v2 =	vld [tilespmem:$0x1FE50]  }
0x203: {  	v3 =	vperm.xlane v57, v3;
	[tilespmem:s11+$0x980] =	vst v5;
	v5 =	vmul.f32 v0, v21  }
0x204: {  	v7 =	vmul.f32 v0, v22;
	v0 =	vmul.f32 v0, v23  }
0x205: {  	v32 =	vadd.f32 v32, v49;
	v3 =	vcvt.s32.f32 v3;
	v4 =	vadd.f32 v42, v5  }
0x206: {  	v9 =	vadd.f32 v9, v18;
	v0 =	vadd.f32 v1, v0;
	v1 =	vld [tilespmem:$0x1FE70]  }
0x207: {  	v38 =	vld [tilespmem:s11+$0x780];
	v8 =	vmul.f32 v3, v21;
	[tilespmem:s11+$0x9D0] =	vst v4;
	v4 =	vmul.f32 v3, v22;
	v2 =	vadd.f32 v2, v17  }
0x208: {  	v32 =	vadd.f32 v32, v36;
	v36 =	vld [tilespmem:s11+$0x8780];
	[tilespmem:s11+$0x9A0] =	vst v6  }
0x209: {  	v6 =	vimm.s32 $0xF;
	[tilespmem:s11+$0x9F0] =	vst v0;
	v0 =	vadd.f32 v9, v4;
	v4 =	vld [tilespmem:$0x1FE40];
	v2 =	vadd.f32 v2, v8  }
0x20a: {  	v6 =	vperm.xlane v57, v6  }
0x20b: {  	v5 =	vadd.f32 v51, v7;
	v7 =	vmul.f32 v3, v20;
	v1 =	vadd.f32 v1, v49;
	[tilespmem:s11+$0xA10] =	vst v2;
	v2 =	vld [tilespmem:$0x1FE30]  }
0x20c: {  	v6 =	vcvt.s32.f32 v6  }
0x20d: {  	v31 =	vadd.f32 v36, v38;
	v3 =	vmul.f32 v3, v23;
	v1 =	vadd.f32 v1, v7  }
0x20e: {  	[tilespmem:s11+$0x9E0] =	vst v5;
	v5 =	vmul.f32 v6, v20;
	v4 =	vadd.f32 v4, v49  }
0x20f: {  	v28 =	vadd.f32 v31, v49;
	v29 =	vmul.f32 v27, v20;
	[tilespmem:s11+$0xA00] =	vst v1;
	v1 =	vadd.f32 v50, v3  }
0x210: {  	v7 =	vmul.f32 v6, v22;
	v4 =	vadd.f32 v4, v5;
	v5 =	vld [tilespmem:$0x1FE90];
	v2 =	vadd.f32 v2, v18  }
0x211: {  	[tilespmem:s11+$0x690] =	vst v37  }
0x212: {  	v28 =	vadd.f32 v28, v29;
	[tilespmem:s11+$0xA30] =	vst v1;
	v1 =	vadd.f32 v2, v7;
	v2 =	vld [tilespmem:$0x1FE80]  }
0x213: {  	[tilespmem:s11+$0x6C0] =	vst v32;
	v3 =	vmul.f32 v6, v21  }
0x214: {  	[tilespmem:s11+$0x780] =	vst v28  }
0x215: {  	[tilespmem:s11+$0xA20] =	vst v0;
	v0 =	vmul.f32 v6, v23;
	v3 =	vadd.f32 v5, v3  }
0x216: {  	s12 =	sshll.u32 s20, $0xF;
	[tilespmem:s11+$0xA40] =	vst v4  }
0x217: {  	s12 =	sadd.s32 s14, s12;
	[tilespmem:s11+$0xA50] =	vst v3;
	v0 =	vadd.f32 v2, v0  }
0x218: {  	p0 =	seq.s32 s20, $0x31;
	s12 =	sshrl.u32 s12, $0x3;
	[tilespmem:s11+$0xA60] =	vst v1  }
0x219: {  	s26 =	sadd.s32 s2, s12;
	[tilespmem:s11+$0xA70] =	vst v0;
	s11 =	sshll.u32 @!p0 s20, $0x9  }
0x21a: {  	[hbm4b:s26+s3] =	stream.linear.scatter [tilespmem:s22], [sflag:$0x3], $0x4000, $0x38;
	[tilespmem:$0x10680] =	vst v63  }
0x21b: {  	s11 =	sadd.s32 @!p0 s11, s15;
	_ =	swait.ge [sflag:s18], $0x4000  }
0x21c: {  	s11 =	sshrl.u32 @!p0 s11, $0x3;
	[sflag:s18] =	ssyncset.done $0x0  }
0x21d: {  	s13 =	simm.s32 @!p0 $0x0;
	s12 =	sadd.s32 @!p0 s4, s11;
	[sflag:s18] =	ssyncadd.s32 $0xFFFFC000  }
0x21e: {  	[tilespmem:s13], [sflag:$0x3] =	stream.linear.gather @!p0 [hbm4b:s12+s13], $0x100, $0x38;
	[tilespmem:$0x10680] =	vst v63  }
0x21f: {  	s12 =	simm.s32 @!p0 $0x3  }
0x220: {  	_ =	swait.ge @!p0 [sflag:s12], $0x100  }
0x221: {  	[sflag:s12] =	ssyncset.done @!p0 $0x0  }
0x222: {  	s26 =	simm.s32 @!p0 $0x200;
	s16 =	sadd.s32 @!p0 s5, s11;
	[sflag:s12] =	ssyncadd.s32 @!p0 $0xFFFFFF00  }
0x223: {  	[tilespmem:s26], [sflag:$0x3] =	stream.linear.gather @!p0 [hbm4b:s16+s13], $0x100, $0x38;
	[tilespmem:$0x10680] =	vst v63  }
0x224: {  	_ =	swait.ge @!p0 [sflag:s12], $0x100  }
0x225: {  	[sflag:s12] =	ssyncset.done @!p0 $0x0  }
0x226: {  	s11 =	sadd.s32 @!p0 s7, s11;
	s16 =	simm.s32 @!p0 $0x400;
	[sflag:s12] =	ssyncadd.s32 @!p0 $0xFFFFFF00  }
0x227: {  	[tilespmem:s16], [sflag:$0x3] =	stream.linear.gather @!p0 [hbm4b:s11+s13], $0x100, $0x38;
	[tilespmem:$0x10680] =	vst v63  }
0x228: {  	_ =	swait.ge @!p0 [sflag:s12], $0x100  }
0x229: {  	[sflag:s12] =	ssyncset.done @!p0 $0x0  }
0x22a: {  	s11 =	simm.s32 @!p0 $0x80;
	[sflag:s12] =	ssyncadd.s32 @!p0 $0xFFFFFF00;
	s12 =	simm.s32 @!p0 $0x680  }
0x22b: {  	[tilespmem:s12], [sflag:$0x1] =	stream.indirect.gather @!p0 [hbm4b:s8+s11], $0x40, s13, s11, $0xb8;
	[tilespmem:$0x10680] =	vst v63  }
0x22c: {  	s12 =	simm.s32 @!p0 $0x8680  }
0x22d: {  	[tilespmem:s12], [sflag:$0x1] =	stream.indirect.gather @!p0 [hbm4b:s10+s11], $0x40, s16, s11, $0xb8;
	[tilespmem:$0x10680] =	vst v63  }
0x22e: {  	s12 =	simm.s32 @!p0 $0x2680  }
0x22f: {  	[tilespmem:s12], [sflag:$0x1] =	stream.indirect.gather @!p0 [hbm4b:s8+s11], $0x40, s11, s11, $0xb8;
	[tilespmem:$0x10680] =	vst v63  }
0x230: {  	s13 =	simm.s32 @!p0 $0xA680;
	s12 =	simm.s32 @!p0 $0x480  }
0x231: {  	[tilespmem:s13], [sflag:$0x1] =	stream.indirect.gather @!p0 [hbm4b:s10+s11], $0x40, s12, s11, $0xb8;
	[tilespmem:$0x10680] =	vst v63  }
0x232: {  	_ =	swait.ge [sflag:s25], $0x2000  }
0x233: {  	[sflag:s25] =	ssyncset.done $0x0  }
0x234: {  	[sflag:s25] =	ssyncadd.s32 $0xFFFFE000  }
0x235: {  	_ =	swait.ge [sflag:s25], $0x2000  }
0x236: {  	[sflag:s25] =	ssyncset.done $0x0  }
0x237: {  	[sflag:s25] =	ssyncadd.s32 $0xFFFFE000  }
0x238: {  	_ =	swait.ge [sflag:s25], $0x2000  }
0x239: {  	[sflag:s25] =	ssyncset.done $0x0  }
0x23a: {  	[sflag:s25] =	ssyncadd.s32 $0xFFFFE000  }
0x23b: {  	_ =	swait.ge [sflag:s25], $0x2000  }
0x23c: {  	[sflag:s25] =	ssyncset.done $0x0  }
0x23d: {  	s11 =	simm.s32 $0x0;
	[sflag:s25] =	ssyncadd.s32 $0xFFFFE000  }
0x23e: {  	v0 =	vld [tilespmem:s11+$0xC680]  }
0x23f: {  	v62 =	vld [tilespmem:s11+$0xC7F0]  }
0x240: {  	v25 =	vld [tilespmem:s11+$0xC810]  }
0x241: {  	v26 =	vld [tilespmem:s11+$0xC830]  }
0x242: {  	v27 =	vld [tilespmem:s11+$0xC840]  }
0x243: {  	[tilespmem:$0x1FAD0] =	vst v0;
	v0 =	vld [tilespmem:s11+$0xC690]  }
0x244: {  	v28 =	vld [tilespmem:s11+$0xC850]  }
0x245: {  	v29 =	vld [tilespmem:s11+$0xC860]  }
0x246: {  	v30 =	vld [tilespmem:s11+$0xC870]  }
0x247: {  	v31 =	vld [tilespmem:s11+$0xC880]  }
0x248: {  	[tilespmem:$0x1FAE0] =	vst v0;
	v0 =	vld [tilespmem:s11+$0xC6B0]  }
0x249: {  	v24 =	vld [tilespmem:s11+$0xC890]  }
0x24a: {  	v32 =	vld [tilespmem:s11+$0xC8A0]  }
0x24b: {  	v33 =	vld [tilespmem:s11+$0xC8B0]  }
0x24c: {  	v34 =	vld [tilespmem:s11+$0xC8C0]  }
0x24d: {  	[tilespmem:$0x1FAF0] =	vst v0;
	v0 =	vld [tilespmem:s11+$0xC6C0]  }
0x24e: {  	v35 =	vld [tilespmem:s11+$0xC8D0]  }
0x24f: {  	v37 =	vld [tilespmem:s11+$0xC8E0]  }
0x250: {  	v39 =	vld [tilespmem:s11+$0xC8F0]  }
0x251: {  	v40 =	vld [tilespmem:s11+$0xC900]  }
0x252: {  	[tilespmem:$0x1FB00] =	vst v0;
	v0 =	vld [tilespmem:s11+$0xC6F0]  }
0x253: {  	v41 =	vld [tilespmem:s11+$0xC910]  }
0x254: {  	v42 =	vld [tilespmem:s11+$0xC920]  }
0x255: {  	v43 =	vld [tilespmem:s11+$0xC930]  }
0x256: {  	v44 =	vld [tilespmem:s11+$0xC950]  }
0x257: {  	[tilespmem:$0x1FCD0] =	vst v0;
	v0 =	vld [tilespmem:s11+$0xC700]  }
0x258: {  	v45 =	vld [tilespmem:s11+$0xC960]  }
0x259: {  	v46 =	vld [tilespmem:s11+$0xC970]  }
0x25a: {  	v47 =	vld [tilespmem:s11+$0xC980]  }
0x25b: {  	v48 =	vld [tilespmem:s11+$0xC990]  }
0x25c: {  	[tilespmem:$0x1FCE0] =	vst v0;
	v0 =	vld [tilespmem:s11+$0xC710]  }
0x25d: {  	v54 =	vld [tilespmem:s11+$0xC9A0]  }
0x25e: {  	v50 =	vld [tilespmem:s11+$0xC9B0]  }
0x25f: {  	v51 =	vld [tilespmem:s11+$0xC9C0]  }
0x260: {  	v52 =	vld [tilespmem:s11+$0xC9D0]  }
0x261: {  	[tilespmem:$0x1FCB0] =	vst v0;
	v0 =	vld [tilespmem:s11+$0xC730]  }
0x262: {  	v53 =	vld [tilespmem:s11+$0xC9E0]  }
0x263: {  	v38 =	vld [tilespmem:s11+$0xC9F0]  }
0x264: {  	v55 =	vld [tilespmem:s11+$0xCA00]  }
0x265: {  	v56 =	vld [tilespmem:s11+$0xCA10]  }
0x266: {  	[tilespmem:$0x1FC80] =	vst v0;
	v0 =	vld [tilespmem:s11+$0xC740]  }
0x267: {  	v57 =	vld [tilespmem:s11+$0xCA20]  }
0x268: {  	v58 =	vld [tilespmem:s11+$0xCA30]  }
0x269: {  	v60 =	vld [tilespmem:s11+$0xCA40]  }
0x26a: {  	v61 =	vld [tilespmem:s11+$0xCA50]  }
0x26b: {  	[tilespmem:$0x1FC90] =	vst v0;
	v0 =	vld [tilespmem:s11+$0xC750]  }
0x26c: {  	v36 =	vld [tilespmem:s11+$0xCA60]  }
0x26d: {  	v59 =	vld [tilespmem:s11+$0xCA70]  }
0x26e: {  	v2 =	vld [tilespmem:s11+$0x4A70]  }
0x26f: {  	v6 =	vld [tilespmem:s11+$0x4A60]  }
0x270: {  	[tilespmem:$0x1FC60] =	vst v0;
	v0 =	vld [tilespmem:s11+$0xC760]  }
0x271: {  	v1 =	vld [tilespmem:s11+$0x4A50]  }
0x272: {  	v5 =	vld [tilespmem:s11+$0x4A40]  }
0x273: {  	v10 =	vld [tilespmem:s11+$0x4A20]  }
0x274: {  	v4 =	vld [tilespmem:s11+$0x4A10]  }
0x275: {  	[tilespmem:$0x1FC70] =	vst v0;
	v0 =	vld [tilespmem:s11+$0xC770]  }
0x276: {  	v8 =	vld [tilespmem:s11+$0x4A00]  }
0x277: {  	v3 =	vld [tilespmem:s11+$0x49F0]  }
0x278: {  	v11 =	vld [tilespmem:s11+$0x49E0]  }
0x279: {  	v7 =	vld [tilespmem:s11+$0x49D0]  }
0x27a: {  	[tilespmem:$0x1FC30] =	vst v0;
	v0 =	vld [tilespmem:s11+$0xC790]  }
0x27b: {  	v13 =	vld [tilespmem:s11+$0x49C0]  }
0x27c: {  	v9 =	vld [tilespmem:s11+$0x49B0]  }
0x27d: {  	v15 =	vld [tilespmem:s11+$0x49A0]  }
0x27e: {  	v12 =	vld [tilespmem:s11+$0x4990]  }
0x27f: {  	[tilespmem:$0x1FC50] =	vst v0;
	v0 =	vld [tilespmem:s11+$0xC7A0]  }
0x280: {  	v16 =	vld [tilespmem:s11+$0x4980]  }
0x281: {  	v14 =	vld [tilespmem:s11+$0x4970]  }
0x282: {  	v63 =	vld [tilespmem:s11+$0x4960]  }
0x283: {  	v1 =	vadd.f32 v61, v1;
	v61 =	vld [tilespmem:s11+$0x4950]  }
0x284: {  	[tilespmem:$0x1FC40] =	vst v0;
	v0 =	vld [tilespmem:s11+$0xC7B0]  }
0x285: {  	v4 =	vadd.f32 v56, v4;
	v56 =	vld [tilespmem:s11+$0x48E0]  }
0x286: {  	v47 =	vadd.f32 v47, v16;
	v16 =	vld [tilespmem:s11+$0x48D0]  }
0x287: {  	v2 =	vadd.f32 v59, v2;
	v59 =	vld [tilespmem:s11+$0x48C0]  }
0x288: {  	v5 =	vadd.f32 v60, v5;
	v60 =	vld [tilespmem:s11+$0x48B0]  }
0x289: {  	[tilespmem:$0x1FC20] =	vst v0;
	v0 =	vld [tilespmem:s11+$0xC7C0]  }
0x28a: {  	v6 =	vadd.f32 v36, v6;
	v36 =	vld [tilespmem:s11+$0x4860]  }
0x28b: {  	[tilespmem:$0x1FB20] =	vst v5;
	v5 =	vld [tilespmem:s11+$0x4930]  }
0x28c: {  	[tilespmem:$0x1FB30] =	vst v4;
	v4 =	vld [tilespmem:s11+$0x4920]  }
0x28d: {  	v9 =	vadd.f32 v50, v9;
	[tilespmem:$0x1FB10] =	vst v6;
	v6 =	vadd.f32 v57, v10;
	v10 =	vld [tilespmem:s11+$0x4900]  }
0x28e: {  	v57 =	vadd.f32 v45, v63;
	[tilespmem:$0x1FC10] =	vst v0;
	v0 =	vld [tilespmem:s11+$0xC7D0]  }
0x28f: {  	v63 =	vld [tilespmem:s11+$0x4880];
	v9 =	vadd.f32 v9, v19;
	[tilespmem:$0x1FB40] =	vst v6;
	v6 =	vadd.f32 v55, v8  }
0x290: {  	v8 =	vadd.f32 v53, v11;
	v11 =	vadd.f32 v51, v13;
	v13 =	vld [tilespmem:s11+$0x48F0]  }
0x291: {  	[tilespmem:$0x1FBB0] =	vst v9;
	v9 =	vld [tilespmem:s11+$0x4830]  }
0x292: {  	v14 =	vadd.f32 v46, v14;
	v46 =	vadd.f32 v44, v61;
	v61 =	vld [tilespmem:s11+$0x4890]  }
0x293: {  	v7 =	vadd.f32 v52, v7;
	v12 =	vadd.f32 v48, v12;
	[tilespmem:$0x1FC00] =	vst v0;
	v0 =	vld [tilespmem:s11+$0xC7E0]  }
0x294: {  	v15 =	vadd.f32 v54, v15;
	v1 =	vadd.f32 v1, v17;
	[tilespmem:$0x1FB50] =	vst v6;
	v6 =	vld [tilespmem:s11+$0x4910]  }
0x295: {  	v7 =	vadd.f32 v7, v17;
	v52 =	vadd.f32 v8, v18;
	v8 =	vld [tilespmem:s11+$0x4840]  }
0x296: {  	[tilespmem:$0x1FB80] =	vst v1;
	v4 =	vadd.f32 v42, v4;
	v42 =	vadd.f32 v15, v18;
	v15 =	vld [tilespmem:s11+$0x4800]  }
0x297: {  	v2 =	vadd.f32 v2, v19;
	[tilespmem:$0x1FBA0] =	vst v7;
	v7 =	vadd.f32 v24, v61;
	v24 =	vld [tilespmem:s11+$0x4850]  }
0x298: {  	v1 =	vadd.f32 v35, v16;
	v5 =	vadd.f32 v43, v5;
	[tilespmem:$0x1FBE0] =	vst v0;
	v0 =	vld [tilespmem:s11+$0xC800]  }
0x299: {  	v43 =	vadd.f32 v12, v17;
	v12 =	vadd.f32 v29, v36;
	v29 =	vld [tilespmem:s11+$0x4750]  }
0x29a: {  	v16 =	vadd.f32 v34, v59;
	v59 =	vadd.f32 v31, v63;
	v31 =	vld [tilespmem:s11+$0xC720]  }
0x29b: {  	[tilespmem:$0x1FB70] =	vst v2;
	v2 =	vadd.f32 v39, v13;
	v13 =	vld [tilespmem:s11+$0x48A0]  }
0x29c: {  	v11 =	vadd.f32 v11, v49;
	v28 =	vadd.f32 v28, v24;
	v24 =	vld [tilespmem:s11+$0x47F0]  }
0x29d: {  	v3 =	vadd.f32 v38, v3;
	[tilespmem:$0x1FBF0] =	vst v0;
	v0 =	vld [tilespmem:s11+$0xC820]  }
0x29e: {  	v10 =	vadd.f32 v40, v10;
	[tilespmem:$0x1FBC0] =	vst v11;
	v11 =	vld [tilespmem:s11+$0x4820]  }
0x29f: {  	v3 =	vadd.f32 v3, v19;
	v27 =	vadd.f32 v27, v8;
	v8 =	vld [tilespmem:s11+$0x47E0]  }
0x2a0: {  	v53 =	vadd.f32 v10, v49;
	v55 =	vadd.f32 v32, v13;
	v13 =	vld [tilespmem:s11+$0x4810]  }
0x2a1: {  	[tilespmem:$0x1FB90] =	vst v3;
	v10 =	vadd.f32 v62, v24;
	v62 =	vadd.f32 v2, v19;
	v2 =	vld [tilespmem:$0x1FBE0]  }
0x2a2: {  	v3 =	vadd.f32 v33, v60;
	[tilespmem:$0x1FBD0] =	vst v0;
	v0 =	vld [tilespmem:s11+$0x4A30]  }
0x2a3: {  	v44 =	vadd.f32 v47, v49;
	v47 =	vadd.f32 v5, v19;
	v5 =	vld [tilespmem:s11+$0x47D0]  }
0x2a4: {  	v63 =	vadd.f32 v7, v17;
	v7 =	vadd.f32 v12, v18;
	v12 =	vld [tilespmem:s11+$0x4730]  }
0x2a5: {  	v48 =	vadd.f32 v4, v18;
	v4 =	vadd.f32 v25, v13;
	v13 =	vld [tilespmem:s11+$0x47C0]  }
0x2a6: {  	v25 =	vadd.f32 v2, v8;
	v2 =	vld [tilespmem:s11+$0x4770]  }
0x2a7: {  	v0 =	vadd.f32 v58, v0;
	v58 =	vadd.f32 v3, v19;
	v3 =	vld [tilespmem:$0x1FC00]  }
0x2a8: {  	[tilespmem:$0x1FB60] =	vst v57;
	v57 =	vadd.f32 v1, v17;
	v1 =	vld [tilespmem:$0x1FBF0]  }
0x2a9: {  	v6 =	vadd.f32 v41, v6;
	v8 =	vld [tilespmem:$0x1FC30]  }
0x2aa: {  	v50 =	vadd.f32 v0, v19;
	v0 =	vld [tilespmem:s11+$0x4870]  }
0x2ab: {  	v9 =	vadd.f32 v26, v9;
	v54 =	vadd.f32 v6, v17;
	v6 =	vld [tilespmem:$0x1FBD0]  }
0x2ac: {  	v3 =	vadd.f32 v3, v5;
	v5 =	vld [tilespmem:$0x1FC10]  }
0x2ad: {  	v60 =	vadd.f32 v9, v19;
	v9 =	vld [tilespmem:$0x1FC80]  }
0x2ae: {  	v51 =	vadd.f32 v37, v56;
	v24 =	vadd.f32 v1, v15;
	v1 =	vld [tilespmem:s11+$0x4790]  }
0x2af: {  	v37 =	vadd.f32 v8, v2;
	v8 =	vld [tilespmem:$0x1FC50];
	v0 =	vadd.f32 v30, v0  }
0x2b0: {  	v45 =	vadd.f32 v14, v19;
	v14 =	vadd.f32 v6, v11;
	v6 =	vld [tilespmem:s11+$0x47B0]  }
0x2b1: {  	v26 =	vadd.f32 v5, v13;
	v5 =	vadd.f32 v0, v19;
	v0 =	vld [tilespmem:$0x1FC20]  }
0x2b2: {  	v38 =	vadd.f32 v9, v12;
	v9 =	vld [tilespmem:$0x1FC90]  }
0x2b3: {  	v15 =	vld [tilespmem:s11+$0x4760]  }
0x2b4: {  	v2 =	vld [tilespmem:$0x1FC40]  }
0x2b5: {  	v8 =	vadd.f32 v8, v1;
	v1 =	vld [tilespmem:$0x1FC60]  }
0x2b6: {  	v6 =	vadd.f32 v0, v6;
	v0 =	vld [tilespmem:s11+$0x4740]  }
0x2b7: {  	v11 =	vld [tilespmem:s11+$0x47A0]  }
0x2b8: {  	v30 =	vld [tilespmem:s11+$0x4710]  }
0x2b9: {  	v12 =	vadd.f32 v3, v17;
	v3 =	vld [tilespmem:$0x1FCD0];
	v13 =	vadd.f32 v27, v49  }
0x2ba: {  	v27 =	vadd.f32 v1, v29;
	v1 =	vadd.f32 v4, v17;
	v4 =	vld [tilespmem:$0x1FC70]  }
0x2bb: {  	v40 =	vadd.f32 v9, v0;
	v9 =	vld [tilespmem:$0x1FCB0]  }
0x2bc: {  	v29 =	vld [tilespmem:s11+$0x46F0]  }
0x2bd: {  	v39 =	vld [tilespmem:s11+$0x4700]  }
0x2be: {  	v2 =	vadd.f32 v2, v11;
	v11 =	vadd.f32 v28, v17;
	v28 =	vld [tilespmem:s11+$0x4720]  }
0x2bf: {  	v0 =	vld [tilespmem:s11+$0xC6D0]  }
0x2c0: {  	v61 =	vadd.f32 v37, v19;
	v41 =	vadd.f32 v9, v30;
	v9 =	vld [tilespmem:s11+$0xC6E0]  }
0x2c1: {  	v4 =	vadd.f32 v4, v15;
	v29 =	vadd.f32 v3, v29;
	v3 =	vld [tilespmem:$0x1FCE0]  }
0x2c2: {  	v34 =	vld [tilespmem:s11+$0x46B0];
	v15 =	vadd.f32 v25, v18;
	v25 =	vadd.f32 v38, v19  }
0x2c3: {  	v33 =	vld [tilespmem:s11+$0xC6A0];
	v4 =	vadd.f32 v4, v18;
	v29 =	vadd.f32 v29, v19  }
0x2c4: {  	s12 =	simm.s32 $0x300;
	v35 =	vld [tilespmem:s11+$0x46A0];
	[tilespmem:$0x1FCA0] =	vst v0;
	v0 =	vadd.f32 v10, v19;
	v10 =	vadd.f32 v6, v19  }
0x2c5: {  	v56 =	vld [tilespmem:s12+$0x0];
	v6 =	vadd.f32 v27, v17;
	[tilespmem:$0x1FCC0] =	vst v9;
	v9 =	vadd.f32 v26, v49  }
0x2c6: {  	v32 =	vld [tilespmem:s11+$0x46C0];
	v26 =	vadd.f32 v31, v28;
	v28 =	vadd.f32 v3, v39  }
0x2c7: {  	v30 =	vld [tilespmem:s11+$0x46E0];
	v27 =	vadd.f32 v41, v17;
	v3 =	vadd.f32 v40, v49  }
0x2c8: {  	s13 =	simm.s32 $0x1000;
	v31 =	vld [tilespmem:s11+$0x46D0];
	v26 =	vadd.f32 v26, v18;
	v28 =	vadd.f32 v28, v49  }
.LBB2_5:
0x2c9: {  	v40 =	vld [tilespmem:$0x1FCC0];
	_ =	sdelay $0x1  }
0x2ca: {  	[tilespmem:$0x1F9E0] =	vst v50;
	v50 =	vld [tilespmem:s11+$0x4680]  }
0x2cb: {  	v39 =	vld [tilespmem:$0x1FAD0];
	_ =	sdelay $0x1  }
0x2cc: {  	v30 =	vadd.f32 v40, v30;
	v40 =	vimm.s32 $0x0  }
0x2cd: {  	v38 =	vperm.xlane v56, v40;
	_ =	sdelay $0x1  }
0x2ce: {  	v50 =	vadd.f32 v39, v50;
	v38 =	vcvt.s32.f32 v38  }
0x2cf: {  	[tilespmem:$0x1F9D0] =	vst v52;
	v52 =	vld [tilespmem:$0x1FB00]  }
0x2d0: {  	v36 =	vld [tilespmem:s11+$0x4690];
	v50 =	vadd.f32 v50, v49;
	v39 =	vmul.f32 v38, v20  }
0x2d1: {  	v37 =	vld [tilespmem:$0x1FCA0];
	s16 =	sshra.s32 s13, $0x2  }
0x2d2: {  	v39 =	vadd.f32 v50, v39;
	v50 =	vld [tilespmem:s16+$0xC680]  }
0x2d3: {  	v41 =	vld [tilespmem:$0x1FAF0]  }
0x2d4: {  	v32 =	vadd.f32 v52, v32;
	v52 =	vld [tilespmem:$0x1FAE0];
	_ =	sdelay $0x2  }
0x2d5: {  	[tilespmem:$0x1FAD0] =	vst v50;
	v50 =	vld [tilespmem:s16+$0xC690]  }
0x2d6: {  	v33 =	vadd.f32 v33, v35;
	v31 =	vadd.f32 v37, v31  }
0x2d7: {  	v34 =	vadd.f32 v41, v34;
	v41 =	vimm.s32 $0x1;
	v36 =	vadd.f32 v52, v36  }
0x2d8: {  	v35 =	vperm.xlane v56, v41;
	v40 =	vimm.s32 $0x2;
	v41 =	vimm.s32 $0x3  }
0x2d9: {  	v52 =	vperm.xlane v56, v40;
	v40 =	vmul.f32 v38, v21;
	v36 =	vadd.f32 v36, v17;
	[tilespmem:s11+$0x4680] =	vst v39  }
0x2da: {  	v33 =	vadd.f32 v33, v18;
	v37 =	vperm.xlane v56, v41;
	v41 =	vmul.f32 v38, v22;
	[tilespmem:$0x1FAE0] =	vst v50;
	v50 =	vld [tilespmem:s16+$0xC6B0]  }
0x2db: {  	v34 =	vadd.f32 v34, v19;
	v36 =	vadd.f32 v36, v40  }
0x2dc: {  	v35 =	vcvt.s32.f32 v35;
	v38 =	vmul.f32 v38, v23;
	v33 =	vadd.f32 v33, v41  }
0x2dd: {  	v52 =	vcvt.s32.f32 v52;
	[tilespmem:s11+$0x4690] =	vst v36  }
0x2de: {  	v32 =	vadd.f32 v32, v49;
	v34 =	vadd.f32 v34, v38;
	v40 =	vmul.f32 v35, v20;
	[tilespmem:s11+$0x46A0] =	vst v33  }
0x2df: {  	v31 =	vadd.f32 v31, v17;
	[tilespmem:$0x1FAF0] =	vst v50;
	v50 =	vmul.f32 v52, v20  }
0x2e0: {  	v38 =	vmul.f32 v35, v21;
	v41 =	vmul.f32 v52, v22;
	v32 =	vadd.f32 v32, v40;
	[tilespmem:s11+$0x46B0] =	vst v34  }
0x2e1: {  	v40 =	vmul.f32 v52, v21;
	v28 =	vadd.f32 v28, v50;
	v50 =	vmul.f32 v52, v23;
	v52 =	vld [tilespmem:s16+$0xC6C0]  }
0x2e2: {  	v30 =	vadd.f32 v30, v18;
	[tilespmem:s11+$0x46C0] =	vst v32  }
0x2e3: {  	v31 =	vadd.f32 v31, v38;
	v39 =	vmul.f32 v35, v22;
	v26 =	vadd.f32 v26, v41;
	v41 =	vld [tilespmem:s16+$0xC6D0]  }
0x2e4: {  	v35 =	vmul.f32 v35, v23  }
0x2e5: {  	v37 =	vcvt.s32.f32 v37;
	v30 =	vadd.f32 v30, v39;
	[tilespmem:s11+$0x46D0] =	vst v31  }
0x2e6: {  	v29 =	vadd.f32 v29, v35;
	[tilespmem:$0x1FB00] =	vst v52;
	v52 =	vld [tilespmem:s16+$0xC6E0]  }
0x2e7: {  	v27 =	vadd.f32 v27, v40;
	v40 =	vmul.f32 v37, v21;
	v31 =	vmul.f32 v37, v22;
	[tilespmem:s11+$0x46E0] =	vst v30  }
0x2e8: {  	v35 =	vld [tilespmem:s11+$0xC780];
	[tilespmem:$0x1FCA0] =	vst v41  }
0x2e9: {  	v6 =	vadd.f32 v6, v40;
	v40 =	vld [tilespmem:s16+$0xC6F0];
	[tilespmem:s11+$0x46F0] =	vst v29;
	v29 =	vadd.f32 v4, v31;
	v4 =	vimm.s32 $0x5  }
0x2ea: {  	v4 =	vperm.xlane v56, v4;
	v41 =	vld [tilespmem:s16+$0xC700];
	[tilespmem:s11+$0x4700] =	vst v28  }
0x2eb: {  	v36 =	vld [tilespmem:s11+$0x4780];
	v25 =	vadd.f32 v25, v50;
	v50 =	vmul.f32 v37, v23;
	[tilespmem:$0x1FCC0] =	vst v52  }
0x2ec: {  	v52 =	vld [tilespmem:s16+$0xC710];
	[tilespmem:s11+$0x4710] =	vst v27;
	v27 =	vcvt.s32.f32 v4;
	v4 =	vimm.s32 $0x7  }
0x2ed: {  	v30 =	vimm.s32 $0x4;
	v31 =	vadd.f32 v61, v50;
	v61 =	vperm.xlane v56, v4;
	v4 =	vld [tilespmem:s16+$0xC720]  }
0x2ee: {  	v30 =	vperm.xlane v56, v30  }
0x2ef: {  	v32 =	vmul.f32 v37, v20  }
0x2f0: {  	v28 =	vcvt.s32.f32 v30;
	v30 =	vadd.f32 v35, v36;
	[tilespmem:s11+$0x4720] =	vst v26  }
0x2f1: {  	v3 =	vadd.f32 v3, v32;
	v36 =	vld [tilespmem:s16+$0xC730];
	[tilespmem:s11+$0x4730] =	vst v25  }
0x2f2: {  	v26 =	vmul.f32 v28, v20;
	[tilespmem:$0x1FAA0] =	vst v4;
	v4 =	vadd.f32 v30, v49  }
0x2f3: {  	v37 =	vld [tilespmem:s16+$0xC740];
	[tilespmem:s11+$0x4740] =	vst v3  }
0x2f4: {  	v3 =	vadd.f32 v4, v26;
	v4 =	vld [tilespmem:s16+$0xC750];
	_ =	sdelay $0x3  }
0x2f5: {  	[tilespmem:s11+$0x4750] =	vst v6  }
0x2f6: {  	[tilespmem:$0x1FA50] =	vst v4;
	v4 =	vld [tilespmem:s16+$0xC760];
	_ =	sdelay $0x3  }
0x2f7: {  	[tilespmem:s11+$0x4760] =	vst v29  }
0x2f8: {  	[tilespmem:$0x1FA60] =	vst v4;
	v4 =	vld [tilespmem:s16+$0xC770]  }
0x2f9: {  	v8 =	vadd.f32 v8, v17  }
0x2fa: {  	v2 =	vadd.f32 v2, v18;
	v25 =	vmul.f32 v28, v22;
	v30 =	vmul.f32 v28, v21  }
0x2fb: {  	v28 =	vmul.f32 v28, v23  }
0x2fc: {  	v2 =	vadd.f32 v2, v25;
	v26 =	vadd.f32 v8, v30;
	[tilespmem:s11+$0x4770] =	vst v31  }
0x2fd: {  	v8 =	vmul.f32 v27, v20;
	v25 =	vadd.f32 v10, v28;
	v10 =	vmul.f32 v27, v21;
	[tilespmem:$0x1FA20] =	vst v4;
	v4 =	vld [tilespmem:s16+$0xC790]  }
0x2fe: {  	v29 =	vmul.f32 v27, v22;
	v27 =	vmul.f32 v27, v23;
	_ =	sdelay $0x1  }
0x2ff: {  	v27 =	vadd.f32 v0, v27;
	v0 =	vimm.s32 $0x8;
	[tilespmem:s11+$0x4780] =	vst v3  }
0x300: {  	v3 =	vadd.f32 v15, v29;
	v29 =	vperm.xlane v56, v0;
	v0 =	vld [tilespmem:s16+$0xC7A0];
	[tilespmem:s11+$0x4790] =	vst v26  }
0x301: {  	v50 =	vimm.s32 $0x6;
	[tilespmem:$0x1FA40] =	vst v4;
	v4 =	vld [tilespmem:s16+$0xC7B0]  }
0x302: {  	v32 =	vperm.xlane v56, v50;
	[tilespmem:$0x1FAB0] =	vst v40  }
0x303: {  	[tilespmem:$0x1FAC0] =	vst v41  }
0x304: {  	v31 =	vcvt.s32.f32 v32;
	[tilespmem:s11+$0x47A0] =	vst v2  }
0x305: {  	[tilespmem:$0x1FA30] =	vst v0  }
0x306: {  	v38 =	vcvt.s32.f32 v61;
	v0 =	vadd.f32 v24, v49;
	v24 =	vmul.f32 v31, v20;
	[tilespmem:$0x1FA10] =	vst v4  }
0x307: {  	v28 =	vadd.f32 v9, v8;
	v30 =	vadd.f32 v12, v10;
	v26 =	vmul.f32 v31, v21;
	v4 =	vld [tilespmem:s16+$0xC7C0];
	[tilespmem:s11+$0x47B0] =	vst v25  }
0x308: {  	[tilespmem:$0x1FA90] =	vst v52;
	v2 =	vadd.f32 v14, v18;
	v14 =	vmul.f32 v31, v22;
	v25 =	vadd.f32 v0, v24;
	v0 =	vld [tilespmem:s16+$0xC7D0]  }
0x309: {  	v26 =	vadd.f32 v1, v26;
	v1 =	vmul.f32 v38, v20;
	[tilespmem:s11+$0x47C0] =	vst v28  }
0x30a: {  	v31 =	vmul.f32 v31, v23;
	v2 =	vadd.f32 v2, v14;
	v14 =	vmul.f32 v38, v21;
	v24 =	vld [tilespmem:s16+$0xC7E0];
	[tilespmem:s11+$0x47D0] =	vst v30  }
0x30b: {  	v16 =	vadd.f32 v16, v49;
	v30 =	vadd.f32 v13, v1;
	v13 =	vmul.f32 v38, v22;
	v15 =	vld [tilespmem:s16+$0xC7F0];
	[tilespmem:s11+$0x47E0] =	vst v3  }
0x30c: {  	v28 =	vadd.f32 v60, v31;
	v3 =	vadd.f32 v11, v14;
	v11 =	vcvt.s32.f32 v29;
	v61 =	vld [tilespmem:s16+$0xC800];
	[tilespmem:s11+$0x47F0] =	vst v27  }
0x30d: {  	v31 =	vmul.f32 v38, v23;
	v27 =	vadd.f32 v7, v13;
	[tilespmem:$0x1F9F0] =	vst v0;
	v0 =	vimm.s32 $0x9  }
0x30e: {  	v13 =	vld [tilespmem:s16+$0xC810];
	[tilespmem:s11+$0x4800] =	vst v25;
	v25 =	vmul.f32 v11, v20;
	v29 =	vperm.xlane v56, v0;
	v0 =	vimm.s32 $0xA  }
0x30f: {  	v31 =	vadd.f32 v5, v31;
	v39 =	vmul.f32 v11, v21;
	v14 =	vld [tilespmem:s16+$0xC820];
	[tilespmem:s11+$0x4810] =	vst v26;
	v5 =	vperm.xlane v56, v0  }
0x310: {  	v7 =	vadd.f32 v59, v49;
	v40 =	vmul.f32 v11, v22;
	v12 =	vld [tilespmem:s16+$0xC830];
	[tilespmem:s11+$0x4820] =	vst v2;
	v29 =	vcvt.s32.f32 v29  }
0x311: {  	v41 =	vmul.f32 v11, v23;
	v26 =	vadd.f32 v55, v18;
	v11 =	vld [tilespmem:s16+$0xC840];
	[tilespmem:s11+$0x4830] =	vst v28;
	v28 =	vcvt.s32.f32 v5  }
0x312: {  	v2 =	vadd.f32 v7, v25;
	v10 =	vld [tilespmem:s16+$0xC850];
	[tilespmem:s11+$0x4840] =	vst v30;
	v30 =	vmul.f32 v29, v20;
	v50 =	vmul.f32 v29, v21  }
0x313: {  	v25 =	vadd.f32 v63, v39;
	[tilespmem:s11+$0x4850] =	vst v3;
	v52 =	vmul.f32 v29, v22;
	v29 =	vmul.f32 v29, v23  }
0x314: {  	v55 =	vld [tilespmem:s11+$0xC940];
	v32 =	vadd.f32 v58, v41;
	v26 =	vadd.f32 v26, v40;
	[tilespmem:s11+$0x4860] =	vst v27  }
0x315: {  	v0 =	vimm.s32 $0xB;
	v60 =	vld [tilespmem:s16+$0xC860];
	[tilespmem:s11+$0x4870] =	vst v31;
	v31 =	vadd.f32 v62, v29;
	v29 =	vmul.f32 v28, v21  }
0x316: {  	v9 =	vld [tilespmem:s16+$0xC870];
	[tilespmem:s11+$0x4880] =	vst v2;
	v59 =	vmul.f32 v28, v22;
	v27 =	vadd.f32 v16, v30;
	v16 =	vmul.f32 v28, v20  }
0x317: {  	v8 =	vld [tilespmem:s16+$0xC880];
	[tilespmem:s11+$0x4890] =	vst v25;
	v25 =	vadd.f32 v54, v29;
	v29 =	vperm.xlane v56, v0;
	v0 =	vimm.s32 $0xC  }
0x318: {  	v58 =	vld [tilespmem:s11+$0x4940];
	v28 =	vmul.f32 v28, v23;
	v62 =	vperm.xlane v56, v0;
	v0 =	vimm.s32 $0xD  }
0x319: {  	[tilespmem:$0x1FA70] =	vst v36;
	v34 =	vadd.f32 v53, v16;
	v16 =	vld [tilespmem:s16+$0xC890];
	v63 =	vperm.xlane v56, v0;
	v0 =	vimm.s32 $0xE  }
0x31a: {  	v3 =	vadd.f32 v51, v18;
	[tilespmem:s11+$0x48A0] =	vst v26;
	v39 =	vperm.xlane v56, v0;
	v0 =	vld [tilespmem:$0x1FB60]  }
0x31b: {  	v30 =	vadd.f32 v57, v50;
	v36 =	vadd.f32 v47, v28;
	v28 =	vld [tilespmem:s16+$0xC8A0];
	[tilespmem:s11+$0x48B0] =	vst v32  }
0x31c: {  	v57 =	vld [tilespmem:s16+$0xC8B0];
	[tilespmem:s11+$0x48C0] =	vst v27  }
0x31d: {  	v3 =	vadd.f32 v3, v52;
	v47 =	vcvt.s32.f32 v29;
	v29 =	vld [tilespmem:s16+$0xC8C0];
	[tilespmem:s11+$0x48D0] =	vst v30  }
0x31e: {  	v33 =	vadd.f32 v55, v58;
	v51 =	vld [tilespmem:s16+$0xC8D0]  }
0x31f: {  	[tilespmem:s11+$0x48E0] =	vst v3;
	v3 =	vadd.f32 v0, v18;
	v0 =	vld [tilespmem:$0x1FBB0]  }
0x320: {  	v54 =	vcvt.s32.f32 v62;
	v30 =	vadd.f32 v33, v49;
	v58 =	vmul.f32 v47, v20;
	_ =	sdelay $0x1  }
0x321: {  	v7 =	vld [tilespmem:s16+$0xC8E0];
	[tilespmem:s11+$0x48F0] =	vst v31;
	v30 =	vadd.f32 v30, v58;
	v58 =	vmul.f32 v54, v23  }
0x322: {  	v6 =	vld [tilespmem:s16+$0xC8F0]  }
0x323: {  	v26 =	vadd.f32 v48, v59;
	[tilespmem:s11+$0x4900] =	vst v34;
	v34 =	vadd.f32 v0, v58;
	v0 =	vld [tilespmem:$0x1FBC0]  }
0x324: {  	v55 =	vcvt.s32.f32 v63;
	v59 =	vmul.f32 v47, v21;
	v48 =	vld [tilespmem:s16+$0xC900];
	[tilespmem:s11+$0x4910] =	vst v25  }
0x325: {  	v62 =	vmul.f32 v47, v22;
	v32 =	vmul.f32 v47, v23;
	v47 =	vld [tilespmem:s16+$0xC910];
	[tilespmem:s11+$0x4920] =	vst v26  }
0x326: {  	v27 =	vadd.f32 v46, v17;
	v26 =	vmul.f32 v55, v20;
	v46 =	vld [tilespmem:s16+$0xC920];
	[tilespmem:s11+$0x4930] =	vst v36  }
0x327: {  	v5 =	vld [tilespmem:s16+$0xC930]  }
0x328: {  	[tilespmem:s11+$0x4940] =	vst v30;
	v30 =	vadd.f32 v0, v26;
	v0 =	vld [tilespmem:$0x1FBA0];
	_ =	sdelay $0x2  }
0x329: {  	v27 =	vadd.f32 v27, v59;
	v59 =	vmul.f32 v55, v21;
	_ =	sdelay $0x1  }
0x32a: {  	v40 =	vadd.f32 v0, v59;
	v0 =	vld [tilespmem:$0x1F9D0]  }
0x32b: {  	v25 =	vmul.f32 v54, v22;
	_ =	sdelay $0x1  }
0x32c: {  	v36 =	vadd.f32 v42, v25;
	v25 =	vmul.f32 v55, v22;
	_ =	sdelay $0x1  }
0x32d: {  	[tilespmem:$0x1FA80] =	vst v37;
	v53 =	vld [tilespmem:s16+$0xC950];
	v37 =	vadd.f32 v0, v25;
	v0 =	vimm.s32 $0xF  }
0x32e: {  	[tilespmem:s11+$0x4950] =	vst v27;
	v27 =	vcvt.s32.f32 v39;
	v39 =	vperm.xlane v56, v0;
	v0 =	vld [tilespmem:$0x1FB90];
	_ =	sdelay $0x2  }
0x32f: {  	v26 =	vmul.f32 v55, v23;
	_ =	sdelay $0x1  }
0x330: {  	v33 =	vadd.f32 v0, v26;
	v0 =	vld [tilespmem:$0x1FB30];
	_ =	sdelay $0x4  }
0x331: {  	v63 =	vadd.f32 v3, v62;
	v62 =	vadd.f32 v0, v17;
	v0 =	vld [tilespmem:$0x1FB50];
	_ =	sdelay $0x3  }
0x332: {  	v25 =	vld [tilespmem:s16+$0xC960]  }
0x333: {  	[tilespmem:s11+$0x4960] =	vst v63;
	v63 =	vadd.f32 v0, v49;
	v0 =	vld [tilespmem:$0x1FB40]  }
0x334: {  	v31 =	vmul.f32 v54, v20;
	v32 =	vadd.f32 v45, v32;
	_ =	sdelay $0x1  }
0x335: {  	v31 =	vadd.f32 v44, v31;
	v26 =	vld [tilespmem:s16+$0xC970];
	[tilespmem:s11+$0x4970] =	vst v32  }
0x336: {  	v3 =	vmul.f32 v54, v21;
	v41 =	vld [tilespmem:s16+$0xC980]  }
0x337: {  	[tilespmem:s11+$0x4980] =	vst v31;
	v31 =	vadd.f32 v0, v18;
	v0 =	vld [tilespmem:$0x1F9E0]  }
0x338: {  	v35 =	vadd.f32 v43, v3  }
0x339: {  	v38 =	vmul.f32 v27, v20;
	v50 =	vmul.f32 v27, v21  }
0x33a: {  	v58 =	vmul.f32 v27, v22;
	v59 =	vmul.f32 v27, v23;
	v27 =	vld [tilespmem:s16+$0xC990];
	[tilespmem:s11+$0x4990] =	vst v35  }
0x33b: {  	v42 =	vld [tilespmem:s16+$0xC9A0]  }
0x33c: {  	[tilespmem:s11+$0x49A0] =	vst v36;
	v36 =	vadd.f32 v0, v59;
	v0 =	vld [tilespmem:$0x1FB20];
	_ =	sdelay $0x4  }
0x33d: {  	v35 =	vadd.f32 v62, v50;
	v62 =	vadd.f32 v0, v49;
	v0 =	vld [tilespmem:$0x1FB10];
	_ =	sdelay $0x2  }
0x33e: {  	v43 =	vld [tilespmem:s16+$0xC9B0];
	[tilespmem:s11+$0x49B0] =	vst v34  }
0x33f: {  	v55 =	vld [tilespmem:s16+$0xC9C0]  }
0x340: {  	[tilespmem:s11+$0x49C0] =	vst v30;
	v30 =	vadd.f32 v0, v18;
	v0 =	vld [tilespmem:$0x1FB80]  }
0x341: {  	v39 =	vcvt.s32.f32 v39;
	_ =	sdelay $0x1  }
0x342: {  	v50 =	vmul.f32 v39, v21;
	_ =	sdelay $0x1  }
0x343: {  	v59 =	vadd.f32 v0, v50;
	v0 =	vld [tilespmem:$0x1FB70];
	_ =	sdelay $0x1  }
0x344: {  	v52 =	vmul.f32 v39, v22;
	v32 =	vadd.f32 v63, v38  }
0x345: {  	v63 =	vmul.f32 v39, v20;
	v39 =	vmul.f32 v39, v23;
	v31 =	vadd.f32 v31, v58;
	v58 =	vld [tilespmem:s16+$0xC9D0];
	[tilespmem:s11+$0x49D0] =	vst v40  }
0x346: {  	v44 =	vld [tilespmem:s16+$0xC9E0];
	[tilespmem:s11+$0x49E0] =	vst v37  }
0x347: {  	v34 =	vadd.f32 v62, v63;
	v62 =	vadd.f32 v0, v39;
	v39 =	vld [tilespmem:s16+$0xC9F0];
	[tilespmem:s11+$0x49F0] =	vst v33  }
0x348: {  	v33 =	vld [tilespmem:s16+$0xCA00];
	[tilespmem:s11+$0x4A00] =	vst v32  }
0x349: {  	v32 =	vld [tilespmem:s16+$0xCA10];
	[tilespmem:s11+$0x4A10] =	vst v35  }
0x34a: {  	v35 =	vld [tilespmem:s16+$0xCA20];
	[tilespmem:s11+$0x4A20] =	vst v31  }
0x34b: {  	v31 =	vld [tilespmem:s16+$0xCA30];
	[tilespmem:s11+$0x4A30] =	vst v36  }
0x34c: {  	v30 =	vadd.f32 v30, v52;
	v36 =	vld [tilespmem:s16+$0xCA40];
	[tilespmem:s11+$0x4A40] =	vst v34  }
0x34d: {  	v34 =	vld [tilespmem:s16+$0xCA50];
	[tilespmem:s11+$0x4A50] =	vst v59  }
0x34e: {  	v40 =	vld [tilespmem:s16+$0xCA60];
	[tilespmem:s11+$0x4A60] =	vst v30  }
0x34f: {  	v30 =	vld [tilespmem:s16+$0xCA70];
	[tilespmem:s11+$0x4A70] =	vst v62;
	s11 =	smov.u32 s16  }
0x350: {  	v37 =	vld [tilespmem:s11+$0x4A70]  }
0x351: {  	v45 =	vld [tilespmem:s11+$0x4A60]  }
0x352: {  	v56 =	vld [tilespmem:s11+$0x4A50]  }
0x353: {  	v63 =	vld [tilespmem:s11+$0x4A40]  }
0x354: {  	v0 =	vld [tilespmem:s11+$0x4A30]  }
0x355: {  	v38 =	vld [tilespmem:s11+$0x4A20]  }
0x356: {  	v1 =	vld [tilespmem:s11+$0x4A10]  }
0x357: {  	v2 =	vld [tilespmem:s11+$0x4A00]  }
0x358: {  	v50 =	vld [tilespmem:s11+$0x49F0]  }
0x359: {  	v59 =	vld [tilespmem:s11+$0x49D0]  }
0x35a: {  	v3 =	vld [tilespmem:s11+$0x49C0]  }
0x35b: {  	v62 =	vld [tilespmem:s11+$0x49B0]  }
0x35c: {  	[tilespmem:$0x1FA00] =	vst v4;
	v4 =	vld [tilespmem:s11+$0x49A0]  }
0x35d: {  	v54 =	vld [tilespmem:s11+$0x4980]  }
0x35e: {  	v30 =	vadd.f32 v30, v37;
	v37 =	vld [tilespmem:s11+$0x4990];
	v34 =	vadd.f32 v34, v56  }
0x35f: {  	v0 =	vadd.f32 v31, v0;
	v31 =	vadd.f32 v40, v45;
	v56 =	vld [tilespmem:s11+$0x4900]  }
0x360: {  	v45 =	vadd.f32 v58, v59;
	v59 =	vadd.f32 v43, v62;
	v62 =	vld [tilespmem:s11+$0x48F0]  }
0x361: {  	v2 =	vadd.f32 v33, v2;
	v3 =	vadd.f32 v55, v3;
	v33 =	vld [tilespmem:s11+$0x48C0]  }
0x362: {  	v36 =	vadd.f32 v36, v63;
	v63 =	vadd.f32 v39, v50;
	[tilespmem:$0x1FB10] =	vst v31;
	v31 =	vld [tilespmem:s11+$0x4960]  }
0x363: {  	v50 =	vadd.f32 v0, v19;
	v0 =	vld [tilespmem:s11+$0x4930];
	v3 =	vadd.f32 v3, v49  }
0x364: {  	v1 =	vadd.f32 v32, v1;
	v40 =	vadd.f32 v63, v19;
	v63 =	vld [tilespmem:s11+$0x48E0]  }
0x365: {  	[tilespmem:$0x1FBC0] =	vst v3;
	v3 =	vld [tilespmem:s11+$0x48D0]  }
0x366: {  	v4 =	vadd.f32 v42, v4;
	[tilespmem:$0x1FB30] =	vst v1;
	v58 =	vadd.f32 v59, v19;
	v59 =	vld [tilespmem:s11+$0x48B0]  }
0x367: {  	v1 =	vadd.f32 v35, v38;
	[tilespmem:$0x1FB50] =	vst v2;
	v2 =	vld [tilespmem:s11+$0x4910];
	v6 =	vadd.f32 v6, v62  }
0x368: {  	v0 =	vadd.f32 v5, v0;
	v5 =	vadd.f32 v25, v31;
	v25 =	vld [tilespmem:s11+$0x4870]  }
0x369: {  	v30 =	vadd.f32 v30, v19;
	v42 =	vadd.f32 v4, v18;
	[tilespmem:$0x1FB40] =	vst v1;
	v1 =	vld [tilespmem:s11+$0x4920]  }
0x36a: {  	v4 =	vld [tilespmem:s11+$0x48A0];
	v62 =	vadd.f32 v6, v19;
	v3 =	vadd.f32 v51, v3  }
0x36b: {  	v6 =	vld [tilespmem:s11+$0x4820];
	v51 =	vadd.f32 v7, v63;
	v7 =	vadd.f32 v57, v59  }
0x36c: {  	v34 =	vadd.f32 v34, v17;
	v27 =	vadd.f32 v27, v37;
	[tilespmem:$0x1FB60] =	vst v5;
	v5 =	vld [tilespmem:s11+$0x4880]  }
0x36d: {  	[tilespmem:$0x1FBB0] =	vst v58;
	v58 =	vadd.f32 v7, v19;
	v7 =	vadd.f32 v9, v25;
	v9 =	vld [tilespmem:s11+$0x47E0]  }
0x36e: {  	[tilespmem:$0x1FB70] =	vst v30;
	v30 =	vld [tilespmem:s11+$0x4970];
	v1 =	vadd.f32 v46, v1  }
0x36f: {  	[tilespmem:$0x1FB80] =	vst v34;
	v34 =	vld [tilespmem:s11+$0x4950];
	v43 =	vadd.f32 v27, v17  }
0x370: {  	v27 =	vadd.f32 v48, v56;
	v48 =	vadd.f32 v1, v18;
	v1 =	vld [tilespmem:s11+$0x4850]  }
0x371: {  	v59 =	vadd.f32 v8, v5;
	v8 =	vld [tilespmem:s11+$0x47D0]  }
0x372: {  	v14 =	vadd.f32 v14, v6;
	v6 =	vadd.f32 v24, v9;
	v9 =	vld [tilespmem:$0x1F9F0]  }
0x373: {  	v2 =	vadd.f32 v47, v2;
	v55 =	vadd.f32 v28, v4;
	v4 =	vld [tilespmem:s11+$0x47F0]  }
0x374: {  	v26 =	vadd.f32 v26, v30;
	v47 =	vadd.f32 v0, v19;
	v0 =	vld [tilespmem:s11+$0x4860]  }
0x375: {  	v30 =	vadd.f32 v41, v54;
	v54 =	vadd.f32 v2, v17;
	v2 =	vld [tilespmem:s11+$0x4840]  }
0x376: {  	v1 =	vadd.f32 v10, v1;
	v10 =	vld [tilespmem:s11+$0x47C0]  }
0x377: {  	v32 =	vadd.f32 v45, v17;
	v8 =	vadd.f32 v9, v8;
	v9 =	vld [tilespmem:$0x1FA00]  }
0x378: {  	v46 =	vadd.f32 v53, v34;
	v57 =	vadd.f32 v3, v17;
	v3 =	vld [tilespmem:s11+$0x4810]  }
0x379: {  	v53 =	vadd.f32 v27, v49;
	v27 =	vld [tilespmem:s11+$0x4830];
	v0 =	vadd.f32 v60, v0  }
0x37a: {  	v45 =	vadd.f32 v26, v19;
	v26 =	vld [tilespmem:s11+$0x4890];
	v5 =	vadd.f32 v7, v19  }
0x37b: {  	v25 =	vld [tilespmem:s11+$0x47B0];
	v2 =	vadd.f32 v11, v2;
	v7 =	vadd.f32 v0, v18  }
0x37c: {  	v11 =	vadd.f32 v1, v17;
	v9 =	vadd.f32 v9, v10;
	v10 =	vld [tilespmem:$0x1FA10]  }
0x37d: {  	v1 =	vadd.f32 v13, v3;
	v13 =	vadd.f32 v2, v49;
	v2 =	vld [tilespmem:s11+$0x4770]  }
0x37e: {  	v0 =	vadd.f32 v12, v27;
	v12 =	vadd.f32 v8, v17;
	v8 =	vld [tilespmem:$0x1FA20]  }
0x37f: {  	v26 =	vadd.f32 v16, v26;
	v16 =	vadd.f32 v29, v33;
	v29 =	vld [tilespmem:s11+$0x4800]  }
0x380: {  	v60 =	vadd.f32 v0, v19;
	v0 =	vadd.f32 v15, v4;
	v4 =	vld [tilespmem:s11+$0x4760]  }
0x381: {  	v10 =	vadd.f32 v10, v25;
	v25 =	vld [tilespmem:$0x1FA60];
	_ =	sdelay $0x1  }
0x382: {  	v3 =	vld [tilespmem:s11+$0x4790];
	v8 =	vadd.f32 v8, v2  }
0x383: {  	v15 =	vadd.f32 v6, v18;
	v6 =	vld [tilespmem:s11+$0x4730]  }
0x384: {  	v24 =	vadd.f32 v61, v29;
	v61 =	vadd.f32 v8, v19;
	v8 =	vld [tilespmem:$0x1FA40]  }
0x385: {  	v4 =	vadd.f32 v25, v4;
	v25 =	vld [tilespmem:$0x1FA70]  }
0x386: {  	v52 =	vld [tilespmem:s11+$0x49E0]  }
0x387: {  	v28 =	vld [tilespmem:s11+$0x4740]  }
0x388: {  	v27 =	vld [tilespmem:s11+$0x4750]  }
0x389: {  	v8 =	vadd.f32 v8, v3;
	v3 =	vld [tilespmem:$0x1FA50]  }
0x38a: {  	v25 =	vadd.f32 v25, v6;
	v6 =	vld [tilespmem:$0x1FA80]  }
0x38b: {  	v39 =	vld [tilespmem:s11+$0x46F0]  }
0x38c: {  	v63 =	vadd.f32 v26, v17;
	v26 =	vld [tilespmem:s11+$0x47A0]  }
0x38d: {  	v2 =	vld [tilespmem:$0x1FA30]  }
0x38e: {  	v29 =	vld [tilespmem:s11+$0x4720]  }
0x38f: {  	v3 =	vadd.f32 v3, v27;
	v27 =	vadd.f32 v6, v28;
	v28 =	vld [tilespmem:$0x1FAA0]  }
0x390: {  	v38 =	vld [tilespmem:s11+$0x4710]  }
0x391: {  	[tilespmem:$0x1FB90] =	vst v40;
	v40 =	vld [tilespmem:$0x1FAC0]  }
0x392: {  	v52 =	vadd.f32 v44, v52;
	v2 =	vadd.f32 v2, v26;
	v26 =	vld [tilespmem:s11+$0x4700]  }
0x393: {  	v6 =	vadd.f32 v3, v17;
	v3 =	vadd.f32 v27, v49;
	v27 =	vld [tilespmem:$0x1FA90]  }
0x394: {  	v52 =	vadd.f32 v52, v18;
	v28 =	vadd.f32 v28, v29;
	v29 =	vld [tilespmem:$0x1FAB0]  }
0x395: {  	v35 =	vld [tilespmem:s11+$0x46A0];
	v44 =	vadd.f32 v30, v49;
	v1 =	vadd.f32 v1, v17  }
0x396: {  	p0 =	sne.s32 s13, $0xF000;
	[tilespmem:$0x1FBA0] =	vst v32;
	v32 =	vld [tilespmem:s11+$0x46C0];
	v0 =	vadd.f32 v0, v19;
	v9 =	vadd.f32 v9, v49  }
.Ltmp1:
0x397: {  	s12 =	sadd.s32 $0x10, s12;
	v31 =	vld [tilespmem:s11+$0x46D0];
	v10 =	vadd.f32 v10, v19;
	v4 =	vadd.f32 v4, v18;
	(pc) =	sbr.rel @p0 .LBB2_5-.Ltmp1, $4  }
0x398: {  	v56 =	vld [tilespmem:s12+$0x0];
	v41 =	vadd.f32 v40, v26;
	v25 =	vadd.f32 v25, v19  }
0x399: {  	v34 =	vld [tilespmem:s11+$0x46B0];
	v27 =	vadd.f32 v27, v38;
	v29 =	vadd.f32 v29, v39  }
0x39a: {  	v30 =	vld [tilespmem:s11+$0x46E0];
	v26 =	vadd.f32 v28, v18;
	v28 =	vadd.f32 v41, v49  }
0x39b: {  	s13 =	sadd.s32 $0x1000, s13;
	[tilespmem:$0x1FB20] =	vst v36;
	v33 =	vld [tilespmem:s11+$0xC6A0];
	v27 =	vadd.f32 v27, v17;
	v29 =	vadd.f32 v29, v19  }
0x39c: {  	v36 =	vld [tilespmem:s11+$0x4680]  }
0x39d: {  	v39 =	vld [tilespmem:$0x1FAD0];
	_ =	sdelay $0x4  }
0x39e: {  	v36 =	vadd.f32 v39, v36;
	v39 =	vld [tilespmem:$0x1FAF0];
	_ =	sdelay $0x2  }
0x39f: {  	v37 =	vld [tilespmem:s11+$0x4690];
	v38 =	vimm.s32 $0x0  }
0x3a0: {  	v41 =	vld [tilespmem:$0x1FB00];
	v38 =	vperm.xlane v56, v38  }
0x3a1: {  	v34 =	vadd.f32 v39, v34;
	v39 =	vld [tilespmem:$0x1FAE0]  }
0x3a2: {  	v38 =	vcvt.s32.f32 v38;
	_ =	sdelay $0x1  }
0x3a3: {  	v33 =	vadd.f32 v33, v35;
	v35 =	vadd.f32 v36, v49;
	v36 =	vmul.f32 v38, v20  }
0x3a4: {  	v40 =	vmul.f32 v38, v21;
	v32 =	vadd.f32 v41, v32  }
0x3a5: {  	v35 =	vadd.f32 v35, v36;
	v37 =	vadd.f32 v39, v37;
	v39 =	vimm.s32 $0x1  }
0x3a6: {  	v41 =	vld [tilespmem:$0x1FCC0];
	v33 =	vadd.f32 v33, v18;
	v36 =	vmul.f32 v38, v22;
	v39 =	vperm.xlane v56, v39  }
0x3a7: {  	[tilespmem:s11+$0x4680] =	vst v35;
	v35 =	vmul.f32 v38, v23;
	v34 =	vadd.f32 v34, v19;
	v37 =	vadd.f32 v37, v17  }
0x3a8: {  	v32 =	vadd.f32 v32, v49;
	v33 =	vadd.f32 v33, v36;
	v39 =	vcvt.s32.f32 v39  }
0x3a9: {  	v38 =	vimm.s32 $0x2;
	v34 =	vadd.f32 v34, v35;
	v37 =	vadd.f32 v37, v40;
	v40 =	vld [tilespmem:$0x1FCA0]  }
0x3aa: {  	v35 =	vperm.xlane v56, v38;
	v38 =	vimm.s32 $0x3;
	v36 =	vmul.f32 v39, v20  }
0x3ab: {  	v30 =	vadd.f32 v41, v30;
	[tilespmem:s11+$0x46A0] =	vst v33;
	v33 =	vperm.xlane v56, v38;
	v38 =	vld [tilespmem:s11+$0x4780]  }
0x3ac: {  	v8 =	vadd.f32 v8, v17;
	v32 =	vadd.f32 v32, v36;
	v36 =	vld [tilespmem:s11+$0xC780]  }
0x3ad: {  	v30 =	vadd.f32 v30, v18;
	v35 =	vcvt.s32.f32 v35;
	v41 =	vmul.f32 v39, v22  }
0x3ae: {  	v2 =	vadd.f32 v2, v18;
	v31 =	vadd.f32 v40, v31  }
0x3af: {  	[tilespmem:s11+$0x46B0] =	vst v34;
	v34 =	vimm.s32 $0x4;
	v30 =	vadd.f32 v30, v41;
	v41 =	vmul.f32 v35, v20  }
0x3b0: {  	v33 =	vcvt.s32.f32 v33;
	v40 =	vmul.f32 v39, v21;
	v31 =	vadd.f32 v31, v17  }
0x3b1: {  	[tilespmem:s11+$0x4690] =	vst v37;
	v28 =	vadd.f32 v28, v41;
	v41 =	vmul.f32 v35, v23;
	v37 =	vadd.f32 v36, v38  }
0x3b2: {  	[tilespmem:s11+$0x46C0] =	vst v32;
	v38 =	vmul.f32 v33, v21;
	v31 =	vadd.f32 v31, v40;
	v40 =	vmul.f32 v39, v23  }
0x3b3: {  	[tilespmem:s11+$0x46E0] =	vst v30;
	v32 =	vimm.s32 $0x5;
	v25 =	vadd.f32 v25, v41;
	v39 =	vmul.f32 v35, v21  }
0x3b4: {  	[tilespmem:s11+$0x4700] =	vst v28;
	v6 =	vadd.f32 v6, v38;
	v29 =	vadd.f32 v29, v40;
	v40 =	vmul.f32 v35, v22  }
0x3b5: {  	[tilespmem:s11+$0x4730] =	vst v25;
	v27 =	vadd.f32 v27, v39;
	v35 =	vmul.f32 v33, v20;
	v39 =	vmul.f32 v33, v22  }
0x3b6: {  	v41 =	vadd.f32 v37, v49;
	[tilespmem:s11+$0x46F0] =	vst v29;
	v29 =	vperm.xlane v56, v34;
	v26 =	vadd.f32 v26, v40  }
0x3b7: {  	[tilespmem:s11+$0x46D0] =	vst v31;
	v3 =	vadd.f32 v3, v35;
	v40 =	vmul.f32 v33, v23;
	v4 =	vadd.f32 v4, v39  }
0x3b8: {  	[tilespmem:s11+$0x4710] =	vst v27;
	v35 =	vimm.s32 $0x6;
	v27 =	vadd.f32 v14, v18;
	v29 =	vcvt.s32.f32 v29  }
0x3b9: {  	v14 =	vadd.f32 v51, v18;
	v31 =	vadd.f32 v61, v40;
	[tilespmem:s11+$0x4740] =	vst v3;
	v3 =	vperm.xlane v56, v32  }
0x3ba: {  	[tilespmem:s11+$0x4750] =	vst v6;
	v61 =	vadd.f32 v24, v49;
	v24 =	vimm.s32 $0x7;
	v30 =	vmul.f32 v29, v20  }
0x3bb: {  	[tilespmem:s11+$0x4720] =	vst v26;
	v32 =	vimm.s32 $0x8;
	v33 =	vmul.f32 v29, v21;
	v3 =	vcvt.s32.f32 v3  }
0x3bc: {  	[tilespmem:s11+$0x4760] =	vst v4;
	v34 =	vmul.f32 v29, v22;
	v36 =	vmul.f32 v29, v23;
	v25 =	vadd.f32 v41, v30  }
0x3bd: {  	[tilespmem:s11+$0x4770] =	vst v31;
	v6 =	vadd.f32 v8, v33;
	v8 =	vperm.xlane v56, v35;
	v37 =	vmul.f32 v3, v20  }
0x3be: {  	v2 =	vadd.f32 v2, v34;
	v38 =	vmul.f32 v3, v21;
	v41 =	vmul.f32 v3, v22;
	[tilespmem:s11+$0x4780] =	vst v25  }
0x3bf: {  	v10 =	vadd.f32 v10, v36;
	v3 =	vmul.f32 v3, v23;
	[tilespmem:s11+$0x4790] =	vst v6;
	v39 =	vcvt.s32.f32 v8  }
0x3c0: {  	v34 =	vimm.s32 $0x9;
	v35 =	vadd.f32 v59, v49;
	v4 =	vadd.f32 v9, v37;
	[tilespmem:s11+$0x47A0] =	vst v2  }
0x3c1: {  	v59 =	vimm.s32 $0xA;
	v40 =	vadd.f32 v12, v38;
	[tilespmem:s11+$0x47B0] =	vst v10;
	v12 =	vmul.f32 v39, v20  }
0x3c2: {  	v2 =	vadd.f32 v15, v41;
	[tilespmem:s11+$0x47C0] =	vst v4;
	v4 =	vperm.xlane v56, v24;
	v28 =	vmul.f32 v39, v22  }
0x3c3: {  	v0 =	vadd.f32 v0, v3;
	[tilespmem:s11+$0x47D0] =	vst v40;
	v26 =	vmul.f32 v39, v21;
	v29 =	vmul.f32 v39, v23  }
0x3c4: {  	[tilespmem:s11+$0x47E0] =	vst v2;
	v39 =	vadd.f32 v55, v18;
	v4 =	vcvt.s32.f32 v4;
	v2 =	vadd.f32 v27, v28  }
0x3c5: {  	v9 =	vperm.xlane v56, v59;
	[tilespmem:s11+$0x47F0] =	vst v0;
	v25 =	vadd.f32 v61, v12;
	v1 =	vadd.f32 v1, v26  }
0x3c6: {  	v0 =	vadd.f32 v60, v29;
	v30 =	vmul.f32 v4, v20;
	[tilespmem:s11+$0x4820] =	vst v2;
	v2 =	vperm.xlane v56, v32  }
0x3c7: {  	v60 =	vadd.f32 v16, v49;
	v12 =	vcvt.s32.f32 v9;
	[tilespmem:s11+$0x4800] =	vst v25;
	v31 =	vmul.f32 v4, v21  }
0x3c8: {  	[tilespmem:s11+$0x4810] =	vst v1;
	v33 =	vmul.f32 v4, v22;
	v3 =	vadd.f32 v13, v30;
	v2 =	vcvt.s32.f32 v2  }
0x3c9: {  	v38 =	vld [tilespmem:s11+$0xC940];
	[tilespmem:s11+$0x4830] =	vst v0;
	v4 =	vmul.f32 v4, v23;
	v25 =	vimm.s32 $0xB;
	v1 =	vadd.f32 v11, v31  }
0x3ca: {  	v55 =	vld [tilespmem:s11+$0x4940];
	v26 =	vmul.f32 v12, v20;
	v0 =	vadd.f32 v7, v33;
	[tilespmem:s11+$0x4840] =	vst v3;
	v36 =	vmul.f32 v2, v20  }
0x3cb: {  	v27 =	vmul.f32 v12, v21;
	v4 =	vadd.f32 v5, v4;
	[tilespmem:s11+$0x4850] =	vst v1;
	v37 =	vmul.f32 v2, v21  }
0x3cc: {  	v3 =	vperm.xlane v56, v34;
	[tilespmem:s11+$0x4860] =	vst v0;
	v40 =	vmul.f32 v2, v22;
	v1 =	vadd.f32 v35, v36  }
0x3cd: {  	v28 =	vmul.f32 v12, v22;
	v2 =	vmul.f32 v2, v23;
	[tilespmem:s11+$0x4870] =	vst v4;
	v41 =	vadd.f32 v63, v37  }
0x3ce: {  	v4 =	vmul.f32 v12, v23;
	v3 =	vcvt.s32.f32 v3;
	v0 =	vadd.f32 v39, v40;
	[tilespmem:s11+$0x4880] =	vst v1  }
0x3cf: {  	v6 =	vadd.f32 v38, v55;
	v30 =	vimm.s32 $0xC;
	v2 =	vadd.f32 v58, v2;
	[tilespmem:s11+$0x4890] =	vst v41  }
0x3d0: {  	v31 =	vadd.f32 v46, v17;
	v33 =	vld [tilespmem:$0x1FB60];
	v4 =	vadd.f32 v47, v4;
	v61 =	vmul.f32 v3, v20;
	[tilespmem:s11+$0x48A0] =	vst v0  }
0x3d1: {  	v6 =	vadd.f32 v6, v49;
	v13 =	vmul.f32 v3, v21;
	[tilespmem:s11+$0x48B0] =	vst v2;
	v1 =	vadd.f32 v53, v26  }
0x3d2: {  	v24 =	vmul.f32 v3, v22;
	v2 =	vperm.xlane v56, v25;
	[tilespmem:s11+$0x4930] =	vst v4;
	v63 =	vadd.f32 v60, v61  }
0x3d3: {  	v35 =	vimm.s32 $0xD;
	v3 =	vmul.f32 v3, v23;
	v5 =	vadd.f32 v57, v13;
	[tilespmem:s11+$0x4900] =	vst v1  }
0x3d4: {  	v0 =	vadd.f32 v14, v24;
	v2 =	vcvt.s32.f32 v2;
	v1 =	vperm.xlane v56, v30;
	[tilespmem:s11+$0x48C0] =	vst v63  }
0x3d5: {  	v7 =	vadd.f32 v33, v18;
	v4 =	vperm.xlane v56, v35;
	v3 =	vadd.f32 v62, v3;
	[tilespmem:s11+$0x48D0] =	vst v5  }
0x3d6: {  	[tilespmem:s11+$0x48E0] =	vst v0;
	v5 =	vadd.f32 v54, v27;
	v32 =	vmul.f32 v2, v21;
	v1 =	vcvt.s32.f32 v1  }
0x3d7: {  	[tilespmem:s11+$0x48F0] =	vst v3;
	v29 =	vmul.f32 v2, v20;
	v0 =	vadd.f32 v48, v28;
	v34 =	vmul.f32 v2, v22  }
0x3d8: {  	v4 =	vcvt.s32.f32 v4;
	[tilespmem:s11+$0x4910] =	vst v5;
	v5 =	vadd.f32 v31, v32;
	v37 =	vmul.f32 v1, v21  }
0x3d9: {  	v46 =	vld [tilespmem:$0x1FB50];
	v2 =	vmul.f32 v2, v23;
	v3 =	vadd.f32 v6, v29;
	[tilespmem:s11+$0x4920] =	vst v0;
	v0 =	vadd.f32 v7, v34  }
0x3da: {  	v36 =	vmul.f32 v1, v20;
	v38 =	vmul.f32 v1, v22;
	[tilespmem:s11+$0x4950] =	vst v5;
	v5 =	vadd.f32 v43, v37;
	v43 =	vld [tilespmem:$0x1FBC0]  }
0x3db: {  	v39 =	vimm.s32 $0xE;
	v41 =	vld [tilespmem:$0x1FBB0];
	v2 =	vadd.f32 v45, v2;
	[tilespmem:s11+$0x4940] =	vst v3  }
0x3dc: {  	v48 =	vld [tilespmem:$0x1FB90];
	v3 =	vadd.f32 v44, v36;
	[tilespmem:s11+$0x4960] =	vst v0;
	v0 =	vadd.f32 v42, v38;
	v44 =	vmul.f32 v4, v22  }
0x3dd: {  	v40 =	vmul.f32 v4, v20;
	v45 =	vld [tilespmem:$0x1FBA0];
	[tilespmem:s11+$0x4970] =	vst v2;
	v2 =	vperm.xlane v56, v39  }
0x3de: {  	v1 =	vmul.f32 v1, v23;
	[tilespmem:s11+$0x49A0] =	vst v0;
	v0 =	vadd.f32 v52, v44;
	v52 =	vld [tilespmem:$0x1FB30]  }
0x3df: {  	v51 =	vimm.s32 $0xF;
	v54 =	vld [tilespmem:$0x1FB40];
	[tilespmem:s11+$0x4980] =	vst v3;
	v2 =	vcvt.s32.f32 v2;
	v3 =	vadd.f32 v43, v40  }
0x3e0: {  	v1 =	vadd.f32 v41, v1;
	v42 =	vmul.f32 v4, v21;
	v4 =	vmul.f32 v4, v23;
	[tilespmem:s11+$0x4990] =	vst v5  }
0x3e1: {  	v6 =	vadd.f32 v46, v49;
	v47 =	vmul.f32 v2, v20;
	[tilespmem:s11+$0x49C0] =	vst v3;
	v3 =	vperm.xlane v56, v51;
	v56 =	vld [tilespmem:$0x1FB20]  }
0x3e2: {  	v61 =	vld [tilespmem:$0x1FB80];
	[tilespmem:s11+$0x49B0] =	vst v1;
	v4 =	vadd.f32 v48, v4;
	v5 =	vadd.f32 v45, v42;
	v53 =	vmul.f32 v2, v21  }
0x3e3: {  	v59 =	vld [tilespmem:$0x1FB10];
	[tilespmem:s11+$0x49E0] =	vst v0;
	v1 =	vadd.f32 v6, v47;
	v6 =	vadd.f32 v52, v17;
	v3 =	vcvt.s32.f32 v3  }
0x3e4: {  	v7 =	vadd.f32 v54, v18;
	v55 =	vmul.f32 v2, v22;
	[tilespmem:s11+$0x49F0] =	vst v4  }
0x3e5: {  	v2 =	vmul.f32 v2, v23;
	[tilespmem:s11+$0x49D0] =	vst v5;
	v5 =	vadd.f32 v6, v53;
	v58 =	vmul.f32 v3, v21  }
0x3e6: {  	v63 =	vld [tilespmem:$0x1FB70];
	v0 =	vadd.f32 v7, v55;
	[tilespmem:s11+$0x4A00] =	vst v1;
	v57 =	vmul.f32 v3, v20;
	v4 =	vadd.f32 v56, v49  }
0x3e7: {  	v2 =	vadd.f32 v50, v2;
	[tilespmem:s11+$0x4A10] =	vst v5;
	v5 =	vadd.f32 v61, v58  }
0x3e8: {  	[tilespmem:s11+$0x4A20] =	vst v0;
	v60 =	vmul.f32 v3, v22;
	v1 =	vadd.f32 v4, v57;
	v4 =	vadd.f32 v59, v18  }
0x3e9: {  	[tilespmem:s11+$0x4A30] =	vst v2;
	v62 =	vmul.f32 v3, v23  }
0x3ea: {  	s9 =	sshll.u32 s9, $0xE;
	[tilespmem:s11+$0x4A50] =	vst v5;
	v0 =	vadd.f32 v4, v60  }
0x3eb: {  	s20 =	sadd.s32 $0x1, s20;
	s9 =	sadd.s32 s14, s9;
	[tilespmem:s11+$0x4A40] =	vst v1;
	v1 =	vadd.f32 v63, v62  }
0x3ec: {  	p0 =	sne.s32 s20, $0x32;
	s9 =	sshrl.u32 s9, $0x3;
	[tilespmem:s11+$0x4A60] =	vst v0  }
.Ltmp2:
0x3ed: {  	s9 =	sadd.s32 s2, s9;
	[tilespmem:s11+$0x4A70] =	vst v1;
	(pc) =	sbr.rel @p0 .LBB2_2-.Ltmp2, $4  }
0x3ee: {  	[hbm4b:s9+s3] =	stream.linear.scatter [tilespmem:s31], [sflag:$0x3], $0x4000, $0x38;
	[tilespmem:$0x10680] =	vst v63  }
0x3ef: {  	_ =	swait.ge [sflag:s18], $0x4000  }
0x3f0: {  	[sflag:s18] =	ssyncset.done $0x0  }
0x3f1: {  	[sflag:s18] =	ssyncadd.s32 $0xFFFFC000  }
0x3f2: {  	s11 =	rddreg [dreg:$0x8]  }
0x3f3: {  	s9 =	rddreg [dreg:$0x7];
	s11 =	sadd.s32 $0x1, s11  }
0x3f4: {  	p0 =	sne.s32 s11, s9  }
.Ltmp3:
0x3f5: {  	_ = 	snop;
	(pc) =	sbr.rel @p0 .LBB2_1-.Ltmp3, $1  }
0x3f6: {  	_ =	sdelay $0x3  }
0x3f7: {  	_ =	sfence.sel $0x180000  }
0x3f8: {  	[bflag:$0x0] =	sbarrier.arrive $0xFFFF  }
0x3f9: {  	_ =	strace $0x90000047  }
0x3fa: {  	s0 =	stileid.u32;
	[bflag:$0x2] =	sbarrier.arrive $0xFFFF  }
0x3fb: {  	p0 =	sne.s32 s0, $0x0;
	s0 =	rddreg [dreg:$0x2]  }
0x3fc: {  	s0 =	sadd.s32 @!p0 $0x100000, s0  }
0x3fd: {  	[sflag:s0] =	ssyncadd.tile.s32 @!p0 $0x1;
	_ =	shalt  }
.Lfunc_end2:
_tile_overlayer_lowered:
.L_overlay_start_2:
0x3fe: {  	(tag) =	ssettag $0x2  }
0x3ff: {  	s0 =	rddreg [dreg:$0x0];
	s2 =	stileid.u32  }
0x400: {  	s1 =	rddreg [dreg:$0x1];
	p0 =	sne.s32 s2, $0x0  }
0x401: {  	s3 =	rddreg [dreg:$0x2];
	[bflag:$0x3] =	sbarrier.arrive $0xFFFF;
	s2 =	simm.s32 @!p0 $0x1C03  }
0x402: {  	[timem:s3], [sflag:s2] =	dma.local @!p0 [hbm:s0], s1  }
0x403: {  	s0 =	simm.s32 @!p0 $0x3  }
0x404: {  	_ =	swait.ge @!p0 [sflag:s0], s1  }
0x405: {  	s1 =	ssub.s32 @!p0 $0x0, s1;
	[sflag:s0] =	ssyncset.done @!p0 $0x0  }
0x406: {  	[sflag:s0] =	ssyncadd.s32 @!p0 s1  }
0x407: {  	[bflag:$0x3] =	sbarrier.arrive $0xFFFF  }
0x408: {  	_ =	shalt  }

// kernel: sparse-core-data-format-call.cloned.1.call-start
scs
called_computation_lowered:
.L_overlay_start_0:
0x0: {  	s2 =	sld [smem:$0x3FD9]  }
0x1: {  	s3 =	sld [smem:$0x3FFE];
	_ =	sdelay $0x1  }
0x2: {  	s1 =	srdreg.scid  }
0x3: {  	s0 =	sand.u32 $0x1, s1  }
0x4: {  	s18 =	sshll.u32 s0, $0xA;
	s2 =	sadd.s32 s3, s2  }
0x5: {  	s2 =	sadd.s32 s2, s18  }
0x6: {  	[smem:$0x3FC2] =	sst s2  }
0x7: {  	_ = 	snop  }
0x8: {  	s2 =	sld [smem:$0x3FD0];
	(tm) =	ssettm $0x1  }
0x9: {  	s19 =	sld [smem:$0x3FFB];
	_ =	sdelay $0x3  }
0xa: {  	_ =	strace s19  }
0xb: {  	s3 =	sld [smem:$0x3FFC];
	_ =	sdelay $0x3  }
0xc: {  	_ =	strace s3  }
0xd: {  	s3 =	sld [smem:$0x3FFD];
	_ =	sdelay $0x3  }
0xe: {  	_ =	strace s3  }
0xf: {  	_ =	strace $0x8FFFFFFF  }
0x10: {  	s20 =	sld [smem:$0x3FDB];
	_ =	sdelay $0x1  }
0x11: {  	s4 =	simm.s32 $_scs_section_size  }
0x12: {  	s5 =	simm.s32 $_size__tile_overlayer_lowered;
	s6 =	simm.s32 $_tile_overlayer_lowered  }
0x13: {  	s23 =	simm.s32 $0x1BFF;
	s22 =	sshll.u32 s6, $0x1;
	s3 =	sadd.s32 s4, s20  }
0x14: {  	s7 =	simm.s32 $0x0;
	s21 =	sshll.u32 s5, $0x1;
	s5 =	sadd.s32 s22, s3  }
0x15: {  	[timem:s7], [sflag:s23] =	dma.local [hbm:s5], s21  }
0x16: {  	_ =	swait.ge [sflag:s23], s21  }
0x17: {  	s4 =	ssub.s32 $0x0, s21;
	[sflag:s23] =	ssyncset.done $0x0  }
0x18: {  	[sflag:s23] =	ssyncadd.s32 s4;
	_ =	sdelay $0x1  }
0x19: {  	s24 =	simm.s32 $0x1B8B  }
0x1a: {  	_ =	swait.ge [sflag:s24], $0x1  }
0x1b: {  	[sflag:s24] =	ssyncset.done $0x0  }
0x1c: {  	s26 =	simm.s32 $0x1B8E;
	s25 =	sld [smem:$0x3FFE];
	[sflag:s24] =	ssyncadd.s32 $0xFFFFFFFF  }
0x1d: {  	s27 =	simm.s32 $execute0_lowered;
	[smem:$0x3FD2] =	sst s26  }
0x1e: {  	s5 =	sshll.u32 s27, $0x1;
	_ =	strace $0x80000049;
	[dreg:$0x1] =	wrdreg $0xFFFFFFFF  }
0x1f: {  	s28 =	simm.s32 $_size_execute0_lowered;
	s3 =	sadd.s32 s3, s5;
	[dreg:$0x0] =	wrdreg $0x0  }
0x20: {  	s5 =	sshll.u32 s28, $0x1;
	[dreg:$0x2] =	wrdreg s3  }
0x21: {  	[dreg:$0x3] =	wrdreg s5  }
0x22: {  	[dreg:$0x4] =	wrdreg $0xC0  }
0x23: {  	_ =	task [dreg:s7], $0x5FFFF  }
0x24: {  	[dreg:$0x1] =	wrdreg $0xFFFFFFFF  }
0x25: {  	[dreg:$0x0] =	wrdreg $0x60  }
0x26: {  	[dreg:$0x2] =	wrdreg s25  }
0x27: {  	[dreg:$0x3] =	wrdreg s2  }
0x28: {  	[dreg:$0x4] =	wrdreg $0x9  }
0x29: {  	_ =	task.clear_ibuf [dreg:s7], $0x5FFFF;
	_ =	strace $0x90000049  }
0x2a: {  	s29 =	simm.s32 $0x9;
	_ =	strace $0x8000004B  }
0x2b: {  	_ =	swait.ge [sflag:s29], $0x1  }
0x2c: {  	[sflag:s29] =	ssyncadd.s32 $0xFFFFFFFF  }
0x2d: {  	_ =	strace $0x9000004B  }
0x2e: {  	_ =	sfence  }
0x2f: {  	s30 =	sld [smem:$0x0];
	_ =	sdelay $0x2  }
0x30: {  	s31 =	sshll.u32 s1, $0xD;
	s1 =	sshrl.u32 s1, $0x2  }
0x31: {  	s3 =	sand.u32 $0x4000, s31;
	s1 =	sadd.s32 s1, s30  }
0x32: {  	s0 =	sor.u32 s3, s0;
	s1 =	sshll.u32 s1, $0x11  }
0x33: {  	s0 =	sor.u32 s1, s0  }
0x34: {  	s0 =	sadd.s32 $0x8F2B, s0  }
0x35: {  	[sflag:s0] =	ssyncadd.remote.s32 $0x1  }
0x36: {  	_ =	sfence.sel $0xFFFF  }
0x37: {  	[dreg:$0x0] =	wrdreg $0xFFFFFFFF;
	(pc) =	sbr.abs _section_cstart, $3  }
0x38: {  	[dreg:$0x1] =	wrdreg $0xFFFFFFFF  }
0x39: {  	_ =	task.clear_ibuf [dreg:s7], $0x2FFFF;
	_ =	strace $0x9FFFFFFF  }
0x3a: {  	(tm) =	ssettm $0x7FFFFFFF  }
0x3b: {  	_ =	shalt  }
tec
execute0_lowered:
.L_overlay_start_1:
0x0: {  	(tag) =	ssettag $0x1  }
0x1: {  	s0 =	srdreg.scid  }
0x2: {  	s1 =	sshll.u32 s0, $0x4  }
0x3: {  	s0 =	stileid.u32;
	s1 =	sand.u32 $0x10, s1  }
0x4: {  	s1 =	sor.u32 s0, s1  }
0x5: {  	s6 =	rddreg [dreg:$0x0];
	s4 =	simm.s32 $0x1;
	s2 =	sshll.u32 s1, $0x7  }
0x6: {  	s7 =	simm.s32 $0x2;
	s12 =	simm.s32 $0x0;
	s1 =	ssub.s32 $0x1000, s2  }
0x7: {  	s8 =	simm.s32 $0x8000;
	s13 =	simm.s32 $0x0;
	s3 =	sand.u32 $0xF80, s1  }
0x8: {  	s9 =	simm.s32 $0x0;
	s5 =	sshrl.u32 s1, $0xC;
	p0 =	sne.s32 s3, $0x0  }
.Ltmp0:
0x9: {  	s1 =	rddreg [dreg:$0x2];
	s4 =	simm.s32 @!p0 $0x0;
	(pc) =	sbr.rel .LBB1_1-.Ltmp0, $4  }
0xa: {  	s11 =	simm.s32 $0x0;
	s3 =	rddreg [dreg:$0x1];
	s5 =	sadd.s32 s4, s5  }
0xb: {  	_ =	strace $0x8000004A;
	s4 =	simm.s32 $0x1;
	s5 =	smul.u32 $0xC8, s5  }
0xc: {  	s6 =	sadd.s32 $0x1200, s6;
	s10 =	smov.u32 s2;
	[sflag:s4] =	ssyncpa.u1 $0x0  }
0xd: {  	p0 =	por $0x0, $0x0;
	[sflag:s7] =	ssyncpa.u1 $0x0;
	s7 =	sor.u32 $0x1, s5  }
.LBB1_4:
0xe: {  	s16 =	sshll.u32 s13, $0x3;
	s17 =	sand.u32 $0x78, s13  }
0xf: {  	s30 =	sand.u32 $0x7E00, s13;
	s12 =	sshll.u32 s12, $0xF;
	s16 =	sand.u32 $0xC00, s16  }
0x10: {  	[tilespmem:s15+$0x810 ss:$0x81] =	vst.msk $0xffff, v2;
	s31 =	sand.u32 $0x7, s13;
	s16 =	sor.u32 s17, s16;
	s17 =	sadd.s32 s3, s30  }
0x11: {  	[tilespmem:s15+$0x1020 ss:$0x81] =	vst.msk $0xffff, v0;
	s13 =	sshll.u32 s31, $0x12;
	s12 =	sadd.s32 s12, s17;
	s16 =	sshrl.u32 s16, $0x3  }
0x12: {  	[tilespmem:s15+$0x0 ss:$0x81] =	vst.msk $0xffff, v1;
	s13 =	sor.u32 $0x400, s13;
	s12 =	sadd.s32 s16, s12  }
0x13: {  	[hbm4b:s12+s13] =	stream.strided.scatter [tilespmem:s14], [sflag:$0x2], $0x2000, s8, s13, $0x20;
	[tilespmem:$0x8080] =	vst v63  }
.LBB1_5:
0x14: {  	s14 =	sadd.s32 $0x1, s9  }
0x15: {  	s12 =	sadd.s32 $0x1000, s10;
	s16 =	smov.u32 s10;
	p2 =	sgt.s32 s14, $0xC7  }
0x16: {  	s16 =	smov.u32 @p2 s12  }
0x17: {  	s14 =	simm.s32 @p2 $0x0;
	p2 =	sgt.s32 s16, $0xFFF  }
0x18: {  	s16 =	smov.u32 @p2 s2;
	p2 =	sne.s32 s11, s7  }
.Ltmp1:
0x19: {  	p1 =	slt.u32 s11, $0x2;
	(pc) =	sbr.rel @!p2 .LBB1_6-.Ltmp1, $4  }
0x1a: {  	s15 =	simm.s32 @!p1 $0x2  }
0x1b: {  	s13 =	smov.u32 s10;
	p0 =	por !p0, !p0;
	_ =	swait.ge @!p1 [sflag:s15], $0x2000  }
0x1c: {  	s12 =	smov.u32 s9;
	[sflag:s15] =	ssyncset.done @!p1 $0x0;
	s9 =	smov.u32 s14  }
0x1d: {  	s11 =	sadd.s32 $0x1, s11;
	[sflag:s15] =	ssyncadd.s32 @!p1 $0xFFFFE000;
	s10 =	smov.u32 s16  }
.LBB1_1:
0x1e: {  	p1 =	sge.u32 s11, s5  }
0x1f: {  	s14 =	sand.u32 @!p1 $0x1FFFFFF, s9  }
0x20: {  	s15 =	smulhi.u32 @!p1 $0x147AE15, s14;
	_ =	sdelay $0x1  }
0x21: {  	s15 =	smul.u32 @!p1 $0xC8, s15  }
0x22: {  	s16 =	sxor.u32 @!p1 $0xFFFFFFFF, s11;
	s17 =	smul.u32 @!p1 $0xC80, s10  }
0x23: {  	s31 =	sadd.s32 $0xFFFFFFFF, s11;
	s16 =	sshll.u32 @!p1 s16, $0xD;
	s14 =	ssub.s32 @!p1 s14, s15  }
0x24: {  	s15 =	sand.u32 @!p1 $0x2000, s16;
	s16 =	sadd.s32 @!p1 s6, s17;
	s14 =	sshll.u32 @!p1 s14, $0x4  }
0x25: {  	s17 =	simm.s32 @!p1 $0x6400;
	s14 =	sadd.s32 @!p1 s14, s16;
	s16 =	simm.s32 @!p1 $0x40  }
0x26: {  	[tilespmem:s15], [sflag:$0x1] =	stream.strided.gather @!p1 [hbm4b:s14+s16], $0x2000, s17, s16, $0x38;
	[tilespmem:$0x8080] =	vst v63  }
0x27: {  	p1 =	sge.u32 s31, s5  }
.Ltmp2:
0x28: {  	_ = 	snop;
	(pc) =	sbr.rel @p1 .LBB1_5-.Ltmp2, $1  }
0x29: {  	_ =	sdelay $0x3  }
0x2a: {  	s14 =	simm.s32 $0x1  }
0x2b: {  	_ =	swait.ge [sflag:s4], $0x2000;
	s14 =	simm.s32 @!p0 $0x0  }
0x2c: {  	[sflag:s4] =	ssyncset.done $0x0;
	s15 =	sshll.u32 s14, $0xD  }
0x2d: {  	[sflag:s4] =	ssyncadd.s32 $0xFFFFE000;
	s18 =	sor.u32 $0x20, s15  }
0x2e: {  	s14 =	smul.u32 $0x8100, s14;
	v3 =	vld [tilespmem:s18+$0x10]  }
0x2f: {  	s30 =	sand.u32 $0x1, s11;
	v2 =	vld [tilespmem:s18+$0xFFFFFFF0]  }
0x30: {  	s15 =	smul.u32 $0x8100, s30;
	s14 =	sshrl.u32 s14, $0x2;
	v0 =	vld [tilespmem:s18+$0x0]  }
0x31: {  	v1 =	vld [tilespmem:s18+$0xFFFFFFE0];
	s16 =	sor.u32 $0x4000, s14  }
0x32: {  	s31 =	sshrl.u32 s15, $0x2;
	s15 =	sadd.s32 $0x0, s16  }
0x33: {  	s17 =	simm.s32 $0x4;
	s18 =	sadd.s32 $0x40, s18;
	s14 =	sor.u32 $0x4000, s31;
	[tilespmem:s15+$0x1830 ss:$0x81] =	vst.msk $0xffff, v3  }
.LBB1_3:
0x34: {  	v3 =	vld [tilespmem:s18+$0x10];
	p1 =	sne.s32 s17, $0x1FC;
	[tilespmem:s15+$0x810 ss:$0x81] =	vst.msk $0xffff, v2;
	s19 =	smov.u32 s17;
	s17 =	sadd.s32 $0x4, s17  }
.Ltmp3:
0x35: {  	v2 =	vld [tilespmem:s18+$0xFFFFFFF0];
	[tilespmem:s15+$0x1020 ss:$0x81] =	vst.msk $0xffff, v0;
	(pc) =	sbr.rel @p1 .LBB1_3-.Ltmp3, $4  }
0x36: {  	v0 =	vld [tilespmem:s18+$0x0];
	[tilespmem:s15+$0x0 ss:$0x81] =	vst.msk $0xffff, v1  }
0x37: {  	s15 =	sshra.s32 s19, $0x2;
	v1 =	vld [tilespmem:s18+$0xFFFFFFE0]  }
0x38: {  	s15 =	sadd.s32 s15, s16  }
0x39: {  	s18 =	sadd.s32 $0x40, s18;
	[tilespmem:s15+$0x1830 ss:$0x81] =	vst.msk $0xffff, v3  }
.Ltmp4:
0x3a: {  	_ = 	snop;
	(pc) =	sbr.rel .LBB1_4-.Ltmp4, $1  }
0x3b: {  	_ =	sdelay $0x3  }
.LBB1_6:
0x3c: {  	_ =	sfence.sel $0x180000  }
0x3d: {  	s2 =	simm.s32 $0x1;
	[bflag:$0x0] =	sbarrier.arrive $0xFFFF  }
0x3e: {  	s31 =	simm.s32 $0x2;
	[sflag:s2] =	ssyncpa.u1 $0x1  }
0x3f: {  	[sflag:s31] =	ssyncpa.u1 $0x1  }
0x40: {  	p0 =	sne.s32 s0, $0x0;
	_ =	strace $0x9000004A  }
0x41: {  	s0 =	sadd.s32 @!p0 $0x100000, s1;
	[bflag:$0x2] =	sbarrier.arrive $0xFFFF  }
0x42: {  	[sflag:s0] =	ssyncadd.tile.s32 @!p0 $0x1;
	_ =	shalt  }
.Lfunc_end1:
_tile_overlayer_lowered:
.L_overlay_start_2:
0x43: {  	(tag) =	ssettag $0x2  }
0x44: {  	s0 =	rddreg [dreg:$0x0];
	s2 =	stileid.u32  }
0x45: {  	s1 =	rddreg [dreg:$0x1];
	p0 =	sne.s32 s2, $0x0  }
0x46: {  	s3 =	rddreg [dreg:$0x2];
	[bflag:$0x3] =	sbarrier.arrive $0xFFFF;
	s2 =	simm.s32 @!p0 $0x1C01  }
0x47: {  	[timem:s3], [sflag:s2] =	dma.local @!p0 [hbm:s0], s1  }
0x48: {  	s0 =	simm.s32 @!p0 $0x1  }
0x49: {  	_ =	swait.ge @!p0 [sflag:s0], s1  }
0x4a: {  	s1 =	ssub.s32 @!p0 $0x0, s1;
	[sflag:s0] =	ssyncset.done @!p0 $0x0  }
0x4b: {  	[sflag:s0] =	ssyncadd.s32 @!p0 s1  }
0x4c: {  	[bflag:$0x3] =	sbarrier.arrive $0xFFFF  }
0x4d: {  	_ =	shalt  }

</sc_bundles>
